<compile_context>
chip_gen: v7x
topology: tpu7x:2x2x1
jax: 0.10.2.dev20260603
libtpu: 0.0.44.dev20260713+nightly
codegen_flags: <defaults>
</compile_context>

<pallas_src>
import functools

import jax
import jax.numpy as jnp
from jax import lax
from jax.experimental import pallas as pl
from jax.experimental.pallas import tpu as pltpu
from jax.experimental.pallas import tpu_sc as plsc

NC = 2
NS = 16
L = 16
NW = NC * NS
G = 128
NB = 4


def _body(n_fixed, bpw, cap, s_len, b_len, s_lo, s_hi, base_args):
    (idx_hbm, fixed_hbm, var_hbm, out_hbm,
     idx_v, tidx_v, pos_v, rows_v, *sems) = base_args
    gsems, ssems = sems[:NB], sems[NB:]
    nch_cap = cap // G

    wid = lax.axis_index("s") * NC + lax.axis_index("c")
    base = wid * bpw
    pltpu.sync_copy(idx_hbm.at[pl.ds(base, bpw)], idx_v)
    iota = lax.iota(jnp.int32, L)

    def part_body(j, carry):
        cF, cV, s0, b0 = carry
        v = idx_v[pl.ds(j * L, L)]
        s_v = s0 + iota
        wrap = (s_v >= s_len).astype(jnp.int32)
        s_e = s_v - s_len * wrap
        keep = jnp.logical_and(s_e >= s_lo, s_e < s_hi)
        mF = jnp.logical_and(keep, v < n_fixed)
        mV = jnp.logical_and(keep, v >= n_fixed)
        dF = cF + plsc.cumsum(mF.astype(jnp.int32)) - 1
        dV = (cap - 1) - (cV + plsc.cumsum(mV.astype(jnp.int32)) - 1)
        p = (s_e - s_lo) * b_len + (b0 + wrap)
        plsc.store_scatter(tidx_v, [dF >> 7, dF & (G - 1)], v, mask=mF)
        plsc.store_scatter(pos_v, [dF >> 7, dF & (G - 1)], p, mask=mF)
        plsc.store_scatter(tidx_v, [dV >> 7, dV & (G - 1)], v - n_fixed, mask=mV)
        plsc.store_scatter(pos_v, [dV >> 7, dV & (G - 1)], p, mask=mV)
        cntF = plsc.all_reduce_population_count(mF)
        cntV = plsc.all_reduce_population_count(mV)
        s0n = s0 + L
        w = (s0n >= s_len).astype(jnp.int32)
        return cF + cntF, cV + cntV, s0n - s_len * w, b0 + w

    z = jnp.zeros((L,), jnp.int32)
    cF, cV, _, _ = lax.fori_loop(
        0, bpw // L, part_body,
        (z, z, jnp.int32(0), wid * (bpw // s_len)))
    nF = jnp.max(cF)
    nV = jnp.max(cV)
    rF = ((nF + G - 1) // G) * G
    rV = ((nV + G - 1) // G) * G

    vF = tidx_v[0, pl.ds(0, L)]
    pF = pos_v[0, pl.ds(0, L)]
    eF_idx = jnp.sum(jnp.where(iota == 0, vF, 0))
    eF_pos = jnp.sum(jnp.where(iota == 0, pF, 0))
    vV = tidx_v[nch_cap - 1, pl.ds(G - L, L)]
    pV = pos_v[nch_cap - 1, pl.ds(G - L, L)]
    eV_idx = jnp.sum(jnp.where(iota == L - 1, vV, 0))
    eV_pos = jnp.sum(jnp.where(iota == L - 1, pV, 0))

    def pad_f(t, _):
        f = nF + t * L + iota
        mk = f < rF
        plsc.store_scatter(tidx_v, [f >> 7, f & (G - 1)],
                           jnp.full((L,), eF_idx, jnp.int32), mask=mk)
        plsc.store_scatter(pos_v, [f >> 7, f & (G - 1)],
                           jnp.full((L,), eF_pos, jnp.int32), mask=mk)
        return 0

    lax.fori_loop(0, (rF - nF + L - 1) // L, pad_f, 0)

    def pad_v(t, _):
        f = (cap - rV) + t * L + iota
        mk = f < cap - nV
        plsc.store_scatter(tidx_v, [f >> 7, f & (G - 1)],
                           jnp.full((L,), eV_idx, jnp.int32), mask=mk)
        plsc.store_scatter(pos_v, [f >> 7, f & (G - 1)],
                           jnp.full((L,), eV_pos, jnp.int32), mask=mk)
        return 0

    lax.fori_loop(0, (rV - nV + L - 1) // L, pad_v, 0)

    def gs_loop(c0, nch, table):
        ngrp = (nch + NB - 1) // NB

        def grp(g, _):
            for b in range(NB):
                i = g * NB + b
                c = c0 + i

                @pl.when(jnp.logical_and(i < nch, g > 0))
                def _():
                    pltpu.make_async_copy(
                        rows_v.at[b], out_hbm.at[pos_v.at[c - NB]], ssems[b]
                    ).wait()

                @pl.when(i < nch)
                def _():
                    pltpu.make_async_copy(
                        table.at[tidx_v.at[c]], rows_v.at[b], gsems[b]
                    ).start()

            for b in range(NB):
                i = g * NB + b
                c = c0 + i

                @pl.when(i < nch)
                def _():
                    pltpu.make_async_copy(
                        table.at[tidx_v.at[c]], rows_v.at[b], gsems[b]
                    ).wait()
                    pltpu.make_async_copy(
                        rows_v.at[b], out_hbm.at[pos_v.at[c]], ssems[b]
                    ).start()

            return 0

        lax.fori_loop(0, ngrp, grp, 0)
        for b in range(NB):
            i_b = (jnp.maximum(nch - 1 - b, 0) // NB) * NB + b

            @pl.when(b < nch)
            def _():
                pltpu.make_async_copy(
                    rows_v.at[b], out_hbm.at[pos_v.at[c0 + i_b]], ssems[b]
                ).wait()

    gs_loop(0, rF // G, fixed_hbm)
    gs_loop(nch_cap - rV // G, rV // G, var_hbm)


@functools.lru_cache(maxsize=None)
def _build(s_len, b_len, n_fixed, n_var, d, s_lo, s_hi):
    total = s_len * b_len
    assert total % (NW * L) == 0
    bpw = total // NW
    assert bpw % s_len == 0
    cap = bpw + 2 * G
    nch_cap = cap // G

    mesh = plsc.VectorSubcoreMesh(core_axis_name="c", subcore_axis_name="s")

    @functools.partial(
        pl.kernel,
        out_type=jax.ShapeDtypeStruct(((s_hi - s_lo) * b_len, d), jnp.float32),
        mesh=mesh,
        scratch_types=[
            pltpu.VMEM((bpw,), jnp.int32),
            pltpu.VMEM((nch_cap, G), jnp.int32),
            pltpu.VMEM((nch_cap, G), jnp.int32),
            pltpu.VMEM((NB, G, d), jnp.float32),
        ] + [pltpu.SemaphoreType.DMA] * (2 * NB),
        compiler_params=pltpu.CompilerParams(
            needs_layout_passes=False, use_tc_tiling_on_sc=False
        ),
    )
    def k(*args):
        _body(n_fixed, bpw, cap, s_len, b_len, s_lo, s_hi, args)

    return k


def kernel(inputs, fixed_weight, variable_weight):
    b, s = inputs.shape
    n_fixed, d = fixed_weight.shape
    n_var = variable_weight.shape[0]
    idx = inputs.reshape(b * s).astype(jnp.int32)
    w128 = n_fixed * d // 128
    fw = lax.optimization_barrier(
        fixed_weight.reshape(w128, 128)).reshape(n_fixed, d)
    vw = lax.optimization_barrier(
        variable_weight.reshape(n_var * d // 128, 128)).reshape(n_var, d)
    h = s // 2
    o1 = _build(s, b, n_fixed, n_var, d, 0, h)(idx, fw, vw)
    o2 = _build(s, b, n_fixed, n_var, d, h, s)(idx, fw, vw)
    out = jnp.concatenate([o1.reshape(h, b, d), o2.reshape(s - h, b, d)], 0)
    return jnp.transpose(out, (1, 0, 2))

# --- scband reference (transcript-rebuilt; emitter-appended) ---
"""Pipeline reference for scband-embedding-semi-trainable-87634512707845 (READ-ONLY COPY).

The authoritative reference and input builder live on the scoring server;
editing this copy changes nothing except your own understanding.
"""

import jax, jax.numpy as jnp
import numpy as np

INPUT_DIM = 1000000
OUTPUT_DIM = 32
N_FIXED = 500000  # rows of the table that are frozen (fixed_weights)
N_TRAINABLE = INPUT_DIM - N_FIXED
BATCH = 4096
SEQ = 200


def setup_inputs(seed: int = 0) -> dict:
    key = jax.random.key(seed)
    k_idx, k_fix, k_var = jax.random.split(key, 3)
    inputs = jax.random.randint(k_idx, (BATCH, SEQ), 0, INPUT_DIM, dtype=jnp.int32)
    # fixed (non-trainable) part of the embedding table
    fixed_weight = jax.random.normal(k_fix, (N_FIXED, OUTPUT_DIM), dtype=jnp.float32) * 0.05
    # trainable part, 'uniform' initializer in keras defaults to U(-0.05, 0.05)
    variable_weight = jax.random.uniform(k_var, (N_TRAINABLE, OUTPUT_DIM), dtype=jnp.float32, minval=-0.05, maxval=0.05)
    return {"inputs": inputs, "fixed_weight": fixed_weight, "variable_weight": variable_weight}


def reference(inputs, fixed_weight, variable_weight):
    # EmbeddingSemiTrainable.call: embeddings = concat([fixed, variable], axis=0); out = gather(embeddings, inputs)
    inputs = inputs.astype(jnp.int32)
    embeddings = jnp.concatenate([fixed_weight, variable_weight], axis=0)
    out = jnp.take(embeddings, inputs, axis=0)
    return out

if __name__ == "__main__":
    import jax
    _d = setup_inputs()
    print(jax.jit(kernel)(*tuple(_d.values())))

</pallas_src>

<mosaic_0001>
#map = affine_map<(d0, d1) -> (0)>
#map1 = affine_map<(d0, d1) -> (0, 0)>
module attributes {stable_mosaic.version = 14 : i64} {
  func.func @k(%arg0: i32, %arg1: i32, %arg2: memref<819200xi32, #tpu.memory_space<hbm>>, %arg3: memref<500000x32xf32, #tpu.memory_space<hbm>>, %arg4: memref<500000x32xf32, #tpu.memory_space<hbm>>, %arg5: memref<409600x32xf32, #tpu.memory_space<hbm>>, %arg6: memref<25600xi32, #tpu.memory_space<vmem>>, %arg7: memref<202x128xi32, #tpu.memory_space<vmem>>, %arg8: memref<202x128xi32, #tpu.memory_space<vmem>>, %arg9: memref<4x128x32xf32, #tpu.memory_space<vmem>>, %arg10: memref<!tpu.dma_semaphore, #tpu.memory_space<semaphore_mem>>, %arg11: memref<!tpu.dma_semaphore, #tpu.memory_space<semaphore_mem>>, %arg12: memref<!tpu.dma_semaphore, #tpu.memory_space<semaphore_mem>>, %arg13: memref<!tpu.dma_semaphore, #tpu.memory_space<semaphore_mem>>, %arg14: memref<!tpu.dma_semaphore, #tpu.memory_space<semaphore_mem>>, %arg15: memref<!tpu.dma_semaphore, #tpu.memory_space<semaphore_mem>>, %arg16: memref<!tpu.dma_semaphore, #tpu.memory_space<semaphore_mem>>, %arg17: memref<!tpu.dma_semaphore, #tpu.memory_space<semaphore_mem>>) attributes {dimension_semantics = [#tpu.dimension_semantics<core_parallel>, #tpu.dimension_semantics<subcore_parallel>], iteration_bounds = array<i64: 2, 16>, scalar_prefetch = 0 : i64, scratch_operands = 12 : i64, tpu.core_type = #tpu.core_type<sc_vector_subcore>, window_params = [{transform_indices = #map}, {transform_indices = #map1}, {transform_indices = #map1}, {transform_indices = #map1}]} {
    %mul3A = arith.constant 2 : i32
    %mul3A_0 = arith.muli %arg1, %mul3A : i32
    %add3A = arith.addi %mul3A_0, %arg0 : i32
    %mul3A_1 = arith.constant 25600 : i32
    %mul3A_2 = arith.muli %add3A, %mul3A_1 : i32
    "tpu.region"() ({
      %run_scoped3A = tpu.sem_alloc : memref<!tpu.dma_semaphore, #tpu.memory_space<semaphore_mem>>
      %dma_start3A = tpu.memref_slice %arg2[%mul3A_2] : memref<819200xi32, #tpu.memory_space<hbm>> -> memref<25600xi32, #tpu.memory_space<hbm>>
      %dma_start3A_675 = tpu.memref_slice %arg2[%mul3A_2] : memref<819200xi32, #tpu.memory_space<hbm>> -> memref<25600xi32, #tpu.memory_space<hbm>>
      tpu.enqueue_dma source(%dma_start3A_675 : memref<25600xi32, #tpu.memory_space<hbm>>) target(%arg6 : memref<25600xi32, #tpu.memory_space<vmem>>) target_semaphore(%run_scoped3A : memref<!tpu.dma_semaphore, #tpu.memory_space<semaphore_mem>>)
      %dma_wait3A = tpu.memref_slice %arg2[%mul3A_2] : memref<819200xi32, #tpu.memory_space<hbm>> -> memref<25600xi32, #tpu.memory_space<hbm>>
      %dma_wait3A_676 = tpu.memref_slice %arg2[%mul3A_2] : memref<819200xi32, #tpu.memory_space<hbm>> -> memref<25600xi32, #tpu.memory_space<hbm>>
      tpu.wait_dma2 semaphore(%run_scoped3A : memref<!tpu.dma_semaphore, #tpu.memory_space<semaphore_mem>>) src(%dma_wait3A_676 : memref<25600xi32, #tpu.memory_space<hbm>>) dst(%arg6 : memref<25600xi32, #tpu.memory_space<vmem>>)
      tpu.yield
    }) : () -> ()
    %iota3A = tpu.iota {dimensions = array<i32: 0>} : vector<16xi32>
    %broadcast_in_dim3A = arith.constant 0 : i32
    %broadcast_in_dim3A_3 = vector.broadcast %broadcast_in_dim3A : i32 to vector<16xi32>
    %mul3A_4 = arith.constant 128 : i32
    %mul3A_5 = arith.muli %add3A, %mul3A_4 : i32
    %scan3A = arith.constant 0 : i32
    %scan3A_6 = arith.constant 0 : i32
    %scan3A_7 = arith.constant 1600 : i32
    %scan3A_8 = arith.addi %scan3A_6, %scan3A_7 : i32
    %scan3A_9 = arith.constant 1 : i32
    %scan3A_10:4 = scf.for %scan3A_675 = %scan3A_6 to %scan3A_8 step %scan3A_9 iter_args(%scan3A_676 = %broadcast_in_dim3A_3, %scan3A_677 = %broadcast_in_dim3A_3, %scan3A_678 = %scan3A, %scan3A_679 = %mul3A_5) -> (vector<16xi32>, vector<16xi32>, i32, i32)  : i32 {
      %mul3A_680 = arith.constant 16 : i32
      %mul3A_681 = arith.muli %scan3A_675, %mul3A_680 : i32
      %get3A_682 = arith.index_cast %mul3A_681 : i32 to index
      %get3A_683 = tpu.vector_load %arg6[%get3A_682] {strides = array<i32>} : memref<25600xi32, #tpu.memory_space<vmem>>, vector<16xi32>,
      %add3A_684 = vector.broadcast %scan3A_678 : i32 to vector<16xi32>
      %add3A_685 = arith.addi %add3A_684, %iota3A : vector<16xi32>
      %ge3A = arith.constant 200 : i32
      %ge3A_686 = vector.broadcast %ge3A : i32 to vector<16xi32>
      %ge3A_687 = arith.cmpi sge, %add3A_685, %ge3A_686 : vector<16xi32>
      %convert_element_type3A_688 = arith.extui %ge3A_687 : vector<16xi1> to vector<16xi32>
      %mul3A_689 = arith.constant 200 : i32
      %mul3A_690 = vector.broadcast %mul3A_689 : i32 to vector<16xi32>
      %mul3A_691 = arith.muli %mul3A_690, %convert_element_type3A_688 : vector<16xi32>
      %sub3A_692 = arith.subi %add3A_685, %mul3A_691 : vector<16xi32>
      %ge3A_693 = arith.constant 0 : i32
      %ge3A_694 = vector.broadcast %ge3A_693 : i32 to vector<16xi32>
      %ge3A_695 = arith.cmpi sge, %sub3A_692, %ge3A_694 : vector<16xi32>
      %lt3A = arith.constant 100 : i32
      %lt3A_696 = vector.broadcast %lt3A : i32 to vector<16xi32>
      %lt3A_697 = arith.cmpi slt, %sub3A_692, %lt3A_696 : vector<16xi32>
      %and3A_698 = arith.andi %ge3A_695, %lt3A_697 : vector<16xi1>
      %lt3A_699 = arith.constant 500000 : i32
      %lt3A_700 = vector.broadcast %lt3A_699 : i32 to vector<16xi32>
      %lt3A_701 = arith.cmpi slt, %get3A_683, %lt3A_700 : vector<16xi32>
      %and3A_702 = arith.andi %and3A_698, %lt3A_701 : vector<16xi1>
      %ge3A_703 = arith.constant 500000 : i32
      %ge3A_704 = vector.broadcast %ge3A_703 : i32 to vector<16xi32>
      %ge3A_705 = arith.cmpi sge, %get3A_683, %ge3A_704 : vector<16xi32>
      %and3A_706 = arith.andi %and3A_698, %ge3A_705 : vector<16xi1>
      %convert_element_type3A_707 = arith.extui %and3A_702 : vector<16xi1> to vector<16xi32>
      %broadcast_in_dim3A_708 = arith.constant true
      %broadcast_in_dim3A_709 = vector.broadcast %broadcast_in_dim3A_708 : i1 to vector<16xi1>
      %masked_cumsum3A = tpu.scan <sum>, %convert_element_type3A_707 masked %broadcast_in_dim3A_709 : vector<16xi32>, vector<16xi1> -> vector<16xi32>
      %add3A_710 = arith.addi %scan3A_676, %masked_cumsum3A : vector<16xi32>
      %sub3A_711 = arith.constant 1 : i32
      %sub3A_712 = vector.broadcast %sub3A_711 : i32 to vector<16xi32>
      %sub3A_713 = arith.subi %add3A_710, %sub3A_712 : vector<16xi32>
      %convert_element_type3A_714 = arith.extui %and3A_706 : vector<16xi1> to vector<16xi32>
      %broadcast_in_dim3A_715 = arith.constant true
      %broadcast_in_dim3A_716 = vector.broadcast %broadcast_in_dim3A_715 : i1 to vector<16xi1>
      %masked_cumsum3A_717 = tpu.scan <sum>, %convert_element_type3A_714 masked %broadcast_in_dim3A_716 : vector<16xi32>, vector<16xi1> -> vector<16xi32>
      %add3A_718 = arith.addi %scan3A_677, %masked_cumsum3A_717 : vector<16xi32>
      %sub3A_719 = arith.constant 1 : i32
      %sub3A_720 = vector.broadcast %sub3A_719 : i32 to vector<16xi32>
      %sub3A_721 = arith.subi %add3A_718, %sub3A_720 : vector<16xi32>
      %sub3A_722 = arith.constant 25855 : i32
      %sub3A_723 = vector.broadcast %sub3A_722 : i32 to vector<16xi32>
      %sub3A_724 = arith.subi %sub3A_723, %sub3A_721 : vector<16xi32>
      %sub3A_725 = arith.constant 0 : i32
      %sub3A_726 = vector.broadcast %sub3A_725 : i32 to vector<16xi32>
      %sub3A_727 = arith.subi %sub3A_692, %sub3A_726 : vector<16xi32>
      %mul3A_728 = arith.constant 4096 : i32
      %mul3A_729 = vector.broadcast %mul3A_728 : i32 to vector<16xi32>
      %mul3A_730 = arith.muli %sub3A_727, %mul3A_729 : vector<16xi32>
      %add3A_731 = vector.broadcast %scan3A_679 : i32 to vector<16xi32>
      %add3A_732 = arith.addi %add3A_731, %convert_element_type3A_688 : vector<16xi32>
      %add3A_733 = arith.addi %mul3A_730, %add3A_732 : vector<16xi32>
      %shift_right_arithmetic3A = arith.constant 7 : i32
      %shift_right_arithmetic3A_734 = vector.broadcast %shift_right_arithmetic3A : i32 to vector<16xi32>
      %shift_right_arithmetic3A_735 = arith.shrsi %sub3A_713, %shift_right_arithmetic3A_734 : vector<16xi32>
      %and3A_736 = arith.constant 127 : i32
      %and3A_737 = vector.broadcast %and3A_736 : i32 to vector<16xi32>
      %and3A_738 = arith.andi %sub3A_713, %and3A_737 : vector<16xi32>
      tpu.vector_store_idx %arg7[%shift_right_arithmetic3A_735, %and3A_738], %get3A_683 masked %and3A_702 : memref<202x128xi32, #tpu.memory_space<vmem>>[vector<16xi32>, vector<16xi32>], vector<16xi32>, vector<16xi1>
      %shift_right_arithmetic3A_739 = arith.constant 7 : i32
      %shift_right_arithmetic3A_740 = vector.broadcast %shift_right_arithmetic3A_739 : i32 to vector<16xi32>
      %shift_right_arithmetic3A_741 = arith.shrsi %sub3A_713, %shift_right_arithmetic3A_740 : vector<16xi32>
      %and3A_742 = arith.constant 127 : i32
      %and3A_743 = vector.broadcast %and3A_742 : i32 to vector<16xi32>
      %and3A_744 = arith.andi %sub3A_713, %and3A_743 : vector<16xi32>
      tpu.vector_store_idx %arg8[%shift_right_arithmetic3A_741, %and3A_744], %add3A_733 masked %and3A_702 : memref<202x128xi32, #tpu.memory_space<vmem>>[vector<16xi32>, vector<16xi32>], vector<16xi32>, vector<16xi1>
      %shift_right_arithmetic3A_745 = arith.constant 7 : i32
      %shift_right_arithmetic3A_746 = vector.broadcast %shift_right_arithmetic3A_745 : i32 to vector<16xi32>
      %shift_right_arithmetic3A_747 = arith.shrsi %sub3A_724, %shift_right_arithmetic3A_746 : vector<16xi32>
      %and3A_748 = arith.constant 127 : i32
      %and3A_749 = vector.broadcast %and3A_748 : i32 to vector<16xi32>
      %and3A_750 = arith.andi %sub3A_724, %and3A_749 : vector<16xi32>
      %sub3A_751 = arith.constant 500000 : i32
      %sub3A_752 = vector.broadcast %sub3A_751 : i32 to vector<16xi32>
      %sub3A_753 = arith.subi %get3A_683, %sub3A_752 : vector<16xi32>
      tpu.vector_store_idx %arg7[%shift_right_arithmetic3A_747, %and3A_750], %sub3A_753 masked %and3A_706 : memref<202x128xi32, #tpu.memory_space<vmem>>[vector<16xi32>, vector<16xi32>], vector<16xi32>, vector<16xi1>
      %shift_right_arithmetic3A_754 = arith.constant 7 : i32
      %shift_right_arithmetic3A_755 = vector.broadcast %shift_right_arithmetic3A_754 : i32 to vector<16xi32>
      %shift_right_arithmetic3A_756 = arith.shrsi %sub3A_724, %shift_right_arithmetic3A_755 : vector<16xi32>
      %and3A_757 = arith.constant 127 : i32
      %and3A_758 = vector.broadcast %and3A_757 : i32 to vector<16xi32>
      %and3A_759 = arith.andi %sub3A_724, %and3A_758 : vector<16xi32>
      tpu.vector_store_idx %arg8[%shift_right_arithmetic3A_756, %and3A_759], %add3A_733 masked %and3A_706 : memref<202x128xi32, #tpu.memory_space<vmem>>[vector<16xi32>, vector<16xi32>], vector<16xi32>, vector<16xi1>
      %all_reduce_population_count3A = tpu.all_reduce %and3A_702 {dim = 0 : i64, kind = #tpu.reduction_kind<sum>} : vector<16xi1> -> vector<16xi32>
      %all_reduce_population_count3A_760 = tpu.all_reduce %and3A_706 {dim = 0 : i64, kind = #tpu.reduction_kind<sum>} : vector<16xi1> -> vector<16xi32>
      %add3A_761 = arith.constant 16 : i32
      %add3A_762 = arith.addi %scan3A_678, %add3A_761 : i32
      %ge3A_763 = arith.constant 200 : i32
      %ge3A_764 = arith.cmpi sge, %add3A_762, %ge3A_763 : i32
      %convert_element_type3A_765 = arith.extui %ge3A_764 : i1 to i32
      %add3A_766 = arith.addi %scan3A_676, %all_reduce_population_count3A : vector<16xi32>
      %add3A_767 = arith.addi %scan3A_677, %all_reduce_population_count3A_760 : vector<16xi32>
      %mul3A_768 = arith.constant 200 : i32
      %mul3A_769 = arith.muli %mul3A_768, %convert_element_type3A_765 : i32
      %sub3A_770 = arith.subi %add3A_762, %mul3A_769 : i32
      %add3A_771 = arith.addi %scan3A_679, %convert_element_type3A_765 : i32
      scf.yield %add3A_766, %add3A_767, %sub3A_770, %add3A_771 : vector<16xi32>, vector<16xi32>, i32, i32
    }
    %scan3A_11 = arith.constant 1600 : i32
    %reduce_max3A = arith.constant true
    %reduce_max3A_12 = vector.broadcast %reduce_max3A : i1 to vector<16xi1>
    %reduce_max3A_13 = arith.constant -2147483648 : i32
    %reduce_max3A_14 = vector.broadcast %reduce_max3A_13 : i32 to vector<16xi32>
    %reduce_max3A_15 = arith.xori %scan3A_10#0, %reduce_max3A_14 : vector<16xi32>
    %reduce_max3A_16 = tpu.scan <max>, %reduce_max3A_15 masked %reduce_max3A_12 : vector<16xi32>, vector<16xi1> -> vector<16xi32>
    %reduce_max3A_17 = arith.xori %reduce_max3A_16, %reduce_max3A_14 : vector<16xi32>
    %reduce_max3A_18 = vector.extract %reduce_max3A_17[15] : i32 from vector<16xi32>
    %reduce_max3A_19 = arith.constant true
    %reduce_max3A_20 = vector.broadcast %reduce_max3A_19 : i1 to vector<16xi1>
    %reduce_max3A_21 = arith.constant -2147483648 : i32
    %reduce_max3A_22 = vector.broadcast %reduce_max3A_21 : i32 to vector<16xi32>
    %reduce_max3A_23 = arith.xori %scan3A_10#1, %reduce_max3A_22 : vector<16xi32>
    %reduce_max3A_24 = tpu.scan <max>, %reduce_max3A_23 masked %reduce_max3A_20 : vector<16xi32>, vector<16xi1> -> vector<16xi32>
    %reduce_max3A_25 = arith.xori %reduce_max3A_24, %reduce_max3A_22 : vector<16xi32>
    %reduce_max3A_26 = vector.extract %reduce_max3A_25[15] : i32 from vector<16xi32>
    %add3A_27 = arith.constant 128 : i32
    %add3A_28 = arith.addi %reduce_max3A_18, %add3A_27 : i32
    %sub3A = arith.constant 1 : i32
    %sub3A_29 = arith.subi %add3A_28, %sub3A : i32
    %jit3A = arith.constant 128 : i32
    %div3A = arith.divsi %sub3A_29, %jit3A : i32
    %sign3A = arith.constant 0 : i32
    %sign3A_30 = arith.cmpi sgt, %sub3A_29, %sign3A : i32
    %sign3A_31 = arith.extui %sign3A_30 : i1 to i32
    %sign3A_32 = arith.constant 0 : i32
    %sign3A_33 = arith.cmpi slt, %sub3A_29, %sign3A_32 : i32
    %sign3A_34 = arith.extui %sign3A_33 : i1 to i32
    %sign3A_35 = arith.subi %sign3A_31, %sign3A_34 : i32
    %sign3A_36 = arith.constant 0 : i32
    %sign3A_37 = arith.cmpi sgt, %jit3A, %sign3A_36 : i32
    %sign3A_38 = arith.extui %sign3A_37 : i1 to i32
    %sign3A_39 = arith.constant 0 : i32
    %sign3A_40 = arith.cmpi slt, %jit3A, %sign3A_39 : i32
    %sign3A_41 = arith.extui %sign3A_40 : i1 to i32
    %sign3A_42 = arith.subi %sign3A_38, %sign3A_41 : i32
    %ne3A = arith.cmpi ne, %sign3A_35, %sign3A_42 : i32
    %rem3A = arith.remsi %sub3A_29, %jit3A : i32
    %ne3A_43 = arith.constant 0 : i32
    %ne3A_44 = arith.cmpi ne, %rem3A, %ne3A_43 : i32
    %and3A = arith.andi %ne3A, %ne3A_44 : i1
    %sub3A_45 = arith.constant 1 : i32
    %sub3A_46 = arith.subi %div3A, %sub3A_45 : i32
    %select_n3A = arith.select %and3A, %sub3A_46, %div3A : i32
    %mul3A_47 = arith.constant 128 : i32
    %mul3A_48 = arith.muli %select_n3A, %mul3A_47 : i32
    %add3A_49 = arith.constant 128 : i32
    %add3A_50 = arith.addi %reduce_max3A_26, %add3A_49 : i32
    %sub3A_51 = arith.constant 1 : i32
    %sub3A_52 = arith.subi %add3A_50, %sub3A_51 : i32
    %jit3A_53 = arith.constant 128 : i32
    %div3A_54 = arith.divsi %sub3A_52, %jit3A_53 : i32
    %sign3A_55 = arith.constant 0 : i32
    %sign3A_56 = arith.cmpi sgt, %sub3A_52, %sign3A_55 : i32
    %sign3A_57 = arith.extui %sign3A_56 : i1 to i32
    %sign3A_58 = arith.constant 0 : i32
    %sign3A_59 = arith.cmpi slt, %sub3A_52, %sign3A_58 : i32
    %sign3A_60 = arith.extui %sign3A_59 : i1 to i32
    %sign3A_61 = arith.subi %sign3A_57, %sign3A_60 : i32
    %sign3A_62 = arith.constant 0 : i32
    %sign3A_63 = arith.cmpi sgt, %jit3A_53, %sign3A_62 : i32
    %sign3A_64 = arith.extui %sign3A_63 : i1 to i32
    %sign3A_65 = arith.constant 0 : i32
    %sign3A_66 = arith.cmpi slt, %jit3A_53, %sign3A_65 : i32
    %sign3A_67 = arith.extui %sign3A_66 : i1 to i32
    %sign3A_68 = arith.subi %sign3A_64, %sign3A_67 : i32
    %ne3A_69 = arith.cmpi ne, %sign3A_61, %sign3A_68 : i32
    %rem3A_70 = arith.remsi %sub3A_52, %jit3A_53 : i32
    %ne3A_71 = arith.constant 0 : i32
    %ne3A_72 = arith.cmpi ne, %rem3A_70, %ne3A_71 : i32
    %and3A_73 = arith.andi %ne3A_69, %ne3A_72 : i1
    %sub3A_74 = arith.constant 1 : i32
    %sub3A_75 = arith.subi %div3A_54, %sub3A_74 : i32
    %select_n3A_76 = arith.select %and3A_73, %sub3A_75, %div3A_54 : i32
    %mul3A_77 = arith.constant 128 : i32
    %mul3A_78 = arith.muli %select_n3A_76, %mul3A_77 : i32
    %get3A = arith.constant 0 : i32
    %get3A_79 = arith.index_cast %get3A : i32 to index
    %get3A_80 = arith.constant 0 : index
    %get3A_81 = tpu.vector_load %arg7[%get3A_79, %get3A_80] {strides = array<i32>} : memref<202x128xi32, #tpu.memory_space<vmem>>, vector<16xi32>,
    %get3A_82 = arith.constant 0 : i32
    %get3A_83 = arith.index_cast %get3A_82 : i32 to index
    %get3A_84 = arith.constant 0 : index
    %get3A_85 = tpu.vector_load %arg8[%get3A_83, %get3A_84] {strides = array<i32>} : memref<202x128xi32, #tpu.memory_space<vmem>>, vector<16xi32>,
    %eq3A = arith.constant 0 : i32
    %eq3A_86 = vector.broadcast %eq3A : i32 to vector<16xi32>
    %eq3A_87 = arith.cmpi eq, %iota3A, %eq3A_86 : vector<16xi32>
    %jit3A_88 = arith.constant 0 : i32
    %broadcast_in_dim3A_89 = vector.broadcast %jit3A_88 : i32 to vector<16xi32>
    %select_n3A_90 = arith.select %eq3A_87, %get3A_81, %broadcast_in_dim3A_89 : vector<16xi1>, vector<16xi32>
    %reduce_sum3A = arith.constant true
    %reduce_sum3A_91 = vector.broadcast %reduce_sum3A : i1 to vector<16xi1>
    %reduce_sum3A_92 = tpu.scan <sum>, %select_n3A_90 masked %reduce_sum3A_91 : vector<16xi32>, vector<16xi1> -> vector<16xi32>
    %reduce_sum3A_93 = vector.extract %reduce_sum3A_92[15] : i32 from vector<16xi32>
    %eq3A_94 = arith.constant 0 : i32
    %eq3A_95 = vector.broadcast %eq3A_94 : i32 to vector<16xi32>
    %eq3A_96 = arith.cmpi eq, %iota3A, %eq3A_95 : vector<16xi32>
    %jit3A_97 = arith.constant 0 : i32
    %broadcast_in_dim3A_98 = vector.broadcast %jit3A_97 : i32 to vector<16xi32>
    %select_n3A_99 = arith.select %eq3A_96, %get3A_85, %broadcast_in_dim3A_98 : vector<16xi1>, vector<16xi32>
    %reduce_sum3A_100 = arith.constant true
    %reduce_sum3A_101 = vector.broadcast %reduce_sum3A_100 : i1 to vector<16xi1>
    %reduce_sum3A_102 = tpu.scan <sum>, %select_n3A_99 masked %reduce_sum3A_101 : vector<16xi32>, vector<16xi1> -> vector<16xi32>
    %reduce_sum3A_103 = vector.extract %reduce_sum3A_102[15] : i32 from vector<16xi32>
    %get3A_104 = arith.constant 201 : i32
    %get3A_105 = arith.index_cast %get3A_104 : i32 to index
    %get3A_106 = arith.constant 112 : index
    %get3A_107 = tpu.vector_load %arg7[%get3A_105, %get3A_106] {strides = array<i32>} : memref<202x128xi32, #tpu.memory_space<vmem>>, vector<16xi32>,
    %get3A_108 = arith.constant 201 : i32
    %get3A_109 = arith.index_cast %get3A_108 : i32 to index
    %get3A_110 = arith.constant 112 : index
    %get3A_111 = tpu.vector_load %arg8[%get3A_109, %get3A_110] {strides = array<i32>} : memref<202x128xi32, #tpu.memory_space<vmem>>, vector<16xi32>,
    %eq3A_112 = arith.constant 15 : i32
    %eq3A_113 = vector.broadcast %eq3A_112 : i32 to vector<16xi32>
    %eq3A_114 = arith.cmpi eq, %iota3A, %eq3A_113 : vector<16xi32>
    %jit3A_115 = arith.constant 0 : i32
    %broadcast_in_dim3A_116 = vector.broadcast %jit3A_115 : i32 to vector<16xi32>
    %select_n3A_117 = arith.select %eq3A_114, %get3A_107, %broadcast_in_dim3A_116 : vector<16xi1>, vector<16xi32>
    %reduce_sum3A_118 = arith.constant true
    %reduce_sum3A_119 = vector.broadcast %reduce_sum3A_118 : i1 to vector<16xi1>
    %reduce_sum3A_120 = tpu.scan <sum>, %select_n3A_117 masked %reduce_sum3A_119 : vector<16xi32>, vector<16xi1> -> vector<16xi32>
    %reduce_sum3A_121 = vector.extract %reduce_sum3A_120[15] : i32 from vector<16xi32>
    %eq3A_122 = arith.constant 15 : i32
    %eq3A_123 = vector.broadcast %eq3A_122 : i32 to vector<16xi32>
    %eq3A_124 = arith.cmpi eq, %iota3A, %eq3A_123 : vector<16xi32>
    %jit3A_125 = arith.constant 0 : i32
    %broadcast_in_dim3A_126 = vector.broadcast %jit3A_125 : i32 to vector<16xi32>
    %select_n3A_127 = arith.select %eq3A_124, %get3A_111, %broadcast_in_dim3A_126 : vector<16xi1>, vector<16xi32>
    %reduce_sum3A_128 = arith.constant true
    %reduce_sum3A_129 = vector.broadcast %reduce_sum3A_128 : i1 to vector<16xi1>
    %reduce_sum3A_130 = tpu.scan <sum>, %select_n3A_127 masked %reduce_sum3A_129 : vector<16xi32>, vector<16xi1> -> vector<16xi32>
    %reduce_sum3A_131 = vector.extract %reduce_sum3A_130[15] : i32 from vector<16xi32>
    %sub3A_132 = arith.subi %mul3A_48, %reduce_max3A_18 : i32
    %add3A_133 = arith.constant 16 : i32
    %add3A_134 = arith.addi %sub3A_132, %add3A_133 : i32
    %sub3A_135 = arith.constant 1 : i32
    %sub3A_136 = arith.subi %add3A_134, %sub3A_135 : i32
    %jit3A_137 = arith.constant 16 : i32
    %div3A_138 = arith.divsi %sub3A_136, %jit3A_137 : i32
    %sign3A_139 = arith.constant 0 : i32
    %sign3A_140 = arith.cmpi sgt, %sub3A_136, %sign3A_139 : i32
    %sign3A_141 = arith.extui %sign3A_140 : i1 to i32
    %sign3A_142 = arith.constant 0 : i32
    %sign3A_143 = arith.cmpi slt, %sub3A_136, %sign3A_142 : i32
    %sign3A_144 = arith.extui %sign3A_143 : i1 to i32
    %sign3A_145 = arith.subi %sign3A_141, %sign3A_144 : i32
    %sign3A_146 = arith.constant 0 : i32
    %sign3A_147 = arith.cmpi sgt, %jit3A_137, %sign3A_146 : i32
    %sign3A_148 = arith.extui %sign3A_147 : i1 to i32
    %sign3A_149 = arith.constant 0 : i32
    %sign3A_150 = arith.cmpi slt, %jit3A_137, %sign3A_149 : i32
    %sign3A_151 = arith.extui %sign3A_150 : i1 to i32
    %sign3A_152 = arith.subi %sign3A_148, %sign3A_151 : i32
    %ne3A_153 = arith.cmpi ne, %sign3A_145, %sign3A_152 : i32
    %rem3A_154 = arith.remsi %sub3A_136, %jit3A_137 : i32
    %ne3A_155 = arith.constant 0 : i32
    %ne3A_156 = arith.cmpi ne, %rem3A_154, %ne3A_155 : i32
    %and3A_157 = arith.andi %ne3A_153, %ne3A_156 : i1
    %sub3A_158 = arith.constant 1 : i32
    %sub3A_159 = arith.subi %div3A_138, %sub3A_158 : i32
    %select_n3A_160 = arith.select %and3A_157, %sub3A_159, %div3A_138 : i32
    %while3A = arith.constant 0 : i32
    %while3A_161 = arith.constant 0 : i32
    %while3A_162 = arith.subi %select_n3A_160, %while3A : i32
    %while3A_163 = arith.addi %while3A, %while3A_162 : i32
    %while3A_164 = arith.constant 1 : i32
    %while3A_165 = arith.divsi %while3A_162, %while3A_164 : i32
    %while3A_166 = arith.muli %while3A_165, %while3A_164 : i32
    %while3A_167 = arith.addi %while3A, %while3A_166 : i32
    %while3A_168 = arith.constant 1 : i32
    %while3A_169 = scf.for %while3A_675 = %while3A to %while3A_167 step %while3A_168 iter_args(%while3A_676 = %while3A_161) -> (i32)  : i32 {
      %mul3A_677 = arith.constant 16 : i32
      %mul3A_678 = arith.muli %while3A_675, %mul3A_677 : i32
      %add3A_679 = arith.addi %reduce_max3A_18, %mul3A_678 : i32
      %add3A_680 = vector.broadcast %add3A_679 : i32 to vector<16xi32>
      %add3A_681 = arith.addi %add3A_680, %iota3A : vector<16xi32>
      %lt3A = vector.broadcast %mul3A_48 : i32 to vector<16xi32>
      %lt3A_682 = arith.cmpi slt, %add3A_681, %lt3A : vector<16xi32>
      %shift_right_arithmetic3A = arith.constant 7 : i32
      %shift_right_arithmetic3A_683 = vector.broadcast %shift_right_arithmetic3A : i32 to vector<16xi32>
      %shift_right_arithmetic3A_684 = arith.shrsi %add3A_681, %shift_right_arithmetic3A_683 : vector<16xi32>
      %and3A_685 = arith.constant 127 : i32
      %and3A_686 = vector.broadcast %and3A_685 : i32 to vector<16xi32>
      %and3A_687 = arith.andi %add3A_681, %and3A_686 : vector<16xi32>
      %broadcast_in_dim3A_688 = vector.broadcast %reduce_sum3A_93 : i32 to vector<16xi32>
      tpu.vector_store_idx %arg7[%shift_right_arithmetic3A_684, %and3A_687], %broadcast_in_dim3A_688 masked %lt3A_682 : memref<202x128xi32, #tpu.memory_space<vmem>>[vector<16xi32>, vector<16xi32>], vector<16xi32>, vector<16xi1>
      %shift_right_arithmetic3A_689 = arith.constant 7 : i32
      %shift_right_arithmetic3A_690 = vector.broadcast %shift_right_arithmetic3A_689 : i32 to vector<16xi32>
      %shift_right_arithmetic3A_691 = arith.shrsi %add3A_681, %shift_right_arithmetic3A_690 : vector<16xi32>
      %and3A_692 = arith.constant 127 : i32
      %and3A_693 = vector.broadcast %and3A_692 : i32 to vector<16xi32>
      %and3A_694 = arith.andi %add3A_681, %and3A_693 : vector<16xi32>
      %broadcast_in_dim3A_695 = vector.broadcast %reduce_sum3A_103 : i32 to vector<16xi32>
      tpu.vector_store_idx %arg8[%shift_right_arithmetic3A_691, %and3A_694], %broadcast_in_dim3A_695 masked %lt3A_682 : memref<202x128xi32, #tpu.memory_space<vmem>>[vector<16xi32>, vector<16xi32>], vector<16xi32>, vector<16xi1>
      %while3A_696 = arith.constant 0 : i32
      scf.yield %while3A_696 : i32
    }
    %while3A_170 = arith.constant 1 : i32
    %while3A_171 = scf.for %while3A_675 = %while3A_167 to %while3A_163 step %while3A_170 iter_args(%while3A_676 = %while3A_169) -> (i32)  : i32 {
      %mul3A_677 = arith.constant 16 : i32
      %mul3A_678 = arith.muli %while3A_675, %mul3A_677 : i32
      %add3A_679 = arith.addi %reduce_max3A_18, %mul3A_678 : i32
      %add3A_680 = vector.broadcast %add3A_679 : i32 to vector<16xi32>
      %add3A_681 = arith.addi %add3A_680, %iota3A : vector<16xi32>
      %lt3A = vector.broadcast %mul3A_48 : i32 to vector<16xi32>
      %lt3A_682 = arith.cmpi slt, %add3A_681, %lt3A : vector<16xi32>
      %shift_right_arithmetic3A = arith.constant 7 : i32
      %shift_right_arithmetic3A_683 = vector.broadcast %shift_right_arithmetic3A : i32 to vector<16xi32>
      %shift_right_arithmetic3A_684 = arith.shrsi %add3A_681, %shift_right_arithmetic3A_683 : vector<16xi32>
      %and3A_685 = arith.constant 127 : i32
      %and3A_686 = vector.broadcast %and3A_685 : i32 to vector<16xi32>
      %and3A_687 = arith.andi %add3A_681, %and3A_686 : vector<16xi32>
      %broadcast_in_dim3A_688 = vector.broadcast %reduce_sum3A_93 : i32 to vector<16xi32>
      tpu.vector_store_idx %arg7[%shift_right_arithmetic3A_684, %and3A_687], %broadcast_in_dim3A_688 masked %lt3A_682 : memref<202x128xi32, #tpu.memory_space<vmem>>[vector<16xi32>, vector<16xi32>], vector<16xi32>, vector<16xi1>
      %shift_right_arithmetic3A_689 = arith.constant 7 : i32
      %shift_right_arithmetic3A_690 = vector.broadcast %shift_right_arithmetic3A_689 : i32 to vector<16xi32>
      %shift_right_arithmetic3A_691 = arith.shrsi %add3A_681, %shift_right_arithmetic3A_690 : vector<16xi32>
      %and3A_692 = arith.constant 127 : i32
      %and3A_693 = vector.broadcast %and3A_692 : i32 to vector<16xi32>
      %and3A_694 = arith.andi %add3A_681, %and3A_693 : vector<16xi32>
      %broadcast_in_dim3A_695 = vector.broadcast %reduce_sum3A_103 : i32 to vector<16xi32>
      tpu.vector_store_idx %arg8[%shift_right_arithmetic3A_691, %and3A_694], %broadcast_in_dim3A_695 masked %lt3A_682 : memref<202x128xi32, #tpu.memory_space<vmem>>[vector<16xi32>, vector<16xi32>], vector<16xi32>, vector<16xi1>
      %while3A_696 = arith.constant 0 : i32
      scf.yield %while3A_696 : i32
    }
    %sub3A_172 = arith.subi %mul3A_78, %reduce_max3A_26 : i32
    %add3A_173 = arith.constant 16 : i32
    %add3A_174 = arith.addi %sub3A_172, %add3A_173 : i32
    %sub3A_175 = arith.constant 1 : i32
    %sub3A_176 = arith.subi %add3A_174, %sub3A_175 : i32
    %jit3A_177 = arith.constant 16 : i32
    %div3A_178 = arith.divsi %sub3A_176, %jit3A_177 : i32
    %sign3A_179 = arith.constant 0 : i32
    %sign3A_180 = arith.cmpi sgt, %sub3A_176, %sign3A_179 : i32
    %sign3A_181 = arith.extui %sign3A_180 : i1 to i32
    %sign3A_182 = arith.constant 0 : i32
    %sign3A_183 = arith.cmpi slt, %sub3A_176, %sign3A_182 : i32
    %sign3A_184 = arith.extui %sign3A_183 : i1 to i32
    %sign3A_185 = arith.subi %sign3A_181, %sign3A_184 : i32
    %sign3A_186 = arith.constant 0 : i32
    %sign3A_187 = arith.cmpi sgt, %jit3A_177, %sign3A_186 : i32
    %sign3A_188 = arith.extui %sign3A_187 : i1 to i32
    %sign3A_189 = arith.constant 0 : i32
    %sign3A_190 = arith.cmpi slt, %jit3A_177, %sign3A_189 : i32
    %sign3A_191 = arith.extui %sign3A_190 : i1 to i32
    %sign3A_192 = arith.subi %sign3A_188, %sign3A_191 : i32
    %ne3A_193 = arith.cmpi ne, %sign3A_185, %sign3A_192 : i32
    %rem3A_194 = arith.remsi %sub3A_176, %jit3A_177 : i32
    %ne3A_195 = arith.constant 0 : i32
    %ne3A_196 = arith.cmpi ne, %rem3A_194, %ne3A_195 : i32
    %and3A_197 = arith.andi %ne3A_193, %ne3A_196 : i1
    %sub3A_198 = arith.constant 1 : i32
    %sub3A_199 = arith.subi %div3A_178, %sub3A_198 : i32
    %select_n3A_200 = arith.select %and3A_197, %sub3A_199, %div3A_178 : i32
    %while3A_201 = arith.constant 0 : i32
    %while3A_202 = arith.constant 0 : i32
    %while3A_203 = arith.subi %select_n3A_200, %while3A_201 : i32
    %while3A_204 = arith.addi %while3A_201, %while3A_203 : i32
    %while3A_205 = arith.constant 1 : i32
    %while3A_206 = arith.divsi %while3A_203, %while3A_205 : i32
    %while3A_207 = arith.muli %while3A_206, %while3A_205 : i32
    %while3A_208 = arith.addi %while3A_201, %while3A_207 : i32
    %while3A_209 = arith.constant 1 : i32
    %while3A_210 = scf.for %while3A_675 = %while3A_201 to %while3A_208 step %while3A_209 iter_args(%while3A_676 = %while3A_202) -> (i32)  : i32 {
      %sub3A_677 = arith.constant 25856 : i32
      %sub3A_678 = arith.subi %sub3A_677, %mul3A_78 : i32
      %mul3A_679 = arith.constant 16 : i32
      %mul3A_680 = arith.muli %while3A_675, %mul3A_679 : i32
      %add3A_681 = arith.addi %sub3A_678, %mul3A_680 : i32
      %add3A_682 = vector.broadcast %add3A_681 : i32 to vector<16xi32>
      %add3A_683 = arith.addi %add3A_682, %iota3A : vector<16xi32>
      %sub3A_684 = arith.constant 25856 : i32
      %sub3A_685 = arith.subi %sub3A_684, %reduce_max3A_26 : i32
      %lt3A = vector.broadcast %sub3A_685 : i32 to vector<16xi32>
      %lt3A_686 = arith.cmpi slt, %add3A_683, %lt3A : vector<16xi32>
      %shift_right_arithmetic3A = arith.constant 7 : i32
      %shift_right_arithmetic3A_687 = vector.broadcast %shift_right_arithmetic3A : i32 to vector<16xi32>
      %shift_right_arithmetic3A_688 = arith.shrsi %add3A_683, %shift_right_arithmetic3A_687 : vector<16xi32>
      %and3A_689 = arith.constant 127 : i32
      %and3A_690 = vector.broadcast %and3A_689 : i32 to vector<16xi32>
      %and3A_691 = arith.andi %add3A_683, %and3A_690 : vector<16xi32>
      %broadcast_in_dim3A_692 = vector.broadcast %reduce_sum3A_121 : i32 to vector<16xi32>
      tpu.vector_store_idx %arg7[%shift_right_arithmetic3A_688, %and3A_691], %broadcast_in_dim3A_692 masked %lt3A_686 : memref<202x128xi32, #tpu.memory_space<vmem>>[vector<16xi32>, vector<16xi32>], vector<16xi32>, vector<16xi1>
      %shift_right_arithmetic3A_693 = arith.constant 7 : i32
      %shift_right_arithmetic3A_694 = vector.broadcast %shift_right_arithmetic3A_693 : i32 to vector<16xi32>
      %shift_right_arithmetic3A_695 = arith.shrsi %add3A_683, %shift_right_arithmetic3A_694 : vector<16xi32>
      %and3A_696 = arith.constant 127 : i32
      %and3A_697 = vector.broadcast %and3A_696 : i32 to vector<16xi32>
      %and3A_698 = arith.andi %add3A_683, %and3A_697 : vector<16xi32>
      %broadcast_in_dim3A_699 = vector.broadcast %reduce_sum3A_131 : i32 to vector<16xi32>
      tpu.vector_store_idx %arg8[%shift_right_arithmetic3A_695, %and3A_698], %broadcast_in_dim3A_699 masked %lt3A_686 : memref<202x128xi32, #tpu.memory_space<vmem>>[vector<16xi32>, vector<16xi32>], vector<16xi32>, vector<16xi1>
      %while3A_700 = arith.constant 0 : i32
      scf.yield %while3A_700 : i32
    }
    %while3A_211 = arith.constant 1 : i32
    %while3A_212 = scf.for %while3A_675 = %while3A_208 to %while3A_204 step %while3A_211 iter_args(%while3A_676 = %while3A_210) -> (i32)  : i32 {
      %sub3A_677 = arith.constant 25856 : i32
      %sub3A_678 = arith.subi %sub3A_677, %mul3A_78 : i32
      %mul3A_679 = arith.constant 16 : i32
      %mul3A_680 = arith.muli %while3A_675, %mul3A_679 : i32
      %add3A_681 = arith.addi %sub3A_678, %mul3A_680 : i32
      %add3A_682 = vector.broadcast %add3A_681 : i32 to vector<16xi32>
      %add3A_683 = arith.addi %add3A_682, %iota3A : vector<16xi32>
      %sub3A_684 = arith.constant 25856 : i32
      %sub3A_685 = arith.subi %sub3A_684, %reduce_max3A_26 : i32
      %lt3A = vector.broadcast %sub3A_685 : i32 to vector<16xi32>
      %lt3A_686 = arith.cmpi slt, %add3A_683, %lt3A : vector<16xi32>
      %shift_right_arithmetic3A = arith.constant 7 : i32
      %shift_right_arithmetic3A_687 = vector.broadcast %shift_right_arithmetic3A : i32 to vector<16xi32>
      %shift_right_arithmetic3A_688 = arith.shrsi %add3A_683, %shift_right_arithmetic3A_687 : vector<16xi32>
      %and3A_689 = arith.constant 127 : i32
      %and3A_690 = vector.broadcast %and3A_689 : i32 to vector<16xi32>
      %and3A_691 = arith.andi %add3A_683, %and3A_690 : vector<16xi32>
      %broadcast_in_dim3A_692 = vector.broadcast %reduce_sum3A_121 : i32 to vector<16xi32>
      tpu.vector_store_idx %arg7[%shift_right_arithmetic3A_688, %and3A_691], %broadcast_in_dim3A_692 masked %lt3A_686 : memref<202x128xi32, #tpu.memory_space<vmem>>[vector<16xi32>, vector<16xi32>], vector<16xi32>, vector<16xi1>
      %shift_right_arithmetic3A_693 = arith.constant 7 : i32
      %shift_right_arithmetic3A_694 = vector.broadcast %shift_right_arithmetic3A_693 : i32 to vector<16xi32>
      %shift_right_arithmetic3A_695 = arith.shrsi %add3A_683, %shift_right_arithmetic3A_694 : vector<16xi32>
      %and3A_696 = arith.constant 127 : i32
      %and3A_697 = vector.broadcast %and3A_696 : i32 to vector<16xi32>
      %and3A_698 = arith.andi %add3A_683, %and3A_697 : vector<16xi32>
      %broadcast_in_dim3A_699 = vector.broadcast %reduce_sum3A_131 : i32 to vector<16xi32>
      tpu.vector_store_idx %arg8[%shift_right_arithmetic3A_695, %and3A_698], %broadcast_in_dim3A_699 masked %lt3A_686 : memref<202x128xi32, #tpu.memory_space<vmem>>[vector<16xi32>, vector<16xi32>], vector<16xi32>, vector<16xi1>
      %while3A_700 = arith.constant 0 : i32
      scf.yield %while3A_700 : i32
    }
    %jit3A_213 = arith.constant 128 : i32
    %div3A_214 = arith.divsi %mul3A_48, %jit3A_213 : i32
    %sign3A_215 = arith.constant 0 : i32
    %sign3A_216 = arith.cmpi sgt, %mul3A_48, %sign3A_215 : i32
    %sign3A_217 = arith.extui %sign3A_216 : i1 to i32
    %sign3A_218 = arith.constant 0 : i32
    %sign3A_219 = arith.cmpi slt, %mul3A_48, %sign3A_218 : i32
    %sign3A_220 = arith.extui %sign3A_219 : i1 to i32
    %sign3A_221 = arith.subi %sign3A_217, %sign3A_220 : i32
    %sign3A_222 = arith.constant 0 : i32
    %sign3A_223 = arith.cmpi sgt, %jit3A_213, %sign3A_222 : i32
    %sign3A_224 = arith.extui %sign3A_223 : i1 to i32
    %sign3A_225 = arith.constant 0 : i32
    %sign3A_226 = arith.cmpi slt, %jit3A_213, %sign3A_225 : i32
    %sign3A_227 = arith.extui %sign3A_226 : i1 to i32
    %sign3A_228 = arith.subi %sign3A_224, %sign3A_227 : i32
    %ne3A_229 = arith.cmpi ne, %sign3A_221, %sign3A_228 : i32
    %rem3A_230 = arith.remsi %mul3A_48, %jit3A_213 : i32
    %ne3A_231 = arith.constant 0 : i32
    %ne3A_232 = arith.cmpi ne, %rem3A_230, %ne3A_231 : i32
    %and3A_233 = arith.andi %ne3A_229, %ne3A_232 : i1
    %sub3A_234 = arith.constant 1 : i32
    %sub3A_235 = arith.subi %div3A_214, %sub3A_234 : i32
    %select_n3A_236 = arith.select %and3A_233, %sub3A_235, %div3A_214 : i32
    %add3A_237 = arith.constant 4 : i32
    %add3A_238 = arith.addi %select_n3A_236, %add3A_237 : i32
    %sub3A_239 = arith.constant 1 : i32
    %sub3A_240 = arith.subi %add3A_238, %sub3A_239 : i32
    %jit3A_241 = arith.constant 4 : i32
    %div3A_242 = arith.divsi %sub3A_240, %jit3A_241 : i32
    %sign3A_243 = arith.constant 0 : i32
    %sign3A_244 = arith.cmpi sgt, %sub3A_240, %sign3A_243 : i32
    %sign3A_245 = arith.extui %sign3A_244 : i1 to i32
    %sign3A_246 = arith.constant 0 : i32
    %sign3A_247 = arith.cmpi slt, %sub3A_240, %sign3A_246 : i32
    %sign3A_248 = arith.extui %sign3A_247 : i1 to i32
    %sign3A_249 = arith.subi %sign3A_245, %sign3A_248 : i32
    %sign3A_250 = arith.constant 0 : i32
    %sign3A_251 = arith.cmpi sgt, %jit3A_241, %sign3A_250 : i32
    %sign3A_252 = arith.extui %sign3A_251 : i1 to i32
    %sign3A_253 = arith.constant 0 : i32
    %sign3A_254 = arith.cmpi slt, %jit3A_241, %sign3A_253 : i32
    %sign3A_255 = arith.extui %sign3A_254 : i1 to i32
    %sign3A_256 = arith.subi %sign3A_252, %sign3A_255 : i32
    %ne3A_257 = arith.cmpi ne, %sign3A_249, %sign3A_256 : i32
    %rem3A_258 = arith.remsi %sub3A_240, %jit3A_241 : i32
    %ne3A_259 = arith.constant 0 : i32
    %ne3A_260 = arith.cmpi ne, %rem3A_258, %ne3A_259 : i32
    %and3A_261 = arith.andi %ne3A_257, %ne3A_260 : i1
    %sub3A_262 = arith.constant 1 : i32
    %sub3A_263 = arith.subi %div3A_242, %sub3A_262 : i32
    %select_n3A_264 = arith.select %and3A_261, %sub3A_263, %div3A_242 : i32
    %while3A_265 = arith.constant 0 : i32
    %while3A_266 = arith.constant 0 : i32
    %while3A_267 = arith.subi %select_n3A_264, %while3A_265 : i32
    %while3A_268 = arith.addi %while3A_265, %while3A_267 : i32
    %while3A_269 = arith.constant 1 : i32
    %while3A_270 = arith.divsi %while3A_267, %while3A_269 : i32
    %while3A_271 = arith.muli %while3A_270, %while3A_269 : i32
    %while3A_272 = arith.addi %while3A_265, %while3A_271 : i32
    %while3A_273 = arith.constant 1 : i32
    %while3A_274 = scf.for %while3A_675 = %while3A_265 to %while3A_272 step %while3A_273 iter_args(%while3A_676 = %while3A_266) -> (i32)  : i32 {
      %mul3A_677 = arith.constant 4 : i32
      %mul3A_678 = arith.muli %while3A_675, %mul3A_677 : i32
      %add3A_679 = arith.constant 0 : i32
      %add3A_680 = arith.addi %mul3A_678, %add3A_679 : i32
      %add3A_681 = arith.constant 0 : i32
      %add3A_682 = arith.addi %add3A_681, %add3A_680 : i32
      %lt3A = arith.cmpi slt, %add3A_680, %select_n3A_236 : i32
      %gt3A_683 = arith.constant 0 : i32
      %gt3A_684 = arith.cmpi sgt, %while3A_675, %gt3A_683 : i32
      %and3A_685 = arith.andi %lt3A, %gt3A_684 : i1
      %convert_element_type3A_686 = arith.extui %and3A_685 : i1 to i32
      %cond3A_687 = arith.constant 0 : i32
      %cond3A_688 = arith.cmpi ne, %convert_element_type3A_686, %cond3A_687 : i32
      scf.if %cond3A_688 {
        %sub3A_785 = arith.constant 4 : i32
        %sub3A_786 = arith.subi %add3A_682, %sub3A_785 : i32
        %dma_wait3A = arith.constant 0 : i32
        %dma_wait3A_787 = arith.constant 0 : i32
        %dma_wait3A_788 = arith.constant 0 : i32
        %dma_wait3A_789 = tpu.memref_slice %arg9[%dma_wait3A, %dma_wait3A_787, %dma_wait3A_788] : memref<4x128x32xf32, #tpu.memory_space<vmem>> -> memref<1x128x32xf32, #tpu.memory_space<vmem>>
        %dma_wait3A_790 = tpu.memref_squeeze %dma_wait3A_789 : memref<1x128x32xf32, #tpu.memory_space<vmem>> -> memref<128x32xf32, #tpu.memory_space<vmem>>
        %dma_wait3A_791 = arith.constant 0 : i32
        %dma_wait3A_792 = tpu.memref_slice %arg8[%sub3A_786, %dma_wait3A_791] : memref<202x128xi32, #tpu.memory_space<vmem>> -> memref<1x128xi32, #tpu.memory_space<vmem>>
        %dma_wait3A_793 = tpu.memref_squeeze %dma_wait3A_792 : memref<1x128xi32, #tpu.memory_space<vmem>> -> memref<128xi32, #tpu.memory_space<vmem>>
        %dma_wait3A_794 = arith.constant 0 : i32
        %dma_wait3A_795 = arith.constant 0 : i32
        %dma_wait3A_796 = tpu.memref_slice %arg5[%dma_wait3A_794, %dma_wait3A_795] : memref<409600x32xf32, #tpu.memory_space<hbm>> -> memref<409600x32xf32, #tpu.memory_space<hbm>>
        tpu.wait_indirect_dma semaphore(%arg14 : memref<!tpu.dma_semaphore, #tpu.memory_space<semaphore_mem>>) src(%dma_wait3A_790 : memref<128x32xf32, #tpu.memory_space<vmem>>) dst(%dma_wait3A_796 : memref<409600x32xf32, #tpu.memory_space<hbm>>)
      } else {
      }
      %lt3A_689 = arith.cmpi slt, %add3A_680, %select_n3A_236 : i32
      %convert_element_type3A_690 = arith.extui %lt3A_689 : i1 to i32
      %cond3A_691 = arith.constant 0 : i32
      %cond3A_692 = arith.cmpi ne, %convert_element_type3A_690, %cond3A_691 : i32
      scf.if %cond3A_692 {
        %dma_start3A = arith.constant 0 : i32
        %dma_start3A_785 = arith.constant 0 : i32
        %dma_start3A_786 = arith.constant 0 : i32
        %dma_start3A_787 = tpu.memref_slice %arg9[%dma_start3A, %dma_start3A_785, %dma_start3A_786] : memref<4x128x32xf32, #tpu.memory_space<vmem>> -> memref<1x128x32xf32, #tpu.memory_space<vmem>>
        %dma_start3A_788 = tpu.memref_squeeze %dma_start3A_787 : memref<1x128x32xf32, #tpu.memory_space<vmem>> -> memref<128x32xf32, #tpu.memory_space<vmem>>
        %dma_start3A_789 = arith.constant 0 : i32
        %dma_start3A_790 = tpu.memref_slice %arg7[%add3A_682, %dma_start3A_789] : memref<202x128xi32, #tpu.memory_space<vmem>> -> memref<1x128xi32, #tpu.memory_space<vmem>>
        %dma_start3A_791 = tpu.memref_squeeze %dma_start3A_790 : memref<1x128xi32, #tpu.memory_space<vmem>> -> memref<128xi32, #tpu.memory_space<vmem>>
        %dma_start3A_792 = arith.constant 0 : i32
        %dma_start3A_793 = arith.constant 0 : i32
        %dma_start3A_794 = tpu.memref_slice %arg3[%dma_start3A_792, %dma_start3A_793] : memref<500000x32xf32, #tpu.memory_space<hbm>> -> memref<500000x32xf32, #tpu.memory_space<hbm>>
        tpu.enqueue_indirect_dma source(%dma_start3A_794 : memref<500000x32xf32, #tpu.memory_space<hbm>>) target(%dma_start3A_788 : memref<128x32xf32, #tpu.memory_space<vmem>>) offsets(%dma_start3A_791 : memref<128xi32, #tpu.memory_space<vmem>>) semaphore(%arg10 : memref<!tpu.dma_semaphore, #tpu.memory_space<semaphore_mem>>)
      } else {
      }
      %mul3A_693 = arith.constant 4 : i32
      %mul3A_694 = arith.muli %while3A_675, %mul3A_693 : i32
      %add3A_695 = arith.constant 1 : i32
      %add3A_696 = arith.addi %mul3A_694, %add3A_695 : i32
      %add3A_697 = arith.constant 0 : i32
      %add3A_698 = arith.addi %add3A_697, %add3A_696 : i32
      %lt3A_699 = arith.cmpi slt, %add3A_696, %select_n3A_236 : i32
      %gt3A_700 = arith.constant 0 : i32
      %gt3A_701 = arith.cmpi sgt, %while3A_675, %gt3A_700 : i32
      %and3A_702 = arith.andi %lt3A_699, %gt3A_701 : i1
      %convert_element_type3A_703 = arith.extui %and3A_702 : i1 to i32
      %cond3A_704 = arith.constant 0 : i32
      %cond3A_705 = arith.cmpi ne, %convert_element_type3A_703, %cond3A_704 : i32
      scf.if %cond3A_705 {
        %sub3A_785 = arith.constant 4 : i32
        %sub3A_786 = arith.subi %add3A_698, %sub3A_785 : i32
        %dma_wait3A = arith.constant 1 : i32
        %dma_wait3A_787 = arith.constant 0 : i32
        %dma_wait3A_788 = arith.constant 0 : i32
        %dma_wait3A_789 = tpu.memref_slice %arg9[%dma_wait3A, %dma_wait3A_787, %dma_wait3A_788] : memref<4x128x32xf32, #tpu.memory_space<vmem>> -> memref<1x128x32xf32, #tpu.memory_space<vmem>>
        %dma_wait3A_790 = tpu.memref_squeeze %dma_wait3A_789 : memref<1x128x32xf32, #tpu.memory_space<vmem>> -> memref<128x32xf32, #tpu.memory_space<vmem>>
        %dma_wait3A_791 = arith.constant 0 : i32
        %dma_wait3A_792 = tpu.memref_slice %arg8[%sub3A_786, %dma_wait3A_791] : memref<202x128xi32, #tpu.memory_space<vmem>> -> memref<1x128xi32, #tpu.memory_space<vmem>>
        %dma_wait3A_793 = tpu.memref_squeeze %dma_wait3A_792 : memref<1x128xi32, #tpu.memory_space<vmem>> -> memref<128xi32, #tpu.memory_space<vmem>>
        %dma_wait3A_794 = arith.constant 0 : i32
        %dma_wait3A_795 = arith.constant 0 : i32
        %dma_wait3A_796 = tpu.memref_slice %arg5[%dma_wait3A_794, %dma_wait3A_795] : memref<409600x32xf32, #tpu.memory_space<hbm>> -> memref<409600x32xf32, #tpu.memory_space<hbm>>
        tpu.wait_indirect_dma semaphore(%arg15 : memref<!tpu.dma_semaphore, #tpu.memory_space<semaphore_mem>>) src(%dma_wait3A_790 : memref<128x32xf32, #tpu.memory_space<vmem>>) dst(%dma_wait3A_796 : memref<409600x32xf32, #tpu.memory_space<hbm>>)
      } else {
      }
      %lt3A_706 = arith.cmpi slt, %add3A_696, %select_n3A_236 : i32
      %convert_element_type3A_707 = arith.extui %lt3A_706 : i1 to i32
      %cond3A_708 = arith.constant 0 : i32
      %cond3A_709 = arith.cmpi ne, %convert_element_type3A_707, %cond3A_708 : i32
      scf.if %cond3A_709 {
        %dma_start3A = arith.constant 1 : i32
        %dma_start3A_785 = arith.constant 0 : i32
        %dma_start3A_786 = arith.constant 0 : i32
        %dma_start3A_787 = tpu.memref_slice %arg9[%dma_start3A, %dma_start3A_785, %dma_start3A_786] : memref<4x128x32xf32, #tpu.memory_space<vmem>> -> memref<1x128x32xf32, #tpu.memory_space<vmem>>
        %dma_start3A_788 = tpu.memref_squeeze %dma_start3A_787 : memref<1x128x32xf32, #tpu.memory_space<vmem>> -> memref<128x32xf32, #tpu.memory_space<vmem>>
        %dma_start3A_789 = arith.constant 0 : i32
        %dma_start3A_790 = tpu.memref_slice %arg7[%add3A_698, %dma_start3A_789] : memref<202x128xi32, #tpu.memory_space<vmem>> -> memref<1x128xi32, #tpu.memory_space<vmem>>
        %dma_start3A_791 = tpu.memref_squeeze %dma_start3A_790 : memref<1x128xi32, #tpu.memory_space<vmem>> -> memref<128xi32, #tpu.memory_space<vmem>>
        %dma_start3A_792 = arith.constant 0 : i32
        %dma_start3A_793 = arith.constant 0 : i32
        %dma_start3A_794 = tpu.memref_slice %arg3[%dma_start3A_792, %dma_start3A_793] : memref<500000x32xf32, #tpu.memory_space<hbm>> -> memref<500000x32xf32, #tpu.memory_space<hbm>>
        tpu.enqueue_indirect_dma source(%dma_start3A_794 : memref<500000x32xf32, #tpu.memory_space<hbm>>) target(%dma_start3A_788 : memref<128x32xf32, #tpu.memory_space<vmem>>) offsets(%dma_start3A_791 : memref<128xi32, #tpu.memory_space<vmem>>) semaphore(%arg11 : memref<!tpu.dma_semaphore, #tpu.memory_space<semaphore_mem>>)
      } else {
      }
      %mul3A_710 = arith.constant 4 : i32
      %mul3A_711 = arith.muli %while3A_675, %mul3A_710 : i32
      %add3A_712 = arith.constant 2 : i32
      %add3A_713 = arith.addi %mul3A_711, %add3A_712 : i32
      %add3A_714 = arith.constant 0 : i32
      %add3A_715 = arith.addi %add3A_714, %add3A_713 : i32
      %lt3A_716 = arith.cmpi slt, %add3A_713, %select_n3A_236 : i32
      %gt3A_717 = arith.constant 0 : i32
      %gt3A_718 = arith.cmpi sgt, %while3A_675, %gt3A_717 : i32
      %and3A_719 = arith.andi %lt3A_716, %gt3A_718 : i1
      %convert_element_type3A_720 = arith.extui %and3A_719 : i1 to i32
      %cond3A_721 = arith.constant 0 : i32
      %cond3A_722 = arith.cmpi ne, %convert_element_type3A_720, %cond3A_721 : i32
      scf.if %cond3A_722 {
        %sub3A_785 = arith.constant 4 : i32
        %sub3A_786 = arith.subi %add3A_715, %sub3A_785 : i32
        %dma_wait3A = arith.constant 2 : i32
        %dma_wait3A_787 = arith.constant 0 : i32
        %dma_wait3A_788 = arith.constant 0 : i32
        %dma_wait3A_789 = tpu.memref_slice %arg9[%dma_wait3A, %dma_wait3A_787, %dma_wait3A_788] : memref<4x128x32xf32, #tpu.memory_space<vmem>> -> memref<1x128x32xf32, #tpu.memory_space<vmem>>
        %dma_wait3A_790 = tpu.memref_squeeze %dma_wait3A_789 : memref<1x128x32xf32, #tpu.memory_space<vmem>> -> memref<128x32xf32, #tpu.memory_space<vmem>>
        %dma_wait3A_791 = arith.constant 0 : i32
        %dma_wait3A_792 = tpu.memref_slice %arg8[%sub3A_786, %dma_wait3A_791] : memref<202x128xi32, #tpu.memory_space<vmem>> -> memref<1x128xi32, #tpu.memory_space<vmem>>
        %dma_wait3A_793 = tpu.memref_squeeze %dma_wait3A_792 : memref<1x128xi32, #tpu.memory_space<vmem>> -> memref<128xi32, #tpu.memory_space<vmem>>
        %dma_wait3A_794 = arith.constant 0 : i32
        %dma_wait3A_795 = arith.constant 0 : i32
        %dma_wait3A_796 = tpu.memref_slice %arg5[%dma_wait3A_794, %dma_wait3A_795] : memref<409600x32xf32, #tpu.memory_space<hbm>> -> memref<409600x32xf32, #tpu.memory_space<hbm>>
        tpu.wait_indirect_dma semaphore(%arg16 : memref<!tpu.dma_semaphore, #tpu.memory_space<semaphore_mem>>) src(%dma_wait3A_790 : memref<128x32xf32, #tpu.memory_space<vmem>>) dst(%dma_wait3A_796 : memref<409600x32xf32, #tpu.memory_space<hbm>>)
      } else {
      }
      %lt3A_723 = arith.cmpi slt, %add3A_713, %select_n3A_236 : i32
      %convert_element_type3A_724 = arith.extui %lt3A_723 : i1 to i32
      %cond3A_725 = arith.constant 0 : i32
      %cond3A_726 = arith.cmpi ne, %convert_element_type3A_724, %cond3A_725 : i32
      scf.if %cond3A_726 {
        %dma_start3A = arith.constant 2 : i32
        %dma_start3A_785 = arith.constant 0 : i32
        %dma_start3A_786 = arith.constant 0 : i32
        %dma_start3A_787 = tpu.memref_slice %arg9[%dma_start3A, %dma_start3A_785, %dma_start3A_786] : memref<4x128x32xf32, #tpu.memory_space<vmem>> -> memref<1x128x32xf32, #tpu.memory_space<vmem>>
        %dma_start3A_788 = tpu.memref_squeeze %dma_start3A_787 : memref<1x128x32xf32, #tpu.memory_space<vmem>> -> memref<128x32xf32, #tpu.memory_space<vmem>>
        %dma_start3A_789 = arith.constant 0 : i32
        %dma_start3A_790 = tpu.memref_slice %arg7[%add3A_715, %dma_start3A_789] : memref<202x128xi32, #tpu.memory_space<vmem>> -> memref<1x128xi32, #tpu.memory_space<vmem>>
        %dma_start3A_791 = tpu.memref_squeeze %dma_start3A_790 : memref<1x128xi32, #tpu.memory_space<vmem>> -> memref<128xi32, #tpu.memory_space<vmem>>
        %dma_start3A_792 = arith.constant 0 : i32
        %dma_start3A_793 = arith.constant 0 : i32
        %dma_start3A_794 = tpu.memref_slice %arg3[%dma_start3A_792, %dma_start3A_793] : memref<500000x32xf32, #tpu.memory_space<hbm>> -> memref<500000x32xf32, #tpu.memory_space<hbm>>
        tpu.enqueue_indirect_dma source(%dma_start3A_794 : memref<500000x32xf32, #tpu.memory_space<hbm>>) target(%dma_start3A_788 : memref<128x32xf32, #tpu.memory_space<vmem>>) offsets(%dma_start3A_791 : memref<128xi32, #tpu.memory_space<vmem>>) semaphore(%arg12 : memref<!tpu.dma_semaphore, #tpu.memory_space<semaphore_mem>>)
      } else {
      }
      %mul3A_727 = arith.constant 4 : i32
      %mul3A_728 = arith.muli %while3A_675, %mul3A_727 : i32
      %add3A_729 = arith.constant 3 : i32
      %add3A_730 = arith.addi %mul3A_728, %add3A_729 : i32
      %add3A_731 = arith.constant 0 : i32
      %add3A_732 = arith.addi %add3A_731, %add3A_730 : i32
      %lt3A_733 = arith.cmpi slt, %add3A_730, %select_n3A_236 : i32
      %gt3A_734 = arith.constant 0 : i32
      %gt3A_735 = arith.cmpi sgt, %while3A_675, %gt3A_734 : i32
      %and3A_736 = arith.andi %lt3A_733, %gt3A_735 : i1
      %convert_element_type3A_737 = arith.extui %and3A_736 : i1 to i32
      %cond3A_738 = arith.constant 0 : i32
      %cond3A_739 = arith.cmpi ne, %convert_element_type3A_737, %cond3A_738 : i32
      scf.if %cond3A_739 {
        %sub3A_785 = arith.constant 4 : i32
        %sub3A_786 = arith.subi %add3A_732, %sub3A_785 : i32
        %dma_wait3A = arith.constant 3 : i32
        %dma_wait3A_787 = arith.constant 0 : i32
        %dma_wait3A_788 = arith.constant 0 : i32
        %dma_wait3A_789 = tpu.memref_slice %arg9[%dma_wait3A, %dma_wait3A_787, %dma_wait3A_788] : memref<4x128x32xf32, #tpu.memory_space<vmem>> -> memref<1x128x32xf32, #tpu.memory_space<vmem>>
        %dma_wait3A_790 = tpu.memref_squeeze %dma_wait3A_789 : memref<1x128x32xf32, #tpu.memory_space<vmem>> -> memref<128x32xf32, #tpu.memory_space<vmem>>
        %dma_wait3A_791 = arith.constant 0 : i32
        %dma_wait3A_792 = tpu.memref_slice %arg8[%sub3A_786, %dma_wait3A_791] : memref<202x128xi32, #tpu.memory_space<vmem>> -> memref<1x128xi32, #tpu.memory_space<vmem>>
        %dma_wait3A_793 = tpu.memref_squeeze %dma_wait3A_792 : memref<1x128xi32, #tpu.memory_space<vmem>> -> memref<128xi32, #tpu.memory_space<vmem>>
        %dma_wait3A_794 = arith.constant 0 : i32
        %dma_wait3A_795 = arith.constant 0 : i32
        %dma_wait3A_796 = tpu.memref_slice %arg5[%dma_wait3A_794, %dma_wait3A_795] : memref<409600x32xf32, #tpu.memory_space<hbm>> -> memref<409600x32xf32, #tpu.memory_space<hbm>>
        tpu.wait_indirect_dma semaphore(%arg17 : memref<!tpu.dma_semaphore, #tpu.memory_space<semaphore_mem>>) src(%dma_wait3A_790 : memref<128x32xf32, #tpu.memory_space<vmem>>) dst(%dma_wait3A_796 : memref<409600x32xf32, #tpu.memory_space<hbm>>)
      } else {
      }
      %lt3A_740 = arith.cmpi slt, %add3A_730, %select_n3A_236 : i32
      %convert_element_type3A_741 = arith.extui %lt3A_740 : i1 to i32
      %cond3A_742 = arith.constant 0 : i32
      %cond3A_743 = arith.cmpi ne, %convert_element_type3A_741, %cond3A_742 : i32
      scf.if %cond3A_743 {
        %dma_start3A = arith.constant 3 : i32
        %dma_start3A_785 = arith.constant 0 : i32
        %dma_start3A_786 = arith.constant 0 : i32
        %dma_start3A_787 = tpu.memref_slice %arg9[%dma_start3A, %dma_start3A_785, %dma_start3A_786] : memref<4x128x32xf32, #tpu.memory_space<vmem>> -> memref<1x128x32xf32, #tpu.memory_space<vmem>>
        %dma_start3A_788 = tpu.memref_squeeze %dma_start3A_787 : memref<1x128x32xf32, #tpu.memory_space<vmem>> -> memref<128x32xf32, #tpu.memory_space<vmem>>
        %dma_start3A_789 = arith.constant 0 : i32
        %dma_start3A_790 = tpu.memref_slice %arg7[%add3A_732, %dma_start3A_789] : memref<202x128xi32, #tpu.memory_space<vmem>> -> memref<1x128xi32, #tpu.memory_space<vmem>>
        %dma_start3A_791 = tpu.memref_squeeze %dma_start3A_790 : memref<1x128xi32, #tpu.memory_space<vmem>> -> memref<128xi32, #tpu.memory_space<vmem>>
        %dma_start3A_792 = arith.constant 0 : i32
        %dma_start3A_793 = arith.constant 0 : i32
        %dma_start3A_794 = tpu.memref_slice %arg3[%dma_start3A_792, %dma_start3A_793] : memref<500000x32xf32, #tpu.memory_space<hbm>> -> memref<500000x32xf32, #tpu.memory_space<hbm>>
        tpu.enqueue_indirect_dma source(%dma_start3A_794 : memref<500000x32xf32, #tpu.memory_space<hbm>>) target(%dma_start3A_788 : memref<128x32xf32, #tpu.memory_space<vmem>>) offsets(%dma_start3A_791 : memref<128xi32, #tpu.memory_space<vmem>>) semaphore(%arg13 : memref<!tpu.dma_semaphore, #tpu.memory_space<semaphore_mem>>)
      } else {
      }
      %mul3A_744 = arith.constant 4 : i32
      %mul3A_745 = arith.muli %while3A_675, %mul3A_744 : i32
      %add3A_746 = arith.constant 0 : i32
      %add3A_747 = arith.addi %mul3A_745, %add3A_746 : i32
      %add3A_748 = arith.constant 0 : i32
      %add3A_749 = arith.addi %add3A_748, %add3A_747 : i32
      %lt3A_750 = arith.cmpi slt, %add3A_747, %select_n3A_236 : i32
      %convert_element_type3A_751 = arith.extui %lt3A_750 : i1 to i32
      %cond3A_752 = arith.constant 0 : i32
      %cond3A_753 = arith.cmpi ne, %convert_element_type3A_751, %cond3A_752 : i32
      scf.if %cond3A_753 {
        %dma_wait3A = arith.constant 0 : i32
        %dma_wait3A_785 = arith.constant 0 : i32
        %dma_wait3A_786 = arith.constant 0 : i32
        %dma_wait3A_787 = tpu.memref_slice %arg9[%dma_wait3A, %dma_wait3A_785, %dma_wait3A_786] : memref<4x128x32xf32, #tpu.memory_space<vmem>> -> memref<1x128x32xf32, #tpu.memory_space<vmem>>
        %dma_wait3A_788 = tpu.memref_squeeze %dma_wait3A_787 : memref<1x128x32xf32, #tpu.memory_space<vmem>> -> memref<128x32xf32, #tpu.memory_space<vmem>>
        %dma_wait3A_789 = arith.constant 0 : i32
        %dma_wait3A_790 = tpu.memref_slice %arg7[%add3A_749, %dma_wait3A_789] : memref<202x128xi32, #tpu.memory_space<vmem>> -> memref<1x128xi32, #tpu.memory_space<vmem>>
        %dma_wait3A_791 = tpu.memref_squeeze %dma_wait3A_790 : memref<1x128xi32, #tpu.memory_space<vmem>> -> memref<128xi32, #tpu.memory_space<vmem>>
        %dma_wait3A_792 = arith.constant 0 : i32
        %dma_wait3A_793 = arith.constant 0 : i32
        %dma_wait3A_794 = tpu.memref_slice %arg3[%dma_wait3A_792, %dma_wait3A_793] : memref<500000x32xf32, #tpu.memory_space<hbm>> -> memref<500000x32xf32, #tpu.memory_space<hbm>>
        tpu.wait_indirect_dma semaphore(%arg10 : memref<!tpu.dma_semaphore, #tpu.memory_space<semaphore_mem>>) src(%dma_wait3A_794 : memref<500000x32xf32, #tpu.memory_space<hbm>>) dst(%dma_wait3A_788 : memref<128x32xf32, #tpu.memory_space<vmem>>)
        %dma_start3A = arith.constant 0 : i32
        %dma_start3A_795 = arith.constant 0 : i32
        %dma_start3A_796 = arith.constant 0 : i32
        %dma_start3A_797 = tpu.memref_slice %arg9[%dma_start3A, %dma_start3A_795, %dma_start3A_796] : memref<4x128x32xf32, #tpu.memory_space<vmem>> -> memref<1x128x32xf32, #tpu.memory_space<vmem>>
        %dma_start3A_798 = tpu.memref_squeeze %dma_start3A_797 : memref<1x128x32xf32, #tpu.memory_space<vmem>> -> memref<128x32xf32, #tpu.memory_space<vmem>>
        %dma_start3A_799 = arith.constant 0 : i32
        %dma_start3A_800 = tpu.memref_slice %arg8[%add3A_749, %dma_start3A_799] : memref<202x128xi32, #tpu.memory_space<vmem>> -> memref<1x128xi32, #tpu.memory_space<vmem>>
        %dma_start3A_801 = tpu.memref_squeeze %dma_start3A_800 : memref<1x128xi32, #tpu.memory_space<vmem>> -> memref<128xi32, #tpu.memory_space<vmem>>
        %dma_start3A_802 = arith.constant 0 : i32
        %dma_start3A_803 = arith.constant 0 : i32
        %dma_start3A_804 = tpu.memref_slice %arg5[%dma_start3A_802, %dma_start3A_803] : memref<409600x32xf32, #tpu.memory_space<hbm>> -> memref<409600x32xf32, #tpu.memory_space<hbm>>
        tpu.enqueue_indirect_dma source(%dma_start3A_798 : memref<128x32xf32, #tpu.memory_space<vmem>>) target(%dma_start3A_804 : memref<409600x32xf32, #tpu.memory_space<hbm>>) offsets(%dma_start3A_801 : memref<128xi32, #tpu.memory_space<vmem>>) semaphore(%arg14 : memref<!tpu.dma_semaphore, #tpu.memory_space<semaphore_mem>>)
      } else {
      }
      %mul3A_754 = arith.constant 4 : i32
      %mul3A_755 = arith.muli %while3A_675, %mul3A_754 : i32
      %add3A_756 = arith.constant 1 : i32
      %add3A_757 = arith.addi %mul3A_755, %add3A_756 : i32
      %add3A_758 = arith.constant 0 : i32
      %add3A_759 = arith.addi %add3A_758, %add3A_757 : i32
      %lt3A_760 = arith.cmpi slt, %add3A_757, %select_n3A_236 : i32
      %convert_element_type3A_761 = arith.extui %lt3A_760 : i1 to i32
      %cond3A_762 = arith.constant 0 : i32
      %cond3A_763 = arith.cmpi ne, %convert_element_type3A_761, %cond3A_762 : i32
      scf.if %cond3A_763 {
        %dma_wait3A = arith.constant 1 : i32
        %dma_wait3A_785 = arith.constant 0 : i32
        %dma_wait3A_786 = arith.constant 0 : i32
        %dma_wait3A_787 = tpu.memref_slice %arg9[%dma_wait3A, %dma_wait3A_785, %dma_wait3A_786] : memref<4x128x32xf32, #tpu.memory_space<vmem>> -> memref<1x128x32xf32, #tpu.memory_space<vmem>>
        %dma_wait3A_788 = tpu.memref_squeeze %dma_wait3A_787 : memref<1x128x32xf32, #tpu.memory_space<vmem>> -> memref<128x32xf32, #tpu.memory_space<vmem>>
        %dma_wait3A_789 = arith.constant 0 : i32
        %dma_wait3A_790 = tpu.memref_slice %arg7[%add3A_759, %dma_wait3A_789] : memref<202x128xi32, #tpu.memory_space<vmem>> -> memref<1x128xi32, #tpu.memory_space<vmem>>
        %dma_wait3A_791 = tpu.memref_squeeze %dma_wait3A_790 : memref<1x128xi32, #tpu.memory_space<vmem>> -> memref<128xi32, #tpu.memory_space<vmem>>
        %dma_wait3A_792 = arith.constant 0 : i32
        %dma_wait3A_793 = arith.constant 0 : i32
        %dma_wait3A_794 = tpu.memref_slice %arg3[%dma_wait3A_792, %dma_wait3A_793] : memref<500000x32xf32, #tpu.memory_space<hbm>> -> memref<500000x32xf32, #tpu.memory_space<hbm>>
        tpu.wait_indirect_dma semaphore(%arg11 : memref<!tpu.dma_semaphore, #tpu.memory_space<semaphore_mem>>) src(%dma_wait3A_794 : memref<500000x32xf32, #tpu.memory_space<hbm>>) dst(%dma_wait3A_788 : memref<128x32xf32, #tpu.memory_space<vmem>>)
        %dma_start3A = arith.constant 1 : i32
        %dma_start3A_795 = arith.constant 0 : i32
        %dma_start3A_796 = arith.constant 0 : i32
        %dma_start3A_797 = tpu.memref_slice %arg9[%dma_start3A, %dma_start3A_795, %dma_start3A_796] : memref<4x128x32xf32, #tpu.memory_space<vmem>> -> memref<1x128x32xf32, #tpu.memory_space<vmem>>
        %dma_start3A_798 = tpu.memref_squeeze %dma_start3A_797 : memref<1x128x32xf32, #tpu.memory_space<vmem>> -> memref<128x32xf32, #tpu.memory_space<vmem>>
        %dma_start3A_799 = arith.constant 0 : i32
        %dma_start3A_800 = tpu.memref_slice %arg8[%add3A_759, %dma_start3A_799] : memref<202x128xi32, #tpu.memory_space<vmem>> -> memref<1x128xi32, #tpu.memory_space<vmem>>
        %dma_start3A_801 = tpu.memref_squeeze %dma_start3A_800 : memref<1x128xi32, #tpu.memory_space<vmem>> -> memref<128xi32, #tpu.memory_space<vmem>>
        %dma_start3A_802 = arith.constant 0 : i32
        %dma_start3A_803 = arith.constant 0 : i32
        %dma_start3A_804 = tpu.memref_slice %arg5[%dma_start3A_802, %dma_start3A_803] : memref<409600x32xf32, #tpu.memory_space<hbm>> -> memref<409600x32xf32, #tpu.memory_space<hbm>>
        tpu.enqueue_indirect_dma source(%dma_start3A_798 : memref<128x32xf32, #tpu.memory_space<vmem>>) target(%dma_start3A_804 : memref<409600x32xf32, #tpu.memory_space<hbm>>) offsets(%dma_start3A_801 : memref<128xi32, #tpu.memory_space<vmem>>) semaphore(%arg15 : memref<!tpu.dma_semaphore, #tpu.memory_space<semaphore_mem>>)
      } else {
      }
      %mul3A_764 = arith.constant 4 : i32
      %mul3A_765 = arith.muli %while3A_675, %mul3A_764 : i32
      %add3A_766 = arith.constant 2 : i32
      %add3A_767 = arith.addi %mul3A_765, %add3A_766 : i32
      %add3A_768 = arith.constant 0 : i32
      %add3A_769 = arith.addi %add3A_768, %add3A_767 : i32
      %lt3A_770 = arith.cmpi slt, %add3A_767, %select_n3A_236 : i32
      %convert_element_type3A_771 = arith.extui %lt3A_770 : i1 to i32
      %cond3A_772 = arith.constant 0 : i32
      %cond3A_773 = arith.cmpi ne, %convert_element_type3A_771, %cond3A_772 : i32
      scf.if %cond3A_773 {
        %dma_wait3A = arith.constant 2 : i32
        %dma_wait3A_785 = arith.constant 0 : i32
        %dma_wait3A_786 = arith.constant 0 : i32
        %dma_wait3A_787 = tpu.memref_slice %arg9[%dma_wait3A, %dma_wait3A_785, %dma_wait3A_786] : memref<4x128x32xf32, #tpu.memory_space<vmem>> -> memref<1x128x32xf32, #tpu.memory_space<vmem>>
        %dma_wait3A_788 = tpu.memref_squeeze %dma_wait3A_787 : memref<1x128x32xf32, #tpu.memory_space<vmem>> -> memref<128x32xf32, #tpu.memory_space<vmem>>
        %dma_wait3A_789 = arith.constant 0 : i32
        %dma_wait3A_790 = tpu.memref_slice %arg7[%add3A_769, %dma_wait3A_789] : memref<202x128xi32, #tpu.memory_space<vmem>> -> memref<1x128xi32, #tpu.memory_space<vmem>>
        %dma_wait3A_791 = tpu.memref_squeeze %dma_wait3A_790 : memref<1x128xi32, #tpu.memory_space<vmem>> -> memref<128xi32, #tpu.memory_space<vmem>>
        %dma_wait3A_792 = arith.constant 0 : i32
        %dma_wait3A_793 = arith.constant 0 : i32
        %dma_wait3A_794 = tpu.memref_slice %arg3[%dma_wait3A_792, %dma_wait3A_793] : memref<500000x32xf32, #tpu.memory_space<hbm>> -> memref<500000x32xf32, #tpu.memory_space<hbm>>
        tpu.wait_indirect_dma semaphore(%arg12 : memref<!tpu.dma_semaphore, #tpu.memory_space<semaphore_mem>>) src(%dma_wait3A_794 : memref<500000x32xf32, #tpu.memory_space<hbm>>) dst(%dma_wait3A_788 : memref<128x32xf32, #tpu.memory_space<vmem>>)
        %dma_start3A = arith.constant 2 : i32
        %dma_start3A_795 = arith.constant 0 : i32
        %dma_start3A_796 = arith.constant 0 : i32
        %dma_start3A_797 = tpu.memref_slice %arg9[%dma_start3A, %dma_start3A_795, %dma_start3A_796] : memref<4x128x32xf32, #tpu.memory_space<vmem>> -> memref<1x128x32xf32, #tpu.memory_space<vmem>>
        %dma_start3A_798 = tpu.memref_squeeze %dma_start3A_797 : memref<1x128x32xf32, #tpu.memory_space<vmem>> -> memref<128x32xf32, #tpu.memory_space<vmem>>
        %dma_start3A_799 = arith.constant 0 : i32
        %dma_start3A_800 = tpu.memref_slice %arg8[%add3A_769, %dma_start3A_799] : memref<202x128xi32, #tpu.memory_space<vmem>> -> memref<1x128xi32, #tpu.memory_space<vmem>>
        %dma_start3A_801 = tpu.memref_squeeze %dma_start3A_800 : memref<1x128xi32, #tpu.memory_space<vmem>> -> memref<128xi32, #tpu.memory_space<vmem>>
        %dma_start3A_802 = arith.constant 0 : i32
        %dma_start3A_803 = arith.constant 0 : i32
        %dma_start3A_804 = tpu.memref_slice %arg5[%dma_start3A_802, %dma_start3A_803] : memref<409600x32xf32, #tpu.memory_space<hbm>> -> memref<409600x32xf32, #tpu.memory_space<hbm>>
        tpu.enqueue_indirect_dma source(%dma_start3A_798 : memref<128x32xf32, #tpu.memory_space<vmem>>) target(%dma_start3A_804 : memref<409600x32xf32, #tpu.memory_space<hbm>>) offsets(%dma_start3A_801 : memref<128xi32, #tpu.memory_space<vmem>>) semaphore(%arg16 : memref<!tpu.dma_semaphore, #tpu.memory_space<semaphore_mem>>)
      } else {
      }
      %mul3A_774 = arith.constant 4 : i32
      %mul3A_775 = arith.muli %while3A_675, %mul3A_774 : i32
      %add3A_776 = arith.constant 3 : i32
      %add3A_777 = arith.addi %mul3A_775, %add3A_776 : i32
      %add3A_778 = arith.constant 0 : i32
      %add3A_779 = arith.addi %add3A_778, %add3A_777 : i32
      %lt3A_780 = arith.cmpi slt, %add3A_777, %select_n3A_236 : i32
      %convert_element_type3A_781 = arith.extui %lt3A_780 : i1 to i32
      %cond3A_782 = arith.constant 0 : i32
      %cond3A_783 = arith.cmpi ne, %convert_element_type3A_781, %cond3A_782 : i32
      scf.if %cond3A_783 {
        %dma_wait3A = arith.constant 3 : i32
        %dma_wait3A_785 = arith.constant 0 : i32
        %dma_wait3A_786 = arith.constant 0 : i32
        %dma_wait3A_787 = tpu.memref_slice %arg9[%dma_wait3A, %dma_wait3A_785, %dma_wait3A_786] : memref<4x128x32xf32, #tpu.memory_space<vmem>> -> memref<1x128x32xf32, #tpu.memory_space<vmem>>
        %dma_wait3A_788 = tpu.memref_squeeze %dma_wait3A_787 : memref<1x128x32xf32, #tpu.memory_space<vmem>> -> memref<128x32xf32, #tpu.memory_space<vmem>>
        %dma_wait3A_789 = arith.constant 0 : i32
        %dma_wait3A_790 = tpu.memref_slice %arg7[%add3A_779, %dma_wait3A_789] : memref<202x128xi32, #tpu.memory_space<vmem>> -> memref<1x128xi32, #tpu.memory_space<vmem>>
        %dma_wait3A_791 = tpu.memref_squeeze %dma_wait3A_790 : memref<1x128xi32, #tpu.memory_space<vmem>> -> memref<128xi32, #tpu.memory_space<vmem>>
        %dma_wait3A_792 = arith.constant 0 : i32
        %dma_wait3A_793 = arith.constant 0 : i32
        %dma_wait3A_794 = tpu.memref_slice %arg3[%dma_wait3A_792, %dma_wait3A_793] : memref<500000x32xf32, #tpu.memory_space<hbm>> -> memref<500000x32xf32, #tpu.memory_space<hbm>>
        tpu.wait_indirect_dma semaphore(%arg13 : memref<!tpu.dma_semaphore, #tpu.memory_space<semaphore_mem>>) src(%dma_wait3A_794 : memref<500000x32xf32, #tpu.memory_space<hbm>>) dst(%dma_wait3A_788 : memref<128x32xf32, #tpu.memory_space<vmem>>)
        %dma_start3A = arith.constant 3 : i32
        %dma_start3A_795 = arith.constant 0 : i32
        %dma_start3A_796 = arith.constant 0 : i32
        %dma_start3A_797 = tpu.memref_slice %arg9[%dma_start3A, %dma_start3A_795, %dma_start3A_796] : memref<4x128x32xf32, #tpu.memory_space<vmem>> -> memref<1x128x32xf32, #tpu.memory_space<vmem>>
        %dma_start3A_798 = tpu.memref_squeeze %dma_start3A_797 : memref<1x128x32xf32, #tpu.memory_space<vmem>> -> memref<128x32xf32, #tpu.memory_space<vmem>>
        %dma_start3A_799 = arith.constant 0 : i32
        %dma_start3A_800 = tpu.memref_slice %arg8[%add3A_779, %dma_start3A_799] : memref<202x128xi32, #tpu.memory_space<vmem>> -> memref<1x128xi32, #tpu.memory_space<vmem>>
        %dma_start3A_801 = tpu.memref_squeeze %dma_start3A_800 : memref<1x128xi32, #tpu.memory_space<vmem>> -> memref<128xi32, #tpu.memory_space<vmem>>
        %dma_start3A_802 = arith.constant 0 : i32
        %dma_start3A_803 = arith.constant 0 : i32
        %dma_start3A_804 = tpu.memref_slice %arg5[%dma_start3A_802, %dma_start3A_803] : memref<409600x32xf32, #tpu.memory_space<hbm>> -> memref<409600x32xf32, #tpu.memory_space<hbm>>
        tpu.enqueue_indirect_dma source(%dma_start3A_798 : memref<128x32xf32, #tpu.memory_space<vmem>>) target(%dma_start3A_804 : memref<409600x32xf32, #tpu.memory_space<hbm>>) offsets(%dma_start3A_801 : memref<128xi32, #tpu.memory_space<vmem>>) semaphore(%arg17 : memref<!tpu.dma_semaphore, #tpu.memory_space<semaphore_mem>>)
      } else {
      }
      %while3A_784 = arith.constant 0 : i32
      scf.yield %while3A_784 : i32
    }
    %while3A_275 = arith.constant 1 : i32
    %while3A_276 = scf.for %while3A_675 = %while3A_272 to %while3A_268 step %while3A_275 iter_args(%while3A_676 = %while3A_274) -> (i32)  : i32 {
      %mul3A_677 = arith.constant 4 : i32
      %mul3A_678 = arith.muli %while3A_675, %mul3A_677 : i32
      %add3A_679 = arith.constant 0 : i32
      %add3A_680 = arith.addi %mul3A_678, %add3A_679 : i32
      %add3A_681 = arith.constant 0 : i32
      %add3A_682 = arith.addi %add3A_681, %add3A_680 : i32
      %lt3A = arith.cmpi slt, %add3A_680, %select_n3A_236 : i32
      %gt3A_683 = arith.constant 0 : i32
      %gt3A_684 = arith.cmpi sgt, %while3A_675, %gt3A_683 : i32
      %and3A_685 = arith.andi %lt3A, %gt3A_684 : i1
      %convert_element_type3A_686 = arith.extui %and3A_685 : i1 to i32
      %cond3A_687 = arith.constant 0 : i32
      %cond3A_688 = arith.cmpi ne, %convert_element_type3A_686, %cond3A_687 : i32
      scf.if %cond3A_688 {
        %sub3A_785 = arith.constant 4 : i32
        %sub3A_786 = arith.subi %add3A_682, %sub3A_785 : i32
        %dma_wait3A = arith.constant 0 : i32
        %dma_wait3A_787 = arith.constant 0 : i32
        %dma_wait3A_788 = arith.constant 0 : i32
        %dma_wait3A_789 = tpu.memref_slice %arg9[%dma_wait3A, %dma_wait3A_787, %dma_wait3A_788] : memref<4x128x32xf32, #tpu.memory_space<vmem>> -> memref<1x128x32xf32, #tpu.memory_space<vmem>>
        %dma_wait3A_790 = tpu.memref_squeeze %dma_wait3A_789 : memref<1x128x32xf32, #tpu.memory_space<vmem>> -> memref<128x32xf32, #tpu.memory_space<vmem>>
        %dma_wait3A_791 = arith.constant 0 : i32
        %dma_wait3A_792 = tpu.memref_slice %arg8[%sub3A_786, %dma_wait3A_791] : memref<202x128xi32, #tpu.memory_space<vmem>> -> memref<1x128xi32, #tpu.memory_space<vmem>>
        %dma_wait3A_793 = tpu.memref_squeeze %dma_wait3A_792 : memref<1x128xi32, #tpu.memory_space<vmem>> -> memref<128xi32, #tpu.memory_space<vmem>>
        %dma_wait3A_794 = arith.constant 0 : i32
        %dma_wait3A_795 = arith.constant 0 : i32
        %dma_wait3A_796 = tpu.memref_slice %arg5[%dma_wait3A_794, %dma_wait3A_795] : memref<409600x32xf32, #tpu.memory_space<hbm>> -> memref<409600x32xf32, #tpu.memory_space<hbm>>
        tpu.wait_indirect_dma semaphore(%arg14 : memref<!tpu.dma_semaphore, #tpu.memory_space<semaphore_mem>>) src(%dma_wait3A_790 : memref<128x32xf32, #tpu.memory_space<vmem>>) dst(%dma_wait3A_796 : memref<409600x32xf32, #tpu.memory_space<hbm>>)
      } else {
      }
      %lt3A_689 = arith.cmpi slt, %add3A_680, %select_n3A_236 : i32
      %convert_element_type3A_690 = arith.extui %lt3A_689 : i1 to i32
      %cond3A_691 = arith.constant 0 : i32
      %cond3A_692 = arith.cmpi ne, %convert_element_type3A_690, %cond3A_691 : i32
      scf.if %cond3A_692 {
        %dma_start3A = arith.constant 0 : i32
        %dma_start3A_785 = arith.constant 0 : i32
        %dma_start3A_786 = arith.constant 0 : i32
        %dma_start3A_787 = tpu.memref_slice %arg9[%dma_start3A, %dma_start3A_785, %dma_start3A_786] : memref<4x128x32xf32, #tpu.memory_space<vmem>> -> memref<1x128x32xf32, #tpu.memory_space<vmem>>
        %dma_start3A_788 = tpu.memref_squeeze %dma_start3A_787 : memref<1x128x32xf32, #tpu.memory_space<vmem>> -> memref<128x32xf32, #tpu.memory_space<vmem>>
        %dma_start3A_789 = arith.constant 0 : i32
        %dma_start3A_790 = tpu.memref_slice %arg7[%add3A_682, %dma_start3A_789] : memref<202x128xi32, #tpu.memory_space<vmem>> -> memref<1x128xi32, #tpu.memory_space<vmem>>
        %dma_start3A_791 = tpu.memref_squeeze %dma_start3A_790 : memref<1x128xi32, #tpu.memory_space<vmem>> -> memref<128xi32, #tpu.memory_space<vmem>>
        %dma_start3A_792 = arith.constant 0 : i32
        %dma_start3A_793 = arith.constant 0 : i32
        %dma_start3A_794 = tpu.memref_slice %arg3[%dma_start3A_792, %dma_start3A_793] : memref<500000x32xf32, #tpu.memory_space<hbm>> -> memref<500000x32xf32, #tpu.memory_space<hbm>>
        tpu.enqueue_indirect_dma source(%dma_start3A_794 : memref<500000x32xf32, #tpu.memory_space<hbm>>) target(%dma_start3A_788 : memref<128x32xf32, #tpu.memory_space<vmem>>) offsets(%dma_start3A_791 : memref<128xi32, #tpu.memory_space<vmem>>) semaphore(%arg10 : memref<!tpu.dma_semaphore, #tpu.memory_space<semaphore_mem>>)
      } else {
      }
      %mul3A_693 = arith.constant 4 : i32
      %mul3A_694 = arith.muli %while3A_675, %mul3A_693 : i32
      %add3A_695 = arith.constant 1 : i32
      %add3A_696 = arith.addi %mul3A_694, %add3A_695 : i32
      %add3A_697 = arith.constant 0 : i32
      %add3A_698 = arith.addi %add3A_697, %add3A_696 : i32
      %lt3A_699 = arith.cmpi slt, %add3A_696, %select_n3A_236 : i32
      %gt3A_700 = arith.constant 0 : i32
      %gt3A_701 = arith.cmpi sgt, %while3A_675, %gt3A_700 : i32
      %and3A_702 = arith.andi %lt3A_699, %gt3A_701 : i1
      %convert_element_type3A_703 = arith.extui %and3A_702 : i1 to i32
      %cond3A_704 = arith.constant 0 : i32
      %cond3A_705 = arith.cmpi ne, %convert_element_type3A_703, %cond3A_704 : i32
      scf.if %cond3A_705 {
        %sub3A_785 = arith.constant 4 : i32
        %sub3A_786 = arith.subi %add3A_698, %sub3A_785 : i32
        %dma_wait3A = arith.constant 1 : i32
        %dma_wait3A_787 = arith.constant 0 : i32
        %dma_wait3A_788 = arith.constant 0 : i32
        %dma_wait3A_789 = tpu.memref_slice %arg9[%dma_wait3A, %dma_wait3A_787, %dma_wait3A_788] : memref<4x128x32xf32, #tpu.memory_space<vmem>> -> memref<1x128x32xf32, #tpu.memory_space<vmem>>
        %dma_wait3A_790 = tpu.memref_squeeze %dma_wait3A_789 : memref<1x128x32xf32, #tpu.memory_space<vmem>> -> memref<128x32xf32, #tpu.memory_space<vmem>>
        %dma_wait3A_791 = arith.constant 0 : i32
        %dma_wait3A_792 = tpu.memref_slice %arg8[%sub3A_786, %dma_wait3A_791] : memref<202x128xi32, #tpu.memory_space<vmem>> -> memref<1x128xi32, #tpu.memory_space<vmem>>
        %dma_wait3A_793 = tpu.memref_squeeze %dma_wait3A_792 : memref<1x128xi32, #tpu.memory_space<vmem>> -> memref<128xi32, #tpu.memory_space<vmem>>
        %dma_wait3A_794 = arith.constant 0 : i32
        %dma_wait3A_795 = arith.constant 0 : i32
        %dma_wait3A_796 = tpu.memref_slice %arg5[%dma_wait3A_794, %dma_wait3A_795] : memref<409600x32xf32, #tpu.memory_space<hbm>> -> memref<409600x32xf32, #tpu.memory_space<hbm>>
        tpu.wait_indirect_dma semaphore(%arg15 : memref<!tpu.dma_semaphore, #tpu.memory_space<semaphore_mem>>) src(%dma_wait3A_790 : memref<128x32xf32, #tpu.memory_space<vmem>>) dst(%dma_wait3A_796 : memref<409600x32xf32, #tpu.memory_space<hbm>>)
      } else {
      }
      %lt3A_706 = arith.cmpi slt, %add3A_696, %select_n3A_236 : i32
      %convert_element_type3A_707 = arith.extui %lt3A_706 : i1 to i32
      %cond3A_708 = arith.constant 0 : i32
      %cond3A_709 = arith.cmpi ne, %convert_element_type3A_707, %cond3A_708 : i32
      scf.if %cond3A_709 {
        %dma_start3A = arith.constant 1 : i32
        %dma_start3A_785 = arith.constant 0 : i32
        %dma_start3A_786 = arith.constant 0 : i32
        %dma_start3A_787 = tpu.memref_slice %arg9[%dma_start3A, %dma_start3A_785, %dma_start3A_786] : memref<4x128x32xf32, #tpu.memory_space<vmem>> -> memref<1x128x32xf32, #tpu.memory_space<vmem>>
        %dma_start3A_788 = tpu.memref_squeeze %dma_start3A_787 : memref<1x128x32xf32, #tpu.memory_space<vmem>> -> memref<128x32xf32, #tpu.memory_space<vmem>>
        %dma_start3A_789 = arith.constant 0 : i32
        %dma_start3A_790 = tpu.memref_slice %arg7[%add3A_698, %dma_start3A_789] : memref<202x128xi32, #tpu.memory_space<vmem>> -> memref<1x128xi32, #tpu.memory_space<vmem>>
        %dma_start3A_791 = tpu.memref_squeeze %dma_start3A_790 : memref<1x128xi32, #tpu.memory_space<vmem>> -> memref<128xi32, #tpu.memory_space<vmem>>
        %dma_start3A_792 = arith.constant 0 : i32
        %dma_start3A_793 = arith.constant 0 : i32
        %dma_start3A_794 = tpu.memref_slice %arg3[%dma_start3A_792, %dma_start3A_793] : memref<500000x32xf32, #tpu.memory_space<hbm>> -> memref<500000x32xf32, #tpu.memory_space<hbm>>
        tpu.enqueue_indirect_dma source(%dma_start3A_794 : memref<500000x32xf32, #tpu.memory_space<hbm>>) target(%dma_start3A_788 : memref<128x32xf32, #tpu.memory_space<vmem>>) offsets(%dma_start3A_791 : memref<128xi32, #tpu.memory_space<vmem>>) semaphore(%arg11 : memref<!tpu.dma_semaphore, #tpu.memory_space<semaphore_mem>>)
      } else {
      }
      %mul3A_710 = arith.constant 4 : i32
      %mul3A_711 = arith.muli %while3A_675, %mul3A_710 : i32
      %add3A_712 = arith.constant 2 : i32
      %add3A_713 = arith.addi %mul3A_711, %add3A_712 : i32
      %add3A_714 = arith.constant 0 : i32
      %add3A_715 = arith.addi %add3A_714, %add3A_713 : i32
      %lt3A_716 = arith.cmpi slt, %add3A_713, %select_n3A_236 : i32
      %gt3A_717 = arith.constant 0 : i32
      %gt3A_718 = arith.cmpi sgt, %while3A_675, %gt3A_717 : i32
      %and3A_719 = arith.andi %lt3A_716, %gt3A_718 : i1
      %convert_element_type3A_720 = arith.extui %and3A_719 : i1 to i32
      %cond3A_721 = arith.constant 0 : i32
      %cond3A_722 = arith.cmpi ne, %convert_element_type3A_720, %cond3A_721 : i32
      scf.if %cond3A_722 {
        %sub3A_785 = arith.constant 4 : i32
        %sub3A_786 = arith.subi %add3A_715, %sub3A_785 : i32
        %dma_wait3A = arith.constant 2 : i32
        %dma_wait3A_787 = arith.constant 0 : i32
        %dma_wait3A_788 = arith.constant 0 : i32
        %dma_wait3A_789 = tpu.memref_slice %arg9[%dma_wait3A, %dma_wait3A_787, %dma_wait3A_788] : memref<4x128x32xf32, #tpu.memory_space<vmem>> -> memref<1x128x32xf32, #tpu.memory_space<vmem>>
        %dma_wait3A_790 = tpu.memref_squeeze %dma_wait3A_789 : memref<1x128x32xf32, #tpu.memory_space<vmem>> -> memref<128x32xf32, #tpu.memory_space<vmem>>
        %dma_wait3A_791 = arith.constant 0 : i32
        %dma_wait3A_792 = tpu.memref_slice %arg8[%sub3A_786, %dma_wait3A_791] : memref<202x128xi32, #tpu.memory_space<vmem>> -> memref<1x128xi32, #tpu.memory_space<vmem>>
        %dma_wait3A_793 = tpu.memref_squeeze %dma_wait3A_792 : memref<1x128xi32, #tpu.memory_space<vmem>> -> memref<128xi32, #tpu.memory_space<vmem>>
        %dma_wait3A_794 = arith.constant 0 : i32
        %dma_wait3A_795 = arith.constant 0 : i32
        %dma_wait3A_796 = tpu.memref_slice %arg5[%dma_wait3A_794, %dma_wait3A_795] : memref<409600x32xf32, #tpu.memory_space<hbm>> -> memref<409600x32xf32, #tpu.memory_space<hbm>>
        tpu.wait_indirect_dma semaphore(%arg16 : memref<!tpu.dma_semaphore, #tpu.memory_space<semaphore_mem>>) src(%dma_wait3A_790 : memref<128x32xf32, #tpu.memory_space<vmem>>) dst(%dma_wait3A_796 : memref<409600x32xf32, #tpu.memory_space<hbm>>)
      } else {
      }
      %lt3A_723 = arith.cmpi slt, %add3A_713, %select_n3A_236 : i32
      %convert_element_type3A_724 = arith.extui %lt3A_723 : i1 to i32
      %cond3A_725 = arith.constant 0 : i32
      %cond3A_726 = arith.cmpi ne, %convert_element_type3A_724, %cond3A_725 : i32
      scf.if %cond3A_726 {
        %dma_start3A = arith.constant 2 : i32
        %dma_start3A_785 = arith.constant 0 : i32
        %dma_start3A_786 = arith.constant 0 : i32
        %dma_start3A_787 = tpu.memref_slice %arg9[%dma_start3A, %dma_start3A_785, %dma_start3A_786] : memref<4x128x32xf32, #tpu.memory_space<vmem>> -> memref<1x128x32xf32, #tpu.memory_space<vmem>>
        %dma_start3A_788 = tpu.memref_squeeze %dma_start3A_787 : memref<1x128x32xf32, #tpu.memory_space<vmem>> -> memref<128x32xf32, #tpu.memory_space<vmem>>
        %dma_start3A_789 = arith.constant 0 : i32
        %dma_start3A_790 = tpu.memref_slice %arg7[%add3A_715, %dma_start3A_789] : memref<202x128xi32, #tpu.memory_space<vmem>> -> memref<1x128xi32, #tpu.memory_space<vmem>>
        %dma_start3A_791 = tpu.memref_squeeze %dma_start3A_790 : memref<1x128xi32, #tpu.memory_space<vmem>> -> memref<128xi32, #tpu.memory_space<vmem>>
        %dma_start3A_792 = arith.constant 0 : i32
        %dma_start3A_793 = arith.constant 0 : i32
        %dma_start3A_794 = tpu.memref_slice %arg3[%dma_start3A_792, %dma_start3A_793] : memref<500000x32xf32, #tpu.memory_space<hbm>> -> memref<500000x32xf32, #tpu.memory_space<hbm>>
        tpu.enqueue_indirect_dma source(%dma_start3A_794 : memref<500000x32xf32, #tpu.memory_space<hbm>>) target(%dma_start3A_788 : memref<128x32xf32, #tpu.memory_space<vmem>>) offsets(%dma_start3A_791 : memref<128xi32, #tpu.memory_space<vmem>>) semaphore(%arg12 : memref<!tpu.dma_semaphore, #tpu.memory_space<semaphore_mem>>)
      } else {
      }
      %mul3A_727 = arith.constant 4 : i32
      %mul3A_728 = arith.muli %while3A_675, %mul3A_727 : i32
      %add3A_729 = arith.constant 3 : i32
      %add3A_730 = arith.addi %mul3A_728, %add3A_729 : i32
      %add3A_731 = arith.constant 0 : i32
      %add3A_732 = arith.addi %add3A_731, %add3A_730 : i32
      %lt3A_733 = arith.cmpi slt, %add3A_730, %select_n3A_236 : i32
      %gt3A_734 = arith.constant 0 : i32
      %gt3A_735 = arith.cmpi sgt, %while3A_675, %gt3A_734 : i32
      %and3A_736 = arith.andi %lt3A_733, %gt3A_735 : i1
      %convert_element_type3A_737 = arith.extui %and3A_736 : i1 to i32
      %cond3A_738 = arith.constant 0 : i32
      %cond3A_739 = arith.cmpi ne, %convert_element_type3A_737, %cond3A_738 : i32
      scf.if %cond3A_739 {
        %sub3A_785 = arith.constant 4 : i32
        %sub3A_786 = arith.subi %add3A_732, %sub3A_785 : i32
        %dma_wait3A = arith.constant 3 : i32
        %dma_wait3A_787 = arith.constant 0 : i32
        %dma_wait3A_788 = arith.constant 0 : i32
        %dma_wait3A_789 = tpu.memref_slice %arg9[%dma_wait3A, %dma_wait3A_787, %dma_wait3A_788] : memref<4x128x32xf32, #tpu.memory_space<vmem>> -> memref<1x128x32xf32, #tpu.memory_space<vmem>>
        %dma_wait3A_790 = tpu.memref_squeeze %dma_wait3A_789 : memref<1x128x32xf32, #tpu.memory_space<vmem>> -> memref<128x32xf32, #tpu.memory_space<vmem>>
        %dma_wait3A_791 = arith.constant 0 : i32
        %dma_wait3A_792 = tpu.memref_slice %arg8[%sub3A_786, %dma_wait3A_791] : memref<202x128xi32, #tpu.memory_space<vmem>> -> memref<1x128xi32, #tpu.memory_space<vmem>>
        %dma_wait3A_793 = tpu.memref_squeeze %dma_wait3A_792 : memref<1x128xi32, #tpu.memory_space<vmem>> -> memref<128xi32, #tpu.memory_space<vmem>>
        %dma_wait3A_794 = arith.constant 0 : i32
        %dma_wait3A_795 = arith.constant 0 : i32
        %dma_wait3A_796 = tpu.memref_slice %arg5[%dma_wait3A_794, %dma_wait3A_795] : memref<409600x32xf32, #tpu.memory_space<hbm>> -> memref<409600x32xf32, #tpu.memory_space<hbm>>
        tpu.wait_indirect_dma semaphore(%arg17 : memref<!tpu.dma_semaphore, #tpu.memory_space<semaphore_mem>>) src(%dma_wait3A_790 : memref<128x32xf32, #tpu.memory_space<vmem>>) dst(%dma_wait3A_796 : memref<409600x32xf32, #tpu.memory_space<hbm>>)
      } else {
      }
      %lt3A_740 = arith.cmpi slt, %add3A_730, %select_n3A_236 : i32
      %convert_element_type3A_741 = arith.extui %lt3A_740 : i1 to i32
      %cond3A_742 = arith.constant 0 : i32
      %cond3A_743 = arith.cmpi ne, %convert_element_type3A_741, %cond3A_742 : i32
      scf.if %cond3A_743 {
        %dma_start3A = arith.constant 3 : i32
        %dma_start3A_785 = arith.constant 0 : i32
        %dma_start3A_786 = arith.constant 0 : i32
        %dma_start3A_787 = tpu.memref_slice %arg9[%dma_start3A, %dma_start3A_785, %dma_start3A_786] : memref<4x128x32xf32, #tpu.memory_space<vmem>> -> memref<1x128x32xf32, #tpu.memory_space<vmem>>
        %dma_start3A_788 = tpu.memref_squeeze %dma_start3A_787 : memref<1x128x32xf32, #tpu.memory_space<vmem>> -> memref<128x32xf32, #tpu.memory_space<vmem>>
        %dma_start3A_789 = arith.constant 0 : i32
        %dma_start3A_790 = tpu.memref_slice %arg7[%add3A_732, %dma_start3A_789] : memref<202x128xi32, #tpu.memory_space<vmem>> -> memref<1x128xi32, #tpu.memory_space<vmem>>
        %dma_start3A_791 = tpu.memref_squeeze %dma_start3A_790 : memref<1x128xi32, #tpu.memory_space<vmem>> -> memref<128xi32, #tpu.memory_space<vmem>>
        %dma_start3A_792 = arith.constant 0 : i32
        %dma_start3A_793 = arith.constant 0 : i32
        %dma_start3A_794 = tpu.memref_slice %arg3[%dma_start3A_792, %dma_start3A_793] : memref<500000x32xf32, #tpu.memory_space<hbm>> -> memref<500000x32xf32, #tpu.memory_space<hbm>>
        tpu.enqueue_indirect_dma source(%dma_start3A_794 : memref<500000x32xf32, #tpu.memory_space<hbm>>) target(%dma_start3A_788 : memref<128x32xf32, #tpu.memory_space<vmem>>) offsets(%dma_start3A_791 : memref<128xi32, #tpu.memory_space<vmem>>) semaphore(%arg13 : memref<!tpu.dma_semaphore, #tpu.memory_space<semaphore_mem>>)
      } else {
      }
      %mul3A_744 = arith.constant 4 : i32
      %mul3A_745 = arith.muli %while3A_675, %mul3A_744 : i32
      %add3A_746 = arith.constant 0 : i32
      %add3A_747 = arith.addi %mul3A_745, %add3A_746 : i32
      %add3A_748 = arith.constant 0 : i32
      %add3A_749 = arith.addi %add3A_748, %add3A_747 : i32
      %lt3A_750 = arith.cmpi slt, %add3A_747, %select_n3A_236 : i32
      %convert_element_type3A_751 = arith.extui %lt3A_750 : i1 to i32
      %cond3A_752 = arith.constant 0 : i32
      %cond3A_753 = arith.cmpi ne, %convert_element_type3A_751, %cond3A_752 : i32
      scf.if %cond3A_753 {
        %dma_wait3A = arith.constant 0 : i32
        %dma_wait3A_785 = arith.constant 0 : i32
        %dma_wait3A_786 = arith.constant 0 : i32
        %dma_wait3A_787 = tpu.memref_slice %arg9[%dma_wait3A, %dma_wait3A_785, %dma_wait3A_786] : memref<4x128x32xf32, #tpu.memory_space<vmem>> -> memref<1x128x32xf32, #tpu.memory_space<vmem>>
        %dma_wait3A_788 = tpu.memref_squeeze %dma_wait3A_787 : memref<1x128x32xf32, #tpu.memory_space<vmem>> -> memref<128x32xf32, #tpu.memory_space<vmem>>
        %dma_wait3A_789 = arith.constant 0 : i32
        %dma_wait3A_790 = tpu.memref_slice %arg7[%add3A_749, %dma_wait3A_789] : memref<202x128xi32, #tpu.memory_space<vmem>> -> memref<1x128xi32, #tpu.memory_space<vmem>>
        %dma_wait3A_791 = tpu.memref_squeeze %dma_wait3A_790 : memref<1x128xi32, #tpu.memory_space<vmem>> -> memref<128xi32, #tpu.memory_space<vmem>>
        %dma_wait3A_792 = arith.constant 0 : i32
        %dma_wait3A_793 = arith.constant 0 : i32
        %dma_wait3A_794 = tpu.memref_slice %arg3[%dma_wait3A_792, %dma_wait3A_793] : memref<500000x32xf32, #tpu.memory_space<hbm>> -> memref<500000x32xf32, #tpu.memory_space<hbm>>
        tpu.wait_indirect_dma semaphore(%arg10 : memref<!tpu.dma_semaphore, #tpu.memory_space<semaphore_mem>>) src(%dma_wait3A_794 : memref<500000x32xf32, #tpu.memory_space<hbm>>) dst(%dma_wait3A_788 : memref<128x32xf32, #tpu.memory_space<vmem>>)
        %dma_start3A = arith.constant 0 : i32
        %dma_start3A_795 = arith.constant 0 : i32
        %dma_start3A_796 = arith.constant 0 : i32
        %dma_start3A_797 = tpu.memref_slice %arg9[%dma_start3A, %dma_start3A_795, %dma_start3A_796] : memref<4x128x32xf32, #tpu.memory_space<vmem>> -> memref<1x128x32xf32, #tpu.memory_space<vmem>>
        %dma_start3A_798 = tpu.memref_squeeze %dma_start3A_797 : memref<1x128x32xf32, #tpu.memory_space<vmem>> -> memref<128x32xf32, #tpu.memory_space<vmem>>
        %dma_start3A_799 = arith.constant 0 : i32
        %dma_start3A_800 = tpu.memref_slice %arg8[%add3A_749, %dma_start3A_799] : memref<202x128xi32, #tpu.memory_space<vmem>> -> memref<1x128xi32, #tpu.memory_space<vmem>>
        %dma_start3A_801 = tpu.memref_squeeze %dma_start3A_800 : memref<1x128xi32, #tpu.memory_space<vmem>> -> memref<128xi32, #tpu.memory_space<vmem>>
        %dma_start3A_802 = arith.constant 0 : i32
        %dma_start3A_803 = arith.constant 0 : i32
        %dma_start3A_804 = tpu.memref_slice %arg5[%dma_start3A_802, %dma_start3A_803] : memref<409600x32xf32, #tpu.memory_space<hbm>> -> memref<409600x32xf32, #tpu.memory_space<hbm>>
        tpu.enqueue_indirect_dma source(%dma_start3A_798 : memref<128x32xf32, #tpu.memory_space<vmem>>) target(%dma_start3A_804 : memref<409600x32xf32, #tpu.memory_space<hbm>>) offsets(%dma_start3A_801 : memref<128xi32, #tpu.memory_space<vmem>>) semaphore(%arg14 : memref<!tpu.dma_semaphore, #tpu.memory_space<semaphore_mem>>)
      } else {
      }
      %mul3A_754 = arith.constant 4 : i32
      %mul3A_755 = arith.muli %while3A_675, %mul3A_754 : i32
      %add3A_756 = arith.constant 1 : i32
      %add3A_757 = arith.addi %mul3A_755, %add3A_756 : i32
      %add3A_758 = arith.constant 0 : i32
      %add3A_759 = arith.addi %add3A_758, %add3A_757 : i32
      %lt3A_760 = arith.cmpi slt, %add3A_757, %select_n3A_236 : i32
      %convert_element_type3A_761 = arith.extui %lt3A_760 : i1 to i32
      %cond3A_762 = arith.constant 0 : i32
      %cond3A_763 = arith.cmpi ne, %convert_element_type3A_761, %cond3A_762 : i32
      scf.if %cond3A_763 {
        %dma_wait3A = arith.constant 1 : i32
        %dma_wait3A_785 = arith.constant 0 : i32
        %dma_wait3A_786 = arith.constant 0 : i32
        %dma_wait3A_787 = tpu.memref_slice %arg9[%dma_wait3A, %dma_wait3A_785, %dma_wait3A_786] : memref<4x128x32xf32, #tpu.memory_space<vmem>> -> memref<1x128x32xf32, #tpu.memory_space<vmem>>
        %dma_wait3A_788 = tpu.memref_squeeze %dma_wait3A_787 : memref<1x128x32xf32, #tpu.memory_space<vmem>> -> memref<128x32xf32, #tpu.memory_space<vmem>>
        %dma_wait3A_789 = arith.constant 0 : i32
        %dma_wait3A_790 = tpu.memref_slice %arg7[%add3A_759, %dma_wait3A_789] : memref<202x128xi32, #tpu.memory_space<vmem>> -> memref<1x128xi32, #tpu.memory_space<vmem>>
        %dma_wait3A_791 = tpu.memref_squeeze %dma_wait3A_790 : memref<1x128xi32, #tpu.memory_space<vmem>> -> memref<128xi32, #tpu.memory_space<vmem>>
        %dma_wait3A_792 = arith.constant 0 : i32
        %dma_wait3A_793 = arith.constant 0 : i32
        %dma_wait3A_794 = tpu.memref_slice %arg3[%dma_wait3A_792, %dma_wait3A_793] : memref<500000x32xf32, #tpu.memory_space<hbm>> -> memref<500000x32xf32, #tpu.memory_space<hbm>>
        tpu.wait_indirect_dma semaphore(%arg11 : memref<!tpu.dma_semaphore, #tpu.memory_space<semaphore_mem>>) src(%dma_wait3A_794 : memref<500000x32xf32, #tpu.memory_space<hbm>>) dst(%dma_wait3A_788 : memref<128x32xf32, #tpu.memory_space<vmem>>)
        %dma_start3A = arith.constant 1 : i32
        %dma_start3A_795 = arith.constant 0 : i32
        %dma_start3A_796 = arith.constant 0 : i32
        %dma_start3A_797 = tpu.memref_slice %arg9[%dma_start3A, %dma_start3A_795, %dma_start3A_796] : memref<4x128x32xf32, #tpu.memory_space<vmem>> -> memref<1x128x32xf32, #tpu.memory_space<vmem>>
        %dma_start3A_798 = tpu.memref_squeeze %dma_start3A_797 : memref<1x128x32xf32, #tpu.memory_space<vmem>> -> memref<128x32xf32, #tpu.memory_space<vmem>>
        %dma_start3A_799 = arith.constant 0 : i32
        %dma_start3A_800 = tpu.memref_slice %arg8[%add3A_759, %dma_start3A_799] : memref<202x128xi32, #tpu.memory_space<vmem>> -> memref<1x128xi32, #tpu.memory_space<vmem>>
        %dma_start3A_801 = tpu.memref_squeeze %dma_start3A_800 : memref<1x128xi32, #tpu.memory_space<vmem>> -> memref<128xi32, #tpu.memory_space<vmem>>
        %dma_start3A_802 = arith.constant 0 : i32
        %dma_start3A_803 = arith.constant 0 : i32
        %dma_start3A_804 = tpu.memref_slice %arg5[%dma_start3A_802, %dma_start3A_803] : memref<409600x32xf32, #tpu.memory_space<hbm>> -> memref<409600x32xf32, #tpu.memory_space<hbm>>
        tpu.enqueue_indirect_dma source(%dma_start3A_798 : memref<128x32xf32, #tpu.memory_space<vmem>>) target(%dma_start3A_804 : memref<409600x32xf32, #tpu.memory_space<hbm>>) offsets(%dma_start3A_801 : memref<128xi32, #tpu.memory_space<vmem>>) semaphore(%arg15 : memref<!tpu.dma_semaphore, #tpu.memory_space<semaphore_mem>>)
      } else {
      }
      %mul3A_764 = arith.constant 4 : i32
      %mul3A_765 = arith.muli %while3A_675, %mul3A_764 : i32
      %add3A_766 = arith.constant 2 : i32
      %add3A_767 = arith.addi %mul3A_765, %add3A_766 : i32
      %add3A_768 = arith.constant 0 : i32
      %add3A_769 = arith.addi %add3A_768, %add3A_767 : i32
      %lt3A_770 = arith.cmpi slt, %add3A_767, %select_n3A_236 : i32
      %convert_element_type3A_771 = arith.extui %lt3A_770 : i1 to i32
      %cond3A_772 = arith.constant 0 : i32
      %cond3A_773 = arith.cmpi ne, %convert_element_type3A_771, %cond3A_772 : i32
      scf.if %cond3A_773 {
        %dma_wait3A = arith.constant 2 : i32
        %dma_wait3A_785 = arith.constant 0 : i32
        %dma_wait3A_786 = arith.constant 0 : i32
        %dma_wait3A_787 = tpu.memref_slice %arg9[%dma_wait3A, %dma_wait3A_785, %dma_wait3A_786] : memref<4x128x32xf32, #tpu.memory_space<vmem>> -> memref<1x128x32xf32, #tpu.memory_space<vmem>>
        %dma_wait3A_788 = tpu.memref_squeeze %dma_wait3A_787 : memref<1x128x32xf32, #tpu.memory_space<vmem>> -> memref<128x32xf32, #tpu.memory_space<vmem>>
        %dma_wait3A_789 = arith.constant 0 : i32
        %dma_wait3A_790 = tpu.memref_slice %arg7[%add3A_769, %dma_wait3A_789] : memref<202x128xi32, #tpu.memory_space<vmem>> -> memref<1x128xi32, #tpu.memory_space<vmem>>
        %dma_wait3A_791 = tpu.memref_squeeze %dma_wait3A_790 : memref<1x128xi32, #tpu.memory_space<vmem>> -> memref<128xi32, #tpu.memory_space<vmem>>
        %dma_wait3A_792 = arith.constant 0 : i32
        %dma_wait3A_793 = arith.constant 0 : i32
        %dma_wait3A_794 = tpu.memref_slice %arg3[%dma_wait3A_792, %dma_wait3A_793] : memref<500000x32xf32, #tpu.memory_space<hbm>> -> memref<500000x32xf32, #tpu.memory_space<hbm>>
        tpu.wait_indirect_dma semaphore(%arg12 : memref<!tpu.dma_semaphore, #tpu.memory_space<semaphore_mem>>) src(%dma_wait3A_794 : memref<500000x32xf32, #tpu.memory_space<hbm>>) dst(%dma_wait3A_788 : memref<128x32xf32, #tpu.memory_space<vmem>>)
        %dma_start3A = arith.constant 2 : i32
        %dma_start3A_795 = arith.constant 0 : i32
        %dma_start3A_796 = arith.constant 0 : i32
        %dma_start3A_797 = tpu.memref_slice %arg9[%dma_start3A, %dma_start3A_795, %dma_start3A_796] : memref<4x128x32xf32, #tpu.memory_space<vmem>> -> memref<1x128x32xf32, #tpu.memory_space<vmem>>
        %dma_start3A_798 = tpu.memref_squeeze %dma_start3A_797 : memref<1x128x32xf32, #tpu.memory_space<vmem>> -> memref<128x32xf32, #tpu.memory_space<vmem>>
        %dma_start3A_799 = arith.constant 0 : i32
        %dma_start3A_800 = tpu.memref_slice %arg8[%add3A_769, %dma_start3A_799] : memref<202x128xi32, #tpu.memory_space<vmem>> -> memref<1x128xi32, #tpu.memory_space<vmem>>
        %dma_start3A_801 = tpu.memref_squeeze %dma_start3A_800 : memref<1x128xi32, #tpu.memory_space<vmem>> -> memref<128xi32, #tpu.memory_space<vmem>>
        %dma_start3A_802 = arith.constant 0 : i32
        %dma_start3A_803 = arith.constant 0 : i32
        %dma_start3A_804 = tpu.memref_slice %arg5[%dma_start3A_802, %dma_start3A_803] : memref<409600x32xf32, #tpu.memory_space<hbm>> -> memref<409600x32xf32, #tpu.memory_space<hbm>>
        tpu.enqueue_indirect_dma source(%dma_start3A_798 : memref<128x32xf32, #tpu.memory_space<vmem>>) target(%dma_start3A_804 : memref<409600x32xf32, #tpu.memory_space<hbm>>) offsets(%dma_start3A_801 : memref<128xi32, #tpu.memory_space<vmem>>) semaphore(%arg16 : memref<!tpu.dma_semaphore, #tpu.memory_space<semaphore_mem>>)
      } else {
      }
      %mul3A_774 = arith.constant 4 : i32
      %mul3A_775 = arith.muli %while3A_675, %mul3A_774 : i32
      %add3A_776 = arith.constant 3 : i32
      %add3A_777 = arith.addi %mul3A_775, %add3A_776 : i32
      %add3A_778 = arith.constant 0 : i32
      %add3A_779 = arith.addi %add3A_778, %add3A_777 : i32
      %lt3A_780 = arith.cmpi slt, %add3A_777, %select_n3A_236 : i32
      %convert_element_type3A_781 = arith.extui %lt3A_780 : i1 to i32
      %cond3A_782 = arith.constant 0 : i32
      %cond3A_783 = arith.cmpi ne, %convert_element_type3A_781, %cond3A_782 : i32
      scf.if %cond3A_783 {
        %dma_wait3A = arith.constant 3 : i32
        %dma_wait3A_785 = arith.constant 0 : i32
        %dma_wait3A_786 = arith.constant 0 : i32
        %dma_wait3A_787 = tpu.memref_slice %arg9[%dma_wait3A, %dma_wait3A_785, %dma_wait3A_786] : memref<4x128x32xf32, #tpu.memory_space<vmem>> -> memref<1x128x32xf32, #tpu.memory_space<vmem>>
        %dma_wait3A_788 = tpu.memref_squeeze %dma_wait3A_787 : memref<1x128x32xf32, #tpu.memory_space<vmem>> -> memref<128x32xf32, #tpu.memory_space<vmem>>
        %dma_wait3A_789 = arith.constant 0 : i32
        %dma_wait3A_790 = tpu.memref_slice %arg7[%add3A_779, %dma_wait3A_789] : memref<202x128xi32, #tpu.memory_space<vmem>> -> memref<1x128xi32, #tpu.memory_space<vmem>>
        %dma_wait3A_791 = tpu.memref_squeeze %dma_wait3A_790 : memref<1x128xi32, #tpu.memory_space<vmem>> -> memref<128xi32, #tpu.memory_space<vmem>>
        %dma_wait3A_792 = arith.constant 0 : i32
        %dma_wait3A_793 = arith.constant 0 : i32
        %dma_wait3A_794 = tpu.memref_slice %arg3[%dma_wait3A_792, %dma_wait3A_793] : memref<500000x32xf32, #tpu.memory_space<hbm>> -> memref<500000x32xf32, #tpu.memory_space<hbm>>
        tpu.wait_indirect_dma semaphore(%arg13 : memref<!tpu.dma_semaphore, #tpu.memory_space<semaphore_mem>>) src(%dma_wait3A_794 : memref<500000x32xf32, #tpu.memory_space<hbm>>) dst(%dma_wait3A_788 : memref<128x32xf32, #tpu.memory_space<vmem>>)
        %dma_start3A = arith.constant 3 : i32
        %dma_start3A_795 = arith.constant 0 : i32
        %dma_start3A_796 = arith.constant 0 : i32
        %dma_start3A_797 = tpu.memref_slice %arg9[%dma_start3A, %dma_start3A_795, %dma_start3A_796] : memref<4x128x32xf32, #tpu.memory_space<vmem>> -> memref<1x128x32xf32, #tpu.memory_space<vmem>>
        %dma_start3A_798 = tpu.memref_squeeze %dma_start3A_797 : memref<1x128x32xf32, #tpu.memory_space<vmem>> -> memref<128x32xf32, #tpu.memory_space<vmem>>
        %dma_start3A_799 = arith.constant 0 : i32
        %dma_start3A_800 = tpu.memref_slice %arg8[%add3A_779, %dma_start3A_799] : memref<202x128xi32, #tpu.memory_space<vmem>> -> memref<1x128xi32, #tpu.memory_space<vmem>>
        %dma_start3A_801 = tpu.memref_squeeze %dma_start3A_800 : memref<1x128xi32, #tpu.memory_space<vmem>> -> memref<128xi32, #tpu.memory_space<vmem>>
        %dma_start3A_802 = arith.constant 0 : i32
        %dma_start3A_803 = arith.constant 0 : i32
        %dma_start3A_804 = tpu.memref_slice %arg5[%dma_start3A_802, %dma_start3A_803] : memref<409600x32xf32, #tpu.memory_space<hbm>> -> memref<409600x32xf32, #tpu.memory_space<hbm>>
        tpu.enqueue_indirect_dma source(%dma_start3A_798 : memref<128x32xf32, #tpu.memory_space<vmem>>) target(%dma_start3A_804 : memref<409600x32xf32, #tpu.memory_space<hbm>>) offsets(%dma_start3A_801 : memref<128xi32, #tpu.memory_space<vmem>>) semaphore(%arg17 : memref<!tpu.dma_semaphore, #tpu.memory_space<semaphore_mem>>)
      } else {
      }
      %while3A_784 = arith.constant 0 : i32
      scf.yield %while3A_784 : i32
    }
    %sub3A_277 = arith.constant 1 : i32
    %sub3A_278 = arith.subi %select_n3A_236, %sub3A_277 : i32
    %sub3A_279 = arith.constant 0 : i32
    %sub3A_280 = arith.subi %sub3A_278, %sub3A_279 : i32
    %max3A = arith.constant 0 : i32
    %max3A_281 = arith.maxsi %sub3A_280, %max3A : i32
    %jit3A_282 = arith.constant 4 : i32
    %div3A_283 = arith.divsi %max3A_281, %jit3A_282 : i32
    %sign3A_284 = arith.constant 0 : i32
    %sign3A_285 = arith.cmpi sgt, %max3A_281, %sign3A_284 : i32
    %sign3A_286 = arith.extui %sign3A_285 : i1 to i32
    %sign3A_287 = arith.constant 0 : i32
    %sign3A_288 = arith.cmpi slt, %max3A_281, %sign3A_287 : i32
    %sign3A_289 = arith.extui %sign3A_288 : i1 to i32
    %sign3A_290 = arith.subi %sign3A_286, %sign3A_289 : i32
    %sign3A_291 = arith.constant 0 : i32
    %sign3A_292 = arith.cmpi sgt, %jit3A_282, %sign3A_291 : i32
    %sign3A_293 = arith.extui %sign3A_292 : i1 to i32
    %sign3A_294 = arith.constant 0 : i32
    %sign3A_295 = arith.cmpi slt, %jit3A_282, %sign3A_294 : i32
    %sign3A_296 = arith.extui %sign3A_295 : i1 to i32
    %sign3A_297 = arith.subi %sign3A_293, %sign3A_296 : i32
    %ne3A_298 = arith.cmpi ne, %sign3A_290, %sign3A_297 : i32
    %rem3A_299 = arith.remsi %max3A_281, %jit3A_282 : i32
    %ne3A_300 = arith.constant 0 : i32
    %ne3A_301 = arith.cmpi ne, %rem3A_299, %ne3A_300 : i32
    %and3A_302 = arith.andi %ne3A_298, %ne3A_301 : i1
    %sub3A_303 = arith.constant 1 : i32
    %sub3A_304 = arith.subi %div3A_283, %sub3A_303 : i32
    %select_n3A_305 = arith.select %and3A_302, %sub3A_304, %div3A_283 : i32
    %mul3A_306 = arith.constant 4 : i32
    %mul3A_307 = arith.muli %select_n3A_305, %mul3A_306 : i32
    %add3A_308 = arith.constant 0 : i32
    %add3A_309 = arith.addi %mul3A_307, %add3A_308 : i32
    %gt3A = arith.constant 0 : i32
    %gt3A_310 = arith.cmpi sgt, %select_n3A_236, %gt3A : i32
    %convert_element_type3A = arith.extui %gt3A_310 : i1 to i32
    %cond3A = arith.constant 0 : i32
    %cond3A_311 = arith.cmpi ne, %convert_element_type3A, %cond3A : i32
    scf.if %cond3A_311 {
      %add3A_675 = arith.constant 0 : i32
      %add3A_676 = arith.addi %add3A_675, %add3A_309 : i32
      %dma_wait3A = arith.constant 0 : i32
      %dma_wait3A_677 = arith.constant 0 : i32
      %dma_wait3A_678 = arith.constant 0 : i32
      %dma_wait3A_679 = tpu.memref_slice %arg9[%dma_wait3A, %dma_wait3A_677, %dma_wait3A_678] : memref<4x128x32xf32, #tpu.memory_space<vmem>> -> memref<1x128x32xf32, #tpu.memory_space<vmem>>
      %dma_wait3A_680 = tpu.memref_squeeze %dma_wait3A_679 : memref<1x128x32xf32, #tpu.memory_space<vmem>> -> memref<128x32xf32, #tpu.memory_space<vmem>>
      %dma_wait3A_681 = arith.constant 0 : i32
      %dma_wait3A_682 = tpu.memref_slice %arg8[%add3A_676, %dma_wait3A_681] : memref<202x128xi32, #tpu.memory_space<vmem>> -> memref<1x128xi32, #tpu.memory_space<vmem>>
      %dma_wait3A_683 = tpu.memref_squeeze %dma_wait3A_682 : memref<1x128xi32, #tpu.memory_space<vmem>> -> memref<128xi32, #tpu.memory_space<vmem>>
      %dma_wait3A_684 = arith.constant 0 : i32
      %dma_wait3A_685 = arith.constant 0 : i32
      %dma_wait3A_686 = tpu.memref_slice %arg5[%dma_wait3A_684, %dma_wait3A_685] : memref<409600x32xf32, #tpu.memory_space<hbm>> -> memref<409600x32xf32, #tpu.memory_space<hbm>>
      tpu.wait_indirect_dma semaphore(%arg14 : memref<!tpu.dma_semaphore, #tpu.memory_space<semaphore_mem>>) src(%dma_wait3A_680 : memref<128x32xf32, #tpu.memory_space<vmem>>) dst(%dma_wait3A_686 : memref<409600x32xf32, #tpu.memory_space<hbm>>)
    } else {
    }
    %sub3A_312 = arith.constant 1 : i32
    %sub3A_313 = arith.subi %select_n3A_236, %sub3A_312 : i32
    %sub3A_314 = arith.constant 1 : i32
    %sub3A_315 = arith.subi %sub3A_313, %sub3A_314 : i32
    %max3A_316 = arith.constant 0 : i32
    %max3A_317 = arith.maxsi %sub3A_315, %max3A_316 : i32
    %jit3A_318 = arith.constant 4 : i32
    %div3A_319 = arith.divsi %max3A_317, %jit3A_318 : i32
    %sign3A_320 = arith.constant 0 : i32
    %sign3A_321 = arith.cmpi sgt, %max3A_317, %sign3A_320 : i32
    %sign3A_322 = arith.extui %sign3A_321 : i1 to i32
    %sign3A_323 = arith.constant 0 : i32
    %sign3A_324 = arith.cmpi slt, %max3A_317, %sign3A_323 : i32
    %sign3A_325 = arith.extui %sign3A_324 : i1 to i32
    %sign3A_326 = arith.subi %sign3A_322, %sign3A_325 : i32
    %sign3A_327 = arith.constant 0 : i32
    %sign3A_328 = arith.cmpi sgt, %jit3A_318, %sign3A_327 : i32
    %sign3A_329 = arith.extui %sign3A_328 : i1 to i32
    %sign3A_330 = arith.constant 0 : i32
    %sign3A_331 = arith.cmpi slt, %jit3A_318, %sign3A_330 : i32
    %sign3A_332 = arith.extui %sign3A_331 : i1 to i32
    %sign3A_333 = arith.subi %sign3A_329, %sign3A_332 : i32
    %ne3A_334 = arith.cmpi ne, %sign3A_326, %sign3A_333 : i32
    %rem3A_335 = arith.remsi %max3A_317, %jit3A_318 : i32
    %ne3A_336 = arith.constant 0 : i32
    %ne3A_337 = arith.cmpi ne, %rem3A_335, %ne3A_336 : i32
    %and3A_338 = arith.andi %ne3A_334, %ne3A_337 : i1
    %sub3A_339 = arith.constant 1 : i32
    %sub3A_340 = arith.subi %div3A_319, %sub3A_339 : i32
    %select_n3A_341 = arith.select %and3A_338, %sub3A_340, %div3A_319 : i32
    %mul3A_342 = arith.constant 4 : i32
    %mul3A_343 = arith.muli %select_n3A_341, %mul3A_342 : i32
    %add3A_344 = arith.constant 1 : i32
    %add3A_345 = arith.addi %mul3A_343, %add3A_344 : i32
    %gt3A_346 = arith.constant 1 : i32
    %gt3A_347 = arith.cmpi sgt, %select_n3A_236, %gt3A_346 : i32
    %convert_element_type3A_348 = arith.extui %gt3A_347 : i1 to i32
    %cond3A_349 = arith.constant 0 : i32
    %cond3A_350 = arith.cmpi ne, %convert_element_type3A_348, %cond3A_349 : i32
    scf.if %cond3A_350 {
      %add3A_675 = arith.constant 0 : i32
      %add3A_676 = arith.addi %add3A_675, %add3A_345 : i32
      %dma_wait3A = arith.constant 1 : i32
      %dma_wait3A_677 = arith.constant 0 : i32
      %dma_wait3A_678 = arith.constant 0 : i32
      %dma_wait3A_679 = tpu.memref_slice %arg9[%dma_wait3A, %dma_wait3A_677, %dma_wait3A_678] : memref<4x128x32xf32, #tpu.memory_space<vmem>> -> memref<1x128x32xf32, #tpu.memory_space<vmem>>
      %dma_wait3A_680 = tpu.memref_squeeze %dma_wait3A_679 : memref<1x128x32xf32, #tpu.memory_space<vmem>> -> memref<128x32xf32, #tpu.memory_space<vmem>>
      %dma_wait3A_681 = arith.constant 0 : i32
      %dma_wait3A_682 = tpu.memref_slice %arg8[%add3A_676, %dma_wait3A_681] : memref<202x128xi32, #tpu.memory_space<vmem>> -> memref<1x128xi32, #tpu.memory_space<vmem>>
      %dma_wait3A_683 = tpu.memref_squeeze %dma_wait3A_682 : memref<1x128xi32, #tpu.memory_space<vmem>> -> memref<128xi32, #tpu.memory_space<vmem>>
      %dma_wait3A_684 = arith.constant 0 : i32
      %dma_wait3A_685 = arith.constant 0 : i32
      %dma_wait3A_686 = tpu.memref_slice %arg5[%dma_wait3A_684, %dma_wait3A_685] : memref<409600x32xf32, #tpu.memory_space<hbm>> -> memref<409600x32xf32, #tpu.memory_space<hbm>>
      tpu.wait_indirect_dma semaphore(%arg15 : memref<!tpu.dma_semaphore, #tpu.memory_space<semaphore_mem>>) src(%dma_wait3A_680 : memref<128x32xf32, #tpu.memory_space<vmem>>) dst(%dma_wait3A_686 : memref<409600x32xf32, #tpu.memory_space<hbm>>)
    } else {
    }
    %sub3A_351 = arith.constant 1 : i32
    %sub3A_352 = arith.subi %select_n3A_236, %sub3A_351 : i32
    %sub3A_353 = arith.constant 2 : i32
    %sub3A_354 = arith.subi %sub3A_352, %sub3A_353 : i32
    %max3A_355 = arith.constant 0 : i32
    %max3A_356 = arith.maxsi %sub3A_354, %max3A_355 : i32
    %jit3A_357 = arith.constant 4 : i32
    %div3A_358 = arith.divsi %max3A_356, %jit3A_357 : i32
    %sign3A_359 = arith.constant 0 : i32
    %sign3A_360 = arith.cmpi sgt, %max3A_356, %sign3A_359 : i32
    %sign3A_361 = arith.extui %sign3A_360 : i1 to i32
    %sign3A_362 = arith.constant 0 : i32
    %sign3A_363 = arith.cmpi slt, %max3A_356, %sign3A_362 : i32
    %sign3A_364 = arith.extui %sign3A_363 : i1 to i32
    %sign3A_365 = arith.subi %sign3A_361, %sign3A_364 : i32
    %sign3A_366 = arith.constant 0 : i32
    %sign3A_367 = arith.cmpi sgt, %jit3A_357, %sign3A_366 : i32
    %sign3A_368 = arith.extui %sign3A_367 : i1 to i32
    %sign3A_369 = arith.constant 0 : i32
    %sign3A_370 = arith.cmpi slt, %jit3A_357, %sign3A_369 : i32
    %sign3A_371 = arith.extui %sign3A_370 : i1 to i32
    %sign3A_372 = arith.subi %sign3A_368, %sign3A_371 : i32
    %ne3A_373 = arith.cmpi ne, %sign3A_365, %sign3A_372 : i32
    %rem3A_374 = arith.remsi %max3A_356, %jit3A_357 : i32
    %ne3A_375 = arith.constant 0 : i32
    %ne3A_376 = arith.cmpi ne, %rem3A_374, %ne3A_375 : i32
    %and3A_377 = arith.andi %ne3A_373, %ne3A_376 : i1
    %sub3A_378 = arith.constant 1 : i32
    %sub3A_379 = arith.subi %div3A_358, %sub3A_378 : i32
    %select_n3A_380 = arith.select %and3A_377, %sub3A_379, %div3A_358 : i32
    %mul3A_381 = arith.constant 4 : i32
    %mul3A_382 = arith.muli %select_n3A_380, %mul3A_381 : i32
    %add3A_383 = arith.constant 2 : i32
    %add3A_384 = arith.addi %mul3A_382, %add3A_383 : i32
    %gt3A_385 = arith.constant 2 : i32
    %gt3A_386 = arith.cmpi sgt, %select_n3A_236, %gt3A_385 : i32
    %convert_element_type3A_387 = arith.extui %gt3A_386 : i1 to i32
    %cond3A_388 = arith.constant 0 : i32
    %cond3A_389 = arith.cmpi ne, %convert_element_type3A_387, %cond3A_388 : i32
    scf.if %cond3A_389 {
      %add3A_675 = arith.constant 0 : i32
      %add3A_676 = arith.addi %add3A_675, %add3A_384 : i32
      %dma_wait3A = arith.constant 2 : i32
      %dma_wait3A_677 = arith.constant 0 : i32
      %dma_wait3A_678 = arith.constant 0 : i32
      %dma_wait3A_679 = tpu.memref_slice %arg9[%dma_wait3A, %dma_wait3A_677, %dma_wait3A_678] : memref<4x128x32xf32, #tpu.memory_space<vmem>> -> memref<1x128x32xf32, #tpu.memory_space<vmem>>
      %dma_wait3A_680 = tpu.memref_squeeze %dma_wait3A_679 : memref<1x128x32xf32, #tpu.memory_space<vmem>> -> memref<128x32xf32, #tpu.memory_space<vmem>>
      %dma_wait3A_681 = arith.constant 0 : i32
      %dma_wait3A_682 = tpu.memref_slice %arg8[%add3A_676, %dma_wait3A_681] : memref<202x128xi32, #tpu.memory_space<vmem>> -> memref<1x128xi32, #tpu.memory_space<vmem>>
      %dma_wait3A_683 = tpu.memref_squeeze %dma_wait3A_682 : memref<1x128xi32, #tpu.memory_space<vmem>> -> memref<128xi32, #tpu.memory_space<vmem>>
      %dma_wait3A_684 = arith.constant 0 : i32
      %dma_wait3A_685 = arith.constant 0 : i32
      %dma_wait3A_686 = tpu.memref_slice %arg5[%dma_wait3A_684, %dma_wait3A_685] : memref<409600x32xf32, #tpu.memory_space<hbm>> -> memref<409600x32xf32, #tpu.memory_space<hbm>>
      tpu.wait_indirect_dma semaphore(%arg16 : memref<!tpu.dma_semaphore, #tpu.memory_space<semaphore_mem>>) src(%dma_wait3A_680 : memref<128x32xf32, #tpu.memory_space<vmem>>) dst(%dma_wait3A_686 : memref<409600x32xf32, #tpu.memory_space<hbm>>)
    } else {
    }
    %sub3A_390 = arith.constant 1 : i32
    %sub3A_391 = arith.subi %select_n3A_236, %sub3A_390 : i32
    %sub3A_392 = arith.constant 3 : i32
    %sub3A_393 = arith.subi %sub3A_391, %sub3A_392 : i32
    %max3A_394 = arith.constant 0 : i32
    %max3A_395 = arith.maxsi %sub3A_393, %max3A_394 : i32
    %jit3A_396 = arith.constant 4 : i32
    %div3A_397 = arith.divsi %max3A_395, %jit3A_396 : i32
    %sign3A_398 = arith.constant 0 : i32
    %sign3A_399 = arith.cmpi sgt, %max3A_395, %sign3A_398 : i32
    %sign3A_400 = arith.extui %sign3A_399 : i1 to i32
    %sign3A_401 = arith.constant 0 : i32
    %sign3A_402 = arith.cmpi slt, %max3A_395, %sign3A_401 : i32
    %sign3A_403 = arith.extui %sign3A_402 : i1 to i32
    %sign3A_404 = arith.subi %sign3A_400, %sign3A_403 : i32
    %sign3A_405 = arith.constant 0 : i32
    %sign3A_406 = arith.cmpi sgt, %jit3A_396, %sign3A_405 : i32
    %sign3A_407 = arith.extui %sign3A_406 : i1 to i32
    %sign3A_408 = arith.constant 0 : i32
    %sign3A_409 = arith.cmpi slt, %jit3A_396, %sign3A_408 : i32
    %sign3A_410 = arith.extui %sign3A_409 : i1 to i32
    %sign3A_411 = arith.subi %sign3A_407, %sign3A_410 : i32
    %ne3A_412 = arith.cmpi ne, %sign3A_404, %sign3A_411 : i32
    %rem3A_413 = arith.remsi %max3A_395, %jit3A_396 : i32
    %ne3A_414 = arith.constant 0 : i32
    %ne3A_415 = arith.cmpi ne, %rem3A_413, %ne3A_414 : i32
    %and3A_416 = arith.andi %ne3A_412, %ne3A_415 : i1
    %sub3A_417 = arith.constant 1 : i32
    %sub3A_418 = arith.subi %div3A_397, %sub3A_417 : i32
    %select_n3A_419 = arith.select %and3A_416, %sub3A_418, %div3A_397 : i32
    %mul3A_420 = arith.constant 4 : i32
    %mul3A_421 = arith.muli %select_n3A_419, %mul3A_420 : i32
    %add3A_422 = arith.constant 3 : i32
    %add3A_423 = arith.addi %mul3A_421, %add3A_422 : i32
    %gt3A_424 = arith.constant 3 : i32
    %gt3A_425 = arith.cmpi sgt, %select_n3A_236, %gt3A_424 : i32
    %convert_element_type3A_426 = arith.extui %gt3A_425 : i1 to i32
    %cond3A_427 = arith.constant 0 : i32
    %cond3A_428 = arith.cmpi ne, %convert_element_type3A_426, %cond3A_427 : i32
    scf.if %cond3A_428 {
      %add3A_675 = arith.constant 0 : i32
      %add3A_676 = arith.addi %add3A_675, %add3A_423 : i32
      %dma_wait3A = arith.constant 3 : i32
      %dma_wait3A_677 = arith.constant 0 : i32
      %dma_wait3A_678 = arith.constant 0 : i32
      %dma_wait3A_679 = tpu.memref_slice %arg9[%dma_wait3A, %dma_wait3A_677, %dma_wait3A_678] : memref<4x128x32xf32, #tpu.memory_space<vmem>> -> memref<1x128x32xf32, #tpu.memory_space<vmem>>
      %dma_wait3A_680 = tpu.memref_squeeze %dma_wait3A_679 : memref<1x128x32xf32, #tpu.memory_space<vmem>> -> memref<128x32xf32, #tpu.memory_space<vmem>>
      %dma_wait3A_681 = arith.constant 0 : i32
      %dma_wait3A_682 = tpu.memref_slice %arg8[%add3A_676, %dma_wait3A_681] : memref<202x128xi32, #tpu.memory_space<vmem>> -> memref<1x128xi32, #tpu.memory_space<vmem>>
      %dma_wait3A_683 = tpu.memref_squeeze %dma_wait3A_682 : memref<1x128xi32, #tpu.memory_space<vmem>> -> memref<128xi32, #tpu.memory_space<vmem>>
      %dma_wait3A_684 = arith.constant 0 : i32
      %dma_wait3A_685 = arith.constant 0 : i32
      %dma_wait3A_686 = tpu.memref_slice %arg5[%dma_wait3A_684, %dma_wait3A_685] : memref<409600x32xf32, #tpu.memory_space<hbm>> -> memref<409600x32xf32, #tpu.memory_space<hbm>>
      tpu.wait_indirect_dma semaphore(%arg17 : memref<!tpu.dma_semaphore, #tpu.memory_space<semaphore_mem>>) src(%dma_wait3A_680 : memref<128x32xf32, #tpu.memory_space<vmem>>) dst(%dma_wait3A_686 : memref<409600x32xf32, #tpu.memory_space<hbm>>)
    } else {
    }
    %jit3A_429 = arith.constant 128 : i32
    %div3A_430 = arith.divsi %mul3A_78, %jit3A_429 : i32
    %sign3A_431 = arith.constant 0 : i32
    %sign3A_432 = arith.cmpi sgt, %mul3A_78, %sign3A_431 : i32
    %sign3A_433 = arith.extui %sign3A_432 : i1 to i32
    %sign3A_434 = arith.constant 0 : i32
    %sign3A_435 = arith.cmpi slt, %mul3A_78, %sign3A_434 : i32
    %sign3A_436 = arith.extui %sign3A_435 : i1 to i32
    %sign3A_437 = arith.subi %sign3A_433, %sign3A_436 : i32
    %sign3A_438 = arith.constant 0 : i32
    %sign3A_439 = arith.cmpi sgt, %jit3A_429, %sign3A_438 : i32
    %sign3A_440 = arith.extui %sign3A_439 : i1 to i32
    %sign3A_441 = arith.constant 0 : i32
    %sign3A_442 = arith.cmpi slt, %jit3A_429, %sign3A_441 : i32
    %sign3A_443 = arith.extui %sign3A_442 : i1 to i32
    %sign3A_444 = arith.subi %sign3A_440, %sign3A_443 : i32
    %ne3A_445 = arith.cmpi ne, %sign3A_437, %sign3A_444 : i32
    %rem3A_446 = arith.remsi %mul3A_78, %jit3A_429 : i32
    %ne3A_447 = arith.constant 0 : i32
    %ne3A_448 = arith.cmpi ne, %rem3A_446, %ne3A_447 : i32
    %and3A_449 = arith.andi %ne3A_445, %ne3A_448 : i1
    %sub3A_450 = arith.constant 1 : i32
    %sub3A_451 = arith.subi %div3A_430, %sub3A_450 : i32
    %select_n3A_452 = arith.select %and3A_449, %sub3A_451, %div3A_430 : i32
    %sub3A_453 = arith.constant 202 : i32
    %sub3A_454 = arith.subi %sub3A_453, %select_n3A_452 : i32
    %jit3A_455 = arith.constant 128 : i32
    %div3A_456 = arith.divsi %mul3A_78, %jit3A_455 : i32
    %sign3A_457 = arith.constant 0 : i32
    %sign3A_458 = arith.cmpi sgt, %mul3A_78, %sign3A_457 : i32
    %sign3A_459 = arith.extui %sign3A_458 : i1 to i32
    %sign3A_460 = arith.constant 0 : i32
    %sign3A_461 = arith.cmpi slt, %mul3A_78, %sign3A_460 : i32
    %sign3A_462 = arith.extui %sign3A_461 : i1 to i32
    %sign3A_463 = arith.subi %sign3A_459, %sign3A_462 : i32
    %sign3A_464 = arith.constant 0 : i32
    %sign3A_465 = arith.cmpi sgt, %jit3A_455, %sign3A_464 : i32
    %sign3A_466 = arith.extui %sign3A_465 : i1 to i32
    %sign3A_467 = arith.constant 0 : i32
    %sign3A_468 = arith.cmpi slt, %jit3A_455, %sign3A_467 : i32
    %sign3A_469 = arith.extui %sign3A_468 : i1 to i32
    %sign3A_470 = arith.subi %sign3A_466, %sign3A_469 : i32
    %ne3A_471 = arith.cmpi ne, %sign3A_463, %sign3A_470 : i32
    %rem3A_472 = arith.remsi %mul3A_78, %jit3A_455 : i32
    %ne3A_473 = arith.constant 0 : i32
    %ne3A_474 = arith.cmpi ne, %rem3A_472, %ne3A_473 : i32
    %and3A_475 = arith.andi %ne3A_471, %ne3A_474 : i1
    %sub3A_476 = arith.constant 1 : i32
    %sub3A_477 = arith.subi %div3A_456, %sub3A_476 : i32
    %select_n3A_478 = arith.select %and3A_475, %sub3A_477, %div3A_456 : i32
    %add3A_479 = arith.constant 4 : i32
    %add3A_480 = arith.addi %select_n3A_478, %add3A_479 : i32
    %sub3A_481 = arith.constant 1 : i32
    %sub3A_482 = arith.subi %add3A_480, %sub3A_481 : i32
    %jit3A_483 = arith.constant 4 : i32
    %div3A_484 = arith.divsi %sub3A_482, %jit3A_483 : i32
    %sign3A_485 = arith.constant 0 : i32
    %sign3A_486 = arith.cmpi sgt, %sub3A_482, %sign3A_485 : i32
    %sign3A_487 = arith.extui %sign3A_486 : i1 to i32
    %sign3A_488 = arith.constant 0 : i32
    %sign3A_489 = arith.cmpi slt, %sub3A_482, %sign3A_488 : i32
    %sign3A_490 = arith.extui %sign3A_489 : i1 to i32
    %sign3A_491 = arith.subi %sign3A_487, %sign3A_490 : i32
    %sign3A_492 = arith.constant 0 : i32
    %sign3A_493 = arith.cmpi sgt, %jit3A_483, %sign3A_492 : i32
    %sign3A_494 = arith.extui %sign3A_493 : i1 to i32
    %sign3A_495 = arith.constant 0 : i32
    %sign3A_496 = arith.cmpi slt, %jit3A_483, %sign3A_495 : i32
    %sign3A_497 = arith.extui %sign3A_496 : i1 to i32
    %sign3A_498 = arith.subi %sign3A_494, %sign3A_497 : i32
    %ne3A_499 = arith.cmpi ne, %sign3A_491, %sign3A_498 : i32
    %rem3A_500 = arith.remsi %sub3A_482, %jit3A_483 : i32
    %ne3A_501 = arith.constant 0 : i32
    %ne3A_502 = arith.cmpi ne, %rem3A_500, %ne3A_501 : i32
    %and3A_503 = arith.andi %ne3A_499, %ne3A_502 : i1
    %sub3A_504 = arith.constant 1 : i32
    %sub3A_505 = arith.subi %div3A_484, %sub3A_504 : i32
    %select_n3A_506 = arith.select %and3A_503, %sub3A_505, %div3A_484 : i32
    %while3A_507 = arith.constant 0 : i32
    %while3A_508 = arith.constant 0 : i32
    %while3A_509 = arith.subi %select_n3A_506, %while3A_507 : i32
    %while3A_510 = arith.addi %while3A_507, %while3A_509 : i32
    %while3A_511 = arith.constant 1 : i32
    %while3A_512 = arith.divsi %while3A_509, %while3A_511 : i32
    %while3A_513 = arith.muli %while3A_512, %while3A_511 : i32
    %while3A_514 = arith.addi %while3A_507, %while3A_513 : i32
    %while3A_515 = arith.constant 1 : i32
    %while3A_516 = scf.for %while3A_675 = %while3A_507 to %while3A_514 step %while3A_515 iter_args(%while3A_676 = %while3A_508) -> (i32)  : i32 {
      %mul3A_677 = arith.constant 4 : i32
      %mul3A_678 = arith.muli %while3A_675, %mul3A_677 : i32
      %add3A_679 = arith.constant 0 : i32
      %add3A_680 = arith.addi %mul3A_678, %add3A_679 : i32
      %add3A_681 = arith.addi %sub3A_454, %add3A_680 : i32
      %lt3A = arith.cmpi slt, %add3A_680, %select_n3A_478 : i32
      %gt3A_682 = arith.constant 0 : i32
      %gt3A_683 = arith.cmpi sgt, %while3A_675, %gt3A_682 : i32
      %and3A_684 = arith.andi %lt3A, %gt3A_683 : i1
      %convert_element_type3A_685 = arith.extui %and3A_684 : i1 to i32
      %cond3A_686 = arith.constant 0 : i32
      %cond3A_687 = arith.cmpi ne, %convert_element_type3A_685, %cond3A_686 : i32
      scf.if %cond3A_687 {
        %sub3A_777 = arith.constant 4 : i32
        %sub3A_778 = arith.subi %add3A_681, %sub3A_777 : i32
        %dma_wait3A = arith.constant 0 : i32
        %dma_wait3A_779 = arith.constant 0 : i32
        %dma_wait3A_780 = arith.constant 0 : i32
        %dma_wait3A_781 = tpu.memref_slice %arg9[%dma_wait3A, %dma_wait3A_779, %dma_wait3A_780] : memref<4x128x32xf32, #tpu.memory_space<vmem>> -> memref<1x128x32xf32, #tpu.memory_space<vmem>>
        %dma_wait3A_782 = tpu.memref_squeeze %dma_wait3A_781 : memref<1x128x32xf32, #tpu.memory_space<vmem>> -> memref<128x32xf32, #tpu.memory_space<vmem>>
        %dma_wait3A_783 = arith.constant 0 : i32
        %dma_wait3A_784 = tpu.memref_slice %arg8[%sub3A_778, %dma_wait3A_783] : memref<202x128xi32, #tpu.memory_space<vmem>> -> memref<1x128xi32, #tpu.memory_space<vmem>>
        %dma_wait3A_785 = tpu.memref_squeeze %dma_wait3A_784 : memref<1x128xi32, #tpu.memory_space<vmem>> -> memref<128xi32, #tpu.memory_space<vmem>>
        %dma_wait3A_786 = arith.constant 0 : i32
        %dma_wait3A_787 = arith.constant 0 : i32
        %dma_wait3A_788 = tpu.memref_slice %arg5[%dma_wait3A_786, %dma_wait3A_787] : memref<409600x32xf32, #tpu.memory_space<hbm>> -> memref<409600x32xf32, #tpu.memory_space<hbm>>
        tpu.wait_indirect_dma semaphore(%arg14 : memref<!tpu.dma_semaphore, #tpu.memory_space<semaphore_mem>>) src(%dma_wait3A_782 : memref<128x32xf32, #tpu.memory_space<vmem>>) dst(%dma_wait3A_788 : memref<409600x32xf32, #tpu.memory_space<hbm>>)
      } else {
      }
      %lt3A_688 = arith.cmpi slt, %add3A_680, %select_n3A_478 : i32
      %convert_element_type3A_689 = arith.extui %lt3A_688 : i1 to i32
      %cond3A_690 = arith.constant 0 : i32
      %cond3A_691 = arith.cmpi ne, %convert_element_type3A_689, %cond3A_690 : i32
      scf.if %cond3A_691 {
        %dma_start3A = arith.constant 0 : i32
        %dma_start3A_777 = arith.constant 0 : i32
        %dma_start3A_778 = arith.constant 0 : i32
        %dma_start3A_779 = tpu.memref_slice %arg9[%dma_start3A, %dma_start3A_777, %dma_start3A_778] : memref<4x128x32xf32, #tpu.memory_space<vmem>> -> memref<1x128x32xf32, #tpu.memory_space<vmem>>
        %dma_start3A_780 = tpu.memref_squeeze %dma_start3A_779 : memref<1x128x32xf32, #tpu.memory_space<vmem>> -> memref<128x32xf32, #tpu.memory_space<vmem>>
        %dma_start3A_781 = arith.constant 0 : i32
        %dma_start3A_782 = tpu.memref_slice %arg7[%add3A_681, %dma_start3A_781] : memref<202x128xi32, #tpu.memory_space<vmem>> -> memref<1x128xi32, #tpu.memory_space<vmem>>
        %dma_start3A_783 = tpu.memref_squeeze %dma_start3A_782 : memref<1x128xi32, #tpu.memory_space<vmem>> -> memref<128xi32, #tpu.memory_space<vmem>>
        %dma_start3A_784 = arith.constant 0 : i32
        %dma_start3A_785 = arith.constant 0 : i32
        %dma_start3A_786 = tpu.memref_slice %arg4[%dma_start3A_784, %dma_start3A_785] : memref<500000x32xf32, #tpu.memory_space<hbm>> -> memref<500000x32xf32, #tpu.memory_space<hbm>>
        tpu.enqueue_indirect_dma source(%dma_start3A_786 : memref<500000x32xf32, #tpu.memory_space<hbm>>) target(%dma_start3A_780 : memref<128x32xf32, #tpu.memory_space<vmem>>) offsets(%dma_start3A_783 : memref<128xi32, #tpu.memory_space<vmem>>) semaphore(%arg10 : memref<!tpu.dma_semaphore, #tpu.memory_space<semaphore_mem>>)
      } else {
      }
      %mul3A_692 = arith.constant 4 : i32
      %mul3A_693 = arith.muli %while3A_675, %mul3A_692 : i32
      %add3A_694 = arith.constant 1 : i32
      %add3A_695 = arith.addi %mul3A_693, %add3A_694 : i32
      %add3A_696 = arith.addi %sub3A_454, %add3A_695 : i32
      %lt3A_697 = arith.cmpi slt, %add3A_695, %select_n3A_478 : i32
      %gt3A_698 = arith.constant 0 : i32
      %gt3A_699 = arith.cmpi sgt, %while3A_675, %gt3A_698 : i32
      %and3A_700 = arith.andi %lt3A_697, %gt3A_699 : i1
      %convert_element_type3A_701 = arith.extui %and3A_700 : i1 to i32
      %cond3A_702 = arith.constant 0 : i32
      %cond3A_703 = arith.cmpi ne, %convert_element_type3A_701, %cond3A_702 : i32
      scf.if %cond3A_703 {
        %sub3A_777 = arith.constant 4 : i32
        %sub3A_778 = arith.subi %add3A_696, %sub3A_777 : i32
        %dma_wait3A = arith.constant 1 : i32
        %dma_wait3A_779 = arith.constant 0 : i32
        %dma_wait3A_780 = arith.constant 0 : i32
        %dma_wait3A_781 = tpu.memref_slice %arg9[%dma_wait3A, %dma_wait3A_779, %dma_wait3A_780] : memref<4x128x32xf32, #tpu.memory_space<vmem>> -> memref<1x128x32xf32, #tpu.memory_space<vmem>>
        %dma_wait3A_782 = tpu.memref_squeeze %dma_wait3A_781 : memref<1x128x32xf32, #tpu.memory_space<vmem>> -> memref<128x32xf32, #tpu.memory_space<vmem>>
        %dma_wait3A_783 = arith.constant 0 : i32
        %dma_wait3A_784 = tpu.memref_slice %arg8[%sub3A_778, %dma_wait3A_783] : memref<202x128xi32, #tpu.memory_space<vmem>> -> memref<1x128xi32, #tpu.memory_space<vmem>>
        %dma_wait3A_785 = tpu.memref_squeeze %dma_wait3A_784 : memref<1x128xi32, #tpu.memory_space<vmem>> -> memref<128xi32, #tpu.memory_space<vmem>>
        %dma_wait3A_786 = arith.constant 0 : i32
        %dma_wait3A_787 = arith.constant 0 : i32
        %dma_wait3A_788 = tpu.memref_slice %arg5[%dma_wait3A_786, %dma_wait3A_787] : memref<409600x32xf32, #tpu.memory_space<hbm>> -> memref<409600x32xf32, #tpu.memory_space<hbm>>
        tpu.wait_indirect_dma semaphore(%arg15 : memref<!tpu.dma_semaphore, #tpu.memory_space<semaphore_mem>>) src(%dma_wait3A_782 : memref<128x32xf32, #tpu.memory_space<vmem>>) dst(%dma_wait3A_788 : memref<409600x32xf32, #tpu.memory_space<hbm>>)
      } else {
      }
      %lt3A_704 = arith.cmpi slt, %add3A_695, %select_n3A_478 : i32
      %convert_element_type3A_705 = arith.extui %lt3A_704 : i1 to i32
      %cond3A_706 = arith.constant 0 : i32
      %cond3A_707 = arith.cmpi ne, %convert_element_type3A_705, %cond3A_706 : i32
      scf.if %cond3A_707 {
        %dma_start3A = arith.constant 1 : i32
        %dma_start3A_777 = arith.constant 0 : i32
        %dma_start3A_778 = arith.constant 0 : i32
        %dma_start3A_779 = tpu.memref_slice %arg9[%dma_start3A, %dma_start3A_777, %dma_start3A_778] : memref<4x128x32xf32, #tpu.memory_space<vmem>> -> memref<1x128x32xf32, #tpu.memory_space<vmem>>
        %dma_start3A_780 = tpu.memref_squeeze %dma_start3A_779 : memref<1x128x32xf32, #tpu.memory_space<vmem>> -> memref<128x32xf32, #tpu.memory_space<vmem>>
        %dma_start3A_781 = arith.constant 0 : i32
        %dma_start3A_782 = tpu.memref_slice %arg7[%add3A_696, %dma_start3A_781] : memref<202x128xi32, #tpu.memory_space<vmem>> -> memref<1x128xi32, #tpu.memory_space<vmem>>
        %dma_start3A_783 = tpu.memref_squeeze %dma_start3A_782 : memref<1x128xi32, #tpu.memory_space<vmem>> -> memref<128xi32, #tpu.memory_space<vmem>>
        %dma_start3A_784 = arith.constant 0 : i32
        %dma_start3A_785 = arith.constant 0 : i32
        %dma_start3A_786 = tpu.memref_slice %arg4[%dma_start3A_784, %dma_start3A_785] : memref<500000x32xf32, #tpu.memory_space<hbm>> -> memref<500000x32xf32, #tpu.memory_space<hbm>>
        tpu.enqueue_indirect_dma source(%dma_start3A_786 : memref<500000x32xf32, #tpu.memory_space<hbm>>) target(%dma_start3A_780 : memref<128x32xf32, #tpu.memory_space<vmem>>) offsets(%dma_start3A_783 : memref<128xi32, #tpu.memory_space<vmem>>) semaphore(%arg11 : memref<!tpu.dma_semaphore, #tpu.memory_space<semaphore_mem>>)
      } else {
      }
      %mul3A_708 = arith.constant 4 : i32
      %mul3A_709 = arith.muli %while3A_675, %mul3A_708 : i32
      %add3A_710 = arith.constant 2 : i32
      %add3A_711 = arith.addi %mul3A_709, %add3A_710 : i32
      %add3A_712 = arith.addi %sub3A_454, %add3A_711 : i32
      %lt3A_713 = arith.cmpi slt, %add3A_711, %select_n3A_478 : i32
      %gt3A_714 = arith.constant 0 : i32
      %gt3A_715 = arith.cmpi sgt, %while3A_675, %gt3A_714 : i32
      %and3A_716 = arith.andi %lt3A_713, %gt3A_715 : i1
      %convert_element_type3A_717 = arith.extui %and3A_716 : i1 to i32
      %cond3A_718 = arith.constant 0 : i32
      %cond3A_719 = arith.cmpi ne, %convert_element_type3A_717, %cond3A_718 : i32
      scf.if %cond3A_719 {
        %sub3A_777 = arith.constant 4 : i32
        %sub3A_778 = arith.subi %add3A_712, %sub3A_777 : i32
        %dma_wait3A = arith.constant 2 : i32
        %dma_wait3A_779 = arith.constant 0 : i32
        %dma_wait3A_780 = arith.constant 0 : i32
        %dma_wait3A_781 = tpu.memref_slice %arg9[%dma_wait3A, %dma_wait3A_779, %dma_wait3A_780] : memref<4x128x32xf32, #tpu.memory_space<vmem>> -> memref<1x128x32xf32, #tpu.memory_space<vmem>>
        %dma_wait3A_782 = tpu.memref_squeeze %dma_wait3A_781 : memref<1x128x32xf32, #tpu.memory_space<vmem>> -> memref<128x32xf32, #tpu.memory_space<vmem>>
        %dma_wait3A_783 = arith.constant 0 : i32
        %dma_wait3A_784 = tpu.memref_slice %arg8[%sub3A_778, %dma_wait3A_783] : memref<202x128xi32, #tpu.memory_space<vmem>> -> memref<1x128xi32, #tpu.memory_space<vmem>>
        %dma_wait3A_785 = tpu.memref_squeeze %dma_wait3A_784 : memref<1x128xi32, #tpu.memory_space<vmem>> -> memref<128xi32, #tpu.memory_space<vmem>>
        %dma_wait3A_786 = arith.constant 0 : i32
        %dma_wait3A_787 = arith.constant 0 : i32
        %dma_wait3A_788 = tpu.memref_slice %arg5[%dma_wait3A_786, %dma_wait3A_787] : memref<409600x32xf32, #tpu.memory_space<hbm>> -> memref<409600x32xf32, #tpu.memory_space<hbm>>
        tpu.wait_indirect_dma semaphore(%arg16 : memref<!tpu.dma_semaphore, #tpu.memory_space<semaphore_mem>>) src(%dma_wait3A_782 : memref<128x32xf32, #tpu.memory_space<vmem>>) dst(%dma_wait3A_788 : memref<409600x32xf32, #tpu.memory_space<hbm>>)
      } else {
      }
      %lt3A_720 = arith.cmpi slt, %add3A_711, %select_n3A_478 : i32
      %convert_element_type3A_721 = arith.extui %lt3A_720 : i1 to i32
      %cond3A_722 = arith.constant 0 : i32
      %cond3A_723 = arith.cmpi ne, %convert_element_type3A_721, %cond3A_722 : i32
      scf.if %cond3A_723 {
        %dma_start3A = arith.constant 2 : i32
        %dma_start3A_777 = arith.constant 0 : i32
        %dma_start3A_778 = arith.constant 0 : i32
        %dma_start3A_779 = tpu.memref_slice %arg9[%dma_start3A, %dma_start3A_777, %dma_start3A_778] : memref<4x128x32xf32, #tpu.memory_space<vmem>> -> memref<1x128x32xf32, #tpu.memory_space<vmem>>
        %dma_start3A_780 = tpu.memref_squeeze %dma_start3A_779 : memref<1x128x32xf32, #tpu.memory_space<vmem>> -> memref<128x32xf32, #tpu.memory_space<vmem>>
        %dma_start3A_781 = arith.constant 0 : i32
        %dma_start3A_782 = tpu.memref_slice %arg7[%add3A_712, %dma_start3A_781] : memref<202x128xi32, #tpu.memory_space<vmem>> -> memref<1x128xi32, #tpu.memory_space<vmem>>
        %dma_start3A_783 = tpu.memref_squeeze %dma_start3A_782 : memref<1x128xi32, #tpu.memory_space<vmem>> -> memref<128xi32, #tpu.memory_space<vmem>>
        %dma_start3A_784 = arith.constant 0 : i32
        %dma_start3A_785 = arith.constant 0 : i32
        %dma_start3A_786 = tpu.memref_slice %arg4[%dma_start3A_784, %dma_start3A_785] : memref<500000x32xf32, #tpu.memory_space<hbm>> -> memref<500000x32xf32, #tpu.memory_space<hbm>>
        tpu.enqueue_indirect_dma source(%dma_start3A_786 : memref<500000x32xf32, #tpu.memory_space<hbm>>) target(%dma_start3A_780 : memref<128x32xf32, #tpu.memory_space<vmem>>) offsets(%dma_start3A_783 : memref<128xi32, #tpu.memory_space<vmem>>) semaphore(%arg12 : memref<!tpu.dma_semaphore, #tpu.memory_space<semaphore_mem>>)
      } else {
      }
      %mul3A_724 = arith.constant 4 : i32
      %mul3A_725 = arith.muli %while3A_675, %mul3A_724 : i32
      %add3A_726 = arith.constant 3 : i32
      %add3A_727 = arith.addi %mul3A_725, %add3A_726 : i32
      %add3A_728 = arith.addi %sub3A_454, %add3A_727 : i32
      %lt3A_729 = arith.cmpi slt, %add3A_727, %select_n3A_478 : i32
      %gt3A_730 = arith.constant 0 : i32
      %gt3A_731 = arith.cmpi sgt, %while3A_675, %gt3A_730 : i32
      %and3A_732 = arith.andi %lt3A_729, %gt3A_731 : i1
      %convert_element_type3A_733 = arith.extui %and3A_732 : i1 to i32
      %cond3A_734 = arith.constant 0 : i32
      %cond3A_735 = arith.cmpi ne, %convert_element_type3A_733, %cond3A_734 : i32
      scf.if %cond3A_735 {
        %sub3A_777 = arith.constant 4 : i32
        %sub3A_778 = arith.subi %add3A_728, %sub3A_777 : i32
        %dma_wait3A = arith.constant 3 : i32
        %dma_wait3A_779 = arith.constant 0 : i32
        %dma_wait3A_780 = arith.constant 0 : i32
        %dma_wait3A_781 = tpu.memref_slice %arg9[%dma_wait3A, %dma_wait3A_779, %dma_wait3A_780] : memref<4x128x32xf32, #tpu.memory_space<vmem>> -> memref<1x128x32xf32, #tpu.memory_space<vmem>>
        %dma_wait3A_782 = tpu.memref_squeeze %dma_wait3A_781 : memref<1x128x32xf32, #tpu.memory_space<vmem>> -> memref<128x32xf32, #tpu.memory_space<vmem>>
        %dma_wait3A_783 = arith.constant 0 : i32
        %dma_wait3A_784 = tpu.memref_slice %arg8[%sub3A_778, %dma_wait3A_783] : memref<202x128xi32, #tpu.memory_space<vmem>> -> memref<1x128xi32, #tpu.memory_space<vmem>>
        %dma_wait3A_785 = tpu.memref_squeeze %dma_wait3A_784 : memref<1x128xi32, #tpu.memory_space<vmem>> -> memref<128xi32, #tpu.memory_space<vmem>>
        %dma_wait3A_786 = arith.constant 0 : i32
        %dma_wait3A_787 = arith.constant 0 : i32
        %dma_wait3A_788 = tpu.memref_slice %arg5[%dma_wait3A_786, %dma_wait3A_787] : memref<409600x32xf32, #tpu.memory_space<hbm>> -> memref<409600x32xf32, #tpu.memory_space<hbm>>
        tpu.wait_indirect_dma semaphore(%arg17 : memref<!tpu.dma_semaphore, #tpu.memory_space<semaphore_mem>>) src(%dma_wait3A_782 : memref<128x32xf32, #tpu.memory_space<vmem>>) dst(%dma_wait3A_788 : memref<409600x32xf32, #tpu.memory_space<hbm>>)
      } else {
      }
      %lt3A_736 = arith.cmpi slt, %add3A_727, %select_n3A_478 : i32
      %convert_element_type3A_737 = arith.extui %lt3A_736 : i1 to i32
      %cond3A_738 = arith.constant 0 : i32
      %cond3A_739 = arith.cmpi ne, %convert_element_type3A_737, %cond3A_738 : i32
      scf.if %cond3A_739 {
        %dma_start3A = arith.constant 3 : i32
        %dma_start3A_777 = arith.constant 0 : i32
        %dma_start3A_778 = arith.constant 0 : i32
        %dma_start3A_779 = tpu.memref_slice %arg9[%dma_start3A, %dma_start3A_777, %dma_start3A_778] : memref<4x128x32xf32, #tpu.memory_space<vmem>> -> memref<1x128x32xf32, #tpu.memory_space<vmem>>
        %dma_start3A_780 = tpu.memref_squeeze %dma_start3A_779 : memref<1x128x32xf32, #tpu.memory_space<vmem>> -> memref<128x32xf32, #tpu.memory_space<vmem>>
        %dma_start3A_781 = arith.constant 0 : i32
        %dma_start3A_782 = tpu.memref_slice %arg7[%add3A_728, %dma_start3A_781] : memref<202x128xi32, #tpu.memory_space<vmem>> -> memref<1x128xi32, #tpu.memory_space<vmem>>
        %dma_start3A_783 = tpu.memref_squeeze %dma_start3A_782 : memref<1x128xi32, #tpu.memory_space<vmem>> -> memref<128xi32, #tpu.memory_space<vmem>>
        %dma_start3A_784 = arith.constant 0 : i32
        %dma_start3A_785 = arith.constant 0 : i32
        %dma_start3A_786 = tpu.memref_slice %arg4[%dma_start3A_784, %dma_start3A_785] : memref<500000x32xf32, #tpu.memory_space<hbm>> -> memref<500000x32xf32, #tpu.memory_space<hbm>>
        tpu.enqueue_indirect_dma source(%dma_start3A_786 : memref<500000x32xf32, #tpu.memory_space<hbm>>) target(%dma_start3A_780 : memref<128x32xf32, #tpu.memory_space<vmem>>) offsets(%dma_start3A_783 : memref<128xi32, #tpu.memory_space<vmem>>) semaphore(%arg13 : memref<!tpu.dma_semaphore, #tpu.memory_space<semaphore_mem>>)
      } else {
      }
      %mul3A_740 = arith.constant 4 : i32
      %mul3A_741 = arith.muli %while3A_675, %mul3A_740 : i32
      %add3A_742 = arith.constant 0 : i32
      %add3A_743 = arith.addi %mul3A_741, %add3A_742 : i32
      %add3A_744 = arith.addi %sub3A_454, %add3A_743 : i32
      %lt3A_745 = arith.cmpi slt, %add3A_743, %select_n3A_478 : i32
      %convert_element_type3A_746 = arith.extui %lt3A_745 : i1 to i32
      %cond3A_747 = arith.constant 0 : i32
      %cond3A_748 = arith.cmpi ne, %convert_element_type3A_746, %cond3A_747 : i32
      scf.if %cond3A_748 {
        %dma_wait3A = arith.constant 0 : i32
        %dma_wait3A_777 = arith.constant 0 : i32
        %dma_wait3A_778 = arith.constant 0 : i32
        %dma_wait3A_779 = tpu.memref_slice %arg9[%dma_wait3A, %dma_wait3A_777, %dma_wait3A_778] : memref<4x128x32xf32, #tpu.memory_space<vmem>> -> memref<1x128x32xf32, #tpu.memory_space<vmem>>
        %dma_wait3A_780 = tpu.memref_squeeze %dma_wait3A_779 : memref<1x128x32xf32, #tpu.memory_space<vmem>> -> memref<128x32xf32, #tpu.memory_space<vmem>>
        %dma_wait3A_781 = arith.constant 0 : i32
        %dma_wait3A_782 = tpu.memref_slice %arg7[%add3A_744, %dma_wait3A_781] : memref<202x128xi32, #tpu.memory_space<vmem>> -> memref<1x128xi32, #tpu.memory_space<vmem>>
        %dma_wait3A_783 = tpu.memref_squeeze %dma_wait3A_782 : memref<1x128xi32, #tpu.memory_space<vmem>> -> memref<128xi32, #tpu.memory_space<vmem>>
        %dma_wait3A_784 = arith.constant 0 : i32
        %dma_wait3A_785 = arith.constant 0 : i32
        %dma_wait3A_786 = tpu.memref_slice %arg4[%dma_wait3A_784, %dma_wait3A_785] : memref<500000x32xf32, #tpu.memory_space<hbm>> -> memref<500000x32xf32, #tpu.memory_space<hbm>>
        tpu.wait_indirect_dma semaphore(%arg10 : memref<!tpu.dma_semaphore, #tpu.memory_space<semaphore_mem>>) src(%dma_wait3A_786 : memref<500000x32xf32, #tpu.memory_space<hbm>>) dst(%dma_wait3A_780 : memref<128x32xf32, #tpu.memory_space<vmem>>)
        %dma_start3A = arith.constant 0 : i32
        %dma_start3A_787 = arith.constant 0 : i32
        %dma_start3A_788 = arith.constant 0 : i32
        %dma_start3A_789 = tpu.memref_slice %arg9[%dma_start3A, %dma_start3A_787, %dma_start3A_788] : memref<4x128x32xf32, #tpu.memory_space<vmem>> -> memref<1x128x32xf32, #tpu.memory_space<vmem>>
        %dma_start3A_790 = tpu.memref_squeeze %dma_start3A_789 : memref<1x128x32xf32, #tpu.memory_space<vmem>> -> memref<128x32xf32, #tpu.memory_space<vmem>>
        %dma_start3A_791 = arith.constant 0 : i32
        %dma_start3A_792 = tpu.memref_slice %arg8[%add3A_744, %dma_start3A_791] : memref<202x128xi32, #tpu.memory_space<vmem>> -> memref<1x128xi32, #tpu.memory_space<vmem>>
        %dma_start3A_793 = tpu.memref_squeeze %dma_start3A_792 : memref<1x128xi32, #tpu.memory_space<vmem>> -> memref<128xi32, #tpu.memory_space<vmem>>
        %dma_start3A_794 = arith.constant 0 : i32
        %dma_start3A_795 = arith.constant 0 : i32
        %dma_start3A_796 = tpu.memref_slice %arg5[%dma_start3A_794, %dma_start3A_795] : memref<409600x32xf32, #tpu.memory_space<hbm>> -> memref<409600x32xf32, #tpu.memory_space<hbm>>
        tpu.enqueue_indirect_dma source(%dma_start3A_790 : memref<128x32xf32, #tpu.memory_space<vmem>>) target(%dma_start3A_796 : memref<409600x32xf32, #tpu.memory_space<hbm>>) offsets(%dma_start3A_793 : memref<128xi32, #tpu.memory_space<vmem>>) semaphore(%arg14 : memref<!tpu.dma_semaphore, #tpu.memory_space<semaphore_mem>>)
      } else {
      }
      %mul3A_749 = arith.constant 4 : i32
      %mul3A_750 = arith.muli %while3A_675, %mul3A_749 : i32
      %add3A_751 = arith.constant 1 : i32
      %add3A_752 = arith.addi %mul3A_750, %add3A_751 : i32
      %add3A_753 = arith.addi %sub3A_454, %add3A_752 : i32
      %lt3A_754 = arith.cmpi slt, %add3A_752, %select_n3A_478 : i32
      %convert_element_type3A_755 = arith.extui %lt3A_754 : i1 to i32
      %cond3A_756 = arith.constant 0 : i32
      %cond3A_757 = arith.cmpi ne, %convert_element_type3A_755, %cond3A_756 : i32
      scf.if %cond3A_757 {
        %dma_wait3A = arith.constant 1 : i32
        %dma_wait3A_777 = arith.constant 0 : i32
        %dma_wait3A_778 = arith.constant 0 : i32
        %dma_wait3A_779 = tpu.memref_slice %arg9[%dma_wait3A, %dma_wait3A_777, %dma_wait3A_778] : memref<4x128x32xf32, #tpu.memory_space<vmem>> -> memref<1x128x32xf32, #tpu.memory_space<vmem>>
        %dma_wait3A_780 = tpu.memref_squeeze %dma_wait3A_779 : memref<1x128x32xf32, #tpu.memory_space<vmem>> -> memref<128x32xf32, #tpu.memory_space<vmem>>
        %dma_wait3A_781 = arith.constant 0 : i32
        %dma_wait3A_782 = tpu.memref_slice %arg7[%add3A_753, %dma_wait3A_781] : memref<202x128xi32, #tpu.memory_space<vmem>> -> memref<1x128xi32, #tpu.memory_space<vmem>>
        %dma_wait3A_783 = tpu.memref_squeeze %dma_wait3A_782 : memref<1x128xi32, #tpu.memory_space<vmem>> -> memref<128xi32, #tpu.memory_space<vmem>>
        %dma_wait3A_784 = arith.constant 0 : i32
        %dma_wait3A_785 = arith.constant 0 : i32
        %dma_wait3A_786 = tpu.memref_slice %arg4[%dma_wait3A_784, %dma_wait3A_785] : memref<500000x32xf32, #tpu.memory_space<hbm>> -> memref<500000x32xf32, #tpu.memory_space<hbm>>
        tpu.wait_indirect_dma semaphore(%arg11 : memref<!tpu.dma_semaphore, #tpu.memory_space<semaphore_mem>>) src(%dma_wait3A_786 : memref<500000x32xf32, #tpu.memory_space<hbm>>) dst(%dma_wait3A_780 : memref<128x32xf32, #tpu.memory_space<vmem>>)
        %dma_start3A = arith.constant 1 : i32
        %dma_start3A_787 = arith.constant 0 : i32
        %dma_start3A_788 = arith.constant 0 : i32
        %dma_start3A_789 = tpu.memref_slice %arg9[%dma_start3A, %dma_start3A_787, %dma_start3A_788] : memref<4x128x32xf32, #tpu.memory_space<vmem>> -> memref<1x128x32xf32, #tpu.memory_space<vmem>>
        %dma_start3A_790 = tpu.memref_squeeze %dma_start3A_789 : memref<1x128x32xf32, #tpu.memory_space<vmem>> -> memref<128x32xf32, #tpu.memory_space<vmem>>
        %dma_start3A_791 = arith.constant 0 : i32
        %dma_start3A_792 = tpu.memref_slice %arg8[%add3A_753, %dma_start3A_791] : memref<202x128xi32, #tpu.memory_space<vmem>> -> memref<1x128xi32, #tpu.memory_space<vmem>>
        %dma_start3A_793 = tpu.memref_squeeze %dma_start3A_792 : memref<1x128xi32, #tpu.memory_space<vmem>> -> memref<128xi32, #tpu.memory_space<vmem>>
        %dma_start3A_794 = arith.constant 0 : i32
        %dma_start3A_795 = arith.constant 0 : i32
        %dma_start3A_796 = tpu.memref_slice %arg5[%dma_start3A_794, %dma_start3A_795] : memref<409600x32xf32, #tpu.memory_space<hbm>> -> memref<409600x32xf32, #tpu.memory_space<hbm>>
        tpu.enqueue_indirect_dma source(%dma_start3A_790 : memref<128x32xf32, #tpu.memory_space<vmem>>) target(%dma_start3A_796 : memref<409600x32xf32, #tpu.memory_space<hbm>>) offsets(%dma_start3A_793 : memref<128xi32, #tpu.memory_space<vmem>>) semaphore(%arg15 : memref<!tpu.dma_semaphore, #tpu.memory_space<semaphore_mem>>)
      } else {
      }
      %mul3A_758 = arith.constant 4 : i32
      %mul3A_759 = arith.muli %while3A_675, %mul3A_758 : i32
      %add3A_760 = arith.constant 2 : i32
      %add3A_761 = arith.addi %mul3A_759, %add3A_760 : i32
      %add3A_762 = arith.addi %sub3A_454, %add3A_761 : i32
      %lt3A_763 = arith.cmpi slt, %add3A_761, %select_n3A_478 : i32
      %convert_element_type3A_764 = arith.extui %lt3A_763 : i1 to i32
      %cond3A_765 = arith.constant 0 : i32
      %cond3A_766 = arith.cmpi ne, %convert_element_type3A_764, %cond3A_765 : i32
      scf.if %cond3A_766 {
        %dma_wait3A = arith.constant 2 : i32
        %dma_wait3A_777 = arith.constant 0 : i32
        %dma_wait3A_778 = arith.constant 0 : i32
        %dma_wait3A_779 = tpu.memref_slice %arg9[%dma_wait3A, %dma_wait3A_777, %dma_wait3A_778] : memref<4x128x32xf32, #tpu.memory_space<vmem>> -> memref<1x128x32xf32, #tpu.memory_space<vmem>>
        %dma_wait3A_780 = tpu.memref_squeeze %dma_wait3A_779 : memref<1x128x32xf32, #tpu.memory_space<vmem>> -> memref<128x32xf32, #tpu.memory_space<vmem>>
        %dma_wait3A_781 = arith.constant 0 : i32
        %dma_wait3A_782 = tpu.memref_slice %arg7[%add3A_762, %dma_wait3A_781] : memref<202x128xi32, #tpu.memory_space<vmem>> -> memref<1x128xi32, #tpu.memory_space<vmem>>
        %dma_wait3A_783 = tpu.memref_squeeze %dma_wait3A_782 : memref<1x128xi32, #tpu.memory_space<vmem>> -> memref<128xi32, #tpu.memory_space<vmem>>
        %dma_wait3A_784 = arith.constant 0 : i32
        %dma_wait3A_785 = arith.constant 0 : i32
        %dma_wait3A_786 = tpu.memref_slice %arg4[%dma_wait3A_784, %dma_wait3A_785] : memref<500000x32xf32, #tpu.memory_space<hbm>> -> memref<500000x32xf32, #tpu.memory_space<hbm>>
        tpu.wait_indirect_dma semaphore(%arg12 : memref<!tpu.dma_semaphore, #tpu.memory_space<semaphore_mem>>) src(%dma_wait3A_786 : memref<500000x32xf32, #tpu.memory_space<hbm>>) dst(%dma_wait3A_780 : memref<128x32xf32, #tpu.memory_space<vmem>>)
        %dma_start3A = arith.constant 2 : i32
        %dma_start3A_787 = arith.constant 0 : i32
        %dma_start3A_788 = arith.constant 0 : i32
        %dma_start3A_789 = tpu.memref_slice %arg9[%dma_start3A, %dma_start3A_787, %dma_start3A_788] : memref<4x128x32xf32, #tpu.memory_space<vmem>> -> memref<1x128x32xf32, #tpu.memory_space<vmem>>
        %dma_start3A_790 = tpu.memref_squeeze %dma_start3A_789 : memref<1x128x32xf32, #tpu.memory_space<vmem>> -> memref<128x32xf32, #tpu.memory_space<vmem>>
        %dma_start3A_791 = arith.constant 0 : i32
        %dma_start3A_792 = tpu.memref_slice %arg8[%add3A_762, %dma_start3A_791] : memref<202x128xi32, #tpu.memory_space<vmem>> -> memref<1x128xi32, #tpu.memory_space<vmem>>
        %dma_start3A_793 = tpu.memref_squeeze %dma_start3A_792 : memref<1x128xi32, #tpu.memory_space<vmem>> -> memref<128xi32, #tpu.memory_space<vmem>>
        %dma_start3A_794 = arith.constant 0 : i32
        %dma_start3A_795 = arith.constant 0 : i32
        %dma_start3A_796 = tpu.memref_slice %arg5[%dma_start3A_794, %dma_start3A_795] : memref<409600x32xf32, #tpu.memory_space<hbm>> -> memref<409600x32xf32, #tpu.memory_space<hbm>>
        tpu.enqueue_indirect_dma source(%dma_start3A_790 : memref<128x32xf32, #tpu.memory_space<vmem>>) target(%dma_start3A_796 : memref<409600x32xf32, #tpu.memory_space<hbm>>) offsets(%dma_start3A_793 : memref<128xi32, #tpu.memory_space<vmem>>) semaphore(%arg16 : memref<!tpu.dma_semaphore, #tpu.memory_space<semaphore_mem>>)
      } else {
      }
      %mul3A_767 = arith.constant 4 : i32
      %mul3A_768 = arith.muli %while3A_675, %mul3A_767 : i32
      %add3A_769 = arith.constant 3 : i32
      %add3A_770 = arith.addi %mul3A_768, %add3A_769 : i32
      %add3A_771 = arith.addi %sub3A_454, %add3A_770 : i32
      %lt3A_772 = arith.cmpi slt, %add3A_770, %select_n3A_478 : i32
      %convert_element_type3A_773 = arith.extui %lt3A_772 : i1 to i32
      %cond3A_774 = arith.constant 0 : i32
      %cond3A_775 = arith.cmpi ne, %convert_element_type3A_773, %cond3A_774 : i32
      scf.if %cond3A_775 {
        %dma_wait3A = arith.constant 3 : i32
        %dma_wait3A_777 = arith.constant 0 : i32
        %dma_wait3A_778 = arith.constant 0 : i32
        %dma_wait3A_779 = tpu.memref_slice %arg9[%dma_wait3A, %dma_wait3A_777, %dma_wait3A_778] : memref<4x128x32xf32, #tpu.memory_space<vmem>> -> memref<1x128x32xf32, #tpu.memory_space<vmem>>
        %dma_wait3A_780 = tpu.memref_squeeze %dma_wait3A_779 : memref<1x128x32xf32, #tpu.memory_space<vmem>> -> memref<128x32xf32, #tpu.memory_space<vmem>>
        %dma_wait3A_781 = arith.constant 0 : i32
        %dma_wait3A_782 = tpu.memref_slice %arg7[%add3A_771, %dma_wait3A_781] : memref<202x128xi32, #tpu.memory_space<vmem>> -> memref<1x128xi32, #tpu.memory_space<vmem>>
        %dma_wait3A_783 = tpu.memref_squeeze %dma_wait3A_782 : memref<1x128xi32, #tpu.memory_space<vmem>> -> memref<128xi32, #tpu.memory_space<vmem>>
        %dma_wait3A_784 = arith.constant 0 : i32
        %dma_wait3A_785 = arith.constant 0 : i32
        %dma_wait3A_786 = tpu.memref_slice %arg4[%dma_wait3A_784, %dma_wait3A_785] : memref<500000x32xf32, #tpu.memory_space<hbm>> -> memref<500000x32xf32, #tpu.memory_space<hbm>>
        tpu.wait_indirect_dma semaphore(%arg13 : memref<!tpu.dma_semaphore, #tpu.memory_space<semaphore_mem>>) src(%dma_wait3A_786 : memref<500000x32xf32, #tpu.memory_space<hbm>>) dst(%dma_wait3A_780 : memref<128x32xf32, #tpu.memory_space<vmem>>)
        %dma_start3A = arith.constant 3 : i32
        %dma_start3A_787 = arith.constant 0 : i32
        %dma_start3A_788 = arith.constant 0 : i32
        %dma_start3A_789 = tpu.memref_slice %arg9[%dma_start3A, %dma_start3A_787, %dma_start3A_788] : memref<4x128x32xf32, #tpu.memory_space<vmem>> -> memref<1x128x32xf32, #tpu.memory_space<vmem>>
        %dma_start3A_790 = tpu.memref_squeeze %dma_start3A_789 : memref<1x128x32xf32, #tpu.memory_space<vmem>> -> memref<128x32xf32, #tpu.memory_space<vmem>>
        %dma_start3A_791 = arith.constant 0 : i32
        %dma_start3A_792 = tpu.memref_slice %arg8[%add3A_771, %dma_start3A_791] : memref<202x128xi32, #tpu.memory_space<vmem>> -> memref<1x128xi32, #tpu.memory_space<vmem>>
        %dma_start3A_793 = tpu.memref_squeeze %dma_start3A_792 : memref<1x128xi32, #tpu.memory_space<vmem>> -> memref<128xi32, #tpu.memory_space<vmem>>
        %dma_start3A_794 = arith.constant 0 : i32
        %dma_start3A_795 = arith.constant 0 : i32
        %dma_start3A_796 = tpu.memref_slice %arg5[%dma_start3A_794, %dma_start3A_795] : memref<409600x32xf32, #tpu.memory_space<hbm>> -> memref<409600x32xf32, #tpu.memory_space<hbm>>
        tpu.enqueue_indirect_dma source(%dma_start3A_790 : memref<128x32xf32, #tpu.memory_space<vmem>>) target(%dma_start3A_796 : memref<409600x32xf32, #tpu.memory_space<hbm>>) offsets(%dma_start3A_793 : memref<128xi32, #tpu.memory_space<vmem>>) semaphore(%arg17 : memref<!tpu.dma_semaphore, #tpu.memory_space<semaphore_mem>>)
      } else {
      }
      %while3A_776 = arith.constant 0 : i32
      scf.yield %while3A_776 : i32
    }
    %while3A_517 = arith.constant 1 : i32
    %while3A_518 = scf.for %while3A_675 = %while3A_514 to %while3A_510 step %while3A_517 iter_args(%while3A_676 = %while3A_516) -> (i32)  : i32 {
      %mul3A_677 = arith.constant 4 : i32
      %mul3A_678 = arith.muli %while3A_675, %mul3A_677 : i32
      %add3A_679 = arith.constant 0 : i32
      %add3A_680 = arith.addi %mul3A_678, %add3A_679 : i32
      %add3A_681 = arith.addi %sub3A_454, %add3A_680 : i32
      %lt3A = arith.cmpi slt, %add3A_680, %select_n3A_478 : i32
      %gt3A_682 = arith.constant 0 : i32
      %gt3A_683 = arith.cmpi sgt, %while3A_675, %gt3A_682 : i32
      %and3A_684 = arith.andi %lt3A, %gt3A_683 : i1
      %convert_element_type3A_685 = arith.extui %and3A_684 : i1 to i32
      %cond3A_686 = arith.constant 0 : i32
      %cond3A_687 = arith.cmpi ne, %convert_element_type3A_685, %cond3A_686 : i32
      scf.if %cond3A_687 {
        %sub3A_777 = arith.constant 4 : i32
        %sub3A_778 = arith.subi %add3A_681, %sub3A_777 : i32
        %dma_wait3A = arith.constant 0 : i32
        %dma_wait3A_779 = arith.constant 0 : i32
        %dma_wait3A_780 = arith.constant 0 : i32
        %dma_wait3A_781 = tpu.memref_slice %arg9[%dma_wait3A, %dma_wait3A_779, %dma_wait3A_780] : memref<4x128x32xf32, #tpu.memory_space<vmem>> -> memref<1x128x32xf32, #tpu.memory_space<vmem>>
        %dma_wait3A_782 = tpu.memref_squeeze %dma_wait3A_781 : memref<1x128x32xf32, #tpu.memory_space<vmem>> -> memref<128x32xf32, #tpu.memory_space<vmem>>
        %dma_wait3A_783 = arith.constant 0 : i32
        %dma_wait3A_784 = tpu.memref_slice %arg8[%sub3A_778, %dma_wait3A_783] : memref<202x128xi32, #tpu.memory_space<vmem>> -> memref<1x128xi32, #tpu.memory_space<vmem>>
        %dma_wait3A_785 = tpu.memref_squeeze %dma_wait3A_784 : memref<1x128xi32, #tpu.memory_space<vmem>> -> memref<128xi32, #tpu.memory_space<vmem>>
        %dma_wait3A_786 = arith.constant 0 : i32
        %dma_wait3A_787 = arith.constant 0 : i32
        %dma_wait3A_788 = tpu.memref_slice %arg5[%dma_wait3A_786, %dma_wait3A_787] : memref<409600x32xf32, #tpu.memory_space<hbm>> -> memref<409600x32xf32, #tpu.memory_space<hbm>>
        tpu.wait_indirect_dma semaphore(%arg14 : memref<!tpu.dma_semaphore, #tpu.memory_space<semaphore_mem>>) src(%dma_wait3A_782 : memref<128x32xf32, #tpu.memory_space<vmem>>) dst(%dma_wait3A_788 : memref<409600x32xf32, #tpu.memory_space<hbm>>)
      } else {
      }
      %lt3A_688 = arith.cmpi slt, %add3A_680, %select_n3A_478 : i32
      %convert_element_type3A_689 = arith.extui %lt3A_688 : i1 to i32
      %cond3A_690 = arith.constant 0 : i32
      %cond3A_691 = arith.cmpi ne, %convert_element_type3A_689, %cond3A_690 : i32
      scf.if %cond3A_691 {
        %dma_start3A = arith.constant 0 : i32
        %dma_start3A_777 = arith.constant 0 : i32
        %dma_start3A_778 = arith.constant 0 : i32
        %dma_start3A_779 = tpu.memref_slice %arg9[%dma_start3A, %dma_start3A_777, %dma_start3A_778] : memref<4x128x32xf32, #tpu.memory_space<vmem>> -> memref<1x128x32xf32, #tpu.memory_space<vmem>>
        %dma_start3A_780 = tpu.memref_squeeze %dma_start3A_779 : memref<1x128x32xf32, #tpu.memory_space<vmem>> -> memref<128x32xf32, #tpu.memory_space<vmem>>
        %dma_start3A_781 = arith.constant 0 : i32
        %dma_start3A_782 = tpu.memref_slice %arg7[%add3A_681, %dma_start3A_781] : memref<202x128xi32, #tpu.memory_space<vmem>> -> memref<1x128xi32, #tpu.memory_space<vmem>>
        %dma_start3A_783 = tpu.memref_squeeze %dma_start3A_782 : memref<1x128xi32, #tpu.memory_space<vmem>> -> memref<128xi32, #tpu.memory_space<vmem>>
        %dma_start3A_784 = arith.constant 0 : i32
        %dma_start3A_785 = arith.constant 0 : i32
        %dma_start3A_786 = tpu.memref_slice %arg4[%dma_start3A_784, %dma_start3A_785] : memref<500000x32xf32, #tpu.memory_space<hbm>> -> memref<500000x32xf32, #tpu.memory_space<hbm>>
        tpu.enqueue_indirect_dma source(%dma_start3A_786 : memref<500000x32xf32, #tpu.memory_space<hbm>>) target(%dma_start3A_780 : memref<128x32xf32, #tpu.memory_space<vmem>>) offsets(%dma_start3A_783 : memref<128xi32, #tpu.memory_space<vmem>>) semaphore(%arg10 : memref<!tpu.dma_semaphore, #tpu.memory_space<semaphore_mem>>)
      } else {
      }
      %mul3A_692 = arith.constant 4 : i32
      %mul3A_693 = arith.muli %while3A_675, %mul3A_692 : i32
      %add3A_694 = arith.constant 1 : i32
      %add3A_695 = arith.addi %mul3A_693, %add3A_694 : i32
      %add3A_696 = arith.addi %sub3A_454, %add3A_695 : i32
      %lt3A_697 = arith.cmpi slt, %add3A_695, %select_n3A_478 : i32
      %gt3A_698 = arith.constant 0 : i32
      %gt3A_699 = arith.cmpi sgt, %while3A_675, %gt3A_698 : i32
      %and3A_700 = arith.andi %lt3A_697, %gt3A_699 : i1
      %convert_element_type3A_701 = arith.extui %and3A_700 : i1 to i32
      %cond3A_702 = arith.constant 0 : i32
      %cond3A_703 = arith.cmpi ne, %convert_element_type3A_701, %cond3A_702 : i32
      scf.if %cond3A_703 {
        %sub3A_777 = arith.constant 4 : i32
        %sub3A_778 = arith.subi %add3A_696, %sub3A_777 : i32
        %dma_wait3A = arith.constant 1 : i32
        %dma_wait3A_779 = arith.constant 0 : i32
        %dma_wait3A_780 = arith.constant 0 : i32
        %dma_wait3A_781 = tpu.memref_slice %arg9[%dma_wait3A, %dma_wait3A_779, %dma_wait3A_780] : memref<4x128x32xf32, #tpu.memory_space<vmem>> -> memref<1x128x32xf32, #tpu.memory_space<vmem>>
        %dma_wait3A_782 = tpu.memref_squeeze %dma_wait3A_781 : memref<1x128x32xf32, #tpu.memory_space<vmem>> -> memref<128x32xf32, #tpu.memory_space<vmem>>
        %dma_wait3A_783 = arith.constant 0 : i32
        %dma_wait3A_784 = tpu.memref_slice %arg8[%sub3A_778, %dma_wait3A_783] : memref<202x128xi32, #tpu.memory_space<vmem>> -> memref<1x128xi32, #tpu.memory_space<vmem>>
        %dma_wait3A_785 = tpu.memref_squeeze %dma_wait3A_784 : memref<1x128xi32, #tpu.memory_space<vmem>> -> memref<128xi32, #tpu.memory_space<vmem>>
        %dma_wait3A_786 = arith.constant 0 : i32
        %dma_wait3A_787 = arith.constant 0 : i32
        %dma_wait3A_788 = tpu.memref_slice %arg5[%dma_wait3A_786, %dma_wait3A_787] : memref<409600x32xf32, #tpu.memory_space<hbm>> -> memref<409600x32xf32, #tpu.memory_space<hbm>>
        tpu.wait_indirect_dma semaphore(%arg15 : memref<!tpu.dma_semaphore, #tpu.memory_space<semaphore_mem>>) src(%dma_wait3A_782 : memref<128x32xf32, #tpu.memory_space<vmem>>) dst(%dma_wait3A_788 : memref<409600x32xf32, #tpu.memory_space<hbm>>)
      } else {
      }
      %lt3A_704 = arith.cmpi slt, %add3A_695, %select_n3A_478 : i32
      %convert_element_type3A_705 = arith.extui %lt3A_704 : i1 to i32
      %cond3A_706 = arith.constant 0 : i32
      %cond3A_707 = arith.cmpi ne, %convert_element_type3A_705, %cond3A_706 : i32
      scf.if %cond3A_707 {
        %dma_start3A = arith.constant 1 : i32
        %dma_start3A_777 = arith.constant 0 : i32
        %dma_start3A_778 = arith.constant 0 : i32
        %dma_start3A_779 = tpu.memref_slice %arg9[%dma_start3A, %dma_start3A_777, %dma_start3A_778] : memref<4x128x32xf32, #tpu.memory_space<vmem>> -> memref<1x128x32xf32, #tpu.memory_space<vmem>>
        %dma_start3A_780 = tpu.memref_squeeze %dma_start3A_779 : memref<1x128x32xf32, #tpu.memory_space<vmem>> -> memref<128x32xf32, #tpu.memory_space<vmem>>
        %dma_start3A_781 = arith.constant 0 : i32
        %dma_start3A_782 = tpu.memref_slice %arg7[%add3A_696, %dma_start3A_781] : memref<202x128xi32, #tpu.memory_space<vmem>> -> memref<1x128xi32, #tpu.memory_space<vmem>>
        %dma_start3A_783 = tpu.memref_squeeze %dma_start3A_782 : memref<1x128xi32, #tpu.memory_space<vmem>> -> memref<128xi32, #tpu.memory_space<vmem>>
        %dma_start3A_784 = arith.constant 0 : i32
        %dma_start3A_785 = arith.constant 0 : i32
        %dma_start3A_786 = tpu.memref_slice %arg4[%dma_start3A_784, %dma_start3A_785] : memref<500000x32xf32, #tpu.memory_space<hbm>> -> memref<500000x32xf32, #tpu.memory_space<hbm>>
        tpu.enqueue_indirect_dma source(%dma_start3A_786 : memref<500000x32xf32, #tpu.memory_space<hbm>>) target(%dma_start3A_780 : memref<128x32xf32, #tpu.memory_space<vmem>>) offsets(%dma_start3A_783 : memref<128xi32, #tpu.memory_space<vmem>>) semaphore(%arg11 : memref<!tpu.dma_semaphore, #tpu.memory_space<semaphore_mem>>)
      } else {
      }
      %mul3A_708 = arith.constant 4 : i32
      %mul3A_709 = arith.muli %while3A_675, %mul3A_708 : i32
      %add3A_710 = arith.constant 2 : i32
      %add3A_711 = arith.addi %mul3A_709, %add3A_710 : i32
      %add3A_712 = arith.addi %sub3A_454, %add3A_711 : i32
      %lt3A_713 = arith.cmpi slt, %add3A_711, %select_n3A_478 : i32
      %gt3A_714 = arith.constant 0 : i32
      %gt3A_715 = arith.cmpi sgt, %while3A_675, %gt3A_714 : i32
      %and3A_716 = arith.andi %lt3A_713, %gt3A_715 : i1
      %convert_element_type3A_717 = arith.extui %and3A_716 : i1 to i32
      %cond3A_718 = arith.constant 0 : i32
      %cond3A_719 = arith.cmpi ne, %convert_element_type3A_717, %cond3A_718 : i32
      scf.if %cond3A_719 {
        %sub3A_777 = arith.constant 4 : i32
        %sub3A_778 = arith.subi %add3A_712, %sub3A_777 : i32
        %dma_wait3A = arith.constant 2 : i32
        %dma_wait3A_779 = arith.constant 0 : i32
        %dma_wait3A_780 = arith.constant 0 : i32
        %dma_wait3A_781 = tpu.memref_slice %arg9[%dma_wait3A, %dma_wait3A_779, %dma_wait3A_780] : memref<4x128x32xf32, #tpu.memory_space<vmem>> -> memref<1x128x32xf32, #tpu.memory_space<vmem>>
        %dma_wait3A_782 = tpu.memref_squeeze %dma_wait3A_781 : memref<1x128x32xf32, #tpu.memory_space<vmem>> -> memref<128x32xf32, #tpu.memory_space<vmem>>
        %dma_wait3A_783 = arith.constant 0 : i32
        %dma_wait3A_784 = tpu.memref_slice %arg8[%sub3A_778, %dma_wait3A_783] : memref<202x128xi32, #tpu.memory_space<vmem>> -> memref<1x128xi32, #tpu.memory_space<vmem>>
        %dma_wait3A_785 = tpu.memref_squeeze %dma_wait3A_784 : memref<1x128xi32, #tpu.memory_space<vmem>> -> memref<128xi32, #tpu.memory_space<vmem>>
        %dma_wait3A_786 = arith.constant 0 : i32
        %dma_wait3A_787 = arith.constant 0 : i32
        %dma_wait3A_788 = tpu.memref_slice %arg5[%dma_wait3A_786, %dma_wait3A_787] : memref<409600x32xf32, #tpu.memory_space<hbm>> -> memref<409600x32xf32, #tpu.memory_space<hbm>>
        tpu.wait_indirect_dma semaphore(%arg16 : memref<!tpu.dma_semaphore, #tpu.memory_space<semaphore_mem>>) src(%dma_wait3A_782 : memref<128x32xf32, #tpu.memory_space<vmem>>) dst(%dma_wait3A_788 : memref<409600x32xf32, #tpu.memory_space<hbm>>)
      } else {
      }
      %lt3A_720 = arith.cmpi slt, %add3A_711, %select_n3A_478 : i32
      %convert_element_type3A_721 = arith.extui %lt3A_720 : i1 to i32
      %cond3A_722 = arith.constant 0 : i32
      %cond3A_723 = arith.cmpi ne, %convert_element_type3A_721, %cond3A_722 : i32
      scf.if %cond3A_723 {
        %dma_start3A = arith.constant 2 : i32
        %dma_start3A_777 = arith.constant 0 : i32
        %dma_start3A_778 = arith.constant 0 : i32
        %dma_start3A_779 = tpu.memref_slice %arg9[%dma_start3A, %dma_start3A_777, %dma_start3A_778] : memref<4x128x32xf32, #tpu.memory_space<vmem>> -> memref<1x128x32xf32, #tpu.memory_space<vmem>>
        %dma_start3A_780 = tpu.memref_squeeze %dma_start3A_779 : memref<1x128x32xf32, #tpu.memory_space<vmem>> -> memref<128x32xf32, #tpu.memory_space<vmem>>
        %dma_start3A_781 = arith.constant 0 : i32
        %dma_start3A_782 = tpu.memref_slice %arg7[%add3A_712, %dma_start3A_781] : memref<202x128xi32, #tpu.memory_space<vmem>> -> memref<1x128xi32, #tpu.memory_space<vmem>>
        %dma_start3A_783 = tpu.memref_squeeze %dma_start3A_782 : memref<1x128xi32, #tpu.memory_space<vmem>> -> memref<128xi32, #tpu.memory_space<vmem>>
        %dma_start3A_784 = arith.constant 0 : i32
        %dma_start3A_785 = arith.constant 0 : i32
        %dma_start3A_786 = tpu.memref_slice %arg4[%dma_start3A_784, %dma_start3A_785] : memref<500000x32xf32, #tpu.memory_space<hbm>> -> memref<500000x32xf32, #tpu.memory_space<hbm>>
        tpu.enqueue_indirect_dma source(%dma_start3A_786 : memref<500000x32xf32, #tpu.memory_space<hbm>>) target(%dma_start3A_780 : memref<128x32xf32, #tpu.memory_space<vmem>>) offsets(%dma_start3A_783 : memref<128xi32, #tpu.memory_space<vmem>>) semaphore(%arg12 : memref<!tpu.dma_semaphore, #tpu.memory_space<semaphore_mem>>)
      } else {
      }
      %mul3A_724 = arith.constant 4 : i32
      %mul3A_725 = arith.muli %while3A_675, %mul3A_724 : i32
      %add3A_726 = arith.constant 3 : i32
      %add3A_727 = arith.addi %mul3A_725, %add3A_726 : i32
      %add3A_728 = arith.addi %sub3A_454, %add3A_727 : i32
      %lt3A_729 = arith.cmpi slt, %add3A_727, %select_n3A_478 : i32
      %gt3A_730 = arith.constant 0 : i32
      %gt3A_731 = arith.cmpi sgt, %while3A_675, %gt3A_730 : i32
      %and3A_732 = arith.andi %lt3A_729, %gt3A_731 : i1
      %convert_element_type3A_733 = arith.extui %and3A_732 : i1 to i32
      %cond3A_734 = arith.constant 0 : i32
      %cond3A_735 = arith.cmpi ne, %convert_element_type3A_733, %cond3A_734 : i32
      scf.if %cond3A_735 {
        %sub3A_777 = arith.constant 4 : i32
        %sub3A_778 = arith.subi %add3A_728, %sub3A_777 : i32
        %dma_wait3A = arith.constant 3 : i32
        %dma_wait3A_779 = arith.constant 0 : i32
        %dma_wait3A_780 = arith.constant 0 : i32
        %dma_wait3A_781 = tpu.memref_slice %arg9[%dma_wait3A, %dma_wait3A_779, %dma_wait3A_780] : memref<4x128x32xf32, #tpu.memory_space<vmem>> -> memref<1x128x32xf32, #tpu.memory_space<vmem>>
        %dma_wait3A_782 = tpu.memref_squeeze %dma_wait3A_781 : memref<1x128x32xf32, #tpu.memory_space<vmem>> -> memref<128x32xf32, #tpu.memory_space<vmem>>
        %dma_wait3A_783 = arith.constant 0 : i32
        %dma_wait3A_784 = tpu.memref_slice %arg8[%sub3A_778, %dma_wait3A_783] : memref<202x128xi32, #tpu.memory_space<vmem>> -> memref<1x128xi32, #tpu.memory_space<vmem>>
        %dma_wait3A_785 = tpu.memref_squeeze %dma_wait3A_784 : memref<1x128xi32, #tpu.memory_space<vmem>> -> memref<128xi32, #tpu.memory_space<vmem>>
        %dma_wait3A_786 = arith.constant 0 : i32
        %dma_wait3A_787 = arith.constant 0 : i32
        %dma_wait3A_788 = tpu.memref_slice %arg5[%dma_wait3A_786, %dma_wait3A_787] : memref<409600x32xf32, #tpu.memory_space<hbm>> -> memref<409600x32xf32, #tpu.memory_space<hbm>>
        tpu.wait_indirect_dma semaphore(%arg17 : memref<!tpu.dma_semaphore, #tpu.memory_space<semaphore_mem>>) src(%dma_wait3A_782 : memref<128x32xf32, #tpu.memory_space<vmem>>) dst(%dma_wait3A_788 : memref<409600x32xf32, #tpu.memory_space<hbm>>)
      } else {
      }
      %lt3A_736 = arith.cmpi slt, %add3A_727, %select_n3A_478 : i32
      %convert_element_type3A_737 = arith.extui %lt3A_736 : i1 to i32
      %cond3A_738 = arith.constant 0 : i32
      %cond3A_739 = arith.cmpi ne, %convert_element_type3A_737, %cond3A_738 : i32
      scf.if %cond3A_739 {
        %dma_start3A = arith.constant 3 : i32
        %dma_start3A_777 = arith.constant 0 : i32
        %dma_start3A_778 = arith.constant 0 : i32
        %dma_start3A_779 = tpu.memref_slice %arg9[%dma_start3A, %dma_start3A_777, %dma_start3A_778] : memref<4x128x32xf32, #tpu.memory_space<vmem>> -> memref<1x128x32xf32, #tpu.memory_space<vmem>>
        %dma_start3A_780 = tpu.memref_squeeze %dma_start3A_779 : memref<1x128x32xf32, #tpu.memory_space<vmem>> -> memref<128x32xf32, #tpu.memory_space<vmem>>
        %dma_start3A_781 = arith.constant 0 : i32
        %dma_start3A_782 = tpu.memref_slice %arg7[%add3A_728, %dma_start3A_781] : memref<202x128xi32, #tpu.memory_space<vmem>> -> memref<1x128xi32, #tpu.memory_space<vmem>>
        %dma_start3A_783 = tpu.memref_squeeze %dma_start3A_782 : memref<1x128xi32, #tpu.memory_space<vmem>> -> memref<128xi32, #tpu.memory_space<vmem>>
        %dma_start3A_784 = arith.constant 0 : i32
        %dma_start3A_785 = arith.constant 0 : i32
        %dma_start3A_786 = tpu.memref_slice %arg4[%dma_start3A_784, %dma_start3A_785] : memref<500000x32xf32, #tpu.memory_space<hbm>> -> memref<500000x32xf32, #tpu.memory_space<hbm>>
        tpu.enqueue_indirect_dma source(%dma_start3A_786 : memref<500000x32xf32, #tpu.memory_space<hbm>>) target(%dma_start3A_780 : memref<128x32xf32, #tpu.memory_space<vmem>>) offsets(%dma_start3A_783 : memref<128xi32, #tpu.memory_space<vmem>>) semaphore(%arg13 : memref<!tpu.dma_semaphore, #tpu.memory_space<semaphore_mem>>)
      } else {
      }
      %mul3A_740 = arith.constant 4 : i32
      %mul3A_741 = arith.muli %while3A_675, %mul3A_740 : i32
      %add3A_742 = arith.constant 0 : i32
      %add3A_743 = arith.addi %mul3A_741, %add3A_742 : i32
      %add3A_744 = arith.addi %sub3A_454, %add3A_743 : i32
      %lt3A_745 = arith.cmpi slt, %add3A_743, %select_n3A_478 : i32
      %convert_element_type3A_746 = arith.extui %lt3A_745 : i1 to i32
      %cond3A_747 = arith.constant 0 : i32
      %cond3A_748 = arith.cmpi ne, %convert_element_type3A_746, %cond3A_747 : i32
      scf.if %cond3A_748 {
        %dma_wait3A = arith.constant 0 : i32
        %dma_wait3A_777 = arith.constant 0 : i32
        %dma_wait3A_778 = arith.constant 0 : i32
        %dma_wait3A_779 = tpu.memref_slice %arg9[%dma_wait3A, %dma_wait3A_777, %dma_wait3A_778] : memref<4x128x32xf32, #tpu.memory_space<vmem>> -> memref<1x128x32xf32, #tpu.memory_space<vmem>>
        %dma_wait3A_780 = tpu.memref_squeeze %dma_wait3A_779 : memref<1x128x32xf32, #tpu.memory_space<vmem>> -> memref<128x32xf32, #tpu.memory_space<vmem>>
        %dma_wait3A_781 = arith.constant 0 : i32
        %dma_wait3A_782 = tpu.memref_slice %arg7[%add3A_744, %dma_wait3A_781] : memref<202x128xi32, #tpu.memory_space<vmem>> -> memref<1x128xi32, #tpu.memory_space<vmem>>
        %dma_wait3A_783 = tpu.memref_squeeze %dma_wait3A_782 : memref<1x128xi32, #tpu.memory_space<vmem>> -> memref<128xi32, #tpu.memory_space<vmem>>
        %dma_wait3A_784 = arith.constant 0 : i32
        %dma_wait3A_785 = arith.constant 0 : i32
        %dma_wait3A_786 = tpu.memref_slice %arg4[%dma_wait3A_784, %dma_wait3A_785] : memref<500000x32xf32, #tpu.memory_space<hbm>> -> memref<500000x32xf32, #tpu.memory_space<hbm>>
        tpu.wait_indirect_dma semaphore(%arg10 : memref<!tpu.dma_semaphore, #tpu.memory_space<semaphore_mem>>) src(%dma_wait3A_786 : memref<500000x32xf32, #tpu.memory_space<hbm>>) dst(%dma_wait3A_780 : memref<128x32xf32, #tpu.memory_space<vmem>>)
        %dma_start3A = arith.constant 0 : i32
        %dma_start3A_787 = arith.constant 0 : i32
        %dma_start3A_788 = arith.constant 0 : i32
        %dma_start3A_789 = tpu.memref_slice %arg9[%dma_start3A, %dma_start3A_787, %dma_start3A_788] : memref<4x128x32xf32, #tpu.memory_space<vmem>> -> memref<1x128x32xf32, #tpu.memory_space<vmem>>
        %dma_start3A_790 = tpu.memref_squeeze %dma_start3A_789 : memref<1x128x32xf32, #tpu.memory_space<vmem>> -> memref<128x32xf32, #tpu.memory_space<vmem>>
        %dma_start3A_791 = arith.constant 0 : i32
        %dma_start3A_792 = tpu.memref_slice %arg8[%add3A_744, %dma_start3A_791] : memref<202x128xi32, #tpu.memory_space<vmem>> -> memref<1x128xi32, #tpu.memory_space<vmem>>
        %dma_start3A_793 = tpu.memref_squeeze %dma_start3A_792 : memref<1x128xi32, #tpu.memory_space<vmem>> -> memref<128xi32, #tpu.memory_space<vmem>>
        %dma_start3A_794 = arith.constant 0 : i32
        %dma_start3A_795 = arith.constant 0 : i32
        %dma_start3A_796 = tpu.memref_slice %arg5[%dma_start3A_794, %dma_start3A_795] : memref<409600x32xf32, #tpu.memory_space<hbm>> -> memref<409600x32xf32, #tpu.memory_space<hbm>>
        tpu.enqueue_indirect_dma source(%dma_start3A_790 : memref<128x32xf32, #tpu.memory_space<vmem>>) target(%dma_start3A_796 : memref<409600x32xf32, #tpu.memory_space<hbm>>) offsets(%dma_start3A_793 : memref<128xi32, #tpu.memory_space<vmem>>) semaphore(%arg14 : memref<!tpu.dma_semaphore, #tpu.memory_space<semaphore_mem>>)
      } else {
      }
      %mul3A_749 = arith.constant 4 : i32
      %mul3A_750 = arith.muli %while3A_675, %mul3A_749 : i32
      %add3A_751 = arith.constant 1 : i32
      %add3A_752 = arith.addi %mul3A_750, %add3A_751 : i32
      %add3A_753 = arith.addi %sub3A_454, %add3A_752 : i32
      %lt3A_754 = arith.cmpi slt, %add3A_752, %select_n3A_478 : i32
      %convert_element_type3A_755 = arith.extui %lt3A_754 : i1 to i32
      %cond3A_756 = arith.constant 0 : i32
      %cond3A_757 = arith.cmpi ne, %convert_element_type3A_755, %cond3A_756 : i32
      scf.if %cond3A_757 {
        %dma_wait3A = arith.constant 1 : i32
        %dma_wait3A_777 = arith.constant 0 : i32
        %dma_wait3A_778 = arith.constant 0 : i32
        %dma_wait3A_779 = tpu.memref_slice %arg9[%dma_wait3A, %dma_wait3A_777, %dma_wait3A_778] : memref<4x128x32xf32, #tpu.memory_space<vmem>> -> memref<1x128x32xf32, #tpu.memory_space<vmem>>
        %dma_wait3A_780 = tpu.memref_squeeze %dma_wait3A_779 : memref<1x128x32xf32, #tpu.memory_space<vmem>> -> memref<128x32xf32, #tpu.memory_space<vmem>>
        %dma_wait3A_781 = arith.constant 0 : i32
        %dma_wait3A_782 = tpu.memref_slice %arg7[%add3A_753, %dma_wait3A_781] : memref<202x128xi32, #tpu.memory_space<vmem>> -> memref<1x128xi32, #tpu.memory_space<vmem>>
        %dma_wait3A_783 = tpu.memref_squeeze %dma_wait3A_782 : memref<1x128xi32, #tpu.memory_space<vmem>> -> memref<128xi32, #tpu.memory_space<vmem>>
        %dma_wait3A_784 = arith.constant 0 : i32
        %dma_wait3A_785 = arith.constant 0 : i32
        %dma_wait3A_786 = tpu.memref_slice %arg4[%dma_wait3A_784, %dma_wait3A_785] : memref<500000x32xf32, #tpu.memory_space<hbm>> -> memref<500000x32xf32, #tpu.memory_space<hbm>>
        tpu.wait_indirect_dma semaphore(%arg11 : memref<!tpu.dma_semaphore, #tpu.memory_space<semaphore_mem>>) src(%dma_wait3A_786 : memref<500000x32xf32, #tpu.memory_space<hbm>>) dst(%dma_wait3A_780 : memref<128x32xf32, #tpu.memory_space<vmem>>)
        %dma_start3A = arith.constant 1 : i32
        %dma_start3A_787 = arith.constant 0 : i32
        %dma_start3A_788 = arith.constant 0 : i32
        %dma_start3A_789 = tpu.memref_slice %arg9[%dma_start3A, %dma_start3A_787, %dma_start3A_788] : memref<4x128x32xf32, #tpu.memory_space<vmem>> -> memref<1x128x32xf32, #tpu.memory_space<vmem>>
        %dma_start3A_790 = tpu.memref_squeeze %dma_start3A_789 : memref<1x128x32xf32, #tpu.memory_space<vmem>> -> memref<128x32xf32, #tpu.memory_space<vmem>>
        %dma_start3A_791 = arith.constant 0 : i32
        %dma_start3A_792 = tpu.memref_slice %arg8[%add3A_753, %dma_start3A_791] : memref<202x128xi32, #tpu.memory_space<vmem>> -> memref<1x128xi32, #tpu.memory_space<vmem>>
        %dma_start3A_793 = tpu.memref_squeeze %dma_start3A_792 : memref<1x128xi32, #tpu.memory_space<vmem>> -> memref<128xi32, #tpu.memory_space<vmem>>
        %dma_start3A_794 = arith.constant 0 : i32
        %dma_start3A_795 = arith.constant 0 : i32
        %dma_start3A_796 = tpu.memref_slice %arg5[%dma_start3A_794, %dma_start3A_795] : memref<409600x32xf32, #tpu.memory_space<hbm>> -> memref<409600x32xf32, #tpu.memory_space<hbm>>
        tpu.enqueue_indirect_dma source(%dma_start3A_790 : memref<128x32xf32, #tpu.memory_space<vmem>>) target(%dma_start3A_796 : memref<409600x32xf32, #tpu.memory_space<hbm>>) offsets(%dma_start3A_793 : memref<128xi32, #tpu.memory_space<vmem>>) semaphore(%arg15 : memref<!tpu.dma_semaphore, #tpu.memory_space<semaphore_mem>>)
      } else {
      }
      %mul3A_758 = arith.constant 4 : i32
      %mul3A_759 = arith.muli %while3A_675, %mul3A_758 : i32
      %add3A_760 = arith.constant 2 : i32
      %add3A_761 = arith.addi %mul3A_759, %add3A_760 : i32
      %add3A_762 = arith.addi %sub3A_454, %add3A_761 : i32
      %lt3A_763 = arith.cmpi slt, %add3A_761, %select_n3A_478 : i32
      %convert_element_type3A_764 = arith.extui %lt3A_763 : i1 to i32
      %cond3A_765 = arith.constant 0 : i32
      %cond3A_766 = arith.cmpi ne, %convert_element_type3A_764, %cond3A_765 : i32
      scf.if %cond3A_766 {
        %dma_wait3A = arith.constant 2 : i32
        %dma_wait3A_777 = arith.constant 0 : i32
        %dma_wait3A_778 = arith.constant 0 : i32
        %dma_wait3A_779 = tpu.memref_slice %arg9[%dma_wait3A, %dma_wait3A_777, %dma_wait3A_778] : memref<4x128x32xf32, #tpu.memory_space<vmem>> -> memref<1x128x32xf32, #tpu.memory_space<vmem>>
        %dma_wait3A_780 = tpu.memref_squeeze %dma_wait3A_779 : memref<1x128x32xf32, #tpu.memory_space<vmem>> -> memref<128x32xf32, #tpu.memory_space<vmem>>
        %dma_wait3A_781 = arith.constant 0 : i32
        %dma_wait3A_782 = tpu.memref_slice %arg7[%add3A_762, %dma_wait3A_781] : memref<202x128xi32, #tpu.memory_space<vmem>> -> memref<1x128xi32, #tpu.memory_space<vmem>>
        %dma_wait3A_783 = tpu.memref_squeeze %dma_wait3A_782 : memref<1x128xi32, #tpu.memory_space<vmem>> -> memref<128xi32, #tpu.memory_space<vmem>>
        %dma_wait3A_784 = arith.constant 0 : i32
        %dma_wait3A_785 = arith.constant 0 : i32
        %dma_wait3A_786 = tpu.memref_slice %arg4[%dma_wait3A_784, %dma_wait3A_785] : memref<500000x32xf32, #tpu.memory_space<hbm>> -> memref<500000x32xf32, #tpu.memory_space<hbm>>
        tpu.wait_indirect_dma semaphore(%arg12 : memref<!tpu.dma_semaphore, #tpu.memory_space<semaphore_mem>>) src(%dma_wait3A_786 : memref<500000x32xf32, #tpu.memory_space<hbm>>) dst(%dma_wait3A_780 : memref<128x32xf32, #tpu.memory_space<vmem>>)
        %dma_start3A = arith.constant 2 : i32
        %dma_start3A_787 = arith.constant 0 : i32
        %dma_start3A_788 = arith.constant 0 : i32
        %dma_start3A_789 = tpu.memref_slice %arg9[%dma_start3A, %dma_start3A_787, %dma_start3A_788] : memref<4x128x32xf32, #tpu.memory_space<vmem>> -> memref<1x128x32xf32, #tpu.memory_space<vmem>>
        %dma_start3A_790 = tpu.memref_squeeze %dma_start3A_789 : memref<1x128x32xf32, #tpu.memory_space<vmem>> -> memref<128x32xf32, #tpu.memory_space<vmem>>
        %dma_start3A_791 = arith.constant 0 : i32
        %dma_start3A_792 = tpu.memref_slice %arg8[%add3A_762, %dma_start3A_791] : memref<202x128xi32, #tpu.memory_space<vmem>> -> memref<1x128xi32, #tpu.memory_space<vmem>>
        %dma_start3A_793 = tpu.memref_squeeze %dma_start3A_792 : memref<1x128xi32, #tpu.memory_space<vmem>> -> memref<128xi32, #tpu.memory_space<vmem>>
        %dma_start3A_794 = arith.constant 0 : i32
        %dma_start3A_795 = arith.constant 0 : i32
        %dma_start3A_796 = tpu.memref_slice %arg5[%dma_start3A_794, %dma_start3A_795] : memref<409600x32xf32, #tpu.memory_space<hbm>> -> memref<409600x32xf32, #tpu.memory_space<hbm>>
        tpu.enqueue_indirect_dma source(%dma_start3A_790 : memref<128x32xf32, #tpu.memory_space<vmem>>) target(%dma_start3A_796 : memref<409600x32xf32, #tpu.memory_space<hbm>>) offsets(%dma_start3A_793 : memref<128xi32, #tpu.memory_space<vmem>>) semaphore(%arg16 : memref<!tpu.dma_semaphore, #tpu.memory_space<semaphore_mem>>)
      } else {
      }
      %mul3A_767 = arith.constant 4 : i32
      %mul3A_768 = arith.muli %while3A_675, %mul3A_767 : i32
      %add3A_769 = arith.constant 3 : i32
      %add3A_770 = arith.addi %mul3A_768, %add3A_769 : i32
      %add3A_771 = arith.addi %sub3A_454, %add3A_770 : i32
      %lt3A_772 = arith.cmpi slt, %add3A_770, %select_n3A_478 : i32
      %convert_element_type3A_773 = arith.extui %lt3A_772 : i1 to i32
      %cond3A_774 = arith.constant 0 : i32
      %cond3A_775 = arith.cmpi ne, %convert_element_type3A_773, %cond3A_774 : i32
      scf.if %cond3A_775 {
        %dma_wait3A = arith.constant 3 : i32
        %dma_wait3A_777 = arith.constant 0 : i32
        %dma_wait3A_778 = arith.constant 0 : i32
        %dma_wait3A_779 = tpu.memref_slice %arg9[%dma_wait3A, %dma_wait3A_777, %dma_wait3A_778] : memref<4x128x32xf32, #tpu.memory_space<vmem>> -> memref<1x128x32xf32, #tpu.memory_space<vmem>>
        %dma_wait3A_780 = tpu.memref_squeeze %dma_wait3A_779 : memref<1x128x32xf32, #tpu.memory_space<vmem>> -> memref<128x32xf32, #tpu.memory_space<vmem>>
        %dma_wait3A_781 = arith.constant 0 : i32
        %dma_wait3A_782 = tpu.memref_slice %arg7[%add3A_771, %dma_wait3A_781] : memref<202x128xi32, #tpu.memory_space<vmem>> -> memref<1x128xi32, #tpu.memory_space<vmem>>
        %dma_wait3A_783 = tpu.memref_squeeze %dma_wait3A_782 : memref<1x128xi32, #tpu.memory_space<vmem>> -> memref<128xi32, #tpu.memory_space<vmem>>
        %dma_wait3A_784 = arith.constant 0 : i32
        %dma_wait3A_785 = arith.constant 0 : i32
        %dma_wait3A_786 = tpu.memref_slice %arg4[%dma_wait3A_784, %dma_wait3A_785] : memref<500000x32xf32, #tpu.memory_space<hbm>> -> memref<500000x32xf32, #tpu.memory_space<hbm>>
        tpu.wait_indirect_dma semaphore(%arg13 : memref<!tpu.dma_semaphore, #tpu.memory_space<semaphore_mem>>) src(%dma_wait3A_786 : memref<500000x32xf32, #tpu.memory_space<hbm>>) dst(%dma_wait3A_780 : memref<128x32xf32, #tpu.memory_space<vmem>>)
        %dma_start3A = arith.constant 3 : i32
        %dma_start3A_787 = arith.constant 0 : i32
        %dma_start3A_788 = arith.constant 0 : i32
        %dma_start3A_789 = tpu.memref_slice %arg9[%dma_start3A, %dma_start3A_787, %dma_start3A_788] : memref<4x128x32xf32, #tpu.memory_space<vmem>> -> memref<1x128x32xf32, #tpu.memory_space<vmem>>
        %dma_start3A_790 = tpu.memref_squeeze %dma_start3A_789 : memref<1x128x32xf32, #tpu.memory_space<vmem>> -> memref<128x32xf32, #tpu.memory_space<vmem>>
        %dma_start3A_791 = arith.constant 0 : i32
        %dma_start3A_792 = tpu.memref_slice %arg8[%add3A_771, %dma_start3A_791] : memref<202x128xi32, #tpu.memory_space<vmem>> -> memref<1x128xi32, #tpu.memory_space<vmem>>
        %dma_start3A_793 = tpu.memref_squeeze %dma_start3A_792 : memref<1x128xi32, #tpu.memory_space<vmem>> -> memref<128xi32, #tpu.memory_space<vmem>>
        %dma_start3A_794 = arith.constant 0 : i32
        %dma_start3A_795 = arith.constant 0 : i32
        %dma_start3A_796 = tpu.memref_slice %arg5[%dma_start3A_794, %dma_start3A_795] : memref<409600x32xf32, #tpu.memory_space<hbm>> -> memref<409600x32xf32, #tpu.memory_space<hbm>>
        tpu.enqueue_indirect_dma source(%dma_start3A_790 : memref<128x32xf32, #tpu.memory_space<vmem>>) target(%dma_start3A_796 : memref<409600x32xf32, #tpu.memory_space<hbm>>) offsets(%dma_start3A_793 : memref<128xi32, #tpu.memory_space<vmem>>) semaphore(%arg17 : memref<!tpu.dma_semaphore, #tpu.memory_space<semaphore_mem>>)
      } else {
      }
      %while3A_776 = arith.constant 0 : i32
      scf.yield %while3A_776 : i32
    }
    %sub3A_519 = arith.constant 1 : i32
    %sub3A_520 = arith.subi %select_n3A_478, %sub3A_519 : i32
    %sub3A_521 = arith.constant 0 : i32
    %sub3A_522 = arith.subi %sub3A_520, %sub3A_521 : i32
    %max3A_523 = arith.constant 0 : i32
    %max3A_524 = arith.maxsi %sub3A_522, %max3A_523 : i32
    %jit3A_525 = arith.constant 4 : i32
    %div3A_526 = arith.divsi %max3A_524, %jit3A_525 : i32
    %sign3A_527 = arith.constant 0 : i32
    %sign3A_528 = arith.cmpi sgt, %max3A_524, %sign3A_527 : i32
    %sign3A_529 = arith.extui %sign3A_528 : i1 to i32
    %sign3A_530 = arith.constant 0 : i32
    %sign3A_531 = arith.cmpi slt, %max3A_524, %sign3A_530 : i32
    %sign3A_532 = arith.extui %sign3A_531 : i1 to i32
    %sign3A_533 = arith.subi %sign3A_529, %sign3A_532 : i32
    %sign3A_534 = arith.constant 0 : i32
    %sign3A_535 = arith.cmpi sgt, %jit3A_525, %sign3A_534 : i32
    %sign3A_536 = arith.extui %sign3A_535 : i1 to i32
    %sign3A_537 = arith.constant 0 : i32
    %sign3A_538 = arith.cmpi slt, %jit3A_525, %sign3A_537 : i32
    %sign3A_539 = arith.extui %sign3A_538 : i1 to i32
    %sign3A_540 = arith.subi %sign3A_536, %sign3A_539 : i32
    %ne3A_541 = arith.cmpi ne, %sign3A_533, %sign3A_540 : i32
    %rem3A_542 = arith.remsi %max3A_524, %jit3A_525 : i32
    %ne3A_543 = arith.constant 0 : i32
    %ne3A_544 = arith.cmpi ne, %rem3A_542, %ne3A_543 : i32
    %and3A_545 = arith.andi %ne3A_541, %ne3A_544 : i1
    %sub3A_546 = arith.constant 1 : i32
    %sub3A_547 = arith.subi %div3A_526, %sub3A_546 : i32
    %select_n3A_548 = arith.select %and3A_545, %sub3A_547, %div3A_526 : i32
    %mul3A_549 = arith.constant 4 : i32
    %mul3A_550 = arith.muli %select_n3A_548, %mul3A_549 : i32
    %add3A_551 = arith.constant 0 : i32
    %add3A_552 = arith.addi %mul3A_550, %add3A_551 : i32
    %gt3A_553 = arith.constant 0 : i32
    %gt3A_554 = arith.cmpi sgt, %select_n3A_478, %gt3A_553 : i32
    %convert_element_type3A_555 = arith.extui %gt3A_554 : i1 to i32
    %cond3A_556 = arith.constant 0 : i32
    %cond3A_557 = arith.cmpi ne, %convert_element_type3A_555, %cond3A_556 : i32
    scf.if %cond3A_557 {
      %add3A_675 = arith.addi %sub3A_454, %add3A_552 : i32
      %dma_wait3A = arith.constant 0 : i32
      %dma_wait3A_676 = arith.constant 0 : i32
      %dma_wait3A_677 = arith.constant 0 : i32
      %dma_wait3A_678 = tpu.memref_slice %arg9[%dma_wait3A, %dma_wait3A_676, %dma_wait3A_677] : memref<4x128x32xf32, #tpu.memory_space<vmem>> -> memref<1x128x32xf32, #tpu.memory_space<vmem>>
      %dma_wait3A_679 = tpu.memref_squeeze %dma_wait3A_678 : memref<1x128x32xf32, #tpu.memory_space<vmem>> -> memref<128x32xf32, #tpu.memory_space<vmem>>
      %dma_wait3A_680 = arith.constant 0 : i32
      %dma_wait3A_681 = tpu.memref_slice %arg8[%add3A_675, %dma_wait3A_680] : memref<202x128xi32, #tpu.memory_space<vmem>> -> memref<1x128xi32, #tpu.memory_space<vmem>>
      %dma_wait3A_682 = tpu.memref_squeeze %dma_wait3A_681 : memref<1x128xi32, #tpu.memory_space<vmem>> -> memref<128xi32, #tpu.memory_space<vmem>>
      %dma_wait3A_683 = arith.constant 0 : i32
      %dma_wait3A_684 = arith.constant 0 : i32
      %dma_wait3A_685 = tpu.memref_slice %arg5[%dma_wait3A_683, %dma_wait3A_684] : memref<409600x32xf32, #tpu.memory_space<hbm>> -> memref<409600x32xf32, #tpu.memory_space<hbm>>
      tpu.wait_indirect_dma semaphore(%arg14 : memref<!tpu.dma_semaphore, #tpu.memory_space<semaphore_mem>>) src(%dma_wait3A_679 : memref<128x32xf32, #tpu.memory_space<vmem>>) dst(%dma_wait3A_685 : memref<409600x32xf32, #tpu.memory_space<hbm>>)
    } else {
    }
    %sub3A_558 = arith.constant 1 : i32
    %sub3A_559 = arith.subi %select_n3A_478, %sub3A_558 : i32
    %sub3A_560 = arith.constant 1 : i32
    %sub3A_561 = arith.subi %sub3A_559, %sub3A_560 : i32
    %max3A_562 = arith.constant 0 : i32
    %max3A_563 = arith.maxsi %sub3A_561, %max3A_562 : i32
    %jit3A_564 = arith.constant 4 : i32
    %div3A_565 = arith.divsi %max3A_563, %jit3A_564 : i32
    %sign3A_566 = arith.constant 0 : i32
    %sign3A_567 = arith.cmpi sgt, %max3A_563, %sign3A_566 : i32
    %sign3A_568 = arith.extui %sign3A_567 : i1 to i32
    %sign3A_569 = arith.constant 0 : i32
    %sign3A_570 = arith.cmpi slt, %max3A_563, %sign3A_569 : i32
    %sign3A_571 = arith.extui %sign3A_570 : i1 to i32
    %sign3A_572 = arith.subi %sign3A_568, %sign3A_571 : i32
    %sign3A_573 = arith.constant 0 : i32
    %sign3A_574 = arith.cmpi sgt, %jit3A_564, %sign3A_573 : i32
    %sign3A_575 = arith.extui %sign3A_574 : i1 to i32
    %sign3A_576 = arith.constant 0 : i32
    %sign3A_577 = arith.cmpi slt, %jit3A_564, %sign3A_576 : i32
    %sign3A_578 = arith.extui %sign3A_577 : i1 to i32
    %sign3A_579 = arith.subi %sign3A_575, %sign3A_578 : i32
    %ne3A_580 = arith.cmpi ne, %sign3A_572, %sign3A_579 : i32
    %rem3A_581 = arith.remsi %max3A_563, %jit3A_564 : i32
    %ne3A_582 = arith.constant 0 : i32
    %ne3A_583 = arith.cmpi ne, %rem3A_581, %ne3A_582 : i32
    %and3A_584 = arith.andi %ne3A_580, %ne3A_583 : i1
    %sub3A_585 = arith.constant 1 : i32
    %sub3A_586 = arith.subi %div3A_565, %sub3A_585 : i32
    %select_n3A_587 = arith.select %and3A_584, %sub3A_586, %div3A_565 : i32
    %mul3A_588 = arith.constant 4 : i32
    %mul3A_589 = arith.muli %select_n3A_587, %mul3A_588 : i32
    %add3A_590 = arith.constant 1 : i32
    %add3A_591 = arith.addi %mul3A_589, %add3A_590 : i32
    %gt3A_592 = arith.constant 1 : i32
    %gt3A_593 = arith.cmpi sgt, %select_n3A_478, %gt3A_592 : i32
    %convert_element_type3A_594 = arith.extui %gt3A_593 : i1 to i32
    %cond3A_595 = arith.constant 0 : i32
    %cond3A_596 = arith.cmpi ne, %convert_element_type3A_594, %cond3A_595 : i32
    scf.if %cond3A_596 {
      %add3A_675 = arith.addi %sub3A_454, %add3A_591 : i32
      %dma_wait3A = arith.constant 1 : i32
      %dma_wait3A_676 = arith.constant 0 : i32
      %dma_wait3A_677 = arith.constant 0 : i32
      %dma_wait3A_678 = tpu.memref_slice %arg9[%dma_wait3A, %dma_wait3A_676, %dma_wait3A_677] : memref<4x128x32xf32, #tpu.memory_space<vmem>> -> memref<1x128x32xf32, #tpu.memory_space<vmem>>
      %dma_wait3A_679 = tpu.memref_squeeze %dma_wait3A_678 : memref<1x128x32xf32, #tpu.memory_space<vmem>> -> memref<128x32xf32, #tpu.memory_space<vmem>>
      %dma_wait3A_680 = arith.constant 0 : i32
      %dma_wait3A_681 = tpu.memref_slice %arg8[%add3A_675, %dma_wait3A_680] : memref<202x128xi32, #tpu.memory_space<vmem>> -> memref<1x128xi32, #tpu.memory_space<vmem>>
      %dma_wait3A_682 = tpu.memref_squeeze %dma_wait3A_681 : memref<1x128xi32, #tpu.memory_space<vmem>> -> memref<128xi32, #tpu.memory_space<vmem>>
      %dma_wait3A_683 = arith.constant 0 : i32
      %dma_wait3A_684 = arith.constant 0 : i32
      %dma_wait3A_685 = tpu.memref_slice %arg5[%dma_wait3A_683, %dma_wait3A_684] : memref<409600x32xf32, #tpu.memory_space<hbm>> -> memref<409600x32xf32, #tpu.memory_space<hbm>>
      tpu.wait_indirect_dma semaphore(%arg15 : memref<!tpu.dma_semaphore, #tpu.memory_space<semaphore_mem>>) src(%dma_wait3A_679 : memref<128x32xf32, #tpu.memory_space<vmem>>) dst(%dma_wait3A_685 : memref<409600x32xf32, #tpu.memory_space<hbm>>)
    } else {
    }
    %sub3A_597 = arith.constant 1 : i32
    %sub3A_598 = arith.subi %select_n3A_478, %sub3A_597 : i32
    %sub3A_599 = arith.constant 2 : i32
    %sub3A_600 = arith.subi %sub3A_598, %sub3A_599 : i32
    %max3A_601 = arith.constant 0 : i32
    %max3A_602 = arith.maxsi %sub3A_600, %max3A_601 : i32
    %jit3A_603 = arith.constant 4 : i32
    %div3A_604 = arith.divsi %max3A_602, %jit3A_603 : i32
    %sign3A_605 = arith.constant 0 : i32
    %sign3A_606 = arith.cmpi sgt, %max3A_602, %sign3A_605 : i32
    %sign3A_607 = arith.extui %sign3A_606 : i1 to i32
    %sign3A_608 = arith.constant 0 : i32
    %sign3A_609 = arith.cmpi slt, %max3A_602, %sign3A_608 : i32
    %sign3A_610 = arith.extui %sign3A_609 : i1 to i32
    %sign3A_611 = arith.subi %sign3A_607, %sign3A_610 : i32
    %sign3A_612 = arith.constant 0 : i32
    %sign3A_613 = arith.cmpi sgt, %jit3A_603, %sign3A_612 : i32
    %sign3A_614 = arith.extui %sign3A_613 : i1 to i32
    %sign3A_615 = arith.constant 0 : i32
    %sign3A_616 = arith.cmpi slt, %jit3A_603, %sign3A_615 : i32
    %sign3A_617 = arith.extui %sign3A_616 : i1 to i32
    %sign3A_618 = arith.subi %sign3A_614, %sign3A_617 : i32
    %ne3A_619 = arith.cmpi ne, %sign3A_611, %sign3A_618 : i32
    %rem3A_620 = arith.remsi %max3A_602, %jit3A_603 : i32
    %ne3A_621 = arith.constant 0 : i32
    %ne3A_622 = arith.cmpi ne, %rem3A_620, %ne3A_621 : i32
    %and3A_623 = arith.andi %ne3A_619, %ne3A_622 : i1
    %sub3A_624 = arith.constant 1 : i32
    %sub3A_625 = arith.subi %div3A_604, %sub3A_624 : i32
    %select_n3A_626 = arith.select %and3A_623, %sub3A_625, %div3A_604 : i32
    %mul3A_627 = arith.constant 4 : i32
    %mul3A_628 = arith.muli %select_n3A_626, %mul3A_627 : i32
    %add3A_629 = arith.constant 2 : i32
    %add3A_630 = arith.addi %mul3A_628, %add3A_629 : i32
    %gt3A_631 = arith.constant 2 : i32
    %gt3A_632 = arith.cmpi sgt, %select_n3A_478, %gt3A_631 : i32
    %convert_element_type3A_633 = arith.extui %gt3A_632 : i1 to i32
    %cond3A_634 = arith.constant 0 : i32
    %cond3A_635 = arith.cmpi ne, %convert_element_type3A_633, %cond3A_634 : i32
    scf.if %cond3A_635 {
      %add3A_675 = arith.addi %sub3A_454, %add3A_630 : i32
      %dma_wait3A = arith.constant 2 : i32
      %dma_wait3A_676 = arith.constant 0 : i32
      %dma_wait3A_677 = arith.constant 0 : i32
      %dma_wait3A_678 = tpu.memref_slice %arg9[%dma_wait3A, %dma_wait3A_676, %dma_wait3A_677] : memref<4x128x32xf32, #tpu.memory_space<vmem>> -> memref<1x128x32xf32, #tpu.memory_space<vmem>>
      %dma_wait3A_679 = tpu.memref_squeeze %dma_wait3A_678 : memref<1x128x32xf32, #tpu.memory_space<vmem>> -> memref<128x32xf32, #tpu.memory_space<vmem>>
      %dma_wait3A_680 = arith.constant 0 : i32
      %dma_wait3A_681 = tpu.memref_slice %arg8[%add3A_675, %dma_wait3A_680] : memref<202x128xi32, #tpu.memory_space<vmem>> -> memref<1x128xi32, #tpu.memory_space<vmem>>
      %dma_wait3A_682 = tpu.memref_squeeze %dma_wait3A_681 : memref<1x128xi32, #tpu.memory_space<vmem>> -> memref<128xi32, #tpu.memory_space<vmem>>
      %dma_wait3A_683 = arith.constant 0 : i32
      %dma_wait3A_684 = arith.constant 0 : i32
      %dma_wait3A_685 = tpu.memref_slice %arg5[%dma_wait3A_683, %dma_wait3A_684] : memref<409600x32xf32, #tpu.memory_space<hbm>> -> memref<409600x32xf32, #tpu.memory_space<hbm>>
      tpu.wait_indirect_dma semaphore(%arg16 : memref<!tpu.dma_semaphore, #tpu.memory_space<semaphore_mem>>) src(%dma_wait3A_679 : memref<128x32xf32, #tpu.memory_space<vmem>>) dst(%dma_wait3A_685 : memref<409600x32xf32, #tpu.memory_space<hbm>>)
    } else {
    }
    %sub3A_636 = arith.constant 1 : i32
    %sub3A_637 = arith.subi %select_n3A_478, %sub3A_636 : i32
    %sub3A_638 = arith.constant 3 : i32
    %sub3A_639 = arith.subi %sub3A_637, %sub3A_638 : i32
    %max3A_640 = arith.constant 0 : i32
    %max3A_641 = arith.maxsi %sub3A_639, %max3A_640 : i32
    %jit3A_642 = arith.constant 4 : i32
    %div3A_643 = arith.divsi %max3A_641, %jit3A_642 : i32
    %sign3A_644 = arith.constant 0 : i32
    %sign3A_645 = arith.cmpi sgt, %max3A_641, %sign3A_644 : i32
    %sign3A_646 = arith.extui %sign3A_645 : i1 to i32
    %sign3A_647 = arith.constant 0 : i32
    %sign3A_648 = arith.cmpi slt, %max3A_641, %sign3A_647 : i32
    %sign3A_649 = arith.extui %sign3A_648 : i1 to i32
    %sign3A_650 = arith.subi %sign3A_646, %sign3A_649 : i32
    %sign3A_651 = arith.constant 0 : i32
    %sign3A_652 = arith.cmpi sgt, %jit3A_642, %sign3A_651 : i32
    %sign3A_653 = arith.extui %sign3A_652 : i1 to i32
    %sign3A_654 = arith.constant 0 : i32
    %sign3A_655 = arith.cmpi slt, %jit3A_642, %sign3A_654 : i32
    %sign3A_656 = arith.extui %sign3A_655 : i1 to i32
    %sign3A_657 = arith.subi %sign3A_653, %sign3A_656 : i32
    %ne3A_658 = arith.cmpi ne, %sign3A_650, %sign3A_657 : i32
    %rem3A_659 = arith.remsi %max3A_641, %jit3A_642 : i32
    %ne3A_660 = arith.constant 0 : i32
    %ne3A_661 = arith.cmpi ne, %rem3A_659, %ne3A_660 : i32
    %and3A_662 = arith.andi %ne3A_658, %ne3A_661 : i1
    %sub3A_663 = arith.constant 1 : i32
    %sub3A_664 = arith.subi %div3A_643, %sub3A_663 : i32
    %select_n3A_665 = arith.select %and3A_662, %sub3A_664, %div3A_643 : i32
    %mul3A_666 = arith.constant 4 : i32
    %mul3A_667 = arith.muli %select_n3A_665, %mul3A_666 : i32
    %add3A_668 = arith.constant 3 : i32
    %add3A_669 = arith.addi %mul3A_667, %add3A_668 : i32
    %gt3A_670 = arith.constant 3 : i32
    %gt3A_671 = arith.cmpi sgt, %select_n3A_478, %gt3A_670 : i32
    %convert_element_type3A_672 = arith.extui %gt3A_671 : i1 to i32
    %cond3A_673 = arith.constant 0 : i32
    %cond3A_674 = arith.cmpi ne, %convert_element_type3A_672, %cond3A_673 : i32
    scf.if %cond3A_674 {
      %add3A_675 = arith.addi %sub3A_454, %add3A_669 : i32
      %dma_wait3A = arith.constant 3 : i32
      %dma_wait3A_676 = arith.constant 0 : i32
      %dma_wait3A_677 = arith.constant 0 : i32
      %dma_wait3A_678 = tpu.memref_slice %arg9[%dma_wait3A, %dma_wait3A_676, %dma_wait3A_677] : memref<4x128x32xf32, #tpu.memory_space<vmem>> -> memref<1x128x32xf32, #tpu.memory_space<vmem>>
      %dma_wait3A_679 = tpu.memref_squeeze %dma_wait3A_678 : memref<1x128x32xf32, #tpu.memory_space<vmem>> -> memref<128x32xf32, #tpu.memory_space<vmem>>
      %dma_wait3A_680 = arith.constant 0 : i32
      %dma_wait3A_681 = tpu.memref_slice %arg8[%add3A_675, %dma_wait3A_680] : memref<202x128xi32, #tpu.memory_space<vmem>> -> memref<1x128xi32, #tpu.memory_space<vmem>>
      %dma_wait3A_682 = tpu.memref_squeeze %dma_wait3A_681 : memref<1x128xi32, #tpu.memory_space<vmem>> -> memref<128xi32, #tpu.memory_space<vmem>>
      %dma_wait3A_683 = arith.constant 0 : i32
      %dma_wait3A_684 = arith.constant 0 : i32
      %dma_wait3A_685 = tpu.memref_slice %arg5[%dma_wait3A_683, %dma_wait3A_684] : memref<409600x32xf32, #tpu.memory_space<hbm>> -> memref<409600x32xf32, #tpu.memory_space<hbm>>
      tpu.wait_indirect_dma semaphore(%arg17 : memref<!tpu.dma_semaphore, #tpu.memory_space<semaphore_mem>>) src(%dma_wait3A_679 : memref<128x32xf32, #tpu.memory_space<vmem>>) dst(%dma_wait3A_685 : memref<409600x32xf32, #tpu.memory_space<hbm>>)
    } else {
    }
    return
  }
}

#map = affine_map<(d0, d1) -> (0)>
#map1 = affine_map<(d0, d1) -> (0, 0)>
module attributes {stable_mosaic.version = 14 : i64} {
  func.func @k(%arg0: i32, %arg1: i32, %arg2: memref<819200xi32, #tpu.memory_space<hbm>>, %arg3: memref<500000x32xf32, #tpu.memory_space<hbm>>, %arg4: memref<500000x32xf32, #tpu.memory_space<hbm>>, %arg5: memref<409600x32xf32, #tpu.memory_space<hbm>>, %arg6: memref<25600xi32, #tpu.memory_space<vmem>>, %arg7: memref<202x128xi32, #tpu.memory_space<vmem>>, %arg8: memref<202x128xi32, #tpu.memory_space<vmem>>, %arg9: memref<4x128x32xf32, #tpu.memory_space<vmem>>, %arg10: memref<!tpu.dma_semaphore, #tpu.memory_space<semaphore_mem>>, %arg11: memref<!tpu.dma_semaphore, #tpu.memory_space<semaphore_mem>>, %arg12: memref<!tpu.dma_semaphore, #tpu.memory_space<semaphore_mem>>, %arg13: memref<!tpu.dma_semaphore, #tpu.memory_space<semaphore_mem>>, %arg14: memref<!tpu.dma_semaphore, #tpu.memory_space<semaphore_mem>>, %arg15: memref<!tpu.dma_semaphore, #tpu.memory_space<semaphore_mem>>, %arg16: memref<!tpu.dma_semaphore, #tpu.memory_space<semaphore_mem>>, %arg17: memref<!tpu.dma_semaphore, #tpu.memory_space<semaphore_mem>>) attributes {dimension_semantics = [#tpu.dimension_semantics<core_parallel>, #tpu.dimension_semantics<subcore_parallel>], iteration_bounds = array<i64: 2, 16>, scalar_prefetch = 0 : i64, scratch_operands = 12 : i64, tpu.core_type = #tpu.core_type<sc_vector_subcore>, window_params = [{transform_indices = #map}, {transform_indices = #map1}, {transform_indices = #map1}, {transform_indices = #map1}]} {
    %mul3A = arith.constant 2 : i32
    %mul3A_0 = arith.muli %arg1, %mul3A : i32
    %add3A = arith.addi %mul3A_0, %arg0 : i32
    %mul3A_1 = arith.constant 25600 : i32
    %mul3A_2 = arith.muli %add3A, %mul3A_1 : i32
    "tpu.region"() ({
      %run_scoped3A = tpu.sem_alloc : memref<!tpu.dma_semaphore, #tpu.memory_space<semaphore_mem>>
      %dma_start3A = tpu.memref_slice %arg2[%mul3A_2] : memref<819200xi32, #tpu.memory_space<hbm>> -> memref<25600xi32, #tpu.memory_space<hbm>>
      %dma_start3A_675 = tpu.memref_slice %arg2[%mul3A_2] : memref<819200xi32, #tpu.memory_space<hbm>> -> memref<25600xi32, #tpu.memory_space<hbm>>
      tpu.enqueue_dma source(%dma_start3A_675 : memref<25600xi32, #tpu.memory_space<hbm>>) target(%arg6 : memref<25600xi32, #tpu.memory_space<vmem>>) target_semaphore(%run_scoped3A : memref<!tpu.dma_semaphore, #tpu.memory_space<semaphore_mem>>)
      %dma_wait3A = tpu.memref_slice %arg2[%mul3A_2] : memref<819200xi32, #tpu.memory_space<hbm>> -> memref<25600xi32, #tpu.memory_space<hbm>>
      %dma_wait3A_676 = tpu.memref_slice %arg2[%mul3A_2] : memref<819200xi32, #tpu.memory_space<hbm>> -> memref<25600xi32, #tpu.memory_space<hbm>>
      tpu.wait_dma2 semaphore(%run_scoped3A : memref<!tpu.dma_semaphore, #tpu.memory_space<semaphore_mem>>) src(%dma_wait3A_676 : memref<25600xi32, #tpu.memory_space<hbm>>) dst(%arg6 : memref<25600xi32, #tpu.memory_space<vmem>>)
      tpu.yield
    }) : () -> ()
    %iota3A = tpu.iota {dimensions = array<i32: 0>} : vector<16xi32>
    %broadcast_in_dim3A = arith.constant 0 : i32
    %broadcast_in_dim3A_3 = vector.broadcast %broadcast_in_dim3A : i32 to vector<16xi32>
    %mul3A_4 = arith.constant 128 : i32
    %mul3A_5 = arith.muli %add3A, %mul3A_4 : i32
    %scan3A = arith.constant 0 : i32
    %scan3A_6 = arith.constant 0 : i32
    %scan3A_7 = arith.constant 1600 : i32
    %scan3A_8 = arith.addi %scan3A_6, %scan3A_7 : i32
    %scan3A_9 = arith.constant 1 : i32
    %scan3A_10:4 = scf.for %scan3A_675 = %scan3A_6 to %scan3A_8 step %scan3A_9 iter_args(%scan3A_676 = %broadcast_in_dim3A_3, %scan3A_677 = %broadcast_in_dim3A_3, %scan3A_678 = %scan3A, %scan3A_679 = %mul3A_5) -> (vector<16xi32>, vector<16xi32>, i32, i32)  : i32 {
      %mul3A_680 = arith.constant 16 : i32
      %mul3A_681 = arith.muli %scan3A_675, %mul3A_680 : i32
      %get3A_682 = arith.index_cast %mul3A_681 : i32 to index
      %get3A_683 = tpu.vector_load %arg6[%get3A_682] {strides = array<i32>} : memref<25600xi32, #tpu.memory_space<vmem>>, vector<16xi32>,
      %add3A_684 = vector.broadcast %scan3A_678 : i32 to vector<16xi32>
      %add3A_685 = arith.addi %add3A_684, %iota3A : vector<16xi32>
      %ge3A = arith.constant 200 : i32
      %ge3A_686 = vector.broadcast %ge3A : i32 to vector<16xi32>
      %ge3A_687 = arith.cmpi sge, %add3A_685, %ge3A_686 : vector<16xi32>
      %convert_element_type3A_688 = arith.extui %ge3A_687 : vector<16xi1> to vector<16xi32>
      %mul3A_689 = arith.constant 200 : i32
      %mul3A_690 = vector.broadcast %mul3A_689 : i32 to vector<16xi32>
      %mul3A_691 = arith.muli %mul3A_690, %convert_element_type3A_688 : vector<16xi32>
      %sub3A_692 = arith.subi %add3A_685, %mul3A_691 : vector<16xi32>
      %ge3A_693 = arith.constant 100 : i32
      %ge3A_694 = vector.broadcast %ge3A_693 : i32 to vector<16xi32>
      %ge3A_695 = arith.cmpi sge, %sub3A_692, %ge3A_694 : vector<16xi32>
      %lt3A = arith.constant 200 : i32
      %lt3A_696 = vector.broadcast %lt3A : i32 to vector<16xi32>
      %lt3A_697 = arith.cmpi slt, %sub3A_692, %lt3A_696 : vector<16xi32>
      %and3A_698 = arith.andi %ge3A_695, %lt3A_697 : vector<16xi1>
      %lt3A_699 = arith.constant 500000 : i32
      %lt3A_700 = vector.broadcast %lt3A_699 : i32 to vector<16xi32>
      %lt3A_701 = arith.cmpi slt, %get3A_683, %lt3A_700 : vector<16xi32>
      %and3A_702 = arith.andi %and3A_698, %lt3A_701 : vector<16xi1>
      %ge3A_703 = arith.constant 500000 : i32
      %ge3A_704 = vector.broadcast %ge3A_703 : i32 to vector<16xi32>
      %ge3A_705 = arith.cmpi sge, %get3A_683, %ge3A_704 : vector<16xi32>
      %and3A_706 = arith.andi %and3A_698, %ge3A_705 : vector<16xi1>
      %convert_element_type3A_707 = arith.extui %and3A_702 : vector<16xi1> to vector<16xi32>
      %broadcast_in_dim3A_708 = arith.constant true
      %broadcast_in_dim3A_709 = vector.broadcast %broadcast_in_dim3A_708 : i1 to vector<16xi1>
      %masked_cumsum3A = tpu.scan <sum>, %convert_element_type3A_707 masked %broadcast_in_dim3A_709 : vector<16xi32>, vector<16xi1> -> vector<16xi32>
      %add3A_710 = arith.addi %scan3A_676, %masked_cumsum3A : vector<16xi32>
      %sub3A_711 = arith.constant 1 : i32
      %sub3A_712 = vector.broadcast %sub3A_711 : i32 to vector<16xi32>
      %sub3A_713 = arith.subi %add3A_710, %sub3A_712 : vector<16xi32>
      %convert_element_type3A_714 = arith.extui %and3A_706 : vector<16xi1> to vector<16xi32>
      %broadcast_in_dim3A_715 = arith.constant true
      %broadcast_in_dim3A_716 = vector.broadcast %broadcast_in_dim3A_715 : i1 to vector<16xi1>
      %masked_cumsum3A_717 = tpu.scan <sum>, %convert_element_type3A_714 masked %broadcast_in_dim3A_716 : vector<16xi32>, vector<16xi1> -> vector<16xi32>
      %add3A_718 = arith.addi %scan3A_677, %masked_cumsum3A_717 : vector<16xi32>
      %sub3A_719 = arith.constant 1 : i32
      %sub3A_720 = vector.broadcast %sub3A_719 : i32 to vector<16xi32>
      %sub3A_721 = arith.subi %add3A_718, %sub3A_720 : vector<16xi32>
      %sub3A_722 = arith.constant 25855 : i32
      %sub3A_723 = vector.broadcast %sub3A_722 : i32 to vector<16xi32>
      %sub3A_724 = arith.subi %sub3A_723, %sub3A_721 : vector<16xi32>
      %sub3A_725 = arith.constant 100 : i32
      %sub3A_726 = vector.broadcast %sub3A_725 : i32 to vector<16xi32>
      %sub3A_727 = arith.subi %sub3A_692, %sub3A_726 : vector<16xi32>
      %mul3A_728 = arith.constant 4096 : i32
      %mul3A_729 = vector.broadcast %mul3A_728 : i32 to vector<16xi32>
      %mul3A_730 = arith.muli %sub3A_727, %mul3A_729 : vector<16xi32>
      %add3A_731 = vector.broadcast %scan3A_679 : i32 to vector<16xi32>
      %add3A_732 = arith.addi %add3A_731, %convert_element_type3A_688 : vector<16xi32>
      %add3A_733 = arith.addi %mul3A_730, %add3A_732 : vector<16xi32>
      %shift_right_arithmetic3A = arith.constant 7 : i32
      %shift_right_arithmetic3A_734 = vector.broadcast %shift_right_arithmetic3A : i32 to vector<16xi32>
      %shift_right_arithmetic3A_735 = arith.shrsi %sub3A_713, %shift_right_arithmetic3A_734 : vector<16xi32>
      %and3A_736 = arith.constant 127 : i32
      %and3A_737 = vector.broadcast %and3A_736 : i32 to vector<16xi32>
      %and3A_738 = arith.andi %sub3A_713, %and3A_737 : vector<16xi32>
      tpu.vector_store_idx %arg7[%shift_right_arithmetic3A_735, %and3A_738], %get3A_683 masked %and3A_702 : memref<202x128xi32, #tpu.memory_space<vmem>>[vector<16xi32>, vector<16xi32>], vector<16xi32>, vector<16xi1>
      %shift_right_arithmetic3A_739 = arith.constant 7 : i32
      %shift_right_arithmetic3A_740 = vector.broadcast %shift_right_arithmetic3A_739 : i32 to vector<16xi32>
      %shift_right_arithmetic3A_741 = arith.shrsi %sub3A_713, %shift_right_arithmetic3A_740 : vector<16xi32>
      %and3A_742 = arith.constant 127 : i32
      %and3A_743 = vector.broadcast %and3A_742 : i32 to vector<16xi32>
      %and3A_744 = arith.andi %sub3A_713, %and3A_743 : vector<16xi32>
      tpu.vector_store_idx %arg8[%shift_right_arithmetic3A_741, %and3A_744], %add3A_733 masked %and3A_702 : memref<202x128xi32, #tpu.memory_space<vmem>>[vector<16xi32>, vector<16xi32>], vector<16xi32>, vector<16xi1>
      %shift_right_arithmetic3A_745 = arith.constant 7 : i32
      %shift_right_arithmetic3A_746 = vector.broadcast %shift_right_arithmetic3A_745 : i32 to vector<16xi32>
      %shift_right_arithmetic3A_747 = arith.shrsi %sub3A_724, %shift_right_arithmetic3A_746 : vector<16xi32>
      %and3A_748 = arith.constant 127 : i32
      %and3A_749 = vector.broadcast %and3A_748 : i32 to vector<16xi32>
      %and3A_750 = arith.andi %sub3A_724, %and3A_749 : vector<16xi32>
      %sub3A_751 = arith.constant 500000 : i32
      %sub3A_752 = vector.broadcast %sub3A_751 : i32 to vector<16xi32>
      %sub3A_753 = arith.subi %get3A_683, %sub3A_752 : vector<16xi32>
      tpu.vector_store_idx %arg7[%shift_right_arithmetic3A_747, %and3A_750], %sub3A_753 masked %and3A_706 : memref<202x128xi32, #tpu.memory_space<vmem>>[vector<16xi32>, vector<16xi32>], vector<16xi32>, vector<16xi1>
      %shift_right_arithmetic3A_754 = arith.constant 7 : i32
      %shift_right_arithmetic3A_755 = vector.broadcast %shift_right_arithmetic3A_754 : i32 to vector<16xi32>
      %shift_right_arithmetic3A_756 = arith.shrsi %sub3A_724, %shift_right_arithmetic3A_755 : vector<16xi32>
      %and3A_757 = arith.constant 127 : i32
      %and3A_758 = vector.broadcast %and3A_757 : i32 to vector<16xi32>
      %and3A_759 = arith.andi %sub3A_724, %and3A_758 : vector<16xi32>
      tpu.vector_store_idx %arg8[%shift_right_arithmetic3A_756, %and3A_759], %add3A_733 masked %and3A_706 : memref<202x128xi32, #tpu.memory_space<vmem>>[vector<16xi32>, vector<16xi32>], vector<16xi32>, vector<16xi1>
      %all_reduce_population_count3A = tpu.all_reduce %and3A_702 {dim = 0 : i64, kind = #tpu.reduction_kind<sum>} : vector<16xi1> -> vector<16xi32>
      %all_reduce_population_count3A_760 = tpu.all_reduce %and3A_706 {dim = 0 : i64, kind = #tpu.reduction_kind<sum>} : vector<16xi1> -> vector<16xi32>
      %add3A_761 = arith.constant 16 : i32
      %add3A_762 = arith.addi %scan3A_678, %add3A_761 : i32
      %ge3A_763 = arith.constant 200 : i32
      %ge3A_764 = arith.cmpi sge, %add3A_762, %ge3A_763 : i32
      %convert_element_type3A_765 = arith.extui %ge3A_764 : i1 to i32
      %add3A_766 = arith.addi %scan3A_676, %all_reduce_population_count3A : vector<16xi32>
      %add3A_767 = arith.addi %scan3A_677, %all_reduce_population_count3A_760 : vector<16xi32>
      %mul3A_768 = arith.constant 200 : i32
      %mul3A_769 = arith.muli %mul3A_768, %convert_element_type3A_765 : i32
      %sub3A_770 = arith.subi %add3A_762, %mul3A_769 : i32
      %add3A_771 = arith.addi %scan3A_679, %convert_element_type3A_765 : i32
      scf.yield %add3A_766, %add3A_767, %sub3A_770, %add3A_771 : vector<16xi32>, vector<16xi32>, i32, i32
    }
    %scan3A_11 = arith.constant 1600 : i32
    %reduce_max3A = arith.constant true
    %reduce_max3A_12 = vector.broadcast %reduce_max3A : i1 to vector<16xi1>
    %reduce_max3A_13 = arith.constant -2147483648 : i32
    %reduce_max3A_14 = vector.broadcast %reduce_max3A_13 : i32 to vector<16xi32>
    %reduce_max3A_15 = arith.xori %scan3A_10#0, %reduce_max3A_14 : vector<16xi32>
    %reduce_max3A_16 = tpu.scan <max>, %reduce_max3A_15 masked %reduce_max3A_12 : vector<16xi32>, vector<16xi1> -> vector<16xi32>
    %reduce_max3A_17 = arith.xori %reduce_max3A_16, %reduce_max3A_14 : vector<16xi32>
    %reduce_max3A_18 = vector.extract %reduce_max3A_17[15] : i32 from vector<16xi32>
    %reduce_max3A_19 = arith.constant true
    %reduce_max3A_20 = vector.broadcast %reduce_max3A_19 : i1 to vector<16xi1>
    %reduce_max3A_21 = arith.constant -2147483648 : i32
    %reduce_max3A_22 = vector.broadcast %reduce_max3A_21 : i32 to vector<16xi32>
    %reduce_max3A_23 = arith.xori %scan3A_10#1, %reduce_max3A_22 : vector<16xi32>
    %reduce_max3A_24 = tpu.scan <max>, %reduce_max3A_23 masked %reduce_max3A_20 : vector<16xi32>, vector<16xi1> -> vector<16xi32>
    %reduce_max3A_25 = arith.xori %reduce_max3A_24, %reduce_max3A_22 : vector<16xi32>
    %reduce_max3A_26 = vector.extract %reduce_max3A_25[15] : i32 from vector<16xi32>
    %add3A_27 = arith.constant 128 : i32
    %add3A_28 = arith.addi %reduce_max3A_18, %add3A_27 : i32
    %sub3A = arith.constant 1 : i32
    %sub3A_29 = arith.subi %add3A_28, %sub3A : i32
    %jit3A = arith.constant 128 : i32
    %div3A = arith.divsi %sub3A_29, %jit3A : i32
    %sign3A = arith.constant 0 : i32
    %sign3A_30 = arith.cmpi sgt, %sub3A_29, %sign3A : i32
    %sign3A_31 = arith.extui %sign3A_30 : i1 to i32
    %sign3A_32 = arith.constant 0 : i32
    %sign3A_33 = arith.cmpi slt, %sub3A_29, %sign3A_32 : i32
    %sign3A_34 = arith.extui %sign3A_33 : i1 to i32
    %sign3A_35 = arith.subi %sign3A_31, %sign3A_34 : i32
    %sign3A_36 = arith.constant 0 : i32
    %sign3A_37 = arith.cmpi sgt, %jit3A, %sign3A_36 : i32
    %sign3A_38 = arith.extui %sign3A_37 : i1 to i32
    %sign3A_39 = arith.constant 0 : i32
    %sign3A_40 = arith.cmpi slt, %jit3A, %sign3A_39 : i32
    %sign3A_41 = arith.extui %sign3A_40 : i1 to i32
    %sign3A_42 = arith.subi %sign3A_38, %sign3A_41 : i32
    %ne3A = arith.cmpi ne, %sign3A_35, %sign3A_42 : i32
    %rem3A = arith.remsi %sub3A_29, %jit3A : i32
    %ne3A_43 = arith.constant 0 : i32
    %ne3A_44 = arith.cmpi ne, %rem3A, %ne3A_43 : i32
    %and3A = arith.andi %ne3A, %ne3A_44 : i1
    %sub3A_45 = arith.constant 1 : i32
    %sub3A_46 = arith.subi %div3A, %sub3A_45 : i32
    %select_n3A = arith.select %and3A, %sub3A_46, %div3A : i32
    %mul3A_47 = arith.constant 128 : i32
    %mul3A_48 = arith.muli %select_n3A, %mul3A_47 : i32
    %add3A_49 = arith.constant 128 : i32
    %add3A_50 = arith.addi %reduce_max3A_26, %add3A_49 : i32
    %sub3A_51 = arith.constant 1 : i32
    %sub3A_52 = arith.subi %add3A_50, %sub3A_51 : i32
    %jit3A_53 = arith.constant 128 : i32
    %div3A_54 = arith.divsi %sub3A_52, %jit3A_53 : i32
    %sign3A_55 = arith.constant 0 : i32
    %sign3A_56 = arith.cmpi sgt, %sub3A_52, %sign3A_55 : i32
    %sign3A_57 = arith.extui %sign3A_56 : i1 to i32
    %sign3A_58 = arith.constant 0 : i32
    %sign3A_59 = arith.cmpi slt, %sub3A_52, %sign3A_58 : i32
    %sign3A_60 = arith.extui %sign3A_59 : i1 to i32
    %sign3A_61 = arith.subi %sign3A_57, %sign3A_60 : i32
    %sign3A_62 = arith.constant 0 : i32
    %sign3A_63 = arith.cmpi sgt, %jit3A_53, %sign3A_62 : i32
    %sign3A_64 = arith.extui %sign3A_63 : i1 to i32
    %sign3A_65 = arith.constant 0 : i32
    %sign3A_66 = arith.cmpi slt, %jit3A_53, %sign3A_65 : i32
    %sign3A_67 = arith.extui %sign3A_66 : i1 to i32
    %sign3A_68 = arith.subi %sign3A_64, %sign3A_67 : i32
    %ne3A_69 = arith.cmpi ne, %sign3A_61, %sign3A_68 : i32
    %rem3A_70 = arith.remsi %sub3A_52, %jit3A_53 : i32
    %ne3A_71 = arith.constant 0 : i32
    %ne3A_72 = arith.cmpi ne, %rem3A_70, %ne3A_71 : i32
    %and3A_73 = arith.andi %ne3A_69, %ne3A_72 : i1
    %sub3A_74 = arith.constant 1 : i32
    %sub3A_75 = arith.subi %div3A_54, %sub3A_74 : i32
    %select_n3A_76 = arith.select %and3A_73, %sub3A_75, %div3A_54 : i32
    %mul3A_77 = arith.constant 128 : i32
    %mul3A_78 = arith.muli %select_n3A_76, %mul3A_77 : i32
    %get3A = arith.constant 0 : i32
    %get3A_79 = arith.index_cast %get3A : i32 to index
    %get3A_80 = arith.constant 0 : index
    %get3A_81 = tpu.vector_load %arg7[%get3A_79, %get3A_80] {strides = array<i32>} : memref<202x128xi32, #tpu.memory_space<vmem>>, vector<16xi32>,
    %get3A_82 = arith.constant 0 : i32
    %get3A_83 = arith.index_cast %get3A_82 : i32 to index
    %get3A_84 = arith.constant 0 : index
    %get3A_85 = tpu.vector_load %arg8[%get3A_83, %get3A_84] {strides = array<i32>} : memref<202x128xi32, #tpu.memory_space<vmem>>, vector<16xi32>,
    %eq3A = arith.constant 0 : i32
    %eq3A_86 = vector.broadcast %eq3A : i32 to vector<16xi32>
    %eq3A_87 = arith.cmpi eq, %iota3A, %eq3A_86 : vector<16xi32>
    %jit3A_88 = arith.constant 0 : i32
    %broadcast_in_dim3A_89 = vector.broadcast %jit3A_88 : i32 to vector<16xi32>
    %select_n3A_90 = arith.select %eq3A_87, %get3A_81, %broadcast_in_dim3A_89 : vector<16xi1>, vector<16xi32>
    %reduce_sum3A = arith.constant true
    %reduce_sum3A_91 = vector.broadcast %reduce_sum3A : i1 to vector<16xi1>
    %reduce_sum3A_92 = tpu.scan <sum>, %select_n3A_90 masked %reduce_sum3A_91 : vector<16xi32>, vector<16xi1> -> vector<16xi32>
    %reduce_sum3A_93 = vector.extract %reduce_sum3A_92[15] : i32 from vector<16xi32>
    %eq3A_94 = arith.constant 0 : i32
    %eq3A_95 = vector.broadcast %eq3A_94 : i32 to vector<16xi32>
    %eq3A_96 = arith.cmpi eq, %iota3A, %eq3A_95 : vector<16xi32>
    %jit3A_97 = arith.constant 0 : i32
    %broadcast_in_dim3A_98 = vector.broadcast %jit3A_97 : i32 to vector<16xi32>
    %select_n3A_99 = arith.select %eq3A_96, %get3A_85, %broadcast_in_dim3A_98 : vector<16xi1>, vector<16xi32>
    %reduce_sum3A_100 = arith.constant true
    %reduce_sum3A_101 = vector.broadcast %reduce_sum3A_100 : i1 to vector<16xi1>
    %reduce_sum3A_102 = tpu.scan <sum>, %select_n3A_99 masked %reduce_sum3A_101 : vector<16xi32>, vector<16xi1> -> vector<16xi32>
    %reduce_sum3A_103 = vector.extract %reduce_sum3A_102[15] : i32 from vector<16xi32>
    %get3A_104 = arith.constant 201 : i32
    %get3A_105 = arith.index_cast %get3A_104 : i32 to index
    %get3A_106 = arith.constant 112 : index
    %get3A_107 = tpu.vector_load %arg7[%get3A_105, %get3A_106] {strides = array<i32>} : memref<202x128xi32, #tpu.memory_space<vmem>>, vector<16xi32>,
    %get3A_108 = arith.constant 201 : i32
    %get3A_109 = arith.index_cast %get3A_108 : i32 to index
    %get3A_110 = arith.constant 112 : index
    %get3A_111 = tpu.vector_load %arg8[%get3A_109, %get3A_110] {strides = array<i32>} : memref<202x128xi32, #tpu.memory_space<vmem>>, vector<16xi32>,
    %eq3A_112 = arith.constant 15 : i32
    %eq3A_113 = vector.broadcast %eq3A_112 : i32 to vector<16xi32>
    %eq3A_114 = arith.cmpi eq, %iota3A, %eq3A_113 : vector<16xi32>
    %jit3A_115 = arith.constant 0 : i32
    %broadcast_in_dim3A_116 = vector.broadcast %jit3A_115 : i32 to vector<16xi32>
    %select_n3A_117 = arith.select %eq3A_114, %get3A_107, %broadcast_in_dim3A_116 : vector<16xi1>, vector<16xi32>
    %reduce_sum3A_118 = arith.constant true
    %reduce_sum3A_119 = vector.broadcast %reduce_sum3A_118 : i1 to vector<16xi1>
    %reduce_sum3A_120 = tpu.scan <sum>, %select_n3A_117 masked %reduce_sum3A_119 : vector<16xi32>, vector<16xi1> -> vector<16xi32>
    %reduce_sum3A_121 = vector.extract %reduce_sum3A_120[15] : i32 from vector<16xi32>
    %eq3A_122 = arith.constant 15 : i32
    %eq3A_123 = vector.broadcast %eq3A_122 : i32 to vector<16xi32>
    %eq3A_124 = arith.cmpi eq, %iota3A, %eq3A_123 : vector<16xi32>
    %jit3A_125 = arith.constant 0 : i32
    %broadcast_in_dim3A_126 = vector.broadcast %jit3A_125 : i32 to vector<16xi32>
    %select_n3A_127 = arith.select %eq3A_124, %get3A_111, %broadcast_in_dim3A_126 : vector<16xi1>, vector<16xi32>
    %reduce_sum3A_128 = arith.constant true
    %reduce_sum3A_129 = vector.broadcast %reduce_sum3A_128 : i1 to vector<16xi1>
    %reduce_sum3A_130 = tpu.scan <sum>, %select_n3A_127 masked %reduce_sum3A_129 : vector<16xi32>, vector<16xi1> -> vector<16xi32>
    %reduce_sum3A_131 = vector.extract %reduce_sum3A_130[15] : i32 from vector<16xi32>
    %sub3A_132 = arith.subi %mul3A_48, %reduce_max3A_18 : i32
    %add3A_133 = arith.constant 16 : i32
    %add3A_134 = arith.addi %sub3A_132, %add3A_133 : i32
    %sub3A_135 = arith.constant 1 : i32
    %sub3A_136 = arith.subi %add3A_134, %sub3A_135 : i32
    %jit3A_137 = arith.constant 16 : i32
    %div3A_138 = arith.divsi %sub3A_136, %jit3A_137 : i32
    %sign3A_139 = arith.constant 0 : i32
    %sign3A_140 = arith.cmpi sgt, %sub3A_136, %sign3A_139 : i32
    %sign3A_141 = arith.extui %sign3A_140 : i1 to i32
    %sign3A_142 = arith.constant 0 : i32
    %sign3A_143 = arith.cmpi slt, %sub3A_136, %sign3A_142 : i32
    %sign3A_144 = arith.extui %sign3A_143 : i1 to i32
    %sign3A_145 = arith.subi %sign3A_141, %sign3A_144 : i32
    %sign3A_146 = arith.constant 0 : i32
    %sign3A_147 = arith.cmpi sgt, %jit3A_137, %sign3A_146 : i32
    %sign3A_148 = arith.extui %sign3A_147 : i1 to i32
    %sign3A_149 = arith.constant 0 : i32
    %sign3A_150 = arith.cmpi slt, %jit3A_137, %sign3A_149 : i32
    %sign3A_151 = arith.extui %sign3A_150 : i1 to i32
    %sign3A_152 = arith.subi %sign3A_148, %sign3A_151 : i32
    %ne3A_153 = arith.cmpi ne, %sign3A_145, %sign3A_152 : i32
    %rem3A_154 = arith.remsi %sub3A_136, %jit3A_137 : i32
    %ne3A_155 = arith.constant 0 : i32
    %ne3A_156 = arith.cmpi ne, %rem3A_154, %ne3A_155 : i32
    %and3A_157 = arith.andi %ne3A_153, %ne3A_156 : i1
    %sub3A_158 = arith.constant 1 : i32
    %sub3A_159 = arith.subi %div3A_138, %sub3A_158 : i32
    %select_n3A_160 = arith.select %and3A_157, %sub3A_159, %div3A_138 : i32
    %while3A = arith.constant 0 : i32
    %while3A_161 = arith.constant 0 : i32
    %while3A_162 = arith.subi %select_n3A_160, %while3A : i32
    %while3A_163 = arith.addi %while3A, %while3A_162 : i32
    %while3A_164 = arith.constant 1 : i32
    %while3A_165 = arith.divsi %while3A_162, %while3A_164 : i32
    %while3A_166 = arith.muli %while3A_165, %while3A_164 : i32
    %while3A_167 = arith.addi %while3A, %while3A_166 : i32
    %while3A_168 = arith.constant 1 : i32
    %while3A_169 = scf.for %while3A_675 = %while3A to %while3A_167 step %while3A_168 iter_args(%while3A_676 = %while3A_161) -> (i32)  : i32 {
      %mul3A_677 = arith.constant 16 : i32
      %mul3A_678 = arith.muli %while3A_675, %mul3A_677 : i32
      %add3A_679 = arith.addi %reduce_max3A_18, %mul3A_678 : i32
      %add3A_680 = vector.broadcast %add3A_679 : i32 to vector<16xi32>
      %add3A_681 = arith.addi %add3A_680, %iota3A : vector<16xi32>
      %lt3A = vector.broadcast %mul3A_48 : i32 to vector<16xi32>
      %lt3A_682 = arith.cmpi slt, %add3A_681, %lt3A : vector<16xi32>
      %shift_right_arithmetic3A = arith.constant 7 : i32
      %shift_right_arithmetic3A_683 = vector.broadcast %shift_right_arithmetic3A : i32 to vector<16xi32>
      %shift_right_arithmetic3A_684 = arith.shrsi %add3A_681, %shift_right_arithmetic3A_683 : vector<16xi32>
      %and3A_685 = arith.constant 127 : i32
      %and3A_686 = vector.broadcast %and3A_685 : i32 to vector<16xi32>
      %and3A_687 = arith.andi %add3A_681, %and3A_686 : vector<16xi32>
      %broadcast_in_dim3A_688 = vector.broadcast %reduce_sum3A_93 : i32 to vector<16xi32>
      tpu.vector_store_idx %arg7[%shift_right_arithmetic3A_684, %and3A_687], %broadcast_in_dim3A_688 masked %lt3A_682 : memref<202x128xi32, #tpu.memory_space<vmem>>[vector<16xi32>, vector<16xi32>], vector<16xi32>, vector<16xi1>
      %shift_right_arithmetic3A_689 = arith.constant 7 : i32
      %shift_right_arithmetic3A_690 = vector.broadcast %shift_right_arithmetic3A_689 : i32 to vector<16xi32>
      %shift_right_arithmetic3A_691 = arith.shrsi %add3A_681, %shift_right_arithmetic3A_690 : vector<16xi32>
      %and3A_692 = arith.constant 127 : i32
      %and3A_693 = vector.broadcast %and3A_692 : i32 to vector<16xi32>
      %and3A_694 = arith.andi %add3A_681, %and3A_693 : vector<16xi32>
      %broadcast_in_dim3A_695 = vector.broadcast %reduce_sum3A_103 : i32 to vector<16xi32>
      tpu.vector_store_idx %arg8[%shift_right_arithmetic3A_691, %and3A_694], %broadcast_in_dim3A_695 masked %lt3A_682 : memref<202x128xi32, #tpu.memory_space<vmem>>[vector<16xi32>, vector<16xi32>], vector<16xi32>, vector<16xi1>
      %while3A_696 = arith.constant 0 : i32
      scf.yield %while3A_696 : i32
    }
    %while3A_170 = arith.constant 1 : i32
    %while3A_171 = scf.for %while3A_675 = %while3A_167 to %while3A_163 step %while3A_170 iter_args(%while3A_676 = %while3A_169) -> (i32)  : i32 {
      %mul3A_677 = arith.constant 16 : i32
      %mul3A_678 = arith.muli %while3A_675, %mul3A_677 : i32
      %add3A_679 = arith.addi %reduce_max3A_18, %mul3A_678 : i32
      %add3A_680 = vector.broadcast %add3A_679 : i32 to vector<16xi32>
      %add3A_681 = arith.addi %add3A_680, %iota3A : vector<16xi32>
      %lt3A = vector.broadcast %mul3A_48 : i32 to vector<16xi32>
      %lt3A_682 = arith.cmpi slt, %add3A_681, %lt3A : vector<16xi32>
      %shift_right_arithmetic3A = arith.constant 7 : i32
      %shift_right_arithmetic3A_683 = vector.broadcast %shift_right_arithmetic3A : i32 to vector<16xi32>
      %shift_right_arithmetic3A_684 = arith.shrsi %add3A_681, %shift_right_arithmetic3A_683 : vector<16xi32>
      %and3A_685 = arith.constant 127 : i32
      %and3A_686 = vector.broadcast %and3A_685 : i32 to vector<16xi32>
      %and3A_687 = arith.andi %add3A_681, %and3A_686 : vector<16xi32>
      %broadcast_in_dim3A_688 = vector.broadcast %reduce_sum3A_93 : i32 to vector<16xi32>
      tpu.vector_store_idx %arg7[%shift_right_arithmetic3A_684, %and3A_687], %broadcast_in_dim3A_688 masked %lt3A_682 : memref<202x128xi32, #tpu.memory_space<vmem>>[vector<16xi32>, vector<16xi32>], vector<16xi32>, vector<16xi1>
      %shift_right_arithmetic3A_689 = arith.constant 7 : i32
      %shift_right_arithmetic3A_690 = vector.broadcast %shift_right_arithmetic3A_689 : i32 to vector<16xi32>
      %shift_right_arithmetic3A_691 = arith.shrsi %add3A_681, %shift_right_arithmetic3A_690 : vector<16xi32>
      %and3A_692 = arith.constant 127 : i32
      %and3A_693 = vector.broadcast %and3A_692 : i32 to vector<16xi32>
      %and3A_694 = arith.andi %add3A_681, %and3A_693 : vector<16xi32>
      %broadcast_in_dim3A_695 = vector.broadcast %reduce_sum3A_103 : i32 to vector<16xi32>
      tpu.vector_store_idx %arg8[%shift_right_arithmetic3A_691, %and3A_694], %broadcast_in_dim3A_695 masked %lt3A_682 : memref<202x128xi32, #tpu.memory_space<vmem>>[vector<16xi32>, vector<16xi32>], vector<16xi32>, vector<16xi1>
      %while3A_696 = arith.constant 0 : i32
      scf.yield %while3A_696 : i32
    }
    %sub3A_172 = arith.subi %mul3A_78, %reduce_max3A_26 : i32
    %add3A_173 = arith.constant 16 : i32
    %add3A_174 = arith.addi %sub3A_172, %add3A_173 : i32
    %sub3A_175 = arith.constant 1 : i32
    %sub3A_176 = arith.subi %add3A_174, %sub3A_175 : i32
    %jit3A_177 = arith.constant 16 : i32
    %div3A_178 = arith.divsi %sub3A_176, %jit3A_177 : i32
    %sign3A_179 = arith.constant 0 : i32
    %sign3A_180 = arith.cmpi sgt, %sub3A_176, %sign3A_179 : i32
    %sign3A_181 = arith.extui %sign3A_180 : i1 to i32
    %sign3A_182 = arith.constant 0 : i32
    %sign3A_183 = arith.cmpi slt, %sub3A_176, %sign3A_182 : i32
    %sign3A_184 = arith.extui %sign3A_183 : i1 to i32
    %sign3A_185 = arith.subi %sign3A_181, %sign3A_184 : i32
    %sign3A_186 = arith.constant 0 : i32
    %sign3A_187 = arith.cmpi sgt, %jit3A_177, %sign3A_186 : i32
    %sign3A_188 = arith.extui %sign3A_187 : i1 to i32
    %sign3A_189 = arith.constant 0 : i32
    %sign3A_190 = arith.cmpi slt, %jit3A_177, %sign3A_189 : i32
    %sign3A_191 = arith.extui %sign3A_190 : i1 to i32
    %sign3A_192 = arith.subi %sign3A_188, %sign3A_191 : i32
    %ne3A_193 = arith.cmpi ne, %sign3A_185, %sign3A_192 : i32
    %rem3A_194 = arith.remsi %sub3A_176, %jit3A_177 : i32
    %ne3A_195 = arith.constant 0 : i32
    %ne3A_196 = arith.cmpi ne, %rem3A_194, %ne3A_195 : i32
    %and3A_197 = arith.andi %ne3A_193, %ne3A_196 : i1
    %sub3A_198 = arith.constant 1 : i32
    %sub3A_199 = arith.subi %div3A_178, %sub3A_198 : i32
    %select_n3A_200 = arith.select %and3A_197, %sub3A_199, %div3A_178 : i32
    %while3A_201 = arith.constant 0 : i32
    %while3A_202 = arith.constant 0 : i32
    %while3A_203 = arith.subi %select_n3A_200, %while3A_201 : i32
    %while3A_204 = arith.addi %while3A_201, %while3A_203 : i32
    %while3A_205 = arith.constant 1 : i32
    %while3A_206 = arith.divsi %while3A_203, %while3A_205 : i32
    %while3A_207 = arith.muli %while3A_206, %while3A_205 : i32
    %while3A_208 = arith.addi %while3A_201, %while3A_207 : i32
    %while3A_209 = arith.constant 1 : i32
    %while3A_210 = scf.for %while3A_675 = %while3A_201 to %while3A_208 step %while3A_209 iter_args(%while3A_676 = %while3A_202) -> (i32)  : i32 {
      %sub3A_677 = arith.constant 25856 : i32
      %sub3A_678 = arith.subi %sub3A_677, %mul3A_78 : i32
      %mul3A_679 = arith.constant 16 : i32
      %mul3A_680 = arith.muli %while3A_675, %mul3A_679 : i32
      %add3A_681 = arith.addi %sub3A_678, %mul3A_680 : i32
      %add3A_682 = vector.broadcast %add3A_681 : i32 to vector<16xi32>
      %add3A_683 = arith.addi %add3A_682, %iota3A : vector<16xi32>
      %sub3A_684 = arith.constant 25856 : i32
      %sub3A_685 = arith.subi %sub3A_684, %reduce_max3A_26 : i32
      %lt3A = vector.broadcast %sub3A_685 : i32 to vector<16xi32>
      %lt3A_686 = arith.cmpi slt, %add3A_683, %lt3A : vector<16xi32>
      %shift_right_arithmetic3A = arith.constant 7 : i32
      %shift_right_arithmetic3A_687 = vector.broadcast %shift_right_arithmetic3A : i32 to vector<16xi32>
      %shift_right_arithmetic3A_688 = arith.shrsi %add3A_683, %shift_right_arithmetic3A_687 : vector<16xi32>
      %and3A_689 = arith.constant 127 : i32
      %and3A_690 = vector.broadcast %and3A_689 : i32 to vector<16xi32>
      %and3A_691 = arith.andi %add3A_683, %and3A_690 : vector<16xi32>
      %broadcast_in_dim3A_692 = vector.broadcast %reduce_sum3A_121 : i32 to vector<16xi32>
      tpu.vector_store_idx %arg7[%shift_right_arithmetic3A_688, %and3A_691], %broadcast_in_dim3A_692 masked %lt3A_686 : memref<202x128xi32, #tpu.memory_space<vmem>>[vector<16xi32>, vector<16xi32>], vector<16xi32>, vector<16xi1>
      %shift_right_arithmetic3A_693 = arith.constant 7 : i32
      %shift_right_arithmetic3A_694 = vector.broadcast %shift_right_arithmetic3A_693 : i32 to vector<16xi32>
      %shift_right_arithmetic3A_695 = arith.shrsi %add3A_683, %shift_right_arithmetic3A_694 : vector<16xi32>
      %and3A_696 = arith.constant 127 : i32
      %and3A_697 = vector.broadcast %and3A_696 : i32 to vector<16xi32>
      %and3A_698 = arith.andi %add3A_683, %and3A_697 : vector<16xi32>
      %broadcast_in_dim3A_699 = vector.broadcast %reduce_sum3A_131 : i32 to vector<16xi32>
      tpu.vector_store_idx %arg8[%shift_right_arithmetic3A_695, %and3A_698], %broadcast_in_dim3A_699 masked %lt3A_686 : memref<202x128xi32, #tpu.memory_space<vmem>>[vector<16xi32>, vector<16xi32>], vector<16xi32>, vector<16xi1>
      %while3A_700 = arith.constant 0 : i32
      scf.yield %while3A_700 : i32
    }
    %while3A_211 = arith.constant 1 : i32
    %while3A_212 = scf.for %while3A_675 = %while3A_208 to %while3A_204 step %while3A_211 iter_args(%while3A_676 = %while3A_210) -> (i32)  : i32 {
      %sub3A_677 = arith.constant 25856 : i32
      %sub3A_678 = arith.subi %sub3A_677, %mul3A_78 : i32
      %mul3A_679 = arith.constant 16 : i32
      %mul3A_680 = arith.muli %while3A_675, %mul3A_679 : i32
      %add3A_681 = arith.addi %sub3A_678, %mul3A_680 : i32
      %add3A_682 = vector.broadcast %add3A_681 : i32 to vector<16xi32>
      %add3A_683 = arith.addi %add3A_682, %iota3A : vector<16xi32>
      %sub3A_684 = arith.constant 25856 : i32
      %sub3A_685 = arith.subi %sub3A_684, %reduce_max3A_26 : i32
      %lt3A = vector.broadcast %sub3A_685 : i32 to vector<16xi32>
      %lt3A_686 = arith.cmpi slt, %add3A_683, %lt3A : vector<16xi32>
      %shift_right_arithmetic3A = arith.constant 7 : i32
      %shift_right_arithmetic3A_687 = vector.broadcast %shift_right_arithmetic3A : i32 to vector<16xi32>
      %shift_right_arithmetic3A_688 = arith.shrsi %add3A_683, %shift_right_arithmetic3A_687 : vector<16xi32>
      %and3A_689 = arith.constant 127 : i32
      %and3A_690 = vector.broadcast %and3A_689 : i32 to vector<16xi32>
      %and3A_691 = arith.andi %add3A_683, %and3A_690 : vector<16xi32>
      %broadcast_in_dim3A_692 = vector.broadcast %reduce_sum3A_121 : i32 to vector<16xi32>
      tpu.vector_store_idx %arg7[%shift_right_arithmetic3A_688, %and3A_691], %broadcast_in_dim3A_692 masked %lt3A_686 : memref<202x128xi32, #tpu.memory_space<vmem>>[vector<16xi32>, vector<16xi32>], vector<16xi32>, vector<16xi1>
      %shift_right_arithmetic3A_693 = arith.constant 7 : i32
      %shift_right_arithmetic3A_694 = vector.broadcast %shift_right_arithmetic3A_693 : i32 to vector<16xi32>
      %shift_right_arithmetic3A_695 = arith.shrsi %add3A_683, %shift_right_arithmetic3A_694 : vector<16xi32>
      %and3A_696 = arith.constant 127 : i32
      %and3A_697 = vector.broadcast %and3A_696 : i32 to vector<16xi32>
      %and3A_698 = arith.andi %add3A_683, %and3A_697 : vector<16xi32>
      %broadcast_in_dim3A_699 = vector.broadcast %reduce_sum3A_131 : i32 to vector<16xi32>
      tpu.vector_store_idx %arg8[%shift_right_arithmetic3A_695, %and3A_698], %broadcast_in_dim3A_699 masked %lt3A_686 : memref<202x128xi32, #tpu.memory_space<vmem>>[vector<16xi32>, vector<16xi32>], vector<16xi32>, vector<16xi1>
      %while3A_700 = arith.constant 0 : i32
      scf.yield %while3A_700 : i32
    }
    %jit3A_213 = arith.constant 128 : i32
    %div3A_214 = arith.divsi %mul3A_48, %jit3A_213 : i32
    %sign3A_215 = arith.constant 0 : i32
    %sign3A_216 = arith.cmpi sgt, %mul3A_48, %sign3A_215 : i32
    %sign3A_217 = arith.extui %sign3A_216 : i1 to i32
    %sign3A_218 = arith.constant 0 : i32
    %sign3A_219 = arith.cmpi slt, %mul3A_48, %sign3A_218 : i32
    %sign3A_220 = arith.extui %sign3A_219 : i1 to i32
    %sign3A_221 = arith.subi %sign3A_217, %sign3A_220 : i32
    %sign3A_222 = arith.constant 0 : i32
    %sign3A_223 = arith.cmpi sgt, %jit3A_213, %sign3A_222 : i32
    %sign3A_224 = arith.extui %sign3A_223 : i1 to i32
    %sign3A_225 = arith.constant 0 : i32
    %sign3A_226 = arith.cmpi slt, %jit3A_213, %sign3A_225 : i32
    %sign3A_227 = arith.extui %sign3A_226 : i1 to i32
    %sign3A_228 = arith.subi %sign3A_224, %sign3A_227 : i32
    %ne3A_229 = arith.cmpi ne, %sign3A_221, %sign3A_228 : i32
    %rem3A_230 = arith.remsi %mul3A_48, %jit3A_213 : i32
    %ne3A_231 = arith.constant 0 : i32
    %ne3A_232 = arith.cmpi ne, %rem3A_230, %ne3A_231 : i32
    %and3A_233 = arith.andi %ne3A_229, %ne3A_232 : i1
    %sub3A_234 = arith.constant 1 : i32
    %sub3A_235 = arith.subi %div3A_214, %sub3A_234 : i32
    %select_n3A_236 = arith.select %and3A_233, %sub3A_235, %div3A_214 : i32
    %add3A_237 = arith.constant 4 : i32
    %add3A_238 = arith.addi %select_n3A_236, %add3A_237 : i32
    %sub3A_239 = arith.constant 1 : i32
    %sub3A_240 = arith.subi %add3A_238, %sub3A_239 : i32
    %jit3A_241 = arith.constant 4 : i32
    %div3A_242 = arith.divsi %sub3A_240, %jit3A_241 : i32
    %sign3A_243 = arith.constant 0 : i32
    %sign3A_244 = arith.cmpi sgt, %sub3A_240, %sign3A_243 : i32
    %sign3A_245 = arith.extui %sign3A_244 : i1 to i32
    %sign3A_246 = arith.constant 0 : i32
    %sign3A_247 = arith.cmpi slt, %sub3A_240, %sign3A_246 : i32
    %sign3A_248 = arith.extui %sign3A_247 : i1 to i32
    %sign3A_249 = arith.subi %sign3A_245, %sign3A_248 : i32
    %sign3A_250 = arith.constant 0 : i32
    %sign3A_251 = arith.cmpi sgt, %jit3A_241, %sign3A_250 : i32
    %sign3A_252 = arith.extui %sign3A_251 : i1 to i32
    %sign3A_253 = arith.constant 0 : i32
    %sign3A_254 = arith.cmpi slt, %jit3A_241, %sign3A_253 : i32
    %sign3A_255 = arith.extui %sign3A_254 : i1 to i32
    %sign3A_256 = arith.subi %sign3A_252, %sign3A_255 : i32
    %ne3A_257 = arith.cmpi ne, %sign3A_249, %sign3A_256 : i32
    %rem3A_258 = arith.remsi %sub3A_240, %jit3A_241 : i32
    %ne3A_259 = arith.constant 0 : i32
    %ne3A_260 = arith.cmpi ne, %rem3A_258, %ne3A_259 : i32
    %and3A_261 = arith.andi %ne3A_257, %ne3A_260 : i1
    %sub3A_262 = arith.constant 1 : i32
    %sub3A_263 = arith.subi %div3A_242, %sub3A_262 : i32
    %select_n3A_264 = arith.select %and3A_261, %sub3A_263, %div3A_242 : i32
    %while3A_265 = arith.constant 0 : i32
    %while3A_266 = arith.constant 0 : i32
    %while3A_267 = arith.subi %select_n3A_264, %while3A_265 : i32
    %while3A_268 = arith.addi %while3A_265, %while3A_267 : i32
    %while3A_269 = arith.constant 1 : i32
    %while3A_270 = arith.divsi %while3A_267, %while3A_269 : i32
    %while3A_271 = arith.muli %while3A_270, %while3A_269 : i32
    %while3A_272 = arith.addi %while3A_265, %while3A_271 : i32
    %while3A_273 = arith.constant 1 : i32
    %while3A_274 = scf.for %while3A_675 = %while3A_265 to %while3A_272 step %while3A_273 iter_args(%while3A_676 = %while3A_266) -> (i32)  : i32 {
      %mul3A_677 = arith.constant 4 : i32
      %mul3A_678 = arith.muli %while3A_675, %mul3A_677 : i32
      %add3A_679 = arith.constant 0 : i32
      %add3A_680 = arith.addi %mul3A_678, %add3A_679 : i32
      %add3A_681 = arith.constant 0 : i32
      %add3A_682 = arith.addi %add3A_681, %add3A_680 : i32
      %lt3A = arith.cmpi slt, %add3A_680, %select_n3A_236 : i32
      %gt3A_683 = arith.constant 0 : i32
      %gt3A_684 = arith.cmpi sgt, %while3A_675, %gt3A_683 : i32
      %and3A_685 = arith.andi %lt3A, %gt3A_684 : i1
      %convert_element_type3A_686 = arith.extui %and3A_685 : i1 to i32
      %cond3A_687 = arith.constant 0 : i32
      %cond3A_688 = arith.cmpi ne, %convert_element_type3A_686, %cond3A_687 : i32
      scf.if %cond3A_688 {
        %sub3A_785 = arith.constant 4 : i32
        %sub3A_786 = arith.subi %add3A_682, %sub3A_785 : i32
        %dma_wait3A = arith.constant 0 : i32
        %dma_wait3A_787 = arith.constant 0 : i32
        %dma_wait3A_788 = arith.constant 0 : i32
        %dma_wait3A_789 = tpu.memref_slice %arg9[%dma_wait3A, %dma_wait3A_787, %dma_wait3A_788] : memref<4x128x32xf32, #tpu.memory_space<vmem>> -> memref<1x128x32xf32, #tpu.memory_space<vmem>>
        %dma_wait3A_790 = tpu.memref_squeeze %dma_wait3A_789 : memref<1x128x32xf32, #tpu.memory_space<vmem>> -> memref<128x32xf32, #tpu.memory_space<vmem>>
        %dma_wait3A_791 = arith.constant 0 : i32
        %dma_wait3A_792 = tpu.memref_slice %arg8[%sub3A_786, %dma_wait3A_791] : memref<202x128xi32, #tpu.memory_space<vmem>> -> memref<1x128xi32, #tpu.memory_space<vmem>>
        %dma_wait3A_793 = tpu.memref_squeeze %dma_wait3A_792 : memref<1x128xi32, #tpu.memory_space<vmem>> -> memref<128xi32, #tpu.memory_space<vmem>>
        %dma_wait3A_794 = arith.constant 0 : i32
        %dma_wait3A_795 = arith.constant 0 : i32
        %dma_wait3A_796 = tpu.memref_slice %arg5[%dma_wait3A_794, %dma_wait3A_795] : memref<409600x32xf32, #tpu.memory_space<hbm>> -> memref<409600x32xf32, #tpu.memory_space<hbm>>
        tpu.wait_indirect_dma semaphore(%arg14 : memref<!tpu.dma_semaphore, #tpu.memory_space<semaphore_mem>>) src(%dma_wait3A_790 : memref<128x32xf32, #tpu.memory_space<vmem>>) dst(%dma_wait3A_796 : memref<409600x32xf32, #tpu.memory_space<hbm>>)
      } else {
      }
      %lt3A_689 = arith.cmpi slt, %add3A_680, %select_n3A_236 : i32
      %convert_element_type3A_690 = arith.extui %lt3A_689 : i1 to i32
      %cond3A_691 = arith.constant 0 : i32
      %cond3A_692 = arith.cmpi ne, %convert_element_type3A_690, %cond3A_691 : i32
      scf.if %cond3A_692 {
        %dma_start3A = arith.constant 0 : i32
        %dma_start3A_785 = arith.constant 0 : i32
        %dma_start3A_786 = arith.constant 0 : i32
        %dma_start3A_787 = tpu.memref_slice %arg9[%dma_start3A, %dma_start3A_785, %dma_start3A_786] : memref<4x128x32xf32, #tpu.memory_space<vmem>> -> memref<1x128x32xf32, #tpu.memory_space<vmem>>
        %dma_start3A_788 = tpu.memref_squeeze %dma_start3A_787 : memref<1x128x32xf32, #tpu.memory_space<vmem>> -> memref<128x32xf32, #tpu.memory_space<vmem>>
        %dma_start3A_789 = arith.constant 0 : i32
        %dma_start3A_790 = tpu.memref_slice %arg7[%add3A_682, %dma_start3A_789] : memref<202x128xi32, #tpu.memory_space<vmem>> -> memref<1x128xi32, #tpu.memory_space<vmem>>
        %dma_start3A_791 = tpu.memref_squeeze %dma_start3A_790 : memref<1x128xi32, #tpu.memory_space<vmem>> -> memref<128xi32, #tpu.memory_space<vmem>>
        %dma_start3A_792 = arith.constant 0 : i32
        %dma_start3A_793 = arith.constant 0 : i32
        %dma_start3A_794 = tpu.memref_slice %arg3[%dma_start3A_792, %dma_start3A_793] : memref<500000x32xf32, #tpu.memory_space<hbm>> -> memref<500000x32xf32, #tpu.memory_space<hbm>>
        tpu.enqueue_indirect_dma source(%dma_start3A_794 : memref<500000x32xf32, #tpu.memory_space<hbm>>) target(%dma_start3A_788 : memref<128x32xf32, #tpu.memory_space<vmem>>) offsets(%dma_start3A_791 : memref<128xi32, #tpu.memory_space<vmem>>) semaphore(%arg10 : memref<!tpu.dma_semaphore, #tpu.memory_space<semaphore_mem>>)
      } else {
      }
      %mul3A_693 = arith.constant 4 : i32
      %mul3A_694 = arith.muli %while3A_675, %mul3A_693 : i32
      %add3A_695 = arith.constant 1 : i32
      %add3A_696 = arith.addi %mul3A_694, %add3A_695 : i32
      %add3A_697 = arith.constant 0 : i32
      %add3A_698 = arith.addi %add3A_697, %add3A_696 : i32
      %lt3A_699 = arith.cmpi slt, %add3A_696, %select_n3A_236 : i32
      %gt3A_700 = arith.constant 0 : i32
      %gt3A_701 = arith.cmpi sgt, %while3A_675, %gt3A_700 : i32
      %and3A_702 = arith.andi %lt3A_699, %gt3A_701 : i1
      %convert_element_type3A_703 = arith.extui %and3A_702 : i1 to i32
      %cond3A_704 = arith.constant 0 : i32
      %cond3A_705 = arith.cmpi ne, %convert_element_type3A_703, %cond3A_704 : i32
      scf.if %cond3A_705 {
        %sub3A_785 = arith.constant 4 : i32
        %sub3A_786 = arith.subi %add3A_698, %sub3A_785 : i32
        %dma_wait3A = arith.constant 1 : i32
        %dma_wait3A_787 = arith.constant 0 : i32
        %dma_wait3A_788 = arith.constant 0 : i32
        %dma_wait3A_789 = tpu.memref_slice %arg9[%dma_wait3A, %dma_wait3A_787, %dma_wait3A_788] : memref<4x128x32xf32, #tpu.memory_space<vmem>> -> memref<1x128x32xf32, #tpu.memory_space<vmem>>
        %dma_wait3A_790 = tpu.memref_squeeze %dma_wait3A_789 : memref<1x128x32xf32, #tpu.memory_space<vmem>> -> memref<128x32xf32, #tpu.memory_space<vmem>>
        %dma_wait3A_791 = arith.constant 0 : i32
        %dma_wait3A_792 = tpu.memref_slice %arg8[%sub3A_786, %dma_wait3A_791] : memref<202x128xi32, #tpu.memory_space<vmem>> -> memref<1x128xi32, #tpu.memory_space<vmem>>
        %dma_wait3A_793 = tpu.memref_squeeze %dma_wait3A_792 : memref<1x128xi32, #tpu.memory_space<vmem>> -> memref<128xi32, #tpu.memory_space<vmem>>
        %dma_wait3A_794 = arith.constant 0 : i32
        %dma_wait3A_795 = arith.constant 0 : i32
        %dma_wait3A_796 = tpu.memref_slice %arg5[%dma_wait3A_794, %dma_wait3A_795] : memref<409600x32xf32, #tpu.memory_space<hbm>> -> memref<409600x32xf32, #tpu.memory_space<hbm>>
        tpu.wait_indirect_dma semaphore(%arg15 : memref<!tpu.dma_semaphore, #tpu.memory_space<semaphore_mem>>) src(%dma_wait3A_790 : memref<128x32xf32, #tpu.memory_space<vmem>>) dst(%dma_wait3A_796 : memref<409600x32xf32, #tpu.memory_space<hbm>>)
      } else {
      }
      %lt3A_706 = arith.cmpi slt, %add3A_696, %select_n3A_236 : i32
      %convert_element_type3A_707 = arith.extui %lt3A_706 : i1 to i32
      %cond3A_708 = arith.constant 0 : i32
      %cond3A_709 = arith.cmpi ne, %convert_element_type3A_707, %cond3A_708 : i32
      scf.if %cond3A_709 {
        %dma_start3A = arith.constant 1 : i32
        %dma_start3A_785 = arith.constant 0 : i32
        %dma_start3A_786 = arith.constant 0 : i32
        %dma_start3A_787 = tpu.memref_slice %arg9[%dma_start3A, %dma_start3A_785, %dma_start3A_786] : memref<4x128x32xf32, #tpu.memory_space<vmem>> -> memref<1x128x32xf32, #tpu.memory_space<vmem>>
        %dma_start3A_788 = tpu.memref_squeeze %dma_start3A_787 : memref<1x128x32xf32, #tpu.memory_space<vmem>> -> memref<128x32xf32, #tpu.memory_space<vmem>>
        %dma_start3A_789 = arith.constant 0 : i32
        %dma_start3A_790 = tpu.memref_slice %arg7[%add3A_698, %dma_start3A_789] : memref<202x128xi32, #tpu.memory_space<vmem>> -> memref<1x128xi32, #tpu.memory_space<vmem>>
        %dma_start3A_791 = tpu.memref_squeeze %dma_start3A_790 : memref<1x128xi32, #tpu.memory_space<vmem>> -> memref<128xi32, #tpu.memory_space<vmem>>
        %dma_start3A_792 = arith.constant 0 : i32
        %dma_start3A_793 = arith.constant 0 : i32
        %dma_start3A_794 = tpu.memref_slice %arg3[%dma_start3A_792, %dma_start3A_793] : memref<500000x32xf32, #tpu.memory_space<hbm>> -> memref<500000x32xf32, #tpu.memory_space<hbm>>
        tpu.enqueue_indirect_dma source(%dma_start3A_794 : memref<500000x32xf32, #tpu.memory_space<hbm>>) target(%dma_start3A_788 : memref<128x32xf32, #tpu.memory_space<vmem>>) offsets(%dma_start3A_791 : memref<128xi32, #tpu.memory_space<vmem>>) semaphore(%arg11 : memref<!tpu.dma_semaphore, #tpu.memory_space<semaphore_mem>>)
      } else {
      }
      %mul3A_710 = arith.constant 4 : i32
      %mul3A_711 = arith.muli %while3A_675, %mul3A_710 : i32
      %add3A_712 = arith.constant 2 : i32
      %add3A_713 = arith.addi %mul3A_711, %add3A_712 : i32
      %add3A_714 = arith.constant 0 : i32
      %add3A_715 = arith.addi %add3A_714, %add3A_713 : i32
      %lt3A_716 = arith.cmpi slt, %add3A_713, %select_n3A_236 : i32
      %gt3A_717 = arith.constant 0 : i32
      %gt3A_718 = arith.cmpi sgt, %while3A_675, %gt3A_717 : i32
      %and3A_719 = arith.andi %lt3A_716, %gt3A_718 : i1
      %convert_element_type3A_720 = arith.extui %and3A_719 : i1 to i32
      %cond3A_721 = arith.constant 0 : i32
      %cond3A_722 = arith.cmpi ne, %convert_element_type3A_720, %cond3A_721 : i32
      scf.if %cond3A_722 {
        %sub3A_785 = arith.constant 4 : i32
        %sub3A_786 = arith.subi %add3A_715, %sub3A_785 : i32
        %dma_wait3A = arith.constant 2 : i32
        %dma_wait3A_787 = arith.constant 0 : i32
        %dma_wait3A_788 = arith.constant 0 : i32
        %dma_wait3A_789 = tpu.memref_slice %arg9[%dma_wait3A, %dma_wait3A_787, %dma_wait3A_788] : memref<4x128x32xf32, #tpu.memory_space<vmem>> -> memref<1x128x32xf32, #tpu.memory_space<vmem>>
        %dma_wait3A_790 = tpu.memref_squeeze %dma_wait3A_789 : memref<1x128x32xf32, #tpu.memory_space<vmem>> -> memref<128x32xf32, #tpu.memory_space<vmem>>
        %dma_wait3A_791 = arith.constant 0 : i32
        %dma_wait3A_792 = tpu.memref_slice %arg8[%sub3A_786, %dma_wait3A_791] : memref<202x128xi32, #tpu.memory_space<vmem>> -> memref<1x128xi32, #tpu.memory_space<vmem>>
        %dma_wait3A_793 = tpu.memref_squeeze %dma_wait3A_792 : memref<1x128xi32, #tpu.memory_space<vmem>> -> memref<128xi32, #tpu.memory_space<vmem>>
        %dma_wait3A_794 = arith.constant 0 : i32
        %dma_wait3A_795 = arith.constant 0 : i32
        %dma_wait3A_796 = tpu.memref_slice %arg5[%dma_wait3A_794, %dma_wait3A_795] : memref<409600x32xf32, #tpu.memory_space<hbm>> -> memref<409600x32xf32, #tpu.memory_space<hbm>>
        tpu.wait_indirect_dma semaphore(%arg16 : memref<!tpu.dma_semaphore, #tpu.memory_space<semaphore_mem>>) src(%dma_wait3A_790 : memref<128x32xf32, #tpu.memory_space<vmem>>) dst(%dma_wait3A_796 : memref<409600x32xf32, #tpu.memory_space<hbm>>)
      } else {
      }
      %lt3A_723 = arith.cmpi slt, %add3A_713, %select_n3A_236 : i32
      %convert_element_type3A_724 = arith.extui %lt3A_723 : i1 to i32
      %cond3A_725 = arith.constant 0 : i32
      %cond3A_726 = arith.cmpi ne, %convert_element_type3A_724, %cond3A_725 : i32
      scf.if %cond3A_726 {
        %dma_start3A = arith.constant 2 : i32
        %dma_start3A_785 = arith.constant 0 : i32
        %dma_start3A_786 = arith.constant 0 : i32
        %dma_start3A_787 = tpu.memref_slice %arg9[%dma_start3A, %dma_start3A_785, %dma_start3A_786] : memref<4x128x32xf32, #tpu.memory_space<vmem>> -> memref<1x128x32xf32, #tpu.memory_space<vmem>>
        %dma_start3A_788 = tpu.memref_squeeze %dma_start3A_787 : memref<1x128x32xf32, #tpu.memory_space<vmem>> -> memref<128x32xf32, #tpu.memory_space<vmem>>
        %dma_start3A_789 = arith.constant 0 : i32
        %dma_start3A_790 = tpu.memref_slice %arg7[%add3A_715, %dma_start3A_789] : memref<202x128xi32, #tpu.memory_space<vmem>> -> memref<1x128xi32, #tpu.memory_space<vmem>>
        %dma_start3A_791 = tpu.memref_squeeze %dma_start3A_790 : memref<1x128xi32, #tpu.memory_space<vmem>> -> memref<128xi32, #tpu.memory_space<vmem>>
        %dma_start3A_792 = arith.constant 0 : i32
        %dma_start3A_793 = arith.constant 0 : i32
        %dma_start3A_794 = tpu.memref_slice %arg3[%dma_start3A_792, %dma_start3A_793] : memref<500000x32xf32, #tpu.memory_space<hbm>> -> memref<500000x32xf32, #tpu.memory_space<hbm>>
        tpu.enqueue_indirect_dma source(%dma_start3A_794 : memref<500000x32xf32, #tpu.memory_space<hbm>>) target(%dma_start3A_788 : memref<128x32xf32, #tpu.memory_space<vmem>>) offsets(%dma_start3A_791 : memref<128xi32, #tpu.memory_space<vmem>>) semaphore(%arg12 : memref<!tpu.dma_semaphore, #tpu.memory_space<semaphore_mem>>)
      } else {
      }
      %mul3A_727 = arith.constant 4 : i32
      %mul3A_728 = arith.muli %while3A_675, %mul3A_727 : i32
      %add3A_729 = arith.constant 3 : i32
      %add3A_730 = arith.addi %mul3A_728, %add3A_729 : i32
      %add3A_731 = arith.constant 0 : i32
      %add3A_732 = arith.addi %add3A_731, %add3A_730 : i32
      %lt3A_733 = arith.cmpi slt, %add3A_730, %select_n3A_236 : i32
      %gt3A_734 = arith.constant 0 : i32
      %gt3A_735 = arith.cmpi sgt, %while3A_675, %gt3A_734 : i32
      %and3A_736 = arith.andi %lt3A_733, %gt3A_735 : i1
      %convert_element_type3A_737 = arith.extui %and3A_736 : i1 to i32
      %cond3A_738 = arith.constant 0 : i32
      %cond3A_739 = arith.cmpi ne, %convert_element_type3A_737, %cond3A_738 : i32
      scf.if %cond3A_739 {
        %sub3A_785 = arith.constant 4 : i32
        %sub3A_786 = arith.subi %add3A_732, %sub3A_785 : i32
        %dma_wait3A = arith.constant 3 : i32
        %dma_wait3A_787 = arith.constant 0 : i32
        %dma_wait3A_788 = arith.constant 0 : i32
        %dma_wait3A_789 = tpu.memref_slice %arg9[%dma_wait3A, %dma_wait3A_787, %dma_wait3A_788] : memref<4x128x32xf32, #tpu.memory_space<vmem>> -> memref<1x128x32xf32, #tpu.memory_space<vmem>>
        %dma_wait3A_790 = tpu.memref_squeeze %dma_wait3A_789 : memref<1x128x32xf32, #tpu.memory_space<vmem>> -> memref<128x32xf32, #tpu.memory_space<vmem>>
        %dma_wait3A_791 = arith.constant 0 : i32
        %dma_wait3A_792 = tpu.memref_slice %arg8[%sub3A_786, %dma_wait3A_791] : memref<202x128xi32, #tpu.memory_space<vmem>> -> memref<1x128xi32, #tpu.memory_space<vmem>>
        %dma_wait3A_793 = tpu.memref_squeeze %dma_wait3A_792 : memref<1x128xi32, #tpu.memory_space<vmem>> -> memref<128xi32, #tpu.memory_space<vmem>>
        %dma_wait3A_794 = arith.constant 0 : i32
        %dma_wait3A_795 = arith.constant 0 : i32
        %dma_wait3A_796 = tpu.memref_slice %arg5[%dma_wait3A_794, %dma_wait3A_795] : memref<409600x32xf32, #tpu.memory_space<hbm>> -> memref<409600x32xf32, #tpu.memory_space<hbm>>
        tpu.wait_indirect_dma semaphore(%arg17 : memref<!tpu.dma_semaphore, #tpu.memory_space<semaphore_mem>>) src(%dma_wait3A_790 : memref<128x32xf32, #tpu.memory_space<vmem>>) dst(%dma_wait3A_796 : memref<409600x32xf32, #tpu.memory_space<hbm>>)
      } else {
      }
      %lt3A_740 = arith.cmpi slt, %add3A_730, %select_n3A_236 : i32
      %convert_element_type3A_741 = arith.extui %lt3A_740 : i1 to i32
      %cond3A_742 = arith.constant 0 : i32
      %cond3A_743 = arith.cmpi ne, %convert_element_type3A_741, %cond3A_742 : i32
      scf.if %cond3A_743 {
        %dma_start3A = arith.constant 3 : i32
        %dma_start3A_785 = arith.constant 0 : i32
        %dma_start3A_786 = arith.constant 0 : i32
        %dma_start3A_787 = tpu.memref_slice %arg9[%dma_start3A, %dma_start3A_785, %dma_start3A_786] : memref<4x128x32xf32, #tpu.memory_space<vmem>> -> memref<1x128x32xf32, #tpu.memory_space<vmem>>
        %dma_start3A_788 = tpu.memref_squeeze %dma_start3A_787 : memref<1x128x32xf32, #tpu.memory_space<vmem>> -> memref<128x32xf32, #tpu.memory_space<vmem>>
        %dma_start3A_789 = arith.constant 0 : i32
        %dma_start3A_790 = tpu.memref_slice %arg7[%add3A_732, %dma_start3A_789] : memref<202x128xi32, #tpu.memory_space<vmem>> -> memref<1x128xi32, #tpu.memory_space<vmem>>
        %dma_start3A_791 = tpu.memref_squeeze %dma_start3A_790 : memref<1x128xi32, #tpu.memory_space<vmem>> -> memref<128xi32, #tpu.memory_space<vmem>>
        %dma_start3A_792 = arith.constant 0 : i32
        %dma_start3A_793 = arith.constant 0 : i32
        %dma_start3A_794 = tpu.memref_slice %arg3[%dma_start3A_792, %dma_start3A_793] : memref<500000x32xf32, #tpu.memory_space<hbm>> -> memref<500000x32xf32, #tpu.memory_space<hbm>>
        tpu.enqueue_indirect_dma source(%dma_start3A_794 : memref<500000x32xf32, #tpu.memory_space<hbm>>) target(%dma_start3A_788 : memref<128x32xf32, #tpu.memory_space<vmem>>) offsets(%dma_start3A_791 : memref<128xi32, #tpu.memory_space<vmem>>) semaphore(%arg13 : memref<!tpu.dma_semaphore, #tpu.memory_space<semaphore_mem>>)
      } else {
      }
      %mul3A_744 = arith.constant 4 : i32
      %mul3A_745 = arith.muli %while3A_675, %mul3A_744 : i32
      %add3A_746 = arith.constant 0 : i32
      %add3A_747 = arith.addi %mul3A_745, %add3A_746 : i32
      %add3A_748 = arith.constant 0 : i32
      %add3A_749 = arith.addi %add3A_748, %add3A_747 : i32
      %lt3A_750 = arith.cmpi slt, %add3A_747, %select_n3A_236 : i32
      %convert_element_type3A_751 = arith.extui %lt3A_750 : i1 to i32
      %cond3A_752 = arith.constant 0 : i32
      %cond3A_753 = arith.cmpi ne, %convert_element_type3A_751, %cond3A_752 : i32
      scf.if %cond3A_753 {
        %dma_wait3A = arith.constant 0 : i32
        %dma_wait3A_785 = arith.constant 0 : i32
        %dma_wait3A_786 = arith.constant 0 : i32
        %dma_wait3A_787 = tpu.memref_slice %arg9[%dma_wait3A, %dma_wait3A_785, %dma_wait3A_786] : memref<4x128x32xf32, #tpu.memory_space<vmem>> -> memref<1x128x32xf32, #tpu.memory_space<vmem>>
        %dma_wait3A_788 = tpu.memref_squeeze %dma_wait3A_787 : memref<1x128x32xf32, #tpu.memory_space<vmem>> -> memref<128x32xf32, #tpu.memory_space<vmem>>
        %dma_wait3A_789 = arith.constant 0 : i32
        %dma_wait3A_790 = tpu.memref_slice %arg7[%add3A_749, %dma_wait3A_789] : memref<202x128xi32, #tpu.memory_space<vmem>> -> memref<1x128xi32, #tpu.memory_space<vmem>>
        %dma_wait3A_791 = tpu.memref_squeeze %dma_wait3A_790 : memref<1x128xi32, #tpu.memory_space<vmem>> -> memref<128xi32, #tpu.memory_space<vmem>>
        %dma_wait3A_792 = arith.constant 0 : i32
        %dma_wait3A_793 = arith.constant 0 : i32
        %dma_wait3A_794 = tpu.memref_slice %arg3[%dma_wait3A_792, %dma_wait3A_793] : memref<500000x32xf32, #tpu.memory_space<hbm>> -> memref<500000x32xf32, #tpu.memory_space<hbm>>
        tpu.wait_indirect_dma semaphore(%arg10 : memref<!tpu.dma_semaphore, #tpu.memory_space<semaphore_mem>>) src(%dma_wait3A_794 : memref<500000x32xf32, #tpu.memory_space<hbm>>) dst(%dma_wait3A_788 : memref<128x32xf32, #tpu.memory_space<vmem>>)
        %dma_start3A = arith.constant 0 : i32
        %dma_start3A_795 = arith.constant 0 : i32
        %dma_start3A_796 = arith.constant 0 : i32
        %dma_start3A_797 = tpu.memref_slice %arg9[%dma_start3A, %dma_start3A_795, %dma_start3A_796] : memref<4x128x32xf32, #tpu.memory_space<vmem>> -> memref<1x128x32xf32, #tpu.memory_space<vmem>>
        %dma_start3A_798 = tpu.memref_squeeze %dma_start3A_797 : memref<1x128x32xf32, #tpu.memory_space<vmem>> -> memref<128x32xf32, #tpu.memory_space<vmem>>
        %dma_start3A_799 = arith.constant 0 : i32
        %dma_start3A_800 = tpu.memref_slice %arg8[%add3A_749, %dma_start3A_799] : memref<202x128xi32, #tpu.memory_space<vmem>> -> memref<1x128xi32, #tpu.memory_space<vmem>>
        %dma_start3A_801 = tpu.memref_squeeze %dma_start3A_800 : memref<1x128xi32, #tpu.memory_space<vmem>> -> memref<128xi32, #tpu.memory_space<vmem>>
        %dma_start3A_802 = arith.constant 0 : i32
        %dma_start3A_803 = arith.constant 0 : i32
        %dma_start3A_804 = tpu.memref_slice %arg5[%dma_start3A_802, %dma_start3A_803] : memref<409600x32xf32, #tpu.memory_space<hbm>> -> memref<409600x32xf32, #tpu.memory_space<hbm>>
        tpu.enqueue_indirect_dma source(%dma_start3A_798 : memref<128x32xf32, #tpu.memory_space<vmem>>) target(%dma_start3A_804 : memref<409600x32xf32, #tpu.memory_space<hbm>>) offsets(%dma_start3A_801 : memref<128xi32, #tpu.memory_space<vmem>>) semaphore(%arg14 : memref<!tpu.dma_semaphore, #tpu.memory_space<semaphore_mem>>)
      } else {
      }
      %mul3A_754 = arith.constant 4 : i32
      %mul3A_755 = arith.muli %while3A_675, %mul3A_754 : i32
      %add3A_756 = arith.constant 1 : i32
      %add3A_757 = arith.addi %mul3A_755, %add3A_756 : i32
      %add3A_758 = arith.constant 0 : i32
      %add3A_759 = arith.addi %add3A_758, %add3A_757 : i32
      %lt3A_760 = arith.cmpi slt, %add3A_757, %select_n3A_236 : i32
      %convert_element_type3A_761 = arith.extui %lt3A_760 : i1 to i32
      %cond3A_762 = arith.constant 0 : i32
      %cond3A_763 = arith.cmpi ne, %convert_element_type3A_761, %cond3A_762 : i32
      scf.if %cond3A_763 {
        %dma_wait3A = arith.constant 1 : i32
        %dma_wait3A_785 = arith.constant 0 : i32
        %dma_wait3A_786 = arith.constant 0 : i32
        %dma_wait3A_787 = tpu.memref_slice %arg9[%dma_wait3A, %dma_wait3A_785, %dma_wait3A_786] : memref<4x128x32xf32, #tpu.memory_space<vmem>> -> memref<1x128x32xf32, #tpu.memory_space<vmem>>
        %dma_wait3A_788 = tpu.memref_squeeze %dma_wait3A_787 : memref<1x128x32xf32, #tpu.memory_space<vmem>> -> memref<128x32xf32, #tpu.memory_space<vmem>>
        %dma_wait3A_789 = arith.constant 0 : i32
        %dma_wait3A_790 = tpu.memref_slice %arg7[%add3A_759, %dma_wait3A_789] : memref<202x128xi32, #tpu.memory_space<vmem>> -> memref<1x128xi32, #tpu.memory_space<vmem>>
        %dma_wait3A_791 = tpu.memref_squeeze %dma_wait3A_790 : memref<1x128xi32, #tpu.memory_space<vmem>> -> memref<128xi32, #tpu.memory_space<vmem>>
        %dma_wait3A_792 = arith.constant 0 : i32
        %dma_wait3A_793 = arith.constant 0 : i32
        %dma_wait3A_794 = tpu.memref_slice %arg3[%dma_wait3A_792, %dma_wait3A_793] : memref<500000x32xf32, #tpu.memory_space<hbm>> -> memref<500000x32xf32, #tpu.memory_space<hbm>>
        tpu.wait_indirect_dma semaphore(%arg11 : memref<!tpu.dma_semaphore, #tpu.memory_space<semaphore_mem>>) src(%dma_wait3A_794 : memref<500000x32xf32, #tpu.memory_space<hbm>>) dst(%dma_wait3A_788 : memref<128x32xf32, #tpu.memory_space<vmem>>)
        %dma_start3A = arith.constant 1 : i32
        %dma_start3A_795 = arith.constant 0 : i32
        %dma_start3A_796 = arith.constant 0 : i32
        %dma_start3A_797 = tpu.memref_slice %arg9[%dma_start3A, %dma_start3A_795, %dma_start3A_796] : memref<4x128x32xf32, #tpu.memory_space<vmem>> -> memref<1x128x32xf32, #tpu.memory_space<vmem>>
        %dma_start3A_798 = tpu.memref_squeeze %dma_start3A_797 : memref<1x128x32xf32, #tpu.memory_space<vmem>> -> memref<128x32xf32, #tpu.memory_space<vmem>>
        %dma_start3A_799 = arith.constant 0 : i32
        %dma_start3A_800 = tpu.memref_slice %arg8[%add3A_759, %dma_start3A_799] : memref<202x128xi32, #tpu.memory_space<vmem>> -> memref<1x128xi32, #tpu.memory_space<vmem>>
        %dma_start3A_801 = tpu.memref_squeeze %dma_start3A_800 : memref<1x128xi32, #tpu.memory_space<vmem>> -> memref<128xi32, #tpu.memory_space<vmem>>
        %dma_start3A_802 = arith.constant 0 : i32
        %dma_start3A_803 = arith.constant 0 : i32
        %dma_start3A_804 = tpu.memref_slice %arg5[%dma_start3A_802, %dma_start3A_803] : memref<409600x32xf32, #tpu.memory_space<hbm>> -> memref<409600x32xf32, #tpu.memory_space<hbm>>
        tpu.enqueue_indirect_dma source(%dma_start3A_798 : memref<128x32xf32, #tpu.memory_space<vmem>>) target(%dma_start3A_804 : memref<409600x32xf32, #tpu.memory_space<hbm>>) offsets(%dma_start3A_801 : memref<128xi32, #tpu.memory_space<vmem>>) semaphore(%arg15 : memref<!tpu.dma_semaphore, #tpu.memory_space<semaphore_mem>>)
      } else {
      }
      %mul3A_764 = arith.constant 4 : i32
      %mul3A_765 = arith.muli %while3A_675, %mul3A_764 : i32
      %add3A_766 = arith.constant 2 : i32
      %add3A_767 = arith.addi %mul3A_765, %add3A_766 : i32
      %add3A_768 = arith.constant 0 : i32
      %add3A_769 = arith.addi %add3A_768, %add3A_767 : i32
      %lt3A_770 = arith.cmpi slt, %add3A_767, %select_n3A_236 : i32
      %convert_element_type3A_771 = arith.extui %lt3A_770 : i1 to i32
      %cond3A_772 = arith.constant 0 : i32
      %cond3A_773 = arith.cmpi ne, %convert_element_type3A_771, %cond3A_772 : i32
      scf.if %cond3A_773 {
        %dma_wait3A = arith.constant 2 : i32
        %dma_wait3A_785 = arith.constant 0 : i32
        %dma_wait3A_786 = arith.constant 0 : i32
        %dma_wait3A_787 = tpu.memref_slice %arg9[%dma_wait3A, %dma_wait3A_785, %dma_wait3A_786] : memref<4x128x32xf32, #tpu.memory_space<vmem>> -> memref<1x128x32xf32, #tpu.memory_space<vmem>>
        %dma_wait3A_788 = tpu.memref_squeeze %dma_wait3A_787 : memref<1x128x32xf32, #tpu.memory_space<vmem>> -> memref<128x32xf32, #tpu.memory_space<vmem>>
        %dma_wait3A_789 = arith.constant 0 : i32
        %dma_wait3A_790 = tpu.memref_slice %arg7[%add3A_769, %dma_wait3A_789] : memref<202x128xi32, #tpu.memory_space<vmem>> -> memref<1x128xi32, #tpu.memory_space<vmem>>
        %dma_wait3A_791 = tpu.memref_squeeze %dma_wait3A_790 : memref<1x128xi32, #tpu.memory_space<vmem>> -> memref<128xi32, #tpu.memory_space<vmem>>
        %dma_wait3A_792 = arith.constant 0 : i32
        %dma_wait3A_793 = arith.constant 0 : i32
        %dma_wait3A_794 = tpu.memref_slice %arg3[%dma_wait3A_792, %dma_wait3A_793] : memref<500000x32xf32, #tpu.memory_space<hbm>> -> memref<500000x32xf32, #tpu.memory_space<hbm>>
        tpu.wait_indirect_dma semaphore(%arg12 : memref<!tpu.dma_semaphore, #tpu.memory_space<semaphore_mem>>) src(%dma_wait3A_794 : memref<500000x32xf32, #tpu.memory_space<hbm>>) dst(%dma_wait3A_788 : memref<128x32xf32, #tpu.memory_space<vmem>>)
        %dma_start3A = arith.constant 2 : i32
        %dma_start3A_795 = arith.constant 0 : i32
        %dma_start3A_796 = arith.constant 0 : i32
        %dma_start3A_797 = tpu.memref_slice %arg9[%dma_start3A, %dma_start3A_795, %dma_start3A_796] : memref<4x128x32xf32, #tpu.memory_space<vmem>> -> memref<1x128x32xf32, #tpu.memory_space<vmem>>
        %dma_start3A_798 = tpu.memref_squeeze %dma_start3A_797 : memref<1x128x32xf32, #tpu.memory_space<vmem>> -> memref<128x32xf32, #tpu.memory_space<vmem>>
        %dma_start3A_799 = arith.constant 0 : i32
        %dma_start3A_800 = tpu.memref_slice %arg8[%add3A_769, %dma_start3A_799] : memref<202x128xi32, #tpu.memory_space<vmem>> -> memref<1x128xi32, #tpu.memory_space<vmem>>
        %dma_start3A_801 = tpu.memref_squeeze %dma_start3A_800 : memref<1x128xi32, #tpu.memory_space<vmem>> -> memref<128xi32, #tpu.memory_space<vmem>>
        %dma_start3A_802 = arith.constant 0 : i32
        %dma_start3A_803 = arith.constant 0 : i32
        %dma_start3A_804 = tpu.memref_slice %arg5[%dma_start3A_802, %dma_start3A_803] : memref<409600x32xf32, #tpu.memory_space<hbm>> -> memref<409600x32xf32, #tpu.memory_space<hbm>>
        tpu.enqueue_indirect_dma source(%dma_start3A_798 : memref<128x32xf32, #tpu.memory_space<vmem>>) target(%dma_start3A_804 : memref<409600x32xf32, #tpu.memory_space<hbm>>) offsets(%dma_start3A_801 : memref<128xi32, #tpu.memory_space<vmem>>) semaphore(%arg16 : memref<!tpu.dma_semaphore, #tpu.memory_space<semaphore_mem>>)
      } else {
      }
      %mul3A_774 = arith.constant 4 : i32
      %mul3A_775 = arith.muli %while3A_675, %mul3A_774 : i32
      %add3A_776 = arith.constant 3 : i32
      %add3A_777 = arith.addi %mul3A_775, %add3A_776 : i32
      %add3A_778 = arith.constant 0 : i32
      %add3A_779 = arith.addi %add3A_778, %add3A_777 : i32
      %lt3A_780 = arith.cmpi slt, %add3A_777, %select_n3A_236 : i32
      %convert_element_type3A_781 = arith.extui %lt3A_780 : i1 to i32
      %cond3A_782 = arith.constant 0 : i32
      %cond3A_783 = arith.cmpi ne, %convert_element_type3A_781, %cond3A_782 : i32
      scf.if %cond3A_783 {
        %dma_wait3A = arith.constant 3 : i32
        %dma_wait3A_785 = arith.constant 0 : i32
        %dma_wait3A_786 = arith.constant 0 : i32
        %dma_wait3A_787 = tpu.memref_slice %arg9[%dma_wait3A, %dma_wait3A_785, %dma_wait3A_786] : memref<4x128x32xf32, #tpu.memory_space<vmem>> -> memref<1x128x32xf32, #tpu.memory_space<vmem>>
        %dma_wait3A_788 = tpu.memref_squeeze %dma_wait3A_787 : memref<1x128x32xf32, #tpu.memory_space<vmem>> -> memref<128x32xf32, #tpu.memory_space<vmem>>
        %dma_wait3A_789 = arith.constant 0 : i32
        %dma_wait3A_790 = tpu.memref_slice %arg7[%add3A_779, %dma_wait3A_789] : memref<202x128xi32, #tpu.memory_space<vmem>> -> memref<1x128xi32, #tpu.memory_space<vmem>>
        %dma_wait3A_791 = tpu.memref_squeeze %dma_wait3A_790 : memref<1x128xi32, #tpu.memory_space<vmem>> -> memref<128xi32, #tpu.memory_space<vmem>>
        %dma_wait3A_792 = arith.constant 0 : i32
        %dma_wait3A_793 = arith.constant 0 : i32
        %dma_wait3A_794 = tpu.memref_slice %arg3[%dma_wait3A_792, %dma_wait3A_793] : memref<500000x32xf32, #tpu.memory_space<hbm>> -> memref<500000x32xf32, #tpu.memory_space<hbm>>
        tpu.wait_indirect_dma semaphore(%arg13 : memref<!tpu.dma_semaphore, #tpu.memory_space<semaphore_mem>>) src(%dma_wait3A_794 : memref<500000x32xf32, #tpu.memory_space<hbm>>) dst(%dma_wait3A_788 : memref<128x32xf32, #tpu.memory_space<vmem>>)
        %dma_start3A = arith.constant 3 : i32
        %dma_start3A_795 = arith.constant 0 : i32
        %dma_start3A_796 = arith.constant 0 : i32
        %dma_start3A_797 = tpu.memref_slice %arg9[%dma_start3A, %dma_start3A_795, %dma_start3A_796] : memref<4x128x32xf32, #tpu.memory_space<vmem>> -> memref<1x128x32xf32, #tpu.memory_space<vmem>>
        %dma_start3A_798 = tpu.memref_squeeze %dma_start3A_797 : memref<1x128x32xf32, #tpu.memory_space<vmem>> -> memref<128x32xf32, #tpu.memory_space<vmem>>
        %dma_start3A_799 = arith.constant 0 : i32
        %dma_start3A_800 = tpu.memref_slice %arg8[%add3A_779, %dma_start3A_799] : memref<202x128xi32, #tpu.memory_space<vmem>> -> memref<1x128xi32, #tpu.memory_space<vmem>>
        %dma_start3A_801 = tpu.memref_squeeze %dma_start3A_800 : memref<1x128xi32, #tpu.memory_space<vmem>> -> memref<128xi32, #tpu.memory_space<vmem>>
        %dma_start3A_802 = arith.constant 0 : i32
        %dma_start3A_803 = arith.constant 0 : i32
        %dma_start3A_804 = tpu.memref_slice %arg5[%dma_start3A_802, %dma_start3A_803] : memref<409600x32xf32, #tpu.memory_space<hbm>> -> memref<409600x32xf32, #tpu.memory_space<hbm>>
        tpu.enqueue_indirect_dma source(%dma_start3A_798 : memref<128x32xf32, #tpu.memory_space<vmem>>) target(%dma_start3A_804 : memref<409600x32xf32, #tpu.memory_space<hbm>>) offsets(%dma_start3A_801 : memref<128xi32, #tpu.memory_space<vmem>>) semaphore(%arg17 : memref<!tpu.dma_semaphore, #tpu.memory_space<semaphore_mem>>)
      } else {
      }
      %while3A_784 = arith.constant 0 : i32
      scf.yield %while3A_784 : i32
    }
    %while3A_275 = arith.constant 1 : i32
    %while3A_276 = scf.for %while3A_675 = %while3A_272 to %while3A_268 step %while3A_275 iter_args(%while3A_676 = %while3A_274) -> (i32)  : i32 {
      %mul3A_677 = arith.constant 4 : i32
      %mul3A_678 = arith.muli %while3A_675, %mul3A_677 : i32
      %add3A_679 = arith.constant 0 : i32
      %add3A_680 = arith.addi %mul3A_678, %add3A_679 : i32
      %add3A_681 = arith.constant 0 : i32
      %add3A_682 = arith.addi %add3A_681, %add3A_680 : i32
      %lt3A = arith.cmpi slt, %add3A_680, %select_n3A_236 : i32
      %gt3A_683 = arith.constant 0 : i32
      %gt3A_684 = arith.cmpi sgt, %while3A_675, %gt3A_683 : i32
      %and3A_685 = arith.andi %lt3A, %gt3A_684 : i1
      %convert_element_type3A_686 = arith.extui %and3A_685 : i1 to i32
      %cond3A_687 = arith.constant 0 : i32
      %cond3A_688 = arith.cmpi ne, %convert_element_type3A_686, %cond3A_687 : i32
      scf.if %cond3A_688 {
        %sub3A_785 = arith.constant 4 : i32
        %sub3A_786 = arith.subi %add3A_682, %sub3A_785 : i32
        %dma_wait3A = arith.constant 0 : i32
        %dma_wait3A_787 = arith.constant 0 : i32
        %dma_wait3A_788 = arith.constant 0 : i32
        %dma_wait3A_789 = tpu.memref_slice %arg9[%dma_wait3A, %dma_wait3A_787, %dma_wait3A_788] : memref<4x128x32xf32, #tpu.memory_space<vmem>> -> memref<1x128x32xf32, #tpu.memory_space<vmem>>
        %dma_wait3A_790 = tpu.memref_squeeze %dma_wait3A_789 : memref<1x128x32xf32, #tpu.memory_space<vmem>> -> memref<128x32xf32, #tpu.memory_space<vmem>>
        %dma_wait3A_791 = arith.constant 0 : i32
        %dma_wait3A_792 = tpu.memref_slice %arg8[%sub3A_786, %dma_wait3A_791] : memref<202x128xi32, #tpu.memory_space<vmem>> -> memref<1x128xi32, #tpu.memory_space<vmem>>
        %dma_wait3A_793 = tpu.memref_squeeze %dma_wait3A_792 : memref<1x128xi32, #tpu.memory_space<vmem>> -> memref<128xi32, #tpu.memory_space<vmem>>
        %dma_wait3A_794 = arith.constant 0 : i32
        %dma_wait3A_795 = arith.constant 0 : i32
        %dma_wait3A_796 = tpu.memref_slice %arg5[%dma_wait3A_794, %dma_wait3A_795] : memref<409600x32xf32, #tpu.memory_space<hbm>> -> memref<409600x32xf32, #tpu.memory_space<hbm>>
        tpu.wait_indirect_dma semaphore(%arg14 : memref<!tpu.dma_semaphore, #tpu.memory_space<semaphore_mem>>) src(%dma_wait3A_790 : memref<128x32xf32, #tpu.memory_space<vmem>>) dst(%dma_wait3A_796 : memref<409600x32xf32, #tpu.memory_space<hbm>>)
      } else {
      }
      %lt3A_689 = arith.cmpi slt, %add3A_680, %select_n3A_236 : i32
      %convert_element_type3A_690 = arith.extui %lt3A_689 : i1 to i32
      %cond3A_691 = arith.constant 0 : i32
      %cond3A_692 = arith.cmpi ne, %convert_element_type3A_690, %cond3A_691 : i32
      scf.if %cond3A_692 {
        %dma_start3A = arith.constant 0 : i32
        %dma_start3A_785 = arith.constant 0 : i32
        %dma_start3A_786 = arith.constant 0 : i32
        %dma_start3A_787 = tpu.memref_slice %arg9[%dma_start3A, %dma_start3A_785, %dma_start3A_786] : memref<4x128x32xf32, #tpu.memory_space<vmem>> -> memref<1x128x32xf32, #tpu.memory_space<vmem>>
        %dma_start3A_788 = tpu.memref_squeeze %dma_start3A_787 : memref<1x128x32xf32, #tpu.memory_space<vmem>> -> memref<128x32xf32, #tpu.memory_space<vmem>>
        %dma_start3A_789 = arith.constant 0 : i32
        %dma_start3A_790 = tpu.memref_slice %arg7[%add3A_682, %dma_start3A_789] : memref<202x128xi32, #tpu.memory_space<vmem>> -> memref<1x128xi32, #tpu.memory_space<vmem>>
        %dma_start3A_791 = tpu.memref_squeeze %dma_start3A_790 : memref<1x128xi32, #tpu.memory_space<vmem>> -> memref<128xi32, #tpu.memory_space<vmem>>
        %dma_start3A_792 = arith.constant 0 : i32
        %dma_start3A_793 = arith.constant 0 : i32
        %dma_start3A_794 = tpu.memref_slice %arg3[%dma_start3A_792, %dma_start3A_793] : memref<500000x32xf32, #tpu.memory_space<hbm>> -> memref<500000x32xf32, #tpu.memory_space<hbm>>
        tpu.enqueue_indirect_dma source(%dma_start3A_794 : memref<500000x32xf32, #tpu.memory_space<hbm>>) target(%dma_start3A_788 : memref<128x32xf32, #tpu.memory_space<vmem>>) offsets(%dma_start3A_791 : memref<128xi32, #tpu.memory_space<vmem>>) semaphore(%arg10 : memref<!tpu.dma_semaphore, #tpu.memory_space<semaphore_mem>>)
      } else {
      }
      %mul3A_693 = arith.constant 4 : i32
      %mul3A_694 = arith.muli %while3A_675, %mul3A_693 : i32
      %add3A_695 = arith.constant 1 : i32
      %add3A_696 = arith.addi %mul3A_694, %add3A_695 : i32
      %add3A_697 = arith.constant 0 : i32
      %add3A_698 = arith.addi %add3A_697, %add3A_696 : i32
      %lt3A_699 = arith.cmpi slt, %add3A_696, %select_n3A_236 : i32
      %gt3A_700 = arith.constant 0 : i32
      %gt3A_701 = arith.cmpi sgt, %while3A_675, %gt3A_700 : i32
      %and3A_702 = arith.andi %lt3A_699, %gt3A_701 : i1
      %convert_element_type3A_703 = arith.extui %and3A_702 : i1 to i32
      %cond3A_704 = arith.constant 0 : i32
      %cond3A_705 = arith.cmpi ne, %convert_element_type3A_703, %cond3A_704 : i32
      scf.if %cond3A_705 {
        %sub3A_785 = arith.constant 4 : i32
        %sub3A_786 = arith.subi %add3A_698, %sub3A_785 : i32
        %dma_wait3A = arith.constant 1 : i32
        %dma_wait3A_787 = arith.constant 0 : i32
        %dma_wait3A_788 = arith.constant 0 : i32
        %dma_wait3A_789 = tpu.memref_slice %arg9[%dma_wait3A, %dma_wait3A_787, %dma_wait3A_788] : memref<4x128x32xf32, #tpu.memory_space<vmem>> -> memref<1x128x32xf32, #tpu.memory_space<vmem>>
        %dma_wait3A_790 = tpu.memref_squeeze %dma_wait3A_789 : memref<1x128x32xf32, #tpu.memory_space<vmem>> -> memref<128x32xf32, #tpu.memory_space<vmem>>
        %dma_wait3A_791 = arith.constant 0 : i32
        %dma_wait3A_792 = tpu.memref_slice %arg8[%sub3A_786, %dma_wait3A_791] : memref<202x128xi32, #tpu.memory_space<vmem>> -> memref<1x128xi32, #tpu.memory_space<vmem>>
        %dma_wait3A_793 = tpu.memref_squeeze %dma_wait3A_792 : memref<1x128xi32, #tpu.memory_space<vmem>> -> memref<128xi32, #tpu.memory_space<vmem>>
        %dma_wait3A_794 = arith.constant 0 : i32
        %dma_wait3A_795 = arith.constant 0 : i32
        %dma_wait3A_796 = tpu.memref_slice %arg5[%dma_wait3A_794, %dma_wait3A_795] : memref<409600x32xf32, #tpu.memory_space<hbm>> -> memref<409600x32xf32, #tpu.memory_space<hbm>>
        tpu.wait_indirect_dma semaphore(%arg15 : memref<!tpu.dma_semaphore, #tpu.memory_space<semaphore_mem>>) src(%dma_wait3A_790 : memref<128x32xf32, #tpu.memory_space<vmem>>) dst(%dma_wait3A_796 : memref<409600x32xf32, #tpu.memory_space<hbm>>)
      } else {
      }
      %lt3A_706 = arith.cmpi slt, %add3A_696, %select_n3A_236 : i32
      %convert_element_type3A_707 = arith.extui %lt3A_706 : i1 to i32
      %cond3A_708 = arith.constant 0 : i32
      %cond3A_709 = arith.cmpi ne, %convert_element_type3A_707, %cond3A_708 : i32
      scf.if %cond3A_709 {
        %dma_start3A = arith.constant 1 : i32
        %dma_start3A_785 = arith.constant 0 : i32
        %dma_start3A_786 = arith.constant 0 : i32
        %dma_start3A_787 = tpu.memref_slice %arg9[%dma_start3A, %dma_start3A_785, %dma_start3A_786] : memref<4x128x32xf32, #tpu.memory_space<vmem>> -> memref<1x128x32xf32, #tpu.memory_space<vmem>>
        %dma_start3A_788 = tpu.memref_squeeze %dma_start3A_787 : memref<1x128x32xf32, #tpu.memory_space<vmem>> -> memref<128x32xf32, #tpu.memory_space<vmem>>
        %dma_start3A_789 = arith.constant 0 : i32
        %dma_start3A_790 = tpu.memref_slice %arg7[%add3A_698, %dma_start3A_789] : memref<202x128xi32, #tpu.memory_space<vmem>> -> memref<1x128xi32, #tpu.memory_space<vmem>>
        %dma_start3A_791 = tpu.memref_squeeze %dma_start3A_790 : memref<1x128xi32, #tpu.memory_space<vmem>> -> memref<128xi32, #tpu.memory_space<vmem>>
        %dma_start3A_792 = arith.constant 0 : i32
        %dma_start3A_793 = arith.constant 0 : i32
        %dma_start3A_794 = tpu.memref_slice %arg3[%dma_start3A_792, %dma_start3A_793] : memref<500000x32xf32, #tpu.memory_space<hbm>> -> memref<500000x32xf32, #tpu.memory_space<hbm>>
        tpu.enqueue_indirect_dma source(%dma_start3A_794 : memref<500000x32xf32, #tpu.memory_space<hbm>>) target(%dma_start3A_788 : memref<128x32xf32, #tpu.memory_space<vmem>>) offsets(%dma_start3A_791 : memref<128xi32, #tpu.memory_space<vmem>>) semaphore(%arg11 : memref<!tpu.dma_semaphore, #tpu.memory_space<semaphore_mem>>)
      } else {
      }
      %mul3A_710 = arith.constant 4 : i32
      %mul3A_711 = arith.muli %while3A_675, %mul3A_710 : i32
      %add3A_712 = arith.constant 2 : i32
      %add3A_713 = arith.addi %mul3A_711, %add3A_712 : i32
      %add3A_714 = arith.constant 0 : i32
      %add3A_715 = arith.addi %add3A_714, %add3A_713 : i32
      %lt3A_716 = arith.cmpi slt, %add3A_713, %select_n3A_236 : i32
      %gt3A_717 = arith.constant 0 : i32
      %gt3A_718 = arith.cmpi sgt, %while3A_675, %gt3A_717 : i32
      %and3A_719 = arith.andi %lt3A_716, %gt3A_718 : i1
      %convert_element_type3A_720 = arith.extui %and3A_719 : i1 to i32
      %cond3A_721 = arith.constant 0 : i32
      %cond3A_722 = arith.cmpi ne, %convert_element_type3A_720, %cond3A_721 : i32
      scf.if %cond3A_722 {
        %sub3A_785 = arith.constant 4 : i32
        %sub3A_786 = arith.subi %add3A_715, %sub3A_785 : i32
        %dma_wait3A = arith.constant 2 : i32
        %dma_wait3A_787 = arith.constant 0 : i32
        %dma_wait3A_788 = arith.constant 0 : i32
        %dma_wait3A_789 = tpu.memref_slice %arg9[%dma_wait3A, %dma_wait3A_787, %dma_wait3A_788] : memref<4x128x32xf32, #tpu.memory_space<vmem>> -> memref<1x128x32xf32, #tpu.memory_space<vmem>>
        %dma_wait3A_790 = tpu.memref_squeeze %dma_wait3A_789 : memref<1x128x32xf32, #tpu.memory_space<vmem>> -> memref<128x32xf32, #tpu.memory_space<vmem>>
        %dma_wait3A_791 = arith.constant 0 : i32
        %dma_wait3A_792 = tpu.memref_slice %arg8[%sub3A_786, %dma_wait3A_791] : memref<202x128xi32, #tpu.memory_space<vmem>> -> memref<1x128xi32, #tpu.memory_space<vmem>>
        %dma_wait3A_793 = tpu.memref_squeeze %dma_wait3A_792 : memref<1x128xi32, #tpu.memory_space<vmem>> -> memref<128xi32, #tpu.memory_space<vmem>>
        %dma_wait3A_794 = arith.constant 0 : i32
        %dma_wait3A_795 = arith.constant 0 : i32
        %dma_wait3A_796 = tpu.memref_slice %arg5[%dma_wait3A_794, %dma_wait3A_795] : memref<409600x32xf32, #tpu.memory_space<hbm>> -> memref<409600x32xf32, #tpu.memory_space<hbm>>
        tpu.wait_indirect_dma semaphore(%arg16 : memref<!tpu.dma_semaphore, #tpu.memory_space<semaphore_mem>>) src(%dma_wait3A_790 : memref<128x32xf32, #tpu.memory_space<vmem>>) dst(%dma_wait3A_796 : memref<409600x32xf32, #tpu.memory_space<hbm>>)
      } else {
      }
      %lt3A_723 = arith.cmpi slt, %add3A_713, %select_n3A_236 : i32
      %convert_element_type3A_724 = arith.extui %lt3A_723 : i1 to i32
      %cond3A_725 = arith.constant 0 : i32
      %cond3A_726 = arith.cmpi ne, %convert_element_type3A_724, %cond3A_725 : i32
      scf.if %cond3A_726 {
        %dma_start3A = arith.constant 2 : i32
        %dma_start3A_785 = arith.constant 0 : i32
        %dma_start3A_786 = arith.constant 0 : i32
        %dma_start3A_787 = tpu.memref_slice %arg9[%dma_start3A, %dma_start3A_785, %dma_start3A_786] : memref<4x128x32xf32, #tpu.memory_space<vmem>> -> memref<1x128x32xf32, #tpu.memory_space<vmem>>
        %dma_start3A_788 = tpu.memref_squeeze %dma_start3A_787 : memref<1x128x32xf32, #tpu.memory_space<vmem>> -> memref<128x32xf32, #tpu.memory_space<vmem>>
        %dma_start3A_789 = arith.constant 0 : i32
        %dma_start3A_790 = tpu.memref_slice %arg7[%add3A_715, %dma_start3A_789] : memref<202x128xi32, #tpu.memory_space<vmem>> -> memref<1x128xi32, #tpu.memory_space<vmem>>
        %dma_start3A_791 = tpu.memref_squeeze %dma_start3A_790 : memref<1x128xi32, #tpu.memory_space<vmem>> -> memref<128xi32, #tpu.memory_space<vmem>>
        %dma_start3A_792 = arith.constant 0 : i32
        %dma_start3A_793 = arith.constant 0 : i32
        %dma_start3A_794 = tpu.memref_slice %arg3[%dma_start3A_792, %dma_start3A_793] : memref<500000x32xf32, #tpu.memory_space<hbm>> -> memref<500000x32xf32, #tpu.memory_space<hbm>>
        tpu.enqueue_indirect_dma source(%dma_start3A_794 : memref<500000x32xf32, #tpu.memory_space<hbm>>) target(%dma_start3A_788 : memref<128x32xf32, #tpu.memory_space<vmem>>) offsets(%dma_start3A_791 : memref<128xi32, #tpu.memory_space<vmem>>) semaphore(%arg12 : memref<!tpu.dma_semaphore, #tpu.memory_space<semaphore_mem>>)
      } else {
      }
      %mul3A_727 = arith.constant 4 : i32
      %mul3A_728 = arith.muli %while3A_675, %mul3A_727 : i32
      %add3A_729 = arith.constant 3 : i32
      %add3A_730 = arith.addi %mul3A_728, %add3A_729 : i32
      %add3A_731 = arith.constant 0 : i32
      %add3A_732 = arith.addi %add3A_731, %add3A_730 : i32
      %lt3A_733 = arith.cmpi slt, %add3A_730, %select_n3A_236 : i32
      %gt3A_734 = arith.constant 0 : i32
      %gt3A_735 = arith.cmpi sgt, %while3A_675, %gt3A_734 : i32
      %and3A_736 = arith.andi %lt3A_733, %gt3A_735 : i1
      %convert_element_type3A_737 = arith.extui %and3A_736 : i1 to i32
      %cond3A_738 = arith.constant 0 : i32
      %cond3A_739 = arith.cmpi ne, %convert_element_type3A_737, %cond3A_738 : i32
      scf.if %cond3A_739 {
        %sub3A_785 = arith.constant 4 : i32
        %sub3A_786 = arith.subi %add3A_732, %sub3A_785 : i32
        %dma_wait3A = arith.constant 3 : i32
        %dma_wait3A_787 = arith.constant 0 : i32
        %dma_wait3A_788 = arith.constant 0 : i32
        %dma_wait3A_789 = tpu.memref_slice %arg9[%dma_wait3A, %dma_wait3A_787, %dma_wait3A_788] : memref<4x128x32xf32, #tpu.memory_space<vmem>> -> memref<1x128x32xf32, #tpu.memory_space<vmem>>
        %dma_wait3A_790 = tpu.memref_squeeze %dma_wait3A_789 : memref<1x128x32xf32, #tpu.memory_space<vmem>> -> memref<128x32xf32, #tpu.memory_space<vmem>>
        %dma_wait3A_791 = arith.constant 0 : i32
        %dma_wait3A_792 = tpu.memref_slice %arg8[%sub3A_786, %dma_wait3A_791] : memref<202x128xi32, #tpu.memory_space<vmem>> -> memref<1x128xi32, #tpu.memory_space<vmem>>
        %dma_wait3A_793 = tpu.memref_squeeze %dma_wait3A_792 : memref<1x128xi32, #tpu.memory_space<vmem>> -> memref<128xi32, #tpu.memory_space<vmem>>
        %dma_wait3A_794 = arith.constant 0 : i32
        %dma_wait3A_795 = arith.constant 0 : i32
        %dma_wait3A_796 = tpu.memref_slice %arg5[%dma_wait3A_794, %dma_wait3A_795] : memref<409600x32xf32, #tpu.memory_space<hbm>> -> memref<409600x32xf32, #tpu.memory_space<hbm>>
        tpu.wait_indirect_dma semaphore(%arg17 : memref<!tpu.dma_semaphore, #tpu.memory_space<semaphore_mem>>) src(%dma_wait3A_790 : memref<128x32xf32, #tpu.memory_space<vmem>>) dst(%dma_wait3A_796 : memref<409600x32xf32, #tpu.memory_space<hbm>>)
      } else {
      }
      %lt3A_740 = arith.cmpi slt, %add3A_730, %select_n3A_236 : i32
      %convert_element_type3A_741 = arith.extui %lt3A_740 : i1 to i32
      %cond3A_742 = arith.constant 0 : i32
      %cond3A_743 = arith.cmpi ne, %convert_element_type3A_741, %cond3A_742 : i32
      scf.if %cond3A_743 {
        %dma_start3A = arith.constant 3 : i32
        %dma_start3A_785 = arith.constant 0 : i32
        %dma_start3A_786 = arith.constant 0 : i32
        %dma_start3A_787 = tpu.memref_slice %arg9[%dma_start3A, %dma_start3A_785, %dma_start3A_786] : memref<4x128x32xf32, #tpu.memory_space<vmem>> -> memref<1x128x32xf32, #tpu.memory_space<vmem>>
        %dma_start3A_788 = tpu.memref_squeeze %dma_start3A_787 : memref<1x128x32xf32, #tpu.memory_space<vmem>> -> memref<128x32xf32, #tpu.memory_space<vmem>>
        %dma_start3A_789 = arith.constant 0 : i32
        %dma_start3A_790 = tpu.memref_slice %arg7[%add3A_732, %dma_start3A_789] : memref<202x128xi32, #tpu.memory_space<vmem>> -> memref<1x128xi32, #tpu.memory_space<vmem>>
        %dma_start3A_791 = tpu.memref_squeeze %dma_start3A_790 : memref<1x128xi32, #tpu.memory_space<vmem>> -> memref<128xi32, #tpu.memory_space<vmem>>
        %dma_start3A_792 = arith.constant 0 : i32
        %dma_start3A_793 = arith.constant 0 : i32
        %dma_start3A_794 = tpu.memref_slice %arg3[%dma_start3A_792, %dma_start3A_793] : memref<500000x32xf32, #tpu.memory_space<hbm>> -> memref<500000x32xf32, #tpu.memory_space<hbm>>
        tpu.enqueue_indirect_dma source(%dma_start3A_794 : memref<500000x32xf32, #tpu.memory_space<hbm>>) target(%dma_start3A_788 : memref<128x32xf32, #tpu.memory_space<vmem>>) offsets(%dma_start3A_791 : memref<128xi32, #tpu.memory_space<vmem>>) semaphore(%arg13 : memref<!tpu.dma_semaphore, #tpu.memory_space<semaphore_mem>>)
      } else {
      }
      %mul3A_744 = arith.constant 4 : i32
      %mul3A_745 = arith.muli %while3A_675, %mul3A_744 : i32
      %add3A_746 = arith.constant 0 : i32
      %add3A_747 = arith.addi %mul3A_745, %add3A_746 : i32
      %add3A_748 = arith.constant 0 : i32
      %add3A_749 = arith.addi %add3A_748, %add3A_747 : i32
      %lt3A_750 = arith.cmpi slt, %add3A_747, %select_n3A_236 : i32
      %convert_element_type3A_751 = arith.extui %lt3A_750 : i1 to i32
      %cond3A_752 = arith.constant 0 : i32
      %cond3A_753 = arith.cmpi ne, %convert_element_type3A_751, %cond3A_752 : i32
      scf.if %cond3A_753 {
        %dma_wait3A = arith.constant 0 : i32
        %dma_wait3A_785 = arith.constant 0 : i32
        %dma_wait3A_786 = arith.constant 0 : i32
        %dma_wait3A_787 = tpu.memref_slice %arg9[%dma_wait3A, %dma_wait3A_785, %dma_wait3A_786] : memref<4x128x32xf32, #tpu.memory_space<vmem>> -> memref<1x128x32xf32, #tpu.memory_space<vmem>>
        %dma_wait3A_788 = tpu.memref_squeeze %dma_wait3A_787 : memref<1x128x32xf32, #tpu.memory_space<vmem>> -> memref<128x32xf32, #tpu.memory_space<vmem>>
        %dma_wait3A_789 = arith.constant 0 : i32
        %dma_wait3A_790 = tpu.memref_slice %arg7[%add3A_749, %dma_wait3A_789] : memref<202x128xi32, #tpu.memory_space<vmem>> -> memref<1x128xi32, #tpu.memory_space<vmem>>
        %dma_wait3A_791 = tpu.memref_squeeze %dma_wait3A_790 : memref<1x128xi32, #tpu.memory_space<vmem>> -> memref<128xi32, #tpu.memory_space<vmem>>
        %dma_wait3A_792 = arith.constant 0 : i32
        %dma_wait3A_793 = arith.constant 0 : i32
        %dma_wait3A_794 = tpu.memref_slice %arg3[%dma_wait3A_792, %dma_wait3A_793] : memref<500000x32xf32, #tpu.memory_space<hbm>> -> memref<500000x32xf32, #tpu.memory_space<hbm>>
        tpu.wait_indirect_dma semaphore(%arg10 : memref<!tpu.dma_semaphore, #tpu.memory_space<semaphore_mem>>) src(%dma_wait3A_794 : memref<500000x32xf32, #tpu.memory_space<hbm>>) dst(%dma_wait3A_788 : memref<128x32xf32, #tpu.memory_space<vmem>>)
        %dma_start3A = arith.constant 0 : i32
        %dma_start3A_795 = arith.constant 0 : i32
        %dma_start3A_796 = arith.constant 0 : i32
        %dma_start3A_797 = tpu.memref_slice %arg9[%dma_start3A, %dma_start3A_795, %dma_start3A_796] : memref<4x128x32xf32, #tpu.memory_space<vmem>> -> memref<1x128x32xf32, #tpu.memory_space<vmem>>
        %dma_start3A_798 = tpu.memref_squeeze %dma_start3A_797 : memref<1x128x32xf32, #tpu.memory_space<vmem>> -> memref<128x32xf32, #tpu.memory_space<vmem>>
        %dma_start3A_799 = arith.constant 0 : i32
        %dma_start3A_800 = tpu.memref_slice %arg8[%add3A_749, %dma_start3A_799] : memref<202x128xi32, #tpu.memory_space<vmem>> -> memref<1x128xi32, #tpu.memory_space<vmem>>
        %dma_start3A_801 = tpu.memref_squeeze %dma_start3A_800 : memref<1x128xi32, #tpu.memory_space<vmem>> -> memref<128xi32, #tpu.memory_space<vmem>>
        %dma_start3A_802 = arith.constant 0 : i32
        %dma_start3A_803 = arith.constant 0 : i32
        %dma_start3A_804 = tpu.memref_slice %arg5[%dma_start3A_802, %dma_start3A_803] : memref<409600x32xf32, #tpu.memory_space<hbm>> -> memref<409600x32xf32, #tpu.memory_space<hbm>>
        tpu.enqueue_indirect_dma source(%dma_start3A_798 : memref<128x32xf32, #tpu.memory_space<vmem>>) target(%dma_start3A_804 : memref<409600x32xf32, #tpu.memory_space<hbm>>) offsets(%dma_start3A_801 : memref<128xi32, #tpu.memory_space<vmem>>) semaphore(%arg14 : memref<!tpu.dma_semaphore, #tpu.memory_space<semaphore_mem>>)
      } else {
      }
      %mul3A_754 = arith.constant 4 : i32
      %mul3A_755 = arith.muli %while3A_675, %mul3A_754 : i32
      %add3A_756 = arith.constant 1 : i32
      %add3A_757 = arith.addi %mul3A_755, %add3A_756 : i32
      %add3A_758 = arith.constant 0 : i32
      %add3A_759 = arith.addi %add3A_758, %add3A_757 : i32
      %lt3A_760 = arith.cmpi slt, %add3A_757, %select_n3A_236 : i32
      %convert_element_type3A_761 = arith.extui %lt3A_760 : i1 to i32
      %cond3A_762 = arith.constant 0 : i32
      %cond3A_763 = arith.cmpi ne, %convert_element_type3A_761, %cond3A_762 : i32
      scf.if %cond3A_763 {
        %dma_wait3A = arith.constant 1 : i32
        %dma_wait3A_785 = arith.constant 0 : i32
        %dma_wait3A_786 = arith.constant 0 : i32
        %dma_wait3A_787 = tpu.memref_slice %arg9[%dma_wait3A, %dma_wait3A_785, %dma_wait3A_786] : memref<4x128x32xf32, #tpu.memory_space<vmem>> -> memref<1x128x32xf32, #tpu.memory_space<vmem>>
        %dma_wait3A_788 = tpu.memref_squeeze %dma_wait3A_787 : memref<1x128x32xf32, #tpu.memory_space<vmem>> -> memref<128x32xf32, #tpu.memory_space<vmem>>
        %dma_wait3A_789 = arith.constant 0 : i32
        %dma_wait3A_790 = tpu.memref_slice %arg7[%add3A_759, %dma_wait3A_789] : memref<202x128xi32, #tpu.memory_space<vmem>> -> memref<1x128xi32, #tpu.memory_space<vmem>>
        %dma_wait3A_791 = tpu.memref_squeeze %dma_wait3A_790 : memref<1x128xi32, #tpu.memory_space<vmem>> -> memref<128xi32, #tpu.memory_space<vmem>>
        %dma_wait3A_792 = arith.constant 0 : i32
        %dma_wait3A_793 = arith.constant 0 : i32
        %dma_wait3A_794 = tpu.memref_slice %arg3[%dma_wait3A_792, %dma_wait3A_793] : memref<500000x32xf32, #tpu.memory_space<hbm>> -> memref<500000x32xf32, #tpu.memory_space<hbm>>
        tpu.wait_indirect_dma semaphore(%arg11 : memref<!tpu.dma_semaphore, #tpu.memory_space<semaphore_mem>>) src(%dma_wait3A_794 : memref<500000x32xf32, #tpu.memory_space<hbm>>) dst(%dma_wait3A_788 : memref<128x32xf32, #tpu.memory_space<vmem>>)
        %dma_start3A = arith.constant 1 : i32
        %dma_start3A_795 = arith.constant 0 : i32
        %dma_start3A_796 = arith.constant 0 : i32
        %dma_start3A_797 = tpu.memref_slice %arg9[%dma_start3A, %dma_start3A_795, %dma_start3A_796] : memref<4x128x32xf32, #tpu.memory_space<vmem>> -> memref<1x128x32xf32, #tpu.memory_space<vmem>>
        %dma_start3A_798 = tpu.memref_squeeze %dma_start3A_797 : memref<1x128x32xf32, #tpu.memory_space<vmem>> -> memref<128x32xf32, #tpu.memory_space<vmem>>
        %dma_start3A_799 = arith.constant 0 : i32
        %dma_start3A_800 = tpu.memref_slice %arg8[%add3A_759, %dma_start3A_799] : memref<202x128xi32, #tpu.memory_space<vmem>> -> memref<1x128xi32, #tpu.memory_space<vmem>>
        %dma_start3A_801 = tpu.memref_squeeze %dma_start3A_800 : memref<1x128xi32, #tpu.memory_space<vmem>> -> memref<128xi32, #tpu.memory_space<vmem>>
        %dma_start3A_802 = arith.constant 0 : i32
        %dma_start3A_803 = arith.constant 0 : i32
        %dma_start3A_804 = tpu.memref_slice %arg5[%dma_start3A_802, %dma_start3A_803] : memref<409600x32xf32, #tpu.memory_space<hbm>> -> memref<409600x32xf32, #tpu.memory_space<hbm>>
        tpu.enqueue_indirect_dma source(%dma_start3A_798 : memref<128x32xf32, #tpu.memory_space<vmem>>) target(%dma_start3A_804 : memref<409600x32xf32, #tpu.memory_space<hbm>>) offsets(%dma_start3A_801 : memref<128xi32, #tpu.memory_space<vmem>>) semaphore(%arg15 : memref<!tpu.dma_semaphore, #tpu.memory_space<semaphore_mem>>)
      } else {
      }
      %mul3A_764 = arith.constant 4 : i32
      %mul3A_765 = arith.muli %while3A_675, %mul3A_764 : i32
      %add3A_766 = arith.constant 2 : i32
      %add3A_767 = arith.addi %mul3A_765, %add3A_766 : i32
      %add3A_768 = arith.constant 0 : i32
      %add3A_769 = arith.addi %add3A_768, %add3A_767 : i32
      %lt3A_770 = arith.cmpi slt, %add3A_767, %select_n3A_236 : i32
      %convert_element_type3A_771 = arith.extui %lt3A_770 : i1 to i32
      %cond3A_772 = arith.constant 0 : i32
      %cond3A_773 = arith.cmpi ne, %convert_element_type3A_771, %cond3A_772 : i32
      scf.if %cond3A_773 {
        %dma_wait3A = arith.constant 2 : i32
        %dma_wait3A_785 = arith.constant 0 : i32
        %dma_wait3A_786 = arith.constant 0 : i32
        %dma_wait3A_787 = tpu.memref_slice %arg9[%dma_wait3A, %dma_wait3A_785, %dma_wait3A_786] : memref<4x128x32xf32, #tpu.memory_space<vmem>> -> memref<1x128x32xf32, #tpu.memory_space<vmem>>
        %dma_wait3A_788 = tpu.memref_squeeze %dma_wait3A_787 : memref<1x128x32xf32, #tpu.memory_space<vmem>> -> memref<128x32xf32, #tpu.memory_space<vmem>>
        %dma_wait3A_789 = arith.constant 0 : i32
        %dma_wait3A_790 = tpu.memref_slice %arg7[%add3A_769, %dma_wait3A_789] : memref<202x128xi32, #tpu.memory_space<vmem>> -> memref<1x128xi32, #tpu.memory_space<vmem>>
        %dma_wait3A_791 = tpu.memref_squeeze %dma_wait3A_790 : memref<1x128xi32, #tpu.memory_space<vmem>> -> memref<128xi32, #tpu.memory_space<vmem>>
        %dma_wait3A_792 = arith.constant 0 : i32
        %dma_wait3A_793 = arith.constant 0 : i32
        %dma_wait3A_794 = tpu.memref_slice %arg3[%dma_wait3A_792, %dma_wait3A_793] : memref<500000x32xf32, #tpu.memory_space<hbm>> -> memref<500000x32xf32, #tpu.memory_space<hbm>>
        tpu.wait_indirect_dma semaphore(%arg12 : memref<!tpu.dma_semaphore, #tpu.memory_space<semaphore_mem>>) src(%dma_wait3A_794 : memref<500000x32xf32, #tpu.memory_space<hbm>>) dst(%dma_wait3A_788 : memref<128x32xf32, #tpu.memory_space<vmem>>)
        %dma_start3A = arith.constant 2 : i32
        %dma_start3A_795 = arith.constant 0 : i32
        %dma_start3A_796 = arith.constant 0 : i32
        %dma_start3A_797 = tpu.memref_slice %arg9[%dma_start3A, %dma_start3A_795, %dma_start3A_796] : memref<4x128x32xf32, #tpu.memory_space<vmem>> -> memref<1x128x32xf32, #tpu.memory_space<vmem>>
        %dma_start3A_798 = tpu.memref_squeeze %dma_start3A_797 : memref<1x128x32xf32, #tpu.memory_space<vmem>> -> memref<128x32xf32, #tpu.memory_space<vmem>>
        %dma_start3A_799 = arith.constant 0 : i32
        %dma_start3A_800 = tpu.memref_slice %arg8[%add3A_769, %dma_start3A_799] : memref<202x128xi32, #tpu.memory_space<vmem>> -> memref<1x128xi32, #tpu.memory_space<vmem>>
        %dma_start3A_801 = tpu.memref_squeeze %dma_start3A_800 : memref<1x128xi32, #tpu.memory_space<vmem>> -> memref<128xi32, #tpu.memory_space<vmem>>
        %dma_start3A_802 = arith.constant 0 : i32
        %dma_start3A_803 = arith.constant 0 : i32
        %dma_start3A_804 = tpu.memref_slice %arg5[%dma_start3A_802, %dma_start3A_803] : memref<409600x32xf32, #tpu.memory_space<hbm>> -> memref<409600x32xf32, #tpu.memory_space<hbm>>
        tpu.enqueue_indirect_dma source(%dma_start3A_798 : memref<128x32xf32, #tpu.memory_space<vmem>>) target(%dma_start3A_804 : memref<409600x32xf32, #tpu.memory_space<hbm>>) offsets(%dma_start3A_801 : memref<128xi32, #tpu.memory_space<vmem>>) semaphore(%arg16 : memref<!tpu.dma_semaphore, #tpu.memory_space<semaphore_mem>>)
      } else {
      }
      %mul3A_774 = arith.constant 4 : i32
      %mul3A_775 = arith.muli %while3A_675, %mul3A_774 : i32
      %add3A_776 = arith.constant 3 : i32
      %add3A_777 = arith.addi %mul3A_775, %add3A_776 : i32
      %add3A_778 = arith.constant 0 : i32
      %add3A_779 = arith.addi %add3A_778, %add3A_777 : i32
      %lt3A_780 = arith.cmpi slt, %add3A_777, %select_n3A_236 : i32
      %convert_element_type3A_781 = arith.extui %lt3A_780 : i1 to i32
      %cond3A_782 = arith.constant 0 : i32
      %cond3A_783 = arith.cmpi ne, %convert_element_type3A_781, %cond3A_782 : i32
      scf.if %cond3A_783 {
        %dma_wait3A = arith.constant 3 : i32
        %dma_wait3A_785 = arith.constant 0 : i32
        %dma_wait3A_786 = arith.constant 0 : i32
        %dma_wait3A_787 = tpu.memref_slice %arg9[%dma_wait3A, %dma_wait3A_785, %dma_wait3A_786] : memref<4x128x32xf32, #tpu.memory_space<vmem>> -> memref<1x128x32xf32, #tpu.memory_space<vmem>>
        %dma_wait3A_788 = tpu.memref_squeeze %dma_wait3A_787 : memref<1x128x32xf32, #tpu.memory_space<vmem>> -> memref<128x32xf32, #tpu.memory_space<vmem>>
        %dma_wait3A_789 = arith.constant 0 : i32
        %dma_wait3A_790 = tpu.memref_slice %arg7[%add3A_779, %dma_wait3A_789] : memref<202x128xi32, #tpu.memory_space<vmem>> -> memref<1x128xi32, #tpu.memory_space<vmem>>
        %dma_wait3A_791 = tpu.memref_squeeze %dma_wait3A_790 : memref<1x128xi32, #tpu.memory_space<vmem>> -> memref<128xi32, #tpu.memory_space<vmem>>
        %dma_wait3A_792 = arith.constant 0 : i32
        %dma_wait3A_793 = arith.constant 0 : i32
        %dma_wait3A_794 = tpu.memref_slice %arg3[%dma_wait3A_792, %dma_wait3A_793] : memref<500000x32xf32, #tpu.memory_space<hbm>> -> memref<500000x32xf32, #tpu.memory_space<hbm>>
        tpu.wait_indirect_dma semaphore(%arg13 : memref<!tpu.dma_semaphore, #tpu.memory_space<semaphore_mem>>) src(%dma_wait3A_794 : memref<500000x32xf32, #tpu.memory_space<hbm>>) dst(%dma_wait3A_788 : memref<128x32xf32, #tpu.memory_space<vmem>>)
        %dma_start3A = arith.constant 3 : i32
        %dma_start3A_795 = arith.constant 0 : i32
        %dma_start3A_796 = arith.constant 0 : i32
        %dma_start3A_797 = tpu.memref_slice %arg9[%dma_start3A, %dma_start3A_795, %dma_start3A_796] : memref<4x128x32xf32, #tpu.memory_space<vmem>> -> memref<1x128x32xf32, #tpu.memory_space<vmem>>
        %dma_start3A_798 = tpu.memref_squeeze %dma_start3A_797 : memref<1x128x32xf32, #tpu.memory_space<vmem>> -> memref<128x32xf32, #tpu.memory_space<vmem>>
        %dma_start3A_799 = arith.constant 0 : i32
        %dma_start3A_800 = tpu.memref_slice %arg8[%add3A_779, %dma_start3A_799] : memref<202x128xi32, #tpu.memory_space<vmem>> -> memref<1x128xi32, #tpu.memory_space<vmem>>
        %dma_start3A_801 = tpu.memref_squeeze %dma_start3A_800 : memref<1x128xi32, #tpu.memory_space<vmem>> -> memref<128xi32, #tpu.memory_space<vmem>>
        %dma_start3A_802 = arith.constant 0 : i32
        %dma_start3A_803 = arith.constant 0 : i32
        %dma_start3A_804 = tpu.memref_slice %arg5[%dma_start3A_802, %dma_start3A_803] : memref<409600x32xf32, #tpu.memory_space<hbm>> -> memref<409600x32xf32, #tpu.memory_space<hbm>>
        tpu.enqueue_indirect_dma source(%dma_start3A_798 : memref<128x32xf32, #tpu.memory_space<vmem>>) target(%dma_start3A_804 : memref<409600x32xf32, #tpu.memory_space<hbm>>) offsets(%dma_start3A_801 : memref<128xi32, #tpu.memory_space<vmem>>) semaphore(%arg17 : memref<!tpu.dma_semaphore, #tpu.memory_space<semaphore_mem>>)
      } else {
      }
      %while3A_784 = arith.constant 0 : i32
      scf.yield %while3A_784 : i32
    }
    %sub3A_277 = arith.constant 1 : i32
    %sub3A_278 = arith.subi %select_n3A_236, %sub3A_277 : i32
    %sub3A_279 = arith.constant 0 : i32
    %sub3A_280 = arith.subi %sub3A_278, %sub3A_279 : i32
    %max3A = arith.constant 0 : i32
    %max3A_281 = arith.maxsi %sub3A_280, %max3A : i32
    %jit3A_282 = arith.constant 4 : i32
    %div3A_283 = arith.divsi %max3A_281, %jit3A_282 : i32
    %sign3A_284 = arith.constant 0 : i32
    %sign3A_285 = arith.cmpi sgt, %max3A_281, %sign3A_284 : i32
    %sign3A_286 = arith.extui %sign3A_285 : i1 to i32
    %sign3A_287 = arith.constant 0 : i32
    %sign3A_288 = arith.cmpi slt, %max3A_281, %sign3A_287 : i32
    %sign3A_289 = arith.extui %sign3A_288 : i1 to i32
    %sign3A_290 = arith.subi %sign3A_286, %sign3A_289 : i32
    %sign3A_291 = arith.constant 0 : i32
    %sign3A_292 = arith.cmpi sgt, %jit3A_282, %sign3A_291 : i32
    %sign3A_293 = arith.extui %sign3A_292 : i1 to i32
    %sign3A_294 = arith.constant 0 : i32
    %sign3A_295 = arith.cmpi slt, %jit3A_282, %sign3A_294 : i32
    %sign3A_296 = arith.extui %sign3A_295 : i1 to i32
    %sign3A_297 = arith.subi %sign3A_293, %sign3A_296 : i32
    %ne3A_298 = arith.cmpi ne, %sign3A_290, %sign3A_297 : i32
    %rem3A_299 = arith.remsi %max3A_281, %jit3A_282 : i32
    %ne3A_300 = arith.constant 0 : i32
    %ne3A_301 = arith.cmpi ne, %rem3A_299, %ne3A_300 : i32
    %and3A_302 = arith.andi %ne3A_298, %ne3A_301 : i1
    %sub3A_303 = arith.constant 1 : i32
    %sub3A_304 = arith.subi %div3A_283, %sub3A_303 : i32
    %select_n3A_305 = arith.select %and3A_302, %sub3A_304, %div3A_283 : i32
    %mul3A_306 = arith.constant 4 : i32
    %mul3A_307 = arith.muli %select_n3A_305, %mul3A_306 : i32
    %add3A_308 = arith.constant 0 : i32
    %add3A_309 = arith.addi %mul3A_307, %add3A_308 : i32
    %gt3A = arith.constant 0 : i32
    %gt3A_310 = arith.cmpi sgt, %select_n3A_236, %gt3A : i32
    %convert_element_type3A = arith.extui %gt3A_310 : i1 to i32
    %cond3A = arith.constant 0 : i32
    %cond3A_311 = arith.cmpi ne, %convert_element_type3A, %cond3A : i32
    scf.if %cond3A_311 {
      %add3A_675 = arith.constant 0 : i32
      %add3A_676 = arith.addi %add3A_675, %add3A_309 : i32
      %dma_wait3A = arith.constant 0 : i32
      %dma_wait3A_677 = arith.constant 0 : i32
      %dma_wait3A_678 = arith.constant 0 : i32
      %dma_wait3A_679 = tpu.memref_slice %arg9[%dma_wait3A, %dma_wait3A_677, %dma_wait3A_678] : memref<4x128x32xf32, #tpu.memory_space<vmem>> -> memref<1x128x32xf32, #tpu.memory_space<vmem>>
      %dma_wait3A_680 = tpu.memref_squeeze %dma_wait3A_679 : memref<1x128x32xf32, #tpu.memory_space<vmem>> -> memref<128x32xf32, #tpu.memory_space<vmem>>
      %dma_wait3A_681 = arith.constant 0 : i32
      %dma_wait3A_682 = tpu.memref_slice %arg8[%add3A_676, %dma_wait3A_681] : memref<202x128xi32, #tpu.memory_space<vmem>> -> memref<1x128xi32, #tpu.memory_space<vmem>>
      %dma_wait3A_683 = tpu.memref_squeeze %dma_wait3A_682 : memref<1x128xi32, #tpu.memory_space<vmem>> -> memref<128xi32, #tpu.memory_space<vmem>>
      %dma_wait3A_684 = arith.constant 0 : i32
      %dma_wait3A_685 = arith.constant 0 : i32
      %dma_wait3A_686 = tpu.memref_slice %arg5[%dma_wait3A_684, %dma_wait3A_685] : memref<409600x32xf32, #tpu.memory_space<hbm>> -> memref<409600x32xf32, #tpu.memory_space<hbm>>
      tpu.wait_indirect_dma semaphore(%arg14 : memref<!tpu.dma_semaphore, #tpu.memory_space<semaphore_mem>>) src(%dma_wait3A_680 : memref<128x32xf32, #tpu.memory_space<vmem>>) dst(%dma_wait3A_686 : memref<409600x32xf32, #tpu.memory_space<hbm>>)
    } else {
    }
    %sub3A_312 = arith.constant 1 : i32
    %sub3A_313 = arith.subi %select_n3A_236, %sub3A_312 : i32
    %sub3A_314 = arith.constant 1 : i32
    %sub3A_315 = arith.subi %sub3A_313, %sub3A_314 : i32
    %max3A_316 = arith.constant 0 : i32
    %max3A_317 = arith.maxsi %sub3A_315, %max3A_316 : i32
    %jit3A_318 = arith.constant 4 : i32
    %div3A_319 = arith.divsi %max3A_317, %jit3A_318 : i32
    %sign3A_320 = arith.constant 0 : i32
    %sign3A_321 = arith.cmpi sgt, %max3A_317, %sign3A_320 : i32
    %sign3A_322 = arith.extui %sign3A_321 : i1 to i32
    %sign3A_323 = arith.constant 0 : i32
    %sign3A_324 = arith.cmpi slt, %max3A_317, %sign3A_323 : i32
    %sign3A_325 = arith.extui %sign3A_324 : i1 to i32
    %sign3A_326 = arith.subi %sign3A_322, %sign3A_325 : i32
    %sign3A_327 = arith.constant 0 : i32
    %sign3A_328 = arith.cmpi sgt, %jit3A_318, %sign3A_327 : i32
    %sign3A_329 = arith.extui %sign3A_328 : i1 to i32
    %sign3A_330 = arith.constant 0 : i32
    %sign3A_331 = arith.cmpi slt, %jit3A_318, %sign3A_330 : i32
    %sign3A_332 = arith.extui %sign3A_331 : i1 to i32
    %sign3A_333 = arith.subi %sign3A_329, %sign3A_332 : i32
    %ne3A_334 = arith.cmpi ne, %sign3A_326, %sign3A_333 : i32
    %rem3A_335 = arith.remsi %max3A_317, %jit3A_318 : i32
    %ne3A_336 = arith.constant 0 : i32
    %ne3A_337 = arith.cmpi ne, %rem3A_335, %ne3A_336 : i32
    %and3A_338 = arith.andi %ne3A_334, %ne3A_337 : i1
    %sub3A_339 = arith.constant 1 : i32
    %sub3A_340 = arith.subi %div3A_319, %sub3A_339 : i32
    %select_n3A_341 = arith.select %and3A_338, %sub3A_340, %div3A_319 : i32
    %mul3A_342 = arith.constant 4 : i32
    %mul3A_343 = arith.muli %select_n3A_341, %mul3A_342 : i32
    %add3A_344 = arith.constant 1 : i32
    %add3A_345 = arith.addi %mul3A_343, %add3A_344 : i32
    %gt3A_346 = arith.constant 1 : i32
    %gt3A_347 = arith.cmpi sgt, %select_n3A_236, %gt3A_346 : i32
    %convert_element_type3A_348 = arith.extui %gt3A_347 : i1 to i32
    %cond3A_349 = arith.constant 0 : i32
    %cond3A_350 = arith.cmpi ne, %convert_element_type3A_348, %cond3A_349 : i32
    scf.if %cond3A_350 {
      %add3A_675 = arith.constant 0 : i32
      %add3A_676 = arith.addi %add3A_675, %add3A_345 : i32
      %dma_wait3A = arith.constant 1 : i32
      %dma_wait3A_677 = arith.constant 0 : i32
      %dma_wait3A_678 = arith.constant 0 : i32
      %dma_wait3A_679 = tpu.memref_slice %arg9[%dma_wait3A, %dma_wait3A_677, %dma_wait3A_678] : memref<4x128x32xf32, #tpu.memory_space<vmem>> -> memref<1x128x32xf32, #tpu.memory_space<vmem>>
      %dma_wait3A_680 = tpu.memref_squeeze %dma_wait3A_679 : memref<1x128x32xf32, #tpu.memory_space<vmem>> -> memref<128x32xf32, #tpu.memory_space<vmem>>
      %dma_wait3A_681 = arith.constant 0 : i32
      %dma_wait3A_682 = tpu.memref_slice %arg8[%add3A_676, %dma_wait3A_681] : memref<202x128xi32, #tpu.memory_space<vmem>> -> memref<1x128xi32, #tpu.memory_space<vmem>>
      %dma_wait3A_683 = tpu.memref_squeeze %dma_wait3A_682 : memref<1x128xi32, #tpu.memory_space<vmem>> -> memref<128xi32, #tpu.memory_space<vmem>>
      %dma_wait3A_684 = arith.constant 0 : i32
      %dma_wait3A_685 = arith.constant 0 : i32
      %dma_wait3A_686 = tpu.memref_slice %arg5[%dma_wait3A_684, %dma_wait3A_685] : memref<409600x32xf32, #tpu.memory_space<hbm>> -> memref<409600x32xf32, #tpu.memory_space<hbm>>
      tpu.wait_indirect_dma semaphore(%arg15 : memref<!tpu.dma_semaphore, #tpu.memory_space<semaphore_mem>>) src(%dma_wait3A_680 : memref<128x32xf32, #tpu.memory_space<vmem>>) dst(%dma_wait3A_686 : memref<409600x32xf32, #tpu.memory_space<hbm>>)
    } else {
    }
    %sub3A_351 = arith.constant 1 : i32
    %sub3A_352 = arith.subi %select_n3A_236, %sub3A_351 : i32
    %sub3A_353 = arith.constant 2 : i32
    %sub3A_354 = arith.subi %sub3A_352, %sub3A_353 : i32
    %max3A_355 = arith.constant 0 : i32
    %max3A_356 = arith.maxsi %sub3A_354, %max3A_355 : i32
    %jit3A_357 = arith.constant 4 : i32
    %div3A_358 = arith.divsi %max3A_356, %jit3A_357 : i32
    %sign3A_359 = arith.constant 0 : i32
    %sign3A_360 = arith.cmpi sgt, %max3A_356, %sign3A_359 : i32
    %sign3A_361 = arith.extui %sign3A_360 : i1 to i32
    %sign3A_362 = arith.constant 0 : i32
    %sign3A_363 = arith.cmpi slt, %max3A_356, %sign3A_362 : i32
    %sign3A_364 = arith.extui %sign3A_363 : i1 to i32
    %sign3A_365 = arith.subi %sign3A_361, %sign3A_364 : i32
    %sign3A_366 = arith.constant 0 : i32
    %sign3A_367 = arith.cmpi sgt, %jit3A_357, %sign3A_366 : i32
    %sign3A_368 = arith.extui %sign3A_367 : i1 to i32
    %sign3A_369 = arith.constant 0 : i32
    %sign3A_370 = arith.cmpi slt, %jit3A_357, %sign3A_369 : i32
    %sign3A_371 = arith.extui %sign3A_370 : i1 to i32
    %sign3A_372 = arith.subi %sign3A_368, %sign3A_371 : i32
    %ne3A_373 = arith.cmpi ne, %sign3A_365, %sign3A_372 : i32
    %rem3A_374 = arith.remsi %max3A_356, %jit3A_357 : i32
    %ne3A_375 = arith.constant 0 : i32
    %ne3A_376 = arith.cmpi ne, %rem3A_374, %ne3A_375 : i32
    %and3A_377 = arith.andi %ne3A_373, %ne3A_376 : i1
    %sub3A_378 = arith.constant 1 : i32
    %sub3A_379 = arith.subi %div3A_358, %sub3A_378 : i32
    %select_n3A_380 = arith.select %and3A_377, %sub3A_379, %div3A_358 : i32
    %mul3A_381 = arith.constant 4 : i32
    %mul3A_382 = arith.muli %select_n3A_380, %mul3A_381 : i32
    %add3A_383 = arith.constant 2 : i32
    %add3A_384 = arith.addi %mul3A_382, %add3A_383 : i32
    %gt3A_385 = arith.constant 2 : i32
    %gt3A_386 = arith.cmpi sgt, %select_n3A_236, %gt3A_385 : i32
    %convert_element_type3A_387 = arith.extui %gt3A_386 : i1 to i32
    %cond3A_388 = arith.constant 0 : i32
    %cond3A_389 = arith.cmpi ne, %convert_element_type3A_387, %cond3A_388 : i32
    scf.if %cond3A_389 {
      %add3A_675 = arith.constant 0 : i32
      %add3A_676 = arith.addi %add3A_675, %add3A_384 : i32
      %dma_wait3A = arith.constant 2 : i32
      %dma_wait3A_677 = arith.constant 0 : i32
      %dma_wait3A_678 = arith.constant 0 : i32
      %dma_wait3A_679 = tpu.memref_slice %arg9[%dma_wait3A, %dma_wait3A_677, %dma_wait3A_678] : memref<4x128x32xf32, #tpu.memory_space<vmem>> -> memref<1x128x32xf32, #tpu.memory_space<vmem>>
      %dma_wait3A_680 = tpu.memref_squeeze %dma_wait3A_679 : memref<1x128x32xf32, #tpu.memory_space<vmem>> -> memref<128x32xf32, #tpu.memory_space<vmem>>
      %dma_wait3A_681 = arith.constant 0 : i32
      %dma_wait3A_682 = tpu.memref_slice %arg8[%add3A_676, %dma_wait3A_681] : memref<202x128xi32, #tpu.memory_space<vmem>> -> memref<1x128xi32, #tpu.memory_space<vmem>>
      %dma_wait3A_683 = tpu.memref_squeeze %dma_wait3A_682 : memref<1x128xi32, #tpu.memory_space<vmem>> -> memref<128xi32, #tpu.memory_space<vmem>>
      %dma_wait3A_684 = arith.constant 0 : i32
      %dma_wait3A_685 = arith.constant 0 : i32
      %dma_wait3A_686 = tpu.memref_slice %arg5[%dma_wait3A_684, %dma_wait3A_685] : memref<409600x32xf32, #tpu.memory_space<hbm>> -> memref<409600x32xf32, #tpu.memory_space<hbm>>
      tpu.wait_indirect_dma semaphore(%arg16 : memref<!tpu.dma_semaphore, #tpu.memory_space<semaphore_mem>>) src(%dma_wait3A_680 : memref<128x32xf32, #tpu.memory_space<vmem>>) dst(%dma_wait3A_686 : memref<409600x32xf32, #tpu.memory_space<hbm>>)
    } else {
    }
    %sub3A_390 = arith.constant 1 : i32
    %sub3A_391 = arith.subi %select_n3A_236, %sub3A_390 : i32
    %sub3A_392 = arith.constant 3 : i32
    %sub3A_393 = arith.subi %sub3A_391, %sub3A_392 : i32
    %max3A_394 = arith.constant 0 : i32
    %max3A_395 = arith.maxsi %sub3A_393, %max3A_394 : i32
    %jit3A_396 = arith.constant 4 : i32
    %div3A_397 = arith.divsi %max3A_395, %jit3A_396 : i32
    %sign3A_398 = arith.constant 0 : i32
    %sign3A_399 = arith.cmpi sgt, %max3A_395, %sign3A_398 : i32
    %sign3A_400 = arith.extui %sign3A_399 : i1 to i32
    %sign3A_401 = arith.constant 0 : i32
    %sign3A_402 = arith.cmpi slt, %max3A_395, %sign3A_401 : i32
    %sign3A_403 = arith.extui %sign3A_402 : i1 to i32
    %sign3A_404 = arith.subi %sign3A_400, %sign3A_403 : i32
    %sign3A_405 = arith.constant 0 : i32
    %sign3A_406 = arith.cmpi sgt, %jit3A_396, %sign3A_405 : i32
    %sign3A_407 = arith.extui %sign3A_406 : i1 to i32
    %sign3A_408 = arith.constant 0 : i32
    %sign3A_409 = arith.cmpi slt, %jit3A_396, %sign3A_408 : i32
    %sign3A_410 = arith.extui %sign3A_409 : i1 to i32
    %sign3A_411 = arith.subi %sign3A_407, %sign3A_410 : i32
    %ne3A_412 = arith.cmpi ne, %sign3A_404, %sign3A_411 : i32
    %rem3A_413 = arith.remsi %max3A_395, %jit3A_396 : i32
    %ne3A_414 = arith.constant 0 : i32
    %ne3A_415 = arith.cmpi ne, %rem3A_413, %ne3A_414 : i32
    %and3A_416 = arith.andi %ne3A_412, %ne3A_415 : i1
    %sub3A_417 = arith.constant 1 : i32
    %sub3A_418 = arith.subi %div3A_397, %sub3A_417 : i32
    %select_n3A_419 = arith.select %and3A_416, %sub3A_418, %div3A_397 : i32
    %mul3A_420 = arith.constant 4 : i32
    %mul3A_421 = arith.muli %select_n3A_419, %mul3A_420 : i32
    %add3A_422 = arith.constant 3 : i32
    %add3A_423 = arith.addi %mul3A_421, %add3A_422 : i32
    %gt3A_424 = arith.constant 3 : i32
    %gt3A_425 = arith.cmpi sgt, %select_n3A_236, %gt3A_424 : i32
    %convert_element_type3A_426 = arith.extui %gt3A_425 : i1 to i32
    %cond3A_427 = arith.constant 0 : i32
    %cond3A_428 = arith.cmpi ne, %convert_element_type3A_426, %cond3A_427 : i32
    scf.if %cond3A_428 {
      %add3A_675 = arith.constant 0 : i32
      %add3A_676 = arith.addi %add3A_675, %add3A_423 : i32
      %dma_wait3A = arith.constant 3 : i32
      %dma_wait3A_677 = arith.constant 0 : i32
      %dma_wait3A_678 = arith.constant 0 : i32
      %dma_wait3A_679 = tpu.memref_slice %arg9[%dma_wait3A, %dma_wait3A_677, %dma_wait3A_678] : memref<4x128x32xf32, #tpu.memory_space<vmem>> -> memref<1x128x32xf32, #tpu.memory_space<vmem>>
      %dma_wait3A_680 = tpu.memref_squeeze %dma_wait3A_679 : memref<1x128x32xf32, #tpu.memory_space<vmem>> -> memref<128x32xf32, #tpu.memory_space<vmem>>
      %dma_wait3A_681 = arith.constant 0 : i32
      %dma_wait3A_682 = tpu.memref_slice %arg8[%add3A_676, %dma_wait3A_681] : memref<202x128xi32, #tpu.memory_space<vmem>> -> memref<1x128xi32, #tpu.memory_space<vmem>>
      %dma_wait3A_683 = tpu.memref_squeeze %dma_wait3A_682 : memref<1x128xi32, #tpu.memory_space<vmem>> -> memref<128xi32, #tpu.memory_space<vmem>>
      %dma_wait3A_684 = arith.constant 0 : i32
      %dma_wait3A_685 = arith.constant 0 : i32
      %dma_wait3A_686 = tpu.memref_slice %arg5[%dma_wait3A_684, %dma_wait3A_685] : memref<409600x32xf32, #tpu.memory_space<hbm>> -> memref<409600x32xf32, #tpu.memory_space<hbm>>
      tpu.wait_indirect_dma semaphore(%arg17 : memref<!tpu.dma_semaphore, #tpu.memory_space<semaphore_mem>>) src(%dma_wait3A_680 : memref<128x32xf32, #tpu.memory_space<vmem>>) dst(%dma_wait3A_686 : memref<409600x32xf32, #tpu.memory_space<hbm>>)
    } else {
    }
    %jit3A_429 = arith.constant 128 : i32
    %div3A_430 = arith.divsi %mul3A_78, %jit3A_429 : i32
    %sign3A_431 = arith.constant 0 : i32
    %sign3A_432 = arith.cmpi sgt, %mul3A_78, %sign3A_431 : i32
    %sign3A_433 = arith.extui %sign3A_432 : i1 to i32
    %sign3A_434 = arith.constant 0 : i32
    %sign3A_435 = arith.cmpi slt, %mul3A_78, %sign3A_434 : i32
    %sign3A_436 = arith.extui %sign3A_435 : i1 to i32
    %sign3A_437 = arith.subi %sign3A_433, %sign3A_436 : i32
    %sign3A_438 = arith.constant 0 : i32
    %sign3A_439 = arith.cmpi sgt, %jit3A_429, %sign3A_438 : i32
    %sign3A_440 = arith.extui %sign3A_439 : i1 to i32
    %sign3A_441 = arith.constant 0 : i32
    %sign3A_442 = arith.cmpi slt, %jit3A_429, %sign3A_441 : i32
    %sign3A_443 = arith.extui %sign3A_442 : i1 to i32
    %sign3A_444 = arith.subi %sign3A_440, %sign3A_443 : i32
    %ne3A_445 = arith.cmpi ne, %sign3A_437, %sign3A_444 : i32
    %rem3A_446 = arith.remsi %mul3A_78, %jit3A_429 : i32
    %ne3A_447 = arith.constant 0 : i32
    %ne3A_448 = arith.cmpi ne, %rem3A_446, %ne3A_447 : i32
    %and3A_449 = arith.andi %ne3A_445, %ne3A_448 : i1
    %sub3A_450 = arith.constant 1 : i32
    %sub3A_451 = arith.subi %div3A_430, %sub3A_450 : i32
    %select_n3A_452 = arith.select %and3A_449, %sub3A_451, %div3A_430 : i32
    %sub3A_453 = arith.constant 202 : i32
    %sub3A_454 = arith.subi %sub3A_453, %select_n3A_452 : i32
    %jit3A_455 = arith.constant 128 : i32
    %div3A_456 = arith.divsi %mul3A_78, %jit3A_455 : i32
    %sign3A_457 = arith.constant 0 : i32
    %sign3A_458 = arith.cmpi sgt, %mul3A_78, %sign3A_457 : i32
    %sign3A_459 = arith.extui %sign3A_458 : i1 to i32
    %sign3A_460 = arith.constant 0 : i32
    %sign3A_461 = arith.cmpi slt, %mul3A_78, %sign3A_460 : i32
    %sign3A_462 = arith.extui %sign3A_461 : i1 to i32
    %sign3A_463 = arith.subi %sign3A_459, %sign3A_462 : i32
    %sign3A_464 = arith.constant 0 : i32
    %sign3A_465 = arith.cmpi sgt, %jit3A_455, %sign3A_464 : i32
    %sign3A_466 = arith.extui %sign3A_465 : i1 to i32
    %sign3A_467 = arith.constant 0 : i32
    %sign3A_468 = arith.cmpi slt, %jit3A_455, %sign3A_467 : i32
    %sign3A_469 = arith.extui %sign3A_468 : i1 to i32
    %sign3A_470 = arith.subi %sign3A_466, %sign3A_469 : i32
    %ne3A_471 = arith.cmpi ne, %sign3A_463, %sign3A_470 : i32
    %rem3A_472 = arith.remsi %mul3A_78, %jit3A_455 : i32
    %ne3A_473 = arith.constant 0 : i32
    %ne3A_474 = arith.cmpi ne, %rem3A_472, %ne3A_473 : i32
    %and3A_475 = arith.andi %ne3A_471, %ne3A_474 : i1
    %sub3A_476 = arith.constant 1 : i32
    %sub3A_477 = arith.subi %div3A_456, %sub3A_476 : i32
    %select_n3A_478 = arith.select %and3A_475, %sub3A_477, %div3A_456 : i32
    %add3A_479 = arith.constant 4 : i32
    %add3A_480 = arith.addi %select_n3A_478, %add3A_479 : i32
    %sub3A_481 = arith.constant 1 : i32
    %sub3A_482 = arith.subi %add3A_480, %sub3A_481 : i32
    %jit3A_483 = arith.constant 4 : i32
    %div3A_484 = arith.divsi %sub3A_482, %jit3A_483 : i32
    %sign3A_485 = arith.constant 0 : i32
    %sign3A_486 = arith.cmpi sgt, %sub3A_482, %sign3A_485 : i32
    %sign3A_487 = arith.extui %sign3A_486 : i1 to i32
    %sign3A_488 = arith.constant 0 : i32
    %sign3A_489 = arith.cmpi slt, %sub3A_482, %sign3A_488 : i32
    %sign3A_490 = arith.extui %sign3A_489 : i1 to i32
    %sign3A_491 = arith.subi %sign3A_487, %sign3A_490 : i32
    %sign3A_492 = arith.constant 0 : i32
    %sign3A_493 = arith.cmpi sgt, %jit3A_483, %sign3A_492 : i32
    %sign3A_494 = arith.extui %sign3A_493 : i1 to i32
    %sign3A_495 = arith.constant 0 : i32
    %sign3A_496 = arith.cmpi slt, %jit3A_483, %sign3A_495 : i32
    %sign3A_497 = arith.extui %sign3A_496 : i1 to i32
    %sign3A_498 = arith.subi %sign3A_494, %sign3A_497 : i32
    %ne3A_499 = arith.cmpi ne, %sign3A_491, %sign3A_498 : i32
    %rem3A_500 = arith.remsi %sub3A_482, %jit3A_483 : i32
    %ne3A_501 = arith.constant 0 : i32
    %ne3A_502 = arith.cmpi ne, %rem3A_500, %ne3A_501 : i32
    %and3A_503 = arith.andi %ne3A_499, %ne3A_502 : i1
    %sub3A_504 = arith.constant 1 : i32
    %sub3A_505 = arith.subi %div3A_484, %sub3A_504 : i32
    %select_n3A_506 = arith.select %and3A_503, %sub3A_505, %div3A_484 : i32
    %while3A_507 = arith.constant 0 : i32
    %while3A_508 = arith.constant 0 : i32
    %while3A_509 = arith.subi %select_n3A_506, %while3A_507 : i32
    %while3A_510 = arith.addi %while3A_507, %while3A_509 : i32
    %while3A_511 = arith.constant 1 : i32
    %while3A_512 = arith.divsi %while3A_509, %while3A_511 : i32
    %while3A_513 = arith.muli %while3A_512, %while3A_511 : i32
    %while3A_514 = arith.addi %while3A_507, %while3A_513 : i32
    %while3A_515 = arith.constant 1 : i32
    %while3A_516 = scf.for %while3A_675 = %while3A_507 to %while3A_514 step %while3A_515 iter_args(%while3A_676 = %while3A_508) -> (i32)  : i32 {
      %mul3A_677 = arith.constant 4 : i32
      %mul3A_678 = arith.muli %while3A_675, %mul3A_677 : i32
      %add3A_679 = arith.constant 0 : i32
      %add3A_680 = arith.addi %mul3A_678, %add3A_679 : i32
      %add3A_681 = arith.addi %sub3A_454, %add3A_680 : i32
      %lt3A = arith.cmpi slt, %add3A_680, %select_n3A_478 : i32
      %gt3A_682 = arith.constant 0 : i32
      %gt3A_683 = arith.cmpi sgt, %while3A_675, %gt3A_682 : i32
      %and3A_684 = arith.andi %lt3A, %gt3A_683 : i1
      %convert_element_type3A_685 = arith.extui %and3A_684 : i1 to i32
      %cond3A_686 = arith.constant 0 : i32
      %cond3A_687 = arith.cmpi ne, %convert_element_type3A_685, %cond3A_686 : i32
      scf.if %cond3A_687 {
        %sub3A_777 = arith.constant 4 : i32
        %sub3A_778 = arith.subi %add3A_681, %sub3A_777 : i32
        %dma_wait3A = arith.constant 0 : i32
        %dma_wait3A_779 = arith.constant 0 : i32
        %dma_wait3A_780 = arith.constant 0 : i32
        %dma_wait3A_781 = tpu.memref_slice %arg9[%dma_wait3A, %dma_wait3A_779, %dma_wait3A_780] : memref<4x128x32xf32, #tpu.memory_space<vmem>> -> memref<1x128x32xf32, #tpu.memory_space<vmem>>
        %dma_wait3A_782 = tpu.memref_squeeze %dma_wait3A_781 : memref<1x128x32xf32, #tpu.memory_space<vmem>> -> memref<128x32xf32, #tpu.memory_space<vmem>>
        %dma_wait3A_783 = arith.constant 0 : i32
        %dma_wait3A_784 = tpu.memref_slice %arg8[%sub3A_778, %dma_wait3A_783] : memref<202x128xi32, #tpu.memory_space<vmem>> -> memref<1x128xi32, #tpu.memory_space<vmem>>
        %dma_wait3A_785 = tpu.memref_squeeze %dma_wait3A_784 : memref<1x128xi32, #tpu.memory_space<vmem>> -> memref<128xi32, #tpu.memory_space<vmem>>
        %dma_wait3A_786 = arith.constant 0 : i32
        %dma_wait3A_787 = arith.constant 0 : i32
        %dma_wait3A_788 = tpu.memref_slice %arg5[%dma_wait3A_786, %dma_wait3A_787] : memref<409600x32xf32, #tpu.memory_space<hbm>> -> memref<409600x32xf32, #tpu.memory_space<hbm>>
        tpu.wait_indirect_dma semaphore(%arg14 : memref<!tpu.dma_semaphore, #tpu.memory_space<semaphore_mem>>) src(%dma_wait3A_782 : memref<128x32xf32, #tpu.memory_space<vmem>>) dst(%dma_wait3A_788 : memref<409600x32xf32, #tpu.memory_space<hbm>>)
      } else {
      }
      %lt3A_688 = arith.cmpi slt, %add3A_680, %select_n3A_478 : i32
      %convert_element_type3A_689 = arith.extui %lt3A_688 : i1 to i32
      %cond3A_690 = arith.constant 0 : i32
      %cond3A_691 = arith.cmpi ne, %convert_element_type3A_689, %cond3A_690 : i32
      scf.if %cond3A_691 {
        %dma_start3A = arith.constant 0 : i32
        %dma_start3A_777 = arith.constant 0 : i32
        %dma_start3A_778 = arith.constant 0 : i32
        %dma_start3A_779 = tpu.memref_slice %arg9[%dma_start3A, %dma_start3A_777, %dma_start3A_778] : memref<4x128x32xf32, #tpu.memory_space<vmem>> -> memref<1x128x32xf32, #tpu.memory_space<vmem>>
        %dma_start3A_780 = tpu.memref_squeeze %dma_start3A_779 : memref<1x128x32xf32, #tpu.memory_space<vmem>> -> memref<128x32xf32, #tpu.memory_space<vmem>>
        %dma_start3A_781 = arith.constant 0 : i32
        %dma_start3A_782 = tpu.memref_slice %arg7[%add3A_681, %dma_start3A_781] : memref<202x128xi32, #tpu.memory_space<vmem>> -> memref<1x128xi32, #tpu.memory_space<vmem>>
        %dma_start3A_783 = tpu.memref_squeeze %dma_start3A_782 : memref<1x128xi32, #tpu.memory_space<vmem>> -> memref<128xi32, #tpu.memory_space<vmem>>
        %dma_start3A_784 = arith.constant 0 : i32
        %dma_start3A_785 = arith.constant 0 : i32
        %dma_start3A_786 = tpu.memref_slice %arg4[%dma_start3A_784, %dma_start3A_785] : memref<500000x32xf32, #tpu.memory_space<hbm>> -> memref<500000x32xf32, #tpu.memory_space<hbm>>
        tpu.enqueue_indirect_dma source(%dma_start3A_786 : memref<500000x32xf32, #tpu.memory_space<hbm>>) target(%dma_start3A_780 : memref<128x32xf32, #tpu.memory_space<vmem>>) offsets(%dma_start3A_783 : memref<128xi32, #tpu.memory_space<vmem>>) semaphore(%arg10 : memref<!tpu.dma_semaphore, #tpu.memory_space<semaphore_mem>>)
      } else {
      }
      %mul3A_692 = arith.constant 4 : i32
      %mul3A_693 = arith.muli %while3A_675, %mul3A_692 : i32
      %add3A_694 = arith.constant 1 : i32
      %add3A_695 = arith.addi %mul3A_693, %add3A_694 : i32
      %add3A_696 = arith.addi %sub3A_454, %add3A_695 : i32
      %lt3A_697 = arith.cmpi slt, %add3A_695, %select_n3A_478 : i32
      %gt3A_698 = arith.constant 0 : i32
      %gt3A_699 = arith.cmpi sgt, %while3A_675, %gt3A_698 : i32
      %and3A_700 = arith.andi %lt3A_697, %gt3A_699 : i1
      %convert_element_type3A_701 = arith.extui %and3A_700 : i1 to i32
      %cond3A_702 = arith.constant 0 : i32
      %cond3A_703 = arith.cmpi ne, %convert_element_type3A_701, %cond3A_702 : i32
      scf.if %cond3A_703 {
        %sub3A_777 = arith.constant 4 : i32
        %sub3A_778 = arith.subi %add3A_696, %sub3A_777 : i32
        %dma_wait3A = arith.constant 1 : i32
        %dma_wait3A_779 = arith.constant 0 : i32
        %dma_wait3A_780 = arith.constant 0 : i32
        %dma_wait3A_781 = tpu.memref_slice %arg9[%dma_wait3A, %dma_wait3A_779, %dma_wait3A_780] : memref<4x128x32xf32, #tpu.memory_space<vmem>> -> memref<1x128x32xf32, #tpu.memory_space<vmem>>
        %dma_wait3A_782 = tpu.memref_squeeze %dma_wait3A_781 : memref<1x128x32xf32, #tpu.memory_space<vmem>> -> memref<128x32xf32, #tpu.memory_space<vmem>>
        %dma_wait3A_783 = arith.constant 0 : i32
        %dma_wait3A_784 = tpu.memref_slice %arg8[%sub3A_778, %dma_wait3A_783] : memref<202x128xi32, #tpu.memory_space<vmem>> -> memref<1x128xi32, #tpu.memory_space<vmem>>
        %dma_wait3A_785 = tpu.memref_squeeze %dma_wait3A_784 : memref<1x128xi32, #tpu.memory_space<vmem>> -> memref<128xi32, #tpu.memory_space<vmem>>
        %dma_wait3A_786 = arith.constant 0 : i32
        %dma_wait3A_787 = arith.constant 0 : i32
        %dma_wait3A_788 = tpu.memref_slice %arg5[%dma_wait3A_786, %dma_wait3A_787] : memref<409600x32xf32, #tpu.memory_space<hbm>> -> memref<409600x32xf32, #tpu.memory_space<hbm>>
        tpu.wait_indirect_dma semaphore(%arg15 : memref<!tpu.dma_semaphore, #tpu.memory_space<semaphore_mem>>) src(%dma_wait3A_782 : memref<128x32xf32, #tpu.memory_space<vmem>>) dst(%dma_wait3A_788 : memref<409600x32xf32, #tpu.memory_space<hbm>>)
      } else {
      }
      %lt3A_704 = arith.cmpi slt, %add3A_695, %select_n3A_478 : i32
      %convert_element_type3A_705 = arith.extui %lt3A_704 : i1 to i32
      %cond3A_706 = arith.constant 0 : i32
      %cond3A_707 = arith.cmpi ne, %convert_element_type3A_705, %cond3A_706 : i32
      scf.if %cond3A_707 {
        %dma_start3A = arith.constant 1 : i32
        %dma_start3A_777 = arith.constant 0 : i32
        %dma_start3A_778 = arith.constant 0 : i32
        %dma_start3A_779 = tpu.memref_slice %arg9[%dma_start3A, %dma_start3A_777, %dma_start3A_778] : memref<4x128x32xf32, #tpu.memory_space<vmem>> -> memref<1x128x32xf32, #tpu.memory_space<vmem>>
        %dma_start3A_780 = tpu.memref_squeeze %dma_start3A_779 : memref<1x128x32xf32, #tpu.memory_space<vmem>> -> memref<128x32xf32, #tpu.memory_space<vmem>>
        %dma_start3A_781 = arith.constant 0 : i32
        %dma_start3A_782 = tpu.memref_slice %arg7[%add3A_696, %dma_start3A_781] : memref<202x128xi32, #tpu.memory_space<vmem>> -> memref<1x128xi32, #tpu.memory_space<vmem>>
        %dma_start3A_783 = tpu.memref_squeeze %dma_start3A_782 : memref<1x128xi32, #tpu.memory_space<vmem>> -> memref<128xi32, #tpu.memory_space<vmem>>
        %dma_start3A_784 = arith.constant 0 : i32
        %dma_start3A_785 = arith.constant 0 : i32
        %dma_start3A_786 = tpu.memref_slice %arg4[%dma_start3A_784, %dma_start3A_785] : memref<500000x32xf32, #tpu.memory_space<hbm>> -> memref<500000x32xf32, #tpu.memory_space<hbm>>
        tpu.enqueue_indirect_dma source(%dma_start3A_786 : memref<500000x32xf32, #tpu.memory_space<hbm>>) target(%dma_start3A_780 : memref<128x32xf32, #tpu.memory_space<vmem>>) offsets(%dma_start3A_783 : memref<128xi32, #tpu.memory_space<vmem>>) semaphore(%arg11 : memref<!tpu.dma_semaphore, #tpu.memory_space<semaphore_mem>>)
      } else {
      }
      %mul3A_708 = arith.constant 4 : i32
      %mul3A_709 = arith.muli %while3A_675, %mul3A_708 : i32
      %add3A_710 = arith.constant 2 : i32
      %add3A_711 = arith.addi %mul3A_709, %add3A_710 : i32
      %add3A_712 = arith.addi %sub3A_454, %add3A_711 : i32
      %lt3A_713 = arith.cmpi slt, %add3A_711, %select_n3A_478 : i32
      %gt3A_714 = arith.constant 0 : i32
      %gt3A_715 = arith.cmpi sgt, %while3A_675, %gt3A_714 : i32
      %and3A_716 = arith.andi %lt3A_713, %gt3A_715 : i1
      %convert_element_type3A_717 = arith.extui %and3A_716 : i1 to i32
      %cond3A_718 = arith.constant 0 : i32
      %cond3A_719 = arith.cmpi ne, %convert_element_type3A_717, %cond3A_718 : i32
      scf.if %cond3A_719 {
        %sub3A_777 = arith.constant 4 : i32
        %sub3A_778 = arith.subi %add3A_712, %sub3A_777 : i32
        %dma_wait3A = arith.constant 2 : i32
        %dma_wait3A_779 = arith.constant 0 : i32
        %dma_wait3A_780 = arith.constant 0 : i32
        %dma_wait3A_781 = tpu.memref_slice %arg9[%dma_wait3A, %dma_wait3A_779, %dma_wait3A_780] : memref<4x128x32xf32, #tpu.memory_space<vmem>> -> memref<1x128x32xf32, #tpu.memory_space<vmem>>
        %dma_wait3A_782 = tpu.memref_squeeze %dma_wait3A_781 : memref<1x128x32xf32, #tpu.memory_space<vmem>> -> memref<128x32xf32, #tpu.memory_space<vmem>>
        %dma_wait3A_783 = arith.constant 0 : i32
        %dma_wait3A_784 = tpu.memref_slice %arg8[%sub3A_778, %dma_wait3A_783] : memref<202x128xi32, #tpu.memory_space<vmem>> -> memref<1x128xi32, #tpu.memory_space<vmem>>
        %dma_wait3A_785 = tpu.memref_squeeze %dma_wait3A_784 : memref<1x128xi32, #tpu.memory_space<vmem>> -> memref<128xi32, #tpu.memory_space<vmem>>
        %dma_wait3A_786 = arith.constant 0 : i32
        %dma_wait3A_787 = arith.constant 0 : i32
        %dma_wait3A_788 = tpu.memref_slice %arg5[%dma_wait3A_786, %dma_wait3A_787] : memref<409600x32xf32, #tpu.memory_space<hbm>> -> memref<409600x32xf32, #tpu.memory_space<hbm>>
        tpu.wait_indirect_dma semaphore(%arg16 : memref<!tpu.dma_semaphore, #tpu.memory_space<semaphore_mem>>) src(%dma_wait3A_782 : memref<128x32xf32, #tpu.memory_space<vmem>>) dst(%dma_wait3A_788 : memref<409600x32xf32, #tpu.memory_space<hbm>>)
      } else {
      }
      %lt3A_720 = arith.cmpi slt, %add3A_711, %select_n3A_478 : i32
      %convert_element_type3A_721 = arith.extui %lt3A_720 : i1 to i32
      %cond3A_722 = arith.constant 0 : i32
      %cond3A_723 = arith.cmpi ne, %convert_element_type3A_721, %cond3A_722 : i32
      scf.if %cond3A_723 {
        %dma_start3A = arith.constant 2 : i32
        %dma_start3A_777 = arith.constant 0 : i32
        %dma_start3A_778 = arith.constant 0 : i32
        %dma_start3A_779 = tpu.memref_slice %arg9[%dma_start3A, %dma_start3A_777, %dma_start3A_778] : memref<4x128x32xf32, #tpu.memory_space<vmem>> -> memref<1x128x32xf32, #tpu.memory_space<vmem>>
        %dma_start3A_780 = tpu.memref_squeeze %dma_start3A_779 : memref<1x128x32xf32, #tpu.memory_space<vmem>> -> memref<128x32xf32, #tpu.memory_space<vmem>>
        %dma_start3A_781 = arith.constant 0 : i32
        %dma_start3A_782 = tpu.memref_slice %arg7[%add3A_712, %dma_start3A_781] : memref<202x128xi32, #tpu.memory_space<vmem>> -> memref<1x128xi32, #tpu.memory_space<vmem>>
        %dma_start3A_783 = tpu.memref_squeeze %dma_start3A_782 : memref<1x128xi32, #tpu.memory_space<vmem>> -> memref<128xi32, #tpu.memory_space<vmem>>
        %dma_start3A_784 = arith.constant 0 : i32
        %dma_start3A_785 = arith.constant 0 : i32
        %dma_start3A_786 = tpu.memref_slice %arg4[%dma_start3A_784, %dma_start3A_785] : memref<500000x32xf32, #tpu.memory_space<hbm>> -> memref<500000x32xf32, #tpu.memory_space<hbm>>
        tpu.enqueue_indirect_dma source(%dma_start3A_786 : memref<500000x32xf32, #tpu.memory_space<hbm>>) target(%dma_start3A_780 : memref<128x32xf32, #tpu.memory_space<vmem>>) offsets(%dma_start3A_783 : memref<128xi32, #tpu.memory_space<vmem>>) semaphore(%arg12 : memref<!tpu.dma_semaphore, #tpu.memory_space<semaphore_mem>>)
      } else {
      }
      %mul3A_724 = arith.constant 4 : i32
      %mul3A_725 = arith.muli %while3A_675, %mul3A_724 : i32
      %add3A_726 = arith.constant 3 : i32
      %add3A_727 = arith.addi %mul3A_725, %add3A_726 : i32
      %add3A_728 = arith.addi %sub3A_454, %add3A_727 : i32
      %lt3A_729 = arith.cmpi slt, %add3A_727, %select_n3A_478 : i32
      %gt3A_730 = arith.constant 0 : i32
      %gt3A_731 = arith.cmpi sgt, %while3A_675, %gt3A_730 : i32
      %and3A_732 = arith.andi %lt3A_729, %gt3A_731 : i1
      %convert_element_type3A_733 = arith.extui %and3A_732 : i1 to i32
      %cond3A_734 = arith.constant 0 : i32
      %cond3A_735 = arith.cmpi ne, %convert_element_type3A_733, %cond3A_734 : i32
      scf.if %cond3A_735 {
        %sub3A_777 = arith.constant 4 : i32
        %sub3A_778 = arith.subi %add3A_728, %sub3A_777 : i32
        %dma_wait3A = arith.constant 3 : i32
        %dma_wait3A_779 = arith.constant 0 : i32
        %dma_wait3A_780 = arith.constant 0 : i32
        %dma_wait3A_781 = tpu.memref_slice %arg9[%dma_wait3A, %dma_wait3A_779, %dma_wait3A_780] : memref<4x128x32xf32, #tpu.memory_space<vmem>> -> memref<1x128x32xf32, #tpu.memory_space<vmem>>
        %dma_wait3A_782 = tpu.memref_squeeze %dma_wait3A_781 : memref<1x128x32xf32, #tpu.memory_space<vmem>> -> memref<128x32xf32, #tpu.memory_space<vmem>>
        %dma_wait3A_783 = arith.constant 0 : i32
        %dma_wait3A_784 = tpu.memref_slice %arg8[%sub3A_778, %dma_wait3A_783] : memref<202x128xi32, #tpu.memory_space<vmem>> -> memref<1x128xi32, #tpu.memory_space<vmem>>
        %dma_wait3A_785 = tpu.memref_squeeze %dma_wait3A_784 : memref<1x128xi32, #tpu.memory_space<vmem>> -> memref<128xi32, #tpu.memory_space<vmem>>
        %dma_wait3A_786 = arith.constant 0 : i32
        %dma_wait3A_787 = arith.constant 0 : i32
        %dma_wait3A_788 = tpu.memref_slice %arg5[%dma_wait3A_786, %dma_wait3A_787] : memref<409600x32xf32, #tpu.memory_space<hbm>> -> memref<409600x32xf32, #tpu.memory_space<hbm>>
        tpu.wait_indirect_dma semaphore(%arg17 : memref<!tpu.dma_semaphore, #tpu.memory_space<semaphore_mem>>) src(%dma_wait3A_782 : memref<128x32xf32, #tpu.memory_space<vmem>>) dst(%dma_wait3A_788 : memref<409600x32xf32, #tpu.memory_space<hbm>>)
      } else {
      }
      %lt3A_736 = arith.cmpi slt, %add3A_727, %select_n3A_478 : i32
      %convert_element_type3A_737 = arith.extui %lt3A_736 : i1 to i32
      %cond3A_738 = arith.constant 0 : i32
      %cond3A_739 = arith.cmpi ne, %convert_element_type3A_737, %cond3A_738 : i32
      scf.if %cond3A_739 {
        %dma_start3A = arith.constant 3 : i32
        %dma_start3A_777 = arith.constant 0 : i32
        %dma_start3A_778 = arith.constant 0 : i32
        %dma_start3A_779 = tpu.memref_slice %arg9[%dma_start3A, %dma_start3A_777, %dma_start3A_778] : memref<4x128x32xf32, #tpu.memory_space<vmem>> -> memref<1x128x32xf32, #tpu.memory_space<vmem>>
        %dma_start3A_780 = tpu.memref_squeeze %dma_start3A_779 : memref<1x128x32xf32, #tpu.memory_space<vmem>> -> memref<128x32xf32, #tpu.memory_space<vmem>>
        %dma_start3A_781 = arith.constant 0 : i32
        %dma_start3A_782 = tpu.memref_slice %arg7[%add3A_728, %dma_start3A_781] : memref<202x128xi32, #tpu.memory_space<vmem>> -> memref<1x128xi32, #tpu.memory_space<vmem>>
        %dma_start3A_783 = tpu.memref_squeeze %dma_start3A_782 : memref<1x128xi32, #tpu.memory_space<vmem>> -> memref<128xi32, #tpu.memory_space<vmem>>
        %dma_start3A_784 = arith.constant 0 : i32
        %dma_start3A_785 = arith.constant 0 : i32
        %dma_start3A_786 = tpu.memref_slice %arg4[%dma_start3A_784, %dma_start3A_785] : memref<500000x32xf32, #tpu.memory_space<hbm>> -> memref<500000x32xf32, #tpu.memory_space<hbm>>
        tpu.enqueue_indirect_dma source(%dma_start3A_786 : memref<500000x32xf32, #tpu.memory_space<hbm>>) target(%dma_start3A_780 : memref<128x32xf32, #tpu.memory_space<vmem>>) offsets(%dma_start3A_783 : memref<128xi32, #tpu.memory_space<vmem>>) semaphore(%arg13 : memref<!tpu.dma_semaphore, #tpu.memory_space<semaphore_mem>>)
      } else {
      }
      %mul3A_740 = arith.constant 4 : i32
      %mul3A_741 = arith.muli %while3A_675, %mul3A_740 : i32
      %add3A_742 = arith.constant 0 : i32
      %add3A_743 = arith.addi %mul3A_741, %add3A_742 : i32
      %add3A_744 = arith.addi %sub3A_454, %add3A_743 : i32
      %lt3A_745 = arith.cmpi slt, %add3A_743, %select_n3A_478 : i32
      %convert_element_type3A_746 = arith.extui %lt3A_745 : i1 to i32
      %cond3A_747 = arith.constant 0 : i32
      %cond3A_748 = arith.cmpi ne, %convert_element_type3A_746, %cond3A_747 : i32
      scf.if %cond3A_748 {
        %dma_wait3A = arith.constant 0 : i32
        %dma_wait3A_777 = arith.constant 0 : i32
        %dma_wait3A_778 = arith.constant 0 : i32
        %dma_wait3A_779 = tpu.memref_slice %arg9[%dma_wait3A, %dma_wait3A_777, %dma_wait3A_778] : memref<4x128x32xf32, #tpu.memory_space<vmem>> -> memref<1x128x32xf32, #tpu.memory_space<vmem>>
        %dma_wait3A_780 = tpu.memref_squeeze %dma_wait3A_779 : memref<1x128x32xf32, #tpu.memory_space<vmem>> -> memref<128x32xf32, #tpu.memory_space<vmem>>
        %dma_wait3A_781 = arith.constant 0 : i32
        %dma_wait3A_782 = tpu.memref_slice %arg7[%add3A_744, %dma_wait3A_781] : memref<202x128xi32, #tpu.memory_space<vmem>> -> memref<1x128xi32, #tpu.memory_space<vmem>>
        %dma_wait3A_783 = tpu.memref_squeeze %dma_wait3A_782 : memref<1x128xi32, #tpu.memory_space<vmem>> -> memref<128xi32, #tpu.memory_space<vmem>>
        %dma_wait3A_784 = arith.constant 0 : i32
        %dma_wait3A_785 = arith.constant 0 : i32
        %dma_wait3A_786 = tpu.memref_slice %arg4[%dma_wait3A_784, %dma_wait3A_785] : memref<500000x32xf32, #tpu.memory_space<hbm>> -> memref<500000x32xf32, #tpu.memory_space<hbm>>
        tpu.wait_indirect_dma semaphore(%arg10 : memref<!tpu.dma_semaphore, #tpu.memory_space<semaphore_mem>>) src(%dma_wait3A_786 : memref<500000x32xf32, #tpu.memory_space<hbm>>) dst(%dma_wait3A_780 : memref<128x32xf32, #tpu.memory_space<vmem>>)
        %dma_start3A = arith.constant 0 : i32
        %dma_start3A_787 = arith.constant 0 : i32
        %dma_start3A_788 = arith.constant 0 : i32
        %dma_start3A_789 = tpu.memref_slice %arg9[%dma_start3A, %dma_start3A_787, %dma_start3A_788] : memref<4x128x32xf32, #tpu.memory_space<vmem>> -> memref<1x128x32xf32, #tpu.memory_space<vmem>>
        %dma_start3A_790 = tpu.memref_squeeze %dma_start3A_789 : memref<1x128x32xf32, #tpu.memory_space<vmem>> -> memref<128x32xf32, #tpu.memory_space<vmem>>
        %dma_start3A_791 = arith.constant 0 : i32
        %dma_start3A_792 = tpu.memref_slice %arg8[%add3A_744, %dma_start3A_791] : memref<202x128xi32, #tpu.memory_space<vmem>> -> memref<1x128xi32, #tpu.memory_space<vmem>>
        %dma_start3A_793 = tpu.memref_squeeze %dma_start3A_792 : memref<1x128xi32, #tpu.memory_space<vmem>> -> memref<128xi32, #tpu.memory_space<vmem>>
        %dma_start3A_794 = arith.constant 0 : i32
        %dma_start3A_795 = arith.constant 0 : i32
        %dma_start3A_796 = tpu.memref_slice %arg5[%dma_start3A_794, %dma_start3A_795] : memref<409600x32xf32, #tpu.memory_space<hbm>> -> memref<409600x32xf32, #tpu.memory_space<hbm>>
        tpu.enqueue_indirect_dma source(%dma_start3A_790 : memref<128x32xf32, #tpu.memory_space<vmem>>) target(%dma_start3A_796 : memref<409600x32xf32, #tpu.memory_space<hbm>>) offsets(%dma_start3A_793 : memref<128xi32, #tpu.memory_space<vmem>>) semaphore(%arg14 : memref<!tpu.dma_semaphore, #tpu.memory_space<semaphore_mem>>)
      } else {
      }
      %mul3A_749 = arith.constant 4 : i32
      %mul3A_750 = arith.muli %while3A_675, %mul3A_749 : i32
      %add3A_751 = arith.constant 1 : i32
      %add3A_752 = arith.addi %mul3A_750, %add3A_751 : i32
      %add3A_753 = arith.addi %sub3A_454, %add3A_752 : i32
      %lt3A_754 = arith.cmpi slt, %add3A_752, %select_n3A_478 : i32
      %convert_element_type3A_755 = arith.extui %lt3A_754 : i1 to i32
      %cond3A_756 = arith.constant 0 : i32
      %cond3A_757 = arith.cmpi ne, %convert_element_type3A_755, %cond3A_756 : i32
      scf.if %cond3A_757 {
        %dma_wait3A = arith.constant 1 : i32
        %dma_wait3A_777 = arith.constant 0 : i32
        %dma_wait3A_778 = arith.constant 0 : i32
        %dma_wait3A_779 = tpu.memref_slice %arg9[%dma_wait3A, %dma_wait3A_777, %dma_wait3A_778] : memref<4x128x32xf32, #tpu.memory_space<vmem>> -> memref<1x128x32xf32, #tpu.memory_space<vmem>>
        %dma_wait3A_780 = tpu.memref_squeeze %dma_wait3A_779 : memref<1x128x32xf32, #tpu.memory_space<vmem>> -> memref<128x32xf32, #tpu.memory_space<vmem>>
        %dma_wait3A_781 = arith.constant 0 : i32
        %dma_wait3A_782 = tpu.memref_slice %arg7[%add3A_753, %dma_wait3A_781] : memref<202x128xi32, #tpu.memory_space<vmem>> -> memref<1x128xi32, #tpu.memory_space<vmem>>
        %dma_wait3A_783 = tpu.memref_squeeze %dma_wait3A_782 : memref<1x128xi32, #tpu.memory_space<vmem>> -> memref<128xi32, #tpu.memory_space<vmem>>
        %dma_wait3A_784 = arith.constant 0 : i32
        %dma_wait3A_785 = arith.constant 0 : i32
        %dma_wait3A_786 = tpu.memref_slice %arg4[%dma_wait3A_784, %dma_wait3A_785] : memref<500000x32xf32, #tpu.memory_space<hbm>> -> memref<500000x32xf32, #tpu.memory_space<hbm>>
        tpu.wait_indirect_dma semaphore(%arg11 : memref<!tpu.dma_semaphore, #tpu.memory_space<semaphore_mem>>) src(%dma_wait3A_786 : memref<500000x32xf32, #tpu.memory_space<hbm>>) dst(%dma_wait3A_780 : memref<128x32xf32, #tpu.memory_space<vmem>>)
        %dma_start3A = arith.constant 1 : i32
        %dma_start3A_787 = arith.constant 0 : i32
        %dma_start3A_788 = arith.constant 0 : i32
        %dma_start3A_789 = tpu.memref_slice %arg9[%dma_start3A, %dma_start3A_787, %dma_start3A_788] : memref<4x128x32xf32, #tpu.memory_space<vmem>> -> memref<1x128x32xf32, #tpu.memory_space<vmem>>
        %dma_start3A_790 = tpu.memref_squeeze %dma_start3A_789 : memref<1x128x32xf32, #tpu.memory_space<vmem>> -> memref<128x32xf32, #tpu.memory_space<vmem>>
        %dma_start3A_791 = arith.constant 0 : i32
        %dma_start3A_792 = tpu.memref_slice %arg8[%add3A_753, %dma_start3A_791] : memref<202x128xi32, #tpu.memory_space<vmem>> -> memref<1x128xi32, #tpu.memory_space<vmem>>
        %dma_start3A_793 = tpu.memref_squeeze %dma_start3A_792 : memref<1x128xi32, #tpu.memory_space<vmem>> -> memref<128xi32, #tpu.memory_space<vmem>>
        %dma_start3A_794 = arith.constant 0 : i32
        %dma_start3A_795 = arith.constant 0 : i32
        %dma_start3A_796 = tpu.memref_slice %arg5[%dma_start3A_794, %dma_start3A_795] : memref<409600x32xf32, #tpu.memory_space<hbm>> -> memref<409600x32xf32, #tpu.memory_space<hbm>>
        tpu.enqueue_indirect_dma source(%dma_start3A_790 : memref<128x32xf32, #tpu.memory_space<vmem>>) target(%dma_start3A_796 : memref<409600x32xf32, #tpu.memory_space<hbm>>) offsets(%dma_start3A_793 : memref<128xi32, #tpu.memory_space<vmem>>) semaphore(%arg15 : memref<!tpu.dma_semaphore, #tpu.memory_space<semaphore_mem>>)
      } else {
      }
      %mul3A_758 = arith.constant 4 : i32
      %mul3A_759 = arith.muli %while3A_675, %mul3A_758 : i32
      %add3A_760 = arith.constant 2 : i32
      %add3A_761 = arith.addi %mul3A_759, %add3A_760 : i32
      %add3A_762 = arith.addi %sub3A_454, %add3A_761 : i32
      %lt3A_763 = arith.cmpi slt, %add3A_761, %select_n3A_478 : i32
      %convert_element_type3A_764 = arith.extui %lt3A_763 : i1 to i32
      %cond3A_765 = arith.constant 0 : i32
      %cond3A_766 = arith.cmpi ne, %convert_element_type3A_764, %cond3A_765 : i32
      scf.if %cond3A_766 {
        %dma_wait3A = arith.constant 2 : i32
        %dma_wait3A_777 = arith.constant 0 : i32
        %dma_wait3A_778 = arith.constant 0 : i32
        %dma_wait3A_779 = tpu.memref_slice %arg9[%dma_wait3A, %dma_wait3A_777, %dma_wait3A_778] : memref<4x128x32xf32, #tpu.memory_space<vmem>> -> memref<1x128x32xf32, #tpu.memory_space<vmem>>
        %dma_wait3A_780 = tpu.memref_squeeze %dma_wait3A_779 : memref<1x128x32xf32, #tpu.memory_space<vmem>> -> memref<128x32xf32, #tpu.memory_space<vmem>>
        %dma_wait3A_781 = arith.constant 0 : i32
        %dma_wait3A_782 = tpu.memref_slice %arg7[%add3A_762, %dma_wait3A_781] : memref<202x128xi32, #tpu.memory_space<vmem>> -> memref<1x128xi32, #tpu.memory_space<vmem>>
        %dma_wait3A_783 = tpu.memref_squeeze %dma_wait3A_782 : memref<1x128xi32, #tpu.memory_space<vmem>> -> memref<128xi32, #tpu.memory_space<vmem>>
        %dma_wait3A_784 = arith.constant 0 : i32
        %dma_wait3A_785 = arith.constant 0 : i32
        %dma_wait3A_786 = tpu.memref_slice %arg4[%dma_wait3A_784, %dma_wait3A_785] : memref<500000x32xf32, #tpu.memory_space<hbm>> -> memref<500000x32xf32, #tpu.memory_space<hbm>>
        tpu.wait_indirect_dma semaphore(%arg12 : memref<!tpu.dma_semaphore, #tpu.memory_space<semaphore_mem>>) src(%dma_wait3A_786 : memref<500000x32xf32, #tpu.memory_space<hbm>>) dst(%dma_wait3A_780 : memref<128x32xf32, #tpu.memory_space<vmem>>)
        %dma_start3A = arith.constant 2 : i32
        %dma_start3A_787 = arith.constant 0 : i32
        %dma_start3A_788 = arith.constant 0 : i32
        %dma_start3A_789 = tpu.memref_slice %arg9[%dma_start3A, %dma_start3A_787, %dma_start3A_788] : memref<4x128x32xf32, #tpu.memory_space<vmem>> -> memref<1x128x32xf32, #tpu.memory_space<vmem>>
        %dma_start3A_790 = tpu.memref_squeeze %dma_start3A_789 : memref<1x128x32xf32, #tpu.memory_space<vmem>> -> memref<128x32xf32, #tpu.memory_space<vmem>>
        %dma_start3A_791 = arith.constant 0 : i32
        %dma_start3A_792 = tpu.memref_slice %arg8[%add3A_762, %dma_start3A_791] : memref<202x128xi32, #tpu.memory_space<vmem>> -> memref<1x128xi32, #tpu.memory_space<vmem>>
        %dma_start3A_793 = tpu.memref_squeeze %dma_start3A_792 : memref<1x128xi32, #tpu.memory_space<vmem>> -> memref<128xi32, #tpu.memory_space<vmem>>
        %dma_start3A_794 = arith.constant 0 : i32
        %dma_start3A_795 = arith.constant 0 : i32
        %dma_start3A_796 = tpu.memref_slice %arg5[%dma_start3A_794, %dma_start3A_795] : memref<409600x32xf32, #tpu.memory_space<hbm>> -> memref<409600x32xf32, #tpu.memory_space<hbm>>
        tpu.enqueue_indirect_dma source(%dma_start3A_790 : memref<128x32xf32, #tpu.memory_space<vmem>>) target(%dma_start3A_796 : memref<409600x32xf32, #tpu.memory_space<hbm>>) offsets(%dma_start3A_793 : memref<128xi32, #tpu.memory_space<vmem>>) semaphore(%arg16 : memref<!tpu.dma_semaphore, #tpu.memory_space<semaphore_mem>>)
      } else {
      }
      %mul3A_767 = arith.constant 4 : i32
      %mul3A_768 = arith.muli %while3A_675, %mul3A_767 : i32
      %add3A_769 = arith.constant 3 : i32
      %add3A_770 = arith.addi %mul3A_768, %add3A_769 : i32
      %add3A_771 = arith.addi %sub3A_454, %add3A_770 : i32
      %lt3A_772 = arith.cmpi slt, %add3A_770, %select_n3A_478 : i32
      %convert_element_type3A_773 = arith.extui %lt3A_772 : i1 to i32
      %cond3A_774 = arith.constant 0 : i32
      %cond3A_775 = arith.cmpi ne, %convert_element_type3A_773, %cond3A_774 : i32
      scf.if %cond3A_775 {
        %dma_wait3A = arith.constant 3 : i32
        %dma_wait3A_777 = arith.constant 0 : i32
        %dma_wait3A_778 = arith.constant 0 : i32
        %dma_wait3A_779 = tpu.memref_slice %arg9[%dma_wait3A, %dma_wait3A_777, %dma_wait3A_778] : memref<4x128x32xf32, #tpu.memory_space<vmem>> -> memref<1x128x32xf32, #tpu.memory_space<vmem>>
        %dma_wait3A_780 = tpu.memref_squeeze %dma_wait3A_779 : memref<1x128x32xf32, #tpu.memory_space<vmem>> -> memref<128x32xf32, #tpu.memory_space<vmem>>
        %dma_wait3A_781 = arith.constant 0 : i32
        %dma_wait3A_782 = tpu.memref_slice %arg7[%add3A_771, %dma_wait3A_781] : memref<202x128xi32, #tpu.memory_space<vmem>> -> memref<1x128xi32, #tpu.memory_space<vmem>>
        %dma_wait3A_783 = tpu.memref_squeeze %dma_wait3A_782 : memref<1x128xi32, #tpu.memory_space<vmem>> -> memref<128xi32, #tpu.memory_space<vmem>>
        %dma_wait3A_784 = arith.constant 0 : i32
        %dma_wait3A_785 = arith.constant 0 : i32
        %dma_wait3A_786 = tpu.memref_slice %arg4[%dma_wait3A_784, %dma_wait3A_785] : memref<500000x32xf32, #tpu.memory_space<hbm>> -> memref<500000x32xf32, #tpu.memory_space<hbm>>
        tpu.wait_indirect_dma semaphore(%arg13 : memref<!tpu.dma_semaphore, #tpu.memory_space<semaphore_mem>>) src(%dma_wait3A_786 : memref<500000x32xf32, #tpu.memory_space<hbm>>) dst(%dma_wait3A_780 : memref<128x32xf32, #tpu.memory_space<vmem>>)
        %dma_start3A = arith.constant 3 : i32
        %dma_start3A_787 = arith.constant 0 : i32
        %dma_start3A_788 = arith.constant 0 : i32
        %dma_start3A_789 = tpu.memref_slice %arg9[%dma_start3A, %dma_start3A_787, %dma_start3A_788] : memref<4x128x32xf32, #tpu.memory_space<vmem>> -> memref<1x128x32xf32, #tpu.memory_space<vmem>>
        %dma_start3A_790 = tpu.memref_squeeze %dma_start3A_789 : memref<1x128x32xf32, #tpu.memory_space<vmem>> -> memref<128x32xf32, #tpu.memory_space<vmem>>
        %dma_start3A_791 = arith.constant 0 : i32
        %dma_start3A_792 = tpu.memref_slice %arg8[%add3A_771, %dma_start3A_791] : memref<202x128xi32, #tpu.memory_space<vmem>> -> memref<1x128xi32, #tpu.memory_space<vmem>>
        %dma_start3A_793 = tpu.memref_squeeze %dma_start3A_792 : memref<1x128xi32, #tpu.memory_space<vmem>> -> memref<128xi32, #tpu.memory_space<vmem>>
        %dma_start3A_794 = arith.constant 0 : i32
        %dma_start3A_795 = arith.constant 0 : i32
        %dma_start3A_796 = tpu.memref_slice %arg5[%dma_start3A_794, %dma_start3A_795] : memref<409600x32xf32, #tpu.memory_space<hbm>> -> memref<409600x32xf32, #tpu.memory_space<hbm>>
        tpu.enqueue_indirect_dma source(%dma_start3A_790 : memref<128x32xf32, #tpu.memory_space<vmem>>) target(%dma_start3A_796 : memref<409600x32xf32, #tpu.memory_space<hbm>>) offsets(%dma_start3A_793 : memref<128xi32, #tpu.memory_space<vmem>>) semaphore(%arg17 : memref<!tpu.dma_semaphore, #tpu.memory_space<semaphore_mem>>)
      } else {
      }
      %while3A_776 = arith.constant 0 : i32
      scf.yield %while3A_776 : i32
    }
    %while3A_517 = arith.constant 1 : i32
    %while3A_518 = scf.for %while3A_675 = %while3A_514 to %while3A_510 step %while3A_517 iter_args(%while3A_676 = %while3A_516) -> (i32)  : i32 {
      %mul3A_677 = arith.constant 4 : i32
      %mul3A_678 = arith.muli %while3A_675, %mul3A_677 : i32
      %add3A_679 = arith.constant 0 : i32
      %add3A_680 = arith.addi %mul3A_678, %add3A_679 : i32
      %add3A_681 = arith.addi %sub3A_454, %add3A_680 : i32
      %lt3A = arith.cmpi slt, %add3A_680, %select_n3A_478 : i32
      %gt3A_682 = arith.constant 0 : i32
      %gt3A_683 = arith.cmpi sgt, %while3A_675, %gt3A_682 : i32
      %and3A_684 = arith.andi %lt3A, %gt3A_683 : i1
      %convert_element_type3A_685 = arith.extui %and3A_684 : i1 to i32
      %cond3A_686 = arith.constant 0 : i32
      %cond3A_687 = arith.cmpi ne, %convert_element_type3A_685, %cond3A_686 : i32
      scf.if %cond3A_687 {
        %sub3A_777 = arith.constant 4 : i32
        %sub3A_778 = arith.subi %add3A_681, %sub3A_777 : i32
        %dma_wait3A = arith.constant 0 : i32
        %dma_wait3A_779 = arith.constant 0 : i32
        %dma_wait3A_780 = arith.constant 0 : i32
        %dma_wait3A_781 = tpu.memref_slice %arg9[%dma_wait3A, %dma_wait3A_779, %dma_wait3A_780] : memref<4x128x32xf32, #tpu.memory_space<vmem>> -> memref<1x128x32xf32, #tpu.memory_space<vmem>>
        %dma_wait3A_782 = tpu.memref_squeeze %dma_wait3A_781 : memref<1x128x32xf32, #tpu.memory_space<vmem>> -> memref<128x32xf32, #tpu.memory_space<vmem>>
        %dma_wait3A_783 = arith.constant 0 : i32
        %dma_wait3A_784 = tpu.memref_slice %arg8[%sub3A_778, %dma_wait3A_783] : memref<202x128xi32, #tpu.memory_space<vmem>> -> memref<1x128xi32, #tpu.memory_space<vmem>>
        %dma_wait3A_785 = tpu.memref_squeeze %dma_wait3A_784 : memref<1x128xi32, #tpu.memory_space<vmem>> -> memref<128xi32, #tpu.memory_space<vmem>>
        %dma_wait3A_786 = arith.constant 0 : i32
        %dma_wait3A_787 = arith.constant 0 : i32
        %dma_wait3A_788 = tpu.memref_slice %arg5[%dma_wait3A_786, %dma_wait3A_787] : memref<409600x32xf32, #tpu.memory_space<hbm>> -> memref<409600x32xf32, #tpu.memory_space<hbm>>
        tpu.wait_indirect_dma semaphore(%arg14 : memref<!tpu.dma_semaphore, #tpu.memory_space<semaphore_mem>>) src(%dma_wait3A_782 : memref<128x32xf32, #tpu.memory_space<vmem>>) dst(%dma_wait3A_788 : memref<409600x32xf32, #tpu.memory_space<hbm>>)
      } else {
      }
      %lt3A_688 = arith.cmpi slt, %add3A_680, %select_n3A_478 : i32
      %convert_element_type3A_689 = arith.extui %lt3A_688 : i1 to i32
      %cond3A_690 = arith.constant 0 : i32
      %cond3A_691 = arith.cmpi ne, %convert_element_type3A_689, %cond3A_690 : i32
      scf.if %cond3A_691 {
        %dma_start3A = arith.constant 0 : i32
        %dma_start3A_777 = arith.constant 0 : i32
        %dma_start3A_778 = arith.constant 0 : i32
        %dma_start3A_779 = tpu.memref_slice %arg9[%dma_start3A, %dma_start3A_777, %dma_start3A_778] : memref<4x128x32xf32, #tpu.memory_space<vmem>> -> memref<1x128x32xf32, #tpu.memory_space<vmem>>
        %dma_start3A_780 = tpu.memref_squeeze %dma_start3A_779 : memref<1x128x32xf32, #tpu.memory_space<vmem>> -> memref<128x32xf32, #tpu.memory_space<vmem>>
        %dma_start3A_781 = arith.constant 0 : i32
        %dma_start3A_782 = tpu.memref_slice %arg7[%add3A_681, %dma_start3A_781] : memref<202x128xi32, #tpu.memory_space<vmem>> -> memref<1x128xi32, #tpu.memory_space<vmem>>
        %dma_start3A_783 = tpu.memref_squeeze %dma_start3A_782 : memref<1x128xi32, #tpu.memory_space<vmem>> -> memref<128xi32, #tpu.memory_space<vmem>>
        %dma_start3A_784 = arith.constant 0 : i32
        %dma_start3A_785 = arith.constant 0 : i32
        %dma_start3A_786 = tpu.memref_slice %arg4[%dma_start3A_784, %dma_start3A_785] : memref<500000x32xf32, #tpu.memory_space<hbm>> -> memref<500000x32xf32, #tpu.memory_space<hbm>>
        tpu.enqueue_indirect_dma source(%dma_start3A_786 : memref<500000x32xf32, #tpu.memory_space<hbm>>) target(%dma_start3A_780 : memref<128x32xf32, #tpu.memory_space<vmem>>) offsets(%dma_start3A_783 : memref<128xi32, #tpu.memory_space<vmem>>) semaphore(%arg10 : memref<!tpu.dma_semaphore, #tpu.memory_space<semaphore_mem>>)
      } else {
      }
      %mul3A_692 = arith.constant 4 : i32
      %mul3A_693 = arith.muli %while3A_675, %mul3A_692 : i32
      %add3A_694 = arith.constant 1 : i32
      %add3A_695 = arith.addi %mul3A_693, %add3A_694 : i32
      %add3A_696 = arith.addi %sub3A_454, %add3A_695 : i32
      %lt3A_697 = arith.cmpi slt, %add3A_695, %select_n3A_478 : i32
      %gt3A_698 = arith.constant 0 : i32
      %gt3A_699 = arith.cmpi sgt, %while3A_675, %gt3A_698 : i32
      %and3A_700 = arith.andi %lt3A_697, %gt3A_699 : i1
      %convert_element_type3A_701 = arith.extui %and3A_700 : i1 to i32
      %cond3A_702 = arith.constant 0 : i32
      %cond3A_703 = arith.cmpi ne, %convert_element_type3A_701, %cond3A_702 : i32
      scf.if %cond3A_703 {
        %sub3A_777 = arith.constant 4 : i32
        %sub3A_778 = arith.subi %add3A_696, %sub3A_777 : i32
        %dma_wait3A = arith.constant 1 : i32
        %dma_wait3A_779 = arith.constant 0 : i32
        %dma_wait3A_780 = arith.constant 0 : i32
        %dma_wait3A_781 = tpu.memref_slice %arg9[%dma_wait3A, %dma_wait3A_779, %dma_wait3A_780] : memref<4x128x32xf32, #tpu.memory_space<vmem>> -> memref<1x128x32xf32, #tpu.memory_space<vmem>>
        %dma_wait3A_782 = tpu.memref_squeeze %dma_wait3A_781 : memref<1x128x32xf32, #tpu.memory_space<vmem>> -> memref<128x32xf32, #tpu.memory_space<vmem>>
        %dma_wait3A_783 = arith.constant 0 : i32
        %dma_wait3A_784 = tpu.memref_slice %arg8[%sub3A_778, %dma_wait3A_783] : memref<202x128xi32, #tpu.memory_space<vmem>> -> memref<1x128xi32, #tpu.memory_space<vmem>>
        %dma_wait3A_785 = tpu.memref_squeeze %dma_wait3A_784 : memref<1x128xi32, #tpu.memory_space<vmem>> -> memref<128xi32, #tpu.memory_space<vmem>>
        %dma_wait3A_786 = arith.constant 0 : i32
        %dma_wait3A_787 = arith.constant 0 : i32
        %dma_wait3A_788 = tpu.memref_slice %arg5[%dma_wait3A_786, %dma_wait3A_787] : memref<409600x32xf32, #tpu.memory_space<hbm>> -> memref<409600x32xf32, #tpu.memory_space<hbm>>
        tpu.wait_indirect_dma semaphore(%arg15 : memref<!tpu.dma_semaphore, #tpu.memory_space<semaphore_mem>>) src(%dma_wait3A_782 : memref<128x32xf32, #tpu.memory_space<vmem>>) dst(%dma_wait3A_788 : memref<409600x32xf32, #tpu.memory_space<hbm>>)
      } else {
      }
      %lt3A_704 = arith.cmpi slt, %add3A_695, %select_n3A_478 : i32
      %convert_element_type3A_705 = arith.extui %lt3A_704 : i1 to i32
      %cond3A_706 = arith.constant 0 : i32
      %cond3A_707 = arith.cmpi ne, %convert_element_type3A_705, %cond3A_706 : i32
      scf.if %cond3A_707 {
        %dma_start3A = arith.constant 1 : i32
        %dma_start3A_777 = arith.constant 0 : i32
        %dma_start3A_778 = arith.constant 0 : i32
        %dma_start3A_779 = tpu.memref_slice %arg9[%dma_start3A, %dma_start3A_777, %dma_start3A_778] : memref<4x128x32xf32, #tpu.memory_space<vmem>> -> memref<1x128x32xf32, #tpu.memory_space<vmem>>
        %dma_start3A_780 = tpu.memref_squeeze %dma_start3A_779 : memref<1x128x32xf32, #tpu.memory_space<vmem>> -> memref<128x32xf32, #tpu.memory_space<vmem>>
        %dma_start3A_781 = arith.constant 0 : i32
        %dma_start3A_782 = tpu.memref_slice %arg7[%add3A_696, %dma_start3A_781] : memref<202x128xi32, #tpu.memory_space<vmem>> -> memref<1x128xi32, #tpu.memory_space<vmem>>
        %dma_start3A_783 = tpu.memref_squeeze %dma_start3A_782 : memref<1x128xi32, #tpu.memory_space<vmem>> -> memref<128xi32, #tpu.memory_space<vmem>>
        %dma_start3A_784 = arith.constant 0 : i32
        %dma_start3A_785 = arith.constant 0 : i32
        %dma_start3A_786 = tpu.memref_slice %arg4[%dma_start3A_784, %dma_start3A_785] : memref<500000x32xf32, #tpu.memory_space<hbm>> -> memref<500000x32xf32, #tpu.memory_space<hbm>>
        tpu.enqueue_indirect_dma source(%dma_start3A_786 : memref<500000x32xf32, #tpu.memory_space<hbm>>) target(%dma_start3A_780 : memref<128x32xf32, #tpu.memory_space<vmem>>) offsets(%dma_start3A_783 : memref<128xi32, #tpu.memory_space<vmem>>) semaphore(%arg11 : memref<!tpu.dma_semaphore, #tpu.memory_space<semaphore_mem>>)
      } else {
      }
      %mul3A_708 = arith.constant 4 : i32
      %mul3A_709 = arith.muli %while3A_675, %mul3A_708 : i32
      %add3A_710 = arith.constant 2 : i32
      %add3A_711 = arith.addi %mul3A_709, %add3A_710 : i32
      %add3A_712 = arith.addi %sub3A_454, %add3A_711 : i32
      %lt3A_713 = arith.cmpi slt, %add3A_711, %select_n3A_478 : i32
      %gt3A_714 = arith.constant 0 : i32
      %gt3A_715 = arith.cmpi sgt, %while3A_675, %gt3A_714 : i32
      %and3A_716 = arith.andi %lt3A_713, %gt3A_715 : i1
      %convert_element_type3A_717 = arith.extui %and3A_716 : i1 to i32
      %cond3A_718 = arith.constant 0 : i32
      %cond3A_719 = arith.cmpi ne, %convert_element_type3A_717, %cond3A_718 : i32
      scf.if %cond3A_719 {
        %sub3A_777 = arith.constant 4 : i32
        %sub3A_778 = arith.subi %add3A_712, %sub3A_777 : i32
        %dma_wait3A = arith.constant 2 : i32
        %dma_wait3A_779 = arith.constant 0 : i32
        %dma_wait3A_780 = arith.constant 0 : i32
        %dma_wait3A_781 = tpu.memref_slice %arg9[%dma_wait3A, %dma_wait3A_779, %dma_wait3A_780] : memref<4x128x32xf32, #tpu.memory_space<vmem>> -> memref<1x128x32xf32, #tpu.memory_space<vmem>>
        %dma_wait3A_782 = tpu.memref_squeeze %dma_wait3A_781 : memref<1x128x32xf32, #tpu.memory_space<vmem>> -> memref<128x32xf32, #tpu.memory_space<vmem>>
        %dma_wait3A_783 = arith.constant 0 : i32
        %dma_wait3A_784 = tpu.memref_slice %arg8[%sub3A_778, %dma_wait3A_783] : memref<202x128xi32, #tpu.memory_space<vmem>> -> memref<1x128xi32, #tpu.memory_space<vmem>>
        %dma_wait3A_785 = tpu.memref_squeeze %dma_wait3A_784 : memref<1x128xi32, #tpu.memory_space<vmem>> -> memref<128xi32, #tpu.memory_space<vmem>>
        %dma_wait3A_786 = arith.constant 0 : i32
        %dma_wait3A_787 = arith.constant 0 : i32
        %dma_wait3A_788 = tpu.memref_slice %arg5[%dma_wait3A_786, %dma_wait3A_787] : memref<409600x32xf32, #tpu.memory_space<hbm>> -> memref<409600x32xf32, #tpu.memory_space<hbm>>
        tpu.wait_indirect_dma semaphore(%arg16 : memref<!tpu.dma_semaphore, #tpu.memory_space<semaphore_mem>>) src(%dma_wait3A_782 : memref<128x32xf32, #tpu.memory_space<vmem>>) dst(%dma_wait3A_788 : memref<409600x32xf32, #tpu.memory_space<hbm>>)
      } else {
      }
      %lt3A_720 = arith.cmpi slt, %add3A_711, %select_n3A_478 : i32
      %convert_element_type3A_721 = arith.extui %lt3A_720 : i1 to i32
      %cond3A_722 = arith.constant 0 : i32
      %cond3A_723 = arith.cmpi ne, %convert_element_type3A_721, %cond3A_722 : i32
      scf.if %cond3A_723 {
        %dma_start3A = arith.constant 2 : i32
        %dma_start3A_777 = arith.constant 0 : i32
        %dma_start3A_778 = arith.constant 0 : i32
        %dma_start3A_779 = tpu.memref_slice %arg9[%dma_start3A, %dma_start3A_777, %dma_start3A_778] : memref<4x128x32xf32, #tpu.memory_space<vmem>> -> memref<1x128x32xf32, #tpu.memory_space<vmem>>
        %dma_start3A_780 = tpu.memref_squeeze %dma_start3A_779 : memref<1x128x32xf32, #tpu.memory_space<vmem>> -> memref<128x32xf32, #tpu.memory_space<vmem>>
        %dma_start3A_781 = arith.constant 0 : i32
        %dma_start3A_782 = tpu.memref_slice %arg7[%add3A_712, %dma_start3A_781] : memref<202x128xi32, #tpu.memory_space<vmem>> -> memref<1x128xi32, #tpu.memory_space<vmem>>
        %dma_start3A_783 = tpu.memref_squeeze %dma_start3A_782 : memref<1x128xi32, #tpu.memory_space<vmem>> -> memref<128xi32, #tpu.memory_space<vmem>>
        %dma_start3A_784 = arith.constant 0 : i32
        %dma_start3A_785 = arith.constant 0 : i32
        %dma_start3A_786 = tpu.memref_slice %arg4[%dma_start3A_784, %dma_start3A_785] : memref<500000x32xf32, #tpu.memory_space<hbm>> -> memref<500000x32xf32, #tpu.memory_space<hbm>>
        tpu.enqueue_indirect_dma source(%dma_start3A_786 : memref<500000x32xf32, #tpu.memory_space<hbm>>) target(%dma_start3A_780 : memref<128x32xf32, #tpu.memory_space<vmem>>) offsets(%dma_start3A_783 : memref<128xi32, #tpu.memory_space<vmem>>) semaphore(%arg12 : memref<!tpu.dma_semaphore, #tpu.memory_space<semaphore_mem>>)
      } else {
      }
      %mul3A_724 = arith.constant 4 : i32
      %mul3A_725 = arith.muli %while3A_675, %mul3A_724 : i32
      %add3A_726 = arith.constant 3 : i32
      %add3A_727 = arith.addi %mul3A_725, %add3A_726 : i32
      %add3A_728 = arith.addi %sub3A_454, %add3A_727 : i32
      %lt3A_729 = arith.cmpi slt, %add3A_727, %select_n3A_478 : i32
      %gt3A_730 = arith.constant 0 : i32
      %gt3A_731 = arith.cmpi sgt, %while3A_675, %gt3A_730 : i32
      %and3A_732 = arith.andi %lt3A_729, %gt3A_731 : i1
      %convert_element_type3A_733 = arith.extui %and3A_732 : i1 to i32
      %cond3A_734 = arith.constant 0 : i32
      %cond3A_735 = arith.cmpi ne, %convert_element_type3A_733, %cond3A_734 : i32
      scf.if %cond3A_735 {
        %sub3A_777 = arith.constant 4 : i32
        %sub3A_778 = arith.subi %add3A_728, %sub3A_777 : i32
        %dma_wait3A = arith.constant 3 : i32
        %dma_wait3A_779 = arith.constant 0 : i32
        %dma_wait3A_780 = arith.constant 0 : i32
        %dma_wait3A_781 = tpu.memref_slice %arg9[%dma_wait3A, %dma_wait3A_779, %dma_wait3A_780] : memref<4x128x32xf32, #tpu.memory_space<vmem>> -> memref<1x128x32xf32, #tpu.memory_space<vmem>>
        %dma_wait3A_782 = tpu.memref_squeeze %dma_wait3A_781 : memref<1x128x32xf32, #tpu.memory_space<vmem>> -> memref<128x32xf32, #tpu.memory_space<vmem>>
        %dma_wait3A_783 = arith.constant 0 : i32
        %dma_wait3A_784 = tpu.memref_slice %arg8[%sub3A_778, %dma_wait3A_783] : memref<202x128xi32, #tpu.memory_space<vmem>> -> memref<1x128xi32, #tpu.memory_space<vmem>>
        %dma_wait3A_785 = tpu.memref_squeeze %dma_wait3A_784 : memref<1x128xi32, #tpu.memory_space<vmem>> -> memref<128xi32, #tpu.memory_space<vmem>>
        %dma_wait3A_786 = arith.constant 0 : i32
        %dma_wait3A_787 = arith.constant 0 : i32
        %dma_wait3A_788 = tpu.memref_slice %arg5[%dma_wait3A_786, %dma_wait3A_787] : memref<409600x32xf32, #tpu.memory_space<hbm>> -> memref<409600x32xf32, #tpu.memory_space<hbm>>
        tpu.wait_indirect_dma semaphore(%arg17 : memref<!tpu.dma_semaphore, #tpu.memory_space<semaphore_mem>>) src(%dma_wait3A_782 : memref<128x32xf32, #tpu.memory_space<vmem>>) dst(%dma_wait3A_788 : memref<409600x32xf32, #tpu.memory_space<hbm>>)
      } else {
      }
      %lt3A_736 = arith.cmpi slt, %add3A_727, %select_n3A_478 : i32
      %convert_element_type3A_737 = arith.extui %lt3A_736 : i1 to i32
      %cond3A_738 = arith.constant 0 : i32
      %cond3A_739 = arith.cmpi ne, %convert_element_type3A_737, %cond3A_738 : i32
      scf.if %cond3A_739 {
        %dma_start3A = arith.constant 3 : i32
        %dma_start3A_777 = arith.constant 0 : i32
        %dma_start3A_778 = arith.constant 0 : i32
        %dma_start3A_779 = tpu.memref_slice %arg9[%dma_start3A, %dma_start3A_777, %dma_start3A_778] : memref<4x128x32xf32, #tpu.memory_space<vmem>> -> memref<1x128x32xf32, #tpu.memory_space<vmem>>
        %dma_start3A_780 = tpu.memref_squeeze %dma_start3A_779 : memref<1x128x32xf32, #tpu.memory_space<vmem>> -> memref<128x32xf32, #tpu.memory_space<vmem>>
        %dma_start3A_781 = arith.constant 0 : i32
        %dma_start3A_782 = tpu.memref_slice %arg7[%add3A_728, %dma_start3A_781] : memref<202x128xi32, #tpu.memory_space<vmem>> -> memref<1x128xi32, #tpu.memory_space<vmem>>
        %dma_start3A_783 = tpu.memref_squeeze %dma_start3A_782 : memref<1x128xi32, #tpu.memory_space<vmem>> -> memref<128xi32, #tpu.memory_space<vmem>>
        %dma_start3A_784 = arith.constant 0 : i32
        %dma_start3A_785 = arith.constant 0 : i32
        %dma_start3A_786 = tpu.memref_slice %arg4[%dma_start3A_784, %dma_start3A_785] : memref<500000x32xf32, #tpu.memory_space<hbm>> -> memref<500000x32xf32, #tpu.memory_space<hbm>>
        tpu.enqueue_indirect_dma source(%dma_start3A_786 : memref<500000x32xf32, #tpu.memory_space<hbm>>) target(%dma_start3A_780 : memref<128x32xf32, #tpu.memory_space<vmem>>) offsets(%dma_start3A_783 : memref<128xi32, #tpu.memory_space<vmem>>) semaphore(%arg13 : memref<!tpu.dma_semaphore, #tpu.memory_space<semaphore_mem>>)
      } else {
      }
      %mul3A_740 = arith.constant 4 : i32
      %mul3A_741 = arith.muli %while3A_675, %mul3A_740 : i32
      %add3A_742 = arith.constant 0 : i32
      %add3A_743 = arith.addi %mul3A_741, %add3A_742 : i32
      %add3A_744 = arith.addi %sub3A_454, %add3A_743 : i32
      %lt3A_745 = arith.cmpi slt, %add3A_743, %select_n3A_478 : i32
      %convert_element_type3A_746 = arith.extui %lt3A_745 : i1 to i32
      %cond3A_747 = arith.constant 0 : i32
      %cond3A_748 = arith.cmpi ne, %convert_element_type3A_746, %cond3A_747 : i32
      scf.if %cond3A_748 {
        %dma_wait3A = arith.constant 0 : i32
        %dma_wait3A_777 = arith.constant 0 : i32
        %dma_wait3A_778 = arith.constant 0 : i32
        %dma_wait3A_779 = tpu.memref_slice %arg9[%dma_wait3A, %dma_wait3A_777, %dma_wait3A_778] : memref<4x128x32xf32, #tpu.memory_space<vmem>> -> memref<1x128x32xf32, #tpu.memory_space<vmem>>
        %dma_wait3A_780 = tpu.memref_squeeze %dma_wait3A_779 : memref<1x128x32xf32, #tpu.memory_space<vmem>> -> memref<128x32xf32, #tpu.memory_space<vmem>>
        %dma_wait3A_781 = arith.constant 0 : i32
        %dma_wait3A_782 = tpu.memref_slice %arg7[%add3A_744, %dma_wait3A_781] : memref<202x128xi32, #tpu.memory_space<vmem>> -> memref<1x128xi32, #tpu.memory_space<vmem>>
        %dma_wait3A_783 = tpu.memref_squeeze %dma_wait3A_782 : memref<1x128xi32, #tpu.memory_space<vmem>> -> memref<128xi32, #tpu.memory_space<vmem>>
        %dma_wait3A_784 = arith.constant 0 : i32
        %dma_wait3A_785 = arith.constant 0 : i32
        %dma_wait3A_786 = tpu.memref_slice %arg4[%dma_wait3A_784, %dma_wait3A_785] : memref<500000x32xf32, #tpu.memory_space<hbm>> -> memref<500000x32xf32, #tpu.memory_space<hbm>>
        tpu.wait_indirect_dma semaphore(%arg10 : memref<!tpu.dma_semaphore, #tpu.memory_space<semaphore_mem>>) src(%dma_wait3A_786 : memref<500000x32xf32, #tpu.memory_space<hbm>>) dst(%dma_wait3A_780 : memref<128x32xf32, #tpu.memory_space<vmem>>)
        %dma_start3A = arith.constant 0 : i32
        %dma_start3A_787 = arith.constant 0 : i32
        %dma_start3A_788 = arith.constant 0 : i32
        %dma_start3A_789 = tpu.memref_slice %arg9[%dma_start3A, %dma_start3A_787, %dma_start3A_788] : memref<4x128x32xf32, #tpu.memory_space<vmem>> -> memref<1x128x32xf32, #tpu.memory_space<vmem>>
        %dma_start3A_790 = tpu.memref_squeeze %dma_start3A_789 : memref<1x128x32xf32, #tpu.memory_space<vmem>> -> memref<128x32xf32, #tpu.memory_space<vmem>>
        %dma_start3A_791 = arith.constant 0 : i32
        %dma_start3A_792 = tpu.memref_slice %arg8[%add3A_744, %dma_start3A_791] : memref<202x128xi32, #tpu.memory_space<vmem>> -> memref<1x128xi32, #tpu.memory_space<vmem>>
        %dma_start3A_793 = tpu.memref_squeeze %dma_start3A_792 : memref<1x128xi32, #tpu.memory_space<vmem>> -> memref<128xi32, #tpu.memory_space<vmem>>
        %dma_start3A_794 = arith.constant 0 : i32
        %dma_start3A_795 = arith.constant 0 : i32
        %dma_start3A_796 = tpu.memref_slice %arg5[%dma_start3A_794, %dma_start3A_795] : memref<409600x32xf32, #tpu.memory_space<hbm>> -> memref<409600x32xf32, #tpu.memory_space<hbm>>
        tpu.enqueue_indirect_dma source(%dma_start3A_790 : memref<128x32xf32, #tpu.memory_space<vmem>>) target(%dma_start3A_796 : memref<409600x32xf32, #tpu.memory_space<hbm>>) offsets(%dma_start3A_793 : memref<128xi32, #tpu.memory_space<vmem>>) semaphore(%arg14 : memref<!tpu.dma_semaphore, #tpu.memory_space<semaphore_mem>>)
      } else {
      }
      %mul3A_749 = arith.constant 4 : i32
      %mul3A_750 = arith.muli %while3A_675, %mul3A_749 : i32
      %add3A_751 = arith.constant 1 : i32
      %add3A_752 = arith.addi %mul3A_750, %add3A_751 : i32
      %add3A_753 = arith.addi %sub3A_454, %add3A_752 : i32
      %lt3A_754 = arith.cmpi slt, %add3A_752, %select_n3A_478 : i32
      %convert_element_type3A_755 = arith.extui %lt3A_754 : i1 to i32
      %cond3A_756 = arith.constant 0 : i32
      %cond3A_757 = arith.cmpi ne, %convert_element_type3A_755, %cond3A_756 : i32
      scf.if %cond3A_757 {
        %dma_wait3A = arith.constant 1 : i32
        %dma_wait3A_777 = arith.constant 0 : i32
        %dma_wait3A_778 = arith.constant 0 : i32
        %dma_wait3A_779 = tpu.memref_slice %arg9[%dma_wait3A, %dma_wait3A_777, %dma_wait3A_778] : memref<4x128x32xf32, #tpu.memory_space<vmem>> -> memref<1x128x32xf32, #tpu.memory_space<vmem>>
        %dma_wait3A_780 = tpu.memref_squeeze %dma_wait3A_779 : memref<1x128x32xf32, #tpu.memory_space<vmem>> -> memref<128x32xf32, #tpu.memory_space<vmem>>
        %dma_wait3A_781 = arith.constant 0 : i32
        %dma_wait3A_782 = tpu.memref_slice %arg7[%add3A_753, %dma_wait3A_781] : memref<202x128xi32, #tpu.memory_space<vmem>> -> memref<1x128xi32, #tpu.memory_space<vmem>>
        %dma_wait3A_783 = tpu.memref_squeeze %dma_wait3A_782 : memref<1x128xi32, #tpu.memory_space<vmem>> -> memref<128xi32, #tpu.memory_space<vmem>>
        %dma_wait3A_784 = arith.constant 0 : i32
        %dma_wait3A_785 = arith.constant 0 : i32
        %dma_wait3A_786 = tpu.memref_slice %arg4[%dma_wait3A_784, %dma_wait3A_785] : memref<500000x32xf32, #tpu.memory_space<hbm>> -> memref<500000x32xf32, #tpu.memory_space<hbm>>
        tpu.wait_indirect_dma semaphore(%arg11 : memref<!tpu.dma_semaphore, #tpu.memory_space<semaphore_mem>>) src(%dma_wait3A_786 : memref<500000x32xf32, #tpu.memory_space<hbm>>) dst(%dma_wait3A_780 : memref<128x32xf32, #tpu.memory_space<vmem>>)
        %dma_start3A = arith.constant 1 : i32
        %dma_start3A_787 = arith.constant 0 : i32
        %dma_start3A_788 = arith.constant 0 : i32
        %dma_start3A_789 = tpu.memref_slice %arg9[%dma_start3A, %dma_start3A_787, %dma_start3A_788] : memref<4x128x32xf32, #tpu.memory_space<vmem>> -> memref<1x128x32xf32, #tpu.memory_space<vmem>>
        %dma_start3A_790 = tpu.memref_squeeze %dma_start3A_789 : memref<1x128x32xf32, #tpu.memory_space<vmem>> -> memref<128x32xf32, #tpu.memory_space<vmem>>
        %dma_start3A_791 = arith.constant 0 : i32
        %dma_start3A_792 = tpu.memref_slice %arg8[%add3A_753, %dma_start3A_791] : memref<202x128xi32, #tpu.memory_space<vmem>> -> memref<1x128xi32, #tpu.memory_space<vmem>>
        %dma_start3A_793 = tpu.memref_squeeze %dma_start3A_792 : memref<1x128xi32, #tpu.memory_space<vmem>> -> memref<128xi32, #tpu.memory_space<vmem>>
        %dma_start3A_794 = arith.constant 0 : i32
        %dma_start3A_795 = arith.constant 0 : i32
        %dma_start3A_796 = tpu.memref_slice %arg5[%dma_start3A_794, %dma_start3A_795] : memref<409600x32xf32, #tpu.memory_space<hbm>> -> memref<409600x32xf32, #tpu.memory_space<hbm>>
        tpu.enqueue_indirect_dma source(%dma_start3A_790 : memref<128x32xf32, #tpu.memory_space<vmem>>) target(%dma_start3A_796 : memref<409600x32xf32, #tpu.memory_space<hbm>>) offsets(%dma_start3A_793 : memref<128xi32, #tpu.memory_space<vmem>>) semaphore(%arg15 : memref<!tpu.dma_semaphore, #tpu.memory_space<semaphore_mem>>)
      } else {
      }
      %mul3A_758 = arith.constant 4 : i32
      %mul3A_759 = arith.muli %while3A_675, %mul3A_758 : i32
      %add3A_760 = arith.constant 2 : i32
      %add3A_761 = arith.addi %mul3A_759, %add3A_760 : i32
      %add3A_762 = arith.addi %sub3A_454, %add3A_761 : i32
      %lt3A_763 = arith.cmpi slt, %add3A_761, %select_n3A_478 : i32
      %convert_element_type3A_764 = arith.extui %lt3A_763 : i1 to i32
      %cond3A_765 = arith.constant 0 : i32
      %cond3A_766 = arith.cmpi ne, %convert_element_type3A_764, %cond3A_765 : i32
      scf.if %cond3A_766 {
        %dma_wait3A = arith.constant 2 : i32
        %dma_wait3A_777 = arith.constant 0 : i32
        %dma_wait3A_778 = arith.constant 0 : i32
        %dma_wait3A_779 = tpu.memref_slice %arg9[%dma_wait3A, %dma_wait3A_777, %dma_wait3A_778] : memref<4x128x32xf32, #tpu.memory_space<vmem>> -> memref<1x128x32xf32, #tpu.memory_space<vmem>>
        %dma_wait3A_780 = tpu.memref_squeeze %dma_wait3A_779 : memref<1x128x32xf32, #tpu.memory_space<vmem>> -> memref<128x32xf32, #tpu.memory_space<vmem>>
        %dma_wait3A_781 = arith.constant 0 : i32
        %dma_wait3A_782 = tpu.memref_slice %arg7[%add3A_762, %dma_wait3A_781] : memref<202x128xi32, #tpu.memory_space<vmem>> -> memref<1x128xi32, #tpu.memory_space<vmem>>
        %dma_wait3A_783 = tpu.memref_squeeze %dma_wait3A_782 : memref<1x128xi32, #tpu.memory_space<vmem>> -> memref<128xi32, #tpu.memory_space<vmem>>
        %dma_wait3A_784 = arith.constant 0 : i32
        %dma_wait3A_785 = arith.constant 0 : i32
        %dma_wait3A_786 = tpu.memref_slice %arg4[%dma_wait3A_784, %dma_wait3A_785] : memref<500000x32xf32, #tpu.memory_space<hbm>> -> memref<500000x32xf32, #tpu.memory_space<hbm>>
        tpu.wait_indirect_dma semaphore(%arg12 : memref<!tpu.dma_semaphore, #tpu.memory_space<semaphore_mem>>) src(%dma_wait3A_786 : memref<500000x32xf32, #tpu.memory_space<hbm>>) dst(%dma_wait3A_780 : memref<128x32xf32, #tpu.memory_space<vmem>>)
        %dma_start3A = arith.constant 2 : i32
        %dma_start3A_787 = arith.constant 0 : i32
        %dma_start3A_788 = arith.constant 0 : i32
        %dma_start3A_789 = tpu.memref_slice %arg9[%dma_start3A, %dma_start3A_787, %dma_start3A_788] : memref<4x128x32xf32, #tpu.memory_space<vmem>> -> memref<1x128x32xf32, #tpu.memory_space<vmem>>
        %dma_start3A_790 = tpu.memref_squeeze %dma_start3A_789 : memref<1x128x32xf32, #tpu.memory_space<vmem>> -> memref<128x32xf32, #tpu.memory_space<vmem>>
        %dma_start3A_791 = arith.constant 0 : i32
        %dma_start3A_792 = tpu.memref_slice %arg8[%add3A_762, %dma_start3A_791] : memref<202x128xi32, #tpu.memory_space<vmem>> -> memref<1x128xi32, #tpu.memory_space<vmem>>
        %dma_start3A_793 = tpu.memref_squeeze %dma_start3A_792 : memref<1x128xi32, #tpu.memory_space<vmem>> -> memref<128xi32, #tpu.memory_space<vmem>>
        %dma_start3A_794 = arith.constant 0 : i32
        %dma_start3A_795 = arith.constant 0 : i32
        %dma_start3A_796 = tpu.memref_slice %arg5[%dma_start3A_794, %dma_start3A_795] : memref<409600x32xf32, #tpu.memory_space<hbm>> -> memref<409600x32xf32, #tpu.memory_space<hbm>>
        tpu.enqueue_indirect_dma source(%dma_start3A_790 : memref<128x32xf32, #tpu.memory_space<vmem>>) target(%dma_start3A_796 : memref<409600x32xf32, #tpu.memory_space<hbm>>) offsets(%dma_start3A_793 : memref<128xi32, #tpu.memory_space<vmem>>) semaphore(%arg16 : memref<!tpu.dma_semaphore, #tpu.memory_space<semaphore_mem>>)
      } else {
      }
      %mul3A_767 = arith.constant 4 : i32
      %mul3A_768 = arith.muli %while3A_675, %mul3A_767 : i32
      %add3A_769 = arith.constant 3 : i32
      %add3A_770 = arith.addi %mul3A_768, %add3A_769 : i32
      %add3A_771 = arith.addi %sub3A_454, %add3A_770 : i32
      %lt3A_772 = arith.cmpi slt, %add3A_770, %select_n3A_478 : i32
      %convert_element_type3A_773 = arith.extui %lt3A_772 : i1 to i32
      %cond3A_774 = arith.constant 0 : i32
      %cond3A_775 = arith.cmpi ne, %convert_element_type3A_773, %cond3A_774 : i32
      scf.if %cond3A_775 {
        %dma_wait3A = arith.constant 3 : i32
        %dma_wait3A_777 = arith.constant 0 : i32
        %dma_wait3A_778 = arith.constant 0 : i32
        %dma_wait3A_779 = tpu.memref_slice %arg9[%dma_wait3A, %dma_wait3A_777, %dma_wait3A_778] : memref<4x128x32xf32, #tpu.memory_space<vmem>> -> memref<1x128x32xf32, #tpu.memory_space<vmem>>
        %dma_wait3A_780 = tpu.memref_squeeze %dma_wait3A_779 : memref<1x128x32xf32, #tpu.memory_space<vmem>> -> memref<128x32xf32, #tpu.memory_space<vmem>>
        %dma_wait3A_781 = arith.constant 0 : i32
        %dma_wait3A_782 = tpu.memref_slice %arg7[%add3A_771, %dma_wait3A_781] : memref<202x128xi32, #tpu.memory_space<vmem>> -> memref<1x128xi32, #tpu.memory_space<vmem>>
        %dma_wait3A_783 = tpu.memref_squeeze %dma_wait3A_782 : memref<1x128xi32, #tpu.memory_space<vmem>> -> memref<128xi32, #tpu.memory_space<vmem>>
        %dma_wait3A_784 = arith.constant 0 : i32
        %dma_wait3A_785 = arith.constant 0 : i32
        %dma_wait3A_786 = tpu.memref_slice %arg4[%dma_wait3A_784, %dma_wait3A_785] : memref<500000x32xf32, #tpu.memory_space<hbm>> -> memref<500000x32xf32, #tpu.memory_space<hbm>>
        tpu.wait_indirect_dma semaphore(%arg13 : memref<!tpu.dma_semaphore, #tpu.memory_space<semaphore_mem>>) src(%dma_wait3A_786 : memref<500000x32xf32, #tpu.memory_space<hbm>>) dst(%dma_wait3A_780 : memref<128x32xf32, #tpu.memory_space<vmem>>)
        %dma_start3A = arith.constant 3 : i32
        %dma_start3A_787 = arith.constant 0 : i32
        %dma_start3A_788 = arith.constant 0 : i32
        %dma_start3A_789 = tpu.memref_slice %arg9[%dma_start3A, %dma_start3A_787, %dma_start3A_788] : memref<4x128x32xf32, #tpu.memory_space<vmem>> -> memref<1x128x32xf32, #tpu.memory_space<vmem>>
        %dma_start3A_790 = tpu.memref_squeeze %dma_start3A_789 : memref<1x128x32xf32, #tpu.memory_space<vmem>> -> memref<128x32xf32, #tpu.memory_space<vmem>>
        %dma_start3A_791 = arith.constant 0 : i32
        %dma_start3A_792 = tpu.memref_slice %arg8[%add3A_771, %dma_start3A_791] : memref<202x128xi32, #tpu.memory_space<vmem>> -> memref<1x128xi32, #tpu.memory_space<vmem>>
        %dma_start3A_793 = tpu.memref_squeeze %dma_start3A_792 : memref<1x128xi32, #tpu.memory_space<vmem>> -> memref<128xi32, #tpu.memory_space<vmem>>
        %dma_start3A_794 = arith.constant 0 : i32
        %dma_start3A_795 = arith.constant 0 : i32
        %dma_start3A_796 = tpu.memref_slice %arg5[%dma_start3A_794, %dma_start3A_795] : memref<409600x32xf32, #tpu.memory_space<hbm>> -> memref<409600x32xf32, #tpu.memory_space<hbm>>
        tpu.enqueue_indirect_dma source(%dma_start3A_790 : memref<128x32xf32, #tpu.memory_space<vmem>>) target(%dma_start3A_796 : memref<409600x32xf32, #tpu.memory_space<hbm>>) offsets(%dma_start3A_793 : memref<128xi32, #tpu.memory_space<vmem>>) semaphore(%arg17 : memref<!tpu.dma_semaphore, #tpu.memory_space<semaphore_mem>>)
      } else {
      }
      %while3A_776 = arith.constant 0 : i32
      scf.yield %while3A_776 : i32
    }
    %sub3A_519 = arith.constant 1 : i32
    %sub3A_520 = arith.subi %select_n3A_478, %sub3A_519 : i32
    %sub3A_521 = arith.constant 0 : i32
    %sub3A_522 = arith.subi %sub3A_520, %sub3A_521 : i32
    %max3A_523 = arith.constant 0 : i32
    %max3A_524 = arith.maxsi %sub3A_522, %max3A_523 : i32
    %jit3A_525 = arith.constant 4 : i32
    %div3A_526 = arith.divsi %max3A_524, %jit3A_525 : i32
    %sign3A_527 = arith.constant 0 : i32
    %sign3A_528 = arith.cmpi sgt, %max3A_524, %sign3A_527 : i32
    %sign3A_529 = arith.extui %sign3A_528 : i1 to i32
    %sign3A_530 = arith.constant 0 : i32
    %sign3A_531 = arith.cmpi slt, %max3A_524, %sign3A_530 : i32
    %sign3A_532 = arith.extui %sign3A_531 : i1 to i32
    %sign3A_533 = arith.subi %sign3A_529, %sign3A_532 : i32
    %sign3A_534 = arith.constant 0 : i32
    %sign3A_535 = arith.cmpi sgt, %jit3A_525, %sign3A_534 : i32
    %sign3A_536 = arith.extui %sign3A_535 : i1 to i32
    %sign3A_537 = arith.constant 0 : i32
    %sign3A_538 = arith.cmpi slt, %jit3A_525, %sign3A_537 : i32
    %sign3A_539 = arith.extui %sign3A_538 : i1 to i32
    %sign3A_540 = arith.subi %sign3A_536, %sign3A_539 : i32
    %ne3A_541 = arith.cmpi ne, %sign3A_533, %sign3A_540 : i32
    %rem3A_542 = arith.remsi %max3A_524, %jit3A_525 : i32
    %ne3A_543 = arith.constant 0 : i32
    %ne3A_544 = arith.cmpi ne, %rem3A_542, %ne3A_543 : i32
    %and3A_545 = arith.andi %ne3A_541, %ne3A_544 : i1
    %sub3A_546 = arith.constant 1 : i32
    %sub3A_547 = arith.subi %div3A_526, %sub3A_546 : i32
    %select_n3A_548 = arith.select %and3A_545, %sub3A_547, %div3A_526 : i32
    %mul3A_549 = arith.constant 4 : i32
    %mul3A_550 = arith.muli %select_n3A_548, %mul3A_549 : i32
    %add3A_551 = arith.constant 0 : i32
    %add3A_552 = arith.addi %mul3A_550, %add3A_551 : i32
    %gt3A_553 = arith.constant 0 : i32
    %gt3A_554 = arith.cmpi sgt, %select_n3A_478, %gt3A_553 : i32
    %convert_element_type3A_555 = arith.extui %gt3A_554 : i1 to i32
    %cond3A_556 = arith.constant 0 : i32
    %cond3A_557 = arith.cmpi ne, %convert_element_type3A_555, %cond3A_556 : i32
    scf.if %cond3A_557 {
      %add3A_675 = arith.addi %sub3A_454, %add3A_552 : i32
      %dma_wait3A = arith.constant 0 : i32
      %dma_wait3A_676 = arith.constant 0 : i32
      %dma_wait3A_677 = arith.constant 0 : i32
      %dma_wait3A_678 = tpu.memref_slice %arg9[%dma_wait3A, %dma_wait3A_676, %dma_wait3A_677] : memref<4x128x32xf32, #tpu.memory_space<vmem>> -> memref<1x128x32xf32, #tpu.memory_space<vmem>>
      %dma_wait3A_679 = tpu.memref_squeeze %dma_wait3A_678 : memref<1x128x32xf32, #tpu.memory_space<vmem>> -> memref<128x32xf32, #tpu.memory_space<vmem>>
      %dma_wait3A_680 = arith.constant 0 : i32
      %dma_wait3A_681 = tpu.memref_slice %arg8[%add3A_675, %dma_wait3A_680] : memref<202x128xi32, #tpu.memory_space<vmem>> -> memref<1x128xi32, #tpu.memory_space<vmem>>
      %dma_wait3A_682 = tpu.memref_squeeze %dma_wait3A_681 : memref<1x128xi32, #tpu.memory_space<vmem>> -> memref<128xi32, #tpu.memory_space<vmem>>
      %dma_wait3A_683 = arith.constant 0 : i32
      %dma_wait3A_684 = arith.constant 0 : i32
      %dma_wait3A_685 = tpu.memref_slice %arg5[%dma_wait3A_683, %dma_wait3A_684] : memref<409600x32xf32, #tpu.memory_space<hbm>> -> memref<409600x32xf32, #tpu.memory_space<hbm>>
      tpu.wait_indirect_dma semaphore(%arg14 : memref<!tpu.dma_semaphore, #tpu.memory_space<semaphore_mem>>) src(%dma_wait3A_679 : memref<128x32xf32, #tpu.memory_space<vmem>>) dst(%dma_wait3A_685 : memref<409600x32xf32, #tpu.memory_space<hbm>>)
    } else {
    }
    %sub3A_558 = arith.constant 1 : i32
    %sub3A_559 = arith.subi %select_n3A_478, %sub3A_558 : i32
    %sub3A_560 = arith.constant 1 : i32
    %sub3A_561 = arith.subi %sub3A_559, %sub3A_560 : i32
    %max3A_562 = arith.constant 0 : i32
    %max3A_563 = arith.maxsi %sub3A_561, %max3A_562 : i32
    %jit3A_564 = arith.constant 4 : i32
    %div3A_565 = arith.divsi %max3A_563, %jit3A_564 : i32
    %sign3A_566 = arith.constant 0 : i32
    %sign3A_567 = arith.cmpi sgt, %max3A_563, %sign3A_566 : i32
    %sign3A_568 = arith.extui %sign3A_567 : i1 to i32
    %sign3A_569 = arith.constant 0 : i32
    %sign3A_570 = arith.cmpi slt, %max3A_563, %sign3A_569 : i32
    %sign3A_571 = arith.extui %sign3A_570 : i1 to i32
    %sign3A_572 = arith.subi %sign3A_568, %sign3A_571 : i32
    %sign3A_573 = arith.constant 0 : i32
    %sign3A_574 = arith.cmpi sgt, %jit3A_564, %sign3A_573 : i32
    %sign3A_575 = arith.extui %sign3A_574 : i1 to i32
    %sign3A_576 = arith.constant 0 : i32
    %sign3A_577 = arith.cmpi slt, %jit3A_564, %sign3A_576 : i32
    %sign3A_578 = arith.extui %sign3A_577 : i1 to i32
    %sign3A_579 = arith.subi %sign3A_575, %sign3A_578 : i32
    %ne3A_580 = arith.cmpi ne, %sign3A_572, %sign3A_579 : i32
    %rem3A_581 = arith.remsi %max3A_563, %jit3A_564 : i32
    %ne3A_582 = arith.constant 0 : i32
    %ne3A_583 = arith.cmpi ne, %rem3A_581, %ne3A_582 : i32
    %and3A_584 = arith.andi %ne3A_580, %ne3A_583 : i1
    %sub3A_585 = arith.constant 1 : i32
    %sub3A_586 = arith.subi %div3A_565, %sub3A_585 : i32
    %select_n3A_587 = arith.select %and3A_584, %sub3A_586, %div3A_565 : i32
    %mul3A_588 = arith.constant 4 : i32
    %mul3A_589 = arith.muli %select_n3A_587, %mul3A_588 : i32
    %add3A_590 = arith.constant 1 : i32
    %add3A_591 = arith.addi %mul3A_589, %add3A_590 : i32
    %gt3A_592 = arith.constant 1 : i32
    %gt3A_593 = arith.cmpi sgt, %select_n3A_478, %gt3A_592 : i32
    %convert_element_type3A_594 = arith.extui %gt3A_593 : i1 to i32
    %cond3A_595 = arith.constant 0 : i32
    %cond3A_596 = arith.cmpi ne, %convert_element_type3A_594, %cond3A_595 : i32
    scf.if %cond3A_596 {
      %add3A_675 = arith.addi %sub3A_454, %add3A_591 : i32
      %dma_wait3A = arith.constant 1 : i32
      %dma_wait3A_676 = arith.constant 0 : i32
      %dma_wait3A_677 = arith.constant 0 : i32
      %dma_wait3A_678 = tpu.memref_slice %arg9[%dma_wait3A, %dma_wait3A_676, %dma_wait3A_677] : memref<4x128x32xf32, #tpu.memory_space<vmem>> -> memref<1x128x32xf32, #tpu.memory_space<vmem>>
      %dma_wait3A_679 = tpu.memref_squeeze %dma_wait3A_678 : memref<1x128x32xf32, #tpu.memory_space<vmem>> -> memref<128x32xf32, #tpu.memory_space<vmem>>
      %dma_wait3A_680 = arith.constant 0 : i32
      %dma_wait3A_681 = tpu.memref_slice %arg8[%add3A_675, %dma_wait3A_680] : memref<202x128xi32, #tpu.memory_space<vmem>> -> memref<1x128xi32, #tpu.memory_space<vmem>>
      %dma_wait3A_682 = tpu.memref_squeeze %dma_wait3A_681 : memref<1x128xi32, #tpu.memory_space<vmem>> -> memref<128xi32, #tpu.memory_space<vmem>>
      %dma_wait3A_683 = arith.constant 0 : i32
      %dma_wait3A_684 = arith.constant 0 : i32
      %dma_wait3A_685 = tpu.memref_slice %arg5[%dma_wait3A_683, %dma_wait3A_684] : memref<409600x32xf32, #tpu.memory_space<hbm>> -> memref<409600x32xf32, #tpu.memory_space<hbm>>
      tpu.wait_indirect_dma semaphore(%arg15 : memref<!tpu.dma_semaphore, #tpu.memory_space<semaphore_mem>>) src(%dma_wait3A_679 : memref<128x32xf32, #tpu.memory_space<vmem>>) dst(%dma_wait3A_685 : memref<409600x32xf32, #tpu.memory_space<hbm>>)
    } else {
    }
    %sub3A_597 = arith.constant 1 : i32
    %sub3A_598 = arith.subi %select_n3A_478, %sub3A_597 : i32
    %sub3A_599 = arith.constant 2 : i32
    %sub3A_600 = arith.subi %sub3A_598, %sub3A_599 : i32
    %max3A_601 = arith.constant 0 : i32
    %max3A_602 = arith.maxsi %sub3A_600, %max3A_601 : i32
    %jit3A_603 = arith.constant 4 : i32
    %div3A_604 = arith.divsi %max3A_602, %jit3A_603 : i32
    %sign3A_605 = arith.constant 0 : i32
    %sign3A_606 = arith.cmpi sgt, %max3A_602, %sign3A_605 : i32
    %sign3A_607 = arith.extui %sign3A_606 : i1 to i32
    %sign3A_608 = arith.constant 0 : i32
    %sign3A_609 = arith.cmpi slt, %max3A_602, %sign3A_608 : i32
    %sign3A_610 = arith.extui %sign3A_609 : i1 to i32
    %sign3A_611 = arith.subi %sign3A_607, %sign3A_610 : i32
    %sign3A_612 = arith.constant 0 : i32
    %sign3A_613 = arith.cmpi sgt, %jit3A_603, %sign3A_612 : i32
    %sign3A_614 = arith.extui %sign3A_613 : i1 to i32
    %sign3A_615 = arith.constant 0 : i32
    %sign3A_616 = arith.cmpi slt, %jit3A_603, %sign3A_615 : i32
    %sign3A_617 = arith.extui %sign3A_616 : i1 to i32
    %sign3A_618 = arith.subi %sign3A_614, %sign3A_617 : i32
    %ne3A_619 = arith.cmpi ne, %sign3A_611, %sign3A_618 : i32
    %rem3A_620 = arith.remsi %max3A_602, %jit3A_603 : i32
    %ne3A_621 = arith.constant 0 : i32
    %ne3A_622 = arith.cmpi ne, %rem3A_620, %ne3A_621 : i32
    %and3A_623 = arith.andi %ne3A_619, %ne3A_622 : i1
    %sub3A_624 = arith.constant 1 : i32
    %sub3A_625 = arith.subi %div3A_604, %sub3A_624 : i32
    %select_n3A_626 = arith.select %and3A_623, %sub3A_625, %div3A_604 : i32
    %mul3A_627 = arith.constant 4 : i32
    %mul3A_628 = arith.muli %select_n3A_626, %mul3A_627 : i32
    %add3A_629 = arith.constant 2 : i32
    %add3A_630 = arith.addi %mul3A_628, %add3A_629 : i32
    %gt3A_631 = arith.constant 2 : i32
    %gt3A_632 = arith.cmpi sgt, %select_n3A_478, %gt3A_631 : i32
    %convert_element_type3A_633 = arith.extui %gt3A_632 : i1 to i32
    %cond3A_634 = arith.constant 0 : i32
    %cond3A_635 = arith.cmpi ne, %convert_element_type3A_633, %cond3A_634 : i32
    scf.if %cond3A_635 {
      %add3A_675 = arith.addi %sub3A_454, %add3A_630 : i32
      %dma_wait3A = arith.constant 2 : i32
      %dma_wait3A_676 = arith.constant 0 : i32
      %dma_wait3A_677 = arith.constant 0 : i32
      %dma_wait3A_678 = tpu.memref_slice %arg9[%dma_wait3A, %dma_wait3A_676, %dma_wait3A_677] : memref<4x128x32xf32, #tpu.memory_space<vmem>> -> memref<1x128x32xf32, #tpu.memory_space<vmem>>
      %dma_wait3A_679 = tpu.memref_squeeze %dma_wait3A_678 : memref<1x128x32xf32, #tpu.memory_space<vmem>> -> memref<128x32xf32, #tpu.memory_space<vmem>>
      %dma_wait3A_680 = arith.constant 0 : i32
      %dma_wait3A_681 = tpu.memref_slice %arg8[%add3A_675, %dma_wait3A_680] : memref<202x128xi32, #tpu.memory_space<vmem>> -> memref<1x128xi32, #tpu.memory_space<vmem>>
      %dma_wait3A_682 = tpu.memref_squeeze %dma_wait3A_681 : memref<1x128xi32, #tpu.memory_space<vmem>> -> memref<128xi32, #tpu.memory_space<vmem>>
      %dma_wait3A_683 = arith.constant 0 : i32
      %dma_wait3A_684 = arith.constant 0 : i32
      %dma_wait3A_685 = tpu.memref_slice %arg5[%dma_wait3A_683, %dma_wait3A_684] : memref<409600x32xf32, #tpu.memory_space<hbm>> -> memref<409600x32xf32, #tpu.memory_space<hbm>>
      tpu.wait_indirect_dma semaphore(%arg16 : memref<!tpu.dma_semaphore, #tpu.memory_space<semaphore_mem>>) src(%dma_wait3A_679 : memref<128x32xf32, #tpu.memory_space<vmem>>) dst(%dma_wait3A_685 : memref<409600x32xf32, #tpu.memory_space<hbm>>)
    } else {
    }
    %sub3A_636 = arith.constant 1 : i32
    %sub3A_637 = arith.subi %select_n3A_478, %sub3A_636 : i32
    %sub3A_638 = arith.constant 3 : i32
    %sub3A_639 = arith.subi %sub3A_637, %sub3A_638 : i32
    %max3A_640 = arith.constant 0 : i32
    %max3A_641 = arith.maxsi %sub3A_639, %max3A_640 : i32
    %jit3A_642 = arith.constant 4 : i32
    %div3A_643 = arith.divsi %max3A_641, %jit3A_642 : i32
    %sign3A_644 = arith.constant 0 : i32
    %sign3A_645 = arith.cmpi sgt, %max3A_641, %sign3A_644 : i32
    %sign3A_646 = arith.extui %sign3A_645 : i1 to i32
    %sign3A_647 = arith.constant 0 : i32
    %sign3A_648 = arith.cmpi slt, %max3A_641, %sign3A_647 : i32
    %sign3A_649 = arith.extui %sign3A_648 : i1 to i32
    %sign3A_650 = arith.subi %sign3A_646, %sign3A_649 : i32
    %sign3A_651 = arith.constant 0 : i32
    %sign3A_652 = arith.cmpi sgt, %jit3A_642, %sign3A_651 : i32
    %sign3A_653 = arith.extui %sign3A_652 : i1 to i32
    %sign3A_654 = arith.constant 0 : i32
    %sign3A_655 = arith.cmpi slt, %jit3A_642, %sign3A_654 : i32
    %sign3A_656 = arith.extui %sign3A_655 : i1 to i32
    %sign3A_657 = arith.subi %sign3A_653, %sign3A_656 : i32
    %ne3A_658 = arith.cmpi ne, %sign3A_650, %sign3A_657 : i32
    %rem3A_659 = arith.remsi %max3A_641, %jit3A_642 : i32
    %ne3A_660 = arith.constant 0 : i32
    %ne3A_661 = arith.cmpi ne, %rem3A_659, %ne3A_660 : i32
    %and3A_662 = arith.andi %ne3A_658, %ne3A_661 : i1
    %sub3A_663 = arith.constant 1 : i32
    %sub3A_664 = arith.subi %div3A_643, %sub3A_663 : i32
    %select_n3A_665 = arith.select %and3A_662, %sub3A_664, %div3A_643 : i32
    %mul3A_666 = arith.constant 4 : i32
    %mul3A_667 = arith.muli %select_n3A_665, %mul3A_666 : i32
    %add3A_668 = arith.constant 3 : i32
    %add3A_669 = arith.addi %mul3A_667, %add3A_668 : i32
    %gt3A_670 = arith.constant 3 : i32
    %gt3A_671 = arith.cmpi sgt, %select_n3A_478, %gt3A_670 : i32
    %convert_element_type3A_672 = arith.extui %gt3A_671 : i1 to i32
    %cond3A_673 = arith.constant 0 : i32
    %cond3A_674 = arith.cmpi ne, %convert_element_type3A_672, %cond3A_673 : i32
    scf.if %cond3A_674 {
      %add3A_675 = arith.addi %sub3A_454, %add3A_669 : i32
      %dma_wait3A = arith.constant 3 : i32
      %dma_wait3A_676 = arith.constant 0 : i32
      %dma_wait3A_677 = arith.constant 0 : i32
      %dma_wait3A_678 = tpu.memref_slice %arg9[%dma_wait3A, %dma_wait3A_676, %dma_wait3A_677] : memref<4x128x32xf32, #tpu.memory_space<vmem>> -> memref<1x128x32xf32, #tpu.memory_space<vmem>>
      %dma_wait3A_679 = tpu.memref_squeeze %dma_wait3A_678 : memref<1x128x32xf32, #tpu.memory_space<vmem>> -> memref<128x32xf32, #tpu.memory_space<vmem>>
      %dma_wait3A_680 = arith.constant 0 : i32
      %dma_wait3A_681 = tpu.memref_slice %arg8[%add3A_675, %dma_wait3A_680] : memref<202x128xi32, #tpu.memory_space<vmem>> -> memref<1x128xi32, #tpu.memory_space<vmem>>
      %dma_wait3A_682 = tpu.memref_squeeze %dma_wait3A_681 : memref<1x128xi32, #tpu.memory_space<vmem>> -> memref<128xi32, #tpu.memory_space<vmem>>
      %dma_wait3A_683 = arith.constant 0 : i32
      %dma_wait3A_684 = arith.constant 0 : i32
      %dma_wait3A_685 = tpu.memref_slice %arg5[%dma_wait3A_683, %dma_wait3A_684] : memref<409600x32xf32, #tpu.memory_space<hbm>> -> memref<409600x32xf32, #tpu.memory_space<hbm>>
      tpu.wait_indirect_dma semaphore(%arg17 : memref<!tpu.dma_semaphore, #tpu.memory_space<semaphore_mem>>) src(%dma_wait3A_679 : memref<128x32xf32, #tpu.memory_space<vmem>>) dst(%dma_wait3A_685 : memref<409600x32xf32, #tpu.memory_space<hbm>>)
    } else {
    }
    return
  }
}

</mosaic_0001>

<sc_bundles>
// kernel: kernel.4.cloned.1.call-start
scs
__scs_entry_jumppad:
0x0: {  	(pc) =	sbr.rel $0x88, $3  }
0x1: {  	(tag) =	ssettag $0x0;
	lr =	simm.s32 $0x1  }
0x2: {  	[smem:$0x3F9E] =	sst lr;
	_ =	strace $0xD0000000  }
0x3: {  	_ = 	snop  }
0x4: {  	_ = 	snop  }
0x5: {  	_ = 	snop  }
0x6: {  	_ = 	snop  }
0x7: {  	_ = 	snop  }
__scs_overlays_trampoline_lowered:
0x8: {  	[smem:$0x3FAD] =	sst s0  }
0x9: {  	[smem:$0x3FAE] =	sst s1  }
0xa: {  	[smem:$0x3FAF] =	sst s2  }
0xb: {  	[smem:$0x3FB0] =	sst s3  }
0xc: {  	[smem:$0x3FB1] =	sst s4  }
0xd: {  	[smem:$0x3FB2] =	sst s5  }
0xe: {  	[smem:$0x3FB3] =	sst s6  }
0xf: {  	[smem:$0x3FB4] =	sst s7  }
0x10: {  	[smem:$0x3FB5] =	sst s8  }
0x11: {  	[smem:$0x3FB6] =	sst s9;
	s0 =	simm.s32 @!p0 $0x0  }
0x12: {  	s1 =	sld [smem:$0x3F9C];
	s0 =	simm.s32 @p0 $0x1  }
0x13: {  	[smem:$0x3FB7] =	sst s0;
	s0 =	simm.s32 @!p1 $0x0  }
0x14: {  	s2 =	sld [smem:$0x3F9B];
	s0 =	simm.s32 @p1 $0x1  }
0x15: {  	[smem:$0x3FB8] =	sst s0;
	s0 =	simm.s32 @!p2 $0x0  }
0x16: {  	s3 =	sld [smem:$0x3FDB];
	s0 =	simm.s32 @p2 $0x1  }
0x17: {  	s4 =	simm.s32 $0x1BF5;
	[smem:$0x3FBA] =	sst s0  }
0x18: {  	s0 =	sld [smem:$0x3F9D];
	_ =	swait.ge [sflag:s4], $0x0  }
0x19: {  	s7 =	sld [smem:$0x3F9E]  }
0x1a: {  	s8 =	sadd.s32 $0xFFFFE003, lr  }
0x1b: {  	s9 =	sadd.s32 $0xFFFFFEF7, lr;
	s5 =	simm.s32 $0xFFFFFFFF;
	p2 =	slt.u32 s8, $0xFFFFF086  }
0x1c: {  	p1 =	slt.u32 s9, $0xF7A;
	s5 =	simm.s32 @!p2 $0x0  }
0x1d: {  	s5 =	simm.s32 @p1 $0x1;
	p0 =	seq.s32 s7, s2  }
0x1e: {  	s7 =	smul.u32 @!p0 $0xF7A, s2;
	p2 =	seq.s32 @!p0 s5, $0x0  }
0x1f: {  	s9 =	smul.u32 $0xF7A, s1;
	s8 =	simm.s32 @!p0 $0x1BF5;
	p2 =	por !p2, p0  }
0x20: {  	[sflag:s8] =	ssyncset.s32 @!p0 $0xFFFFF086;
	s6 =	sadd.s32 @!p0 s3, s7;
	s7 =	simm.s32 @!p0 $0x108  }
0x21: {  	s3 =	sadd.s32 s3, s9;
	s6 =	sadd.s32 @!p0 $0x88, s6;
	s7 =	simm.s32 @p2 $0x1082  }
0x22: {  	[simem:s7], [sflag:s8] =	dma.local @!p0 [hbm:s6], $0xF7A  }
0x23: {  	s9 =	sor.u32 $0xD0000000, s2;
	s6 =	simm.s32 $0x108;
	_ =	swait.ge @!p0 [sflag:s8], $0x0  }
0x24: {  	s3 =	sadd.s32 $0x88, s3;
	s6 =	simm.s32 @!p1 $0x1082;
	[sflag:s4] =	ssyncset.s32 $0xFFFFF086  }
0x25: {  	[simem:s6], [sflag:s4] =	dma.local [hbm:s3], $0xF7A  }
0x26: {  	[smem:$0x3F9E] =	sst s1;
	(tag) =	ssettag s2;
	_ =	strace s9  }
0x27: {  	s1 =	sld [smem:$0x3FAE]  }
0x28: {  	s2 =	sld [smem:$0x3FAF]  }
0x29: {  	s4 =	sld [smem:$0x3FB1]  }
0x2a: {  	p0 =	seq.s32 s5, $0x0;
	s5 =	sld [smem:$0x3FB2]  }
0x2b: {  	s6 =	sld [smem:$0x3FB3]  }
0x2c: {  	s7 =	sld [smem:$0x3FB4]  }
0x2d: {  	s3 =	simm.s32 $0x108;
	s8 =	sld [smem:$0x3FB5]  }
0x2e: {  	s3 =	simm.s32 @!p0 $0x1082;
	s9 =	sld [smem:$0x3FB6]  }
0x2f: {  	lr =	sadd.s32 s0, s3;
	s0 =	sld [smem:$0x3FAD]  }
0x30: {  	s3 =	sld [smem:$0x3FB0]  }
0x31: {  	[smem:$0x3FB9] =	sst s10  }
0x32: {  	s10 =	sld [smem:$0x3FB7];
	_ =	sdelay $0x3  }
0x33: {  	p0 =	seq.s32 s10, $0x1;
	s10 =	sld [smem:$0x3FB9];
	_ =	sdelay $0x3  }
0x34: {  	[smem:$0x3FB9] =	sst s10  }
0x35: {  	s10 =	sld [smem:$0x3FB8];
	_ =	sdelay $0x3  }
0x36: {  	p1 =	seq.s32 s10, $0x1;
	s10 =	sld [smem:$0x3FB9];
	_ =	sdelay $0x3  }
0x37: {  	[smem:$0x3FB9] =	sst s10  }
0x38: {  	s10 =	sld [smem:$0x3FBA]  }
0x39: {  	_ = 	snop;
	(pc) =	sbr.ind lr, $3  }
0x3a: {  	_ = 	snop  }
0x3b: {  	_ = 	snop  }
0x3c: {  	p2 =	seq.s32 s10, $0x1;
	s10 =	sld [smem:$0x3FB9]  }
0x3d: {  	_ =	shalt  }
0x3e: {  	_ =	shalt  }
0x3f: {  	_ =	shalt  }
0x40: {  	_ =	shalt  }
0x41: {  	_ =	shalt  }
0x42: {  	_ =	shalt  }
0x43: {  	_ =	shalt  }
0x44: {  	_ =	shalt  }
0x45: {  	_ =	shalt  }
0x46: {  	_ =	shalt  }
0x47: {  	_ =	shalt  }
0x48: {  	_ =	shalt  }
0x49: {  	_ =	shalt  }
0x4a: {  	_ =	shalt  }
0x4b: {  	_ =	shalt  }
0x4c: {  	_ =	shalt  }
0x4d: {  	_ =	shalt  }
0x4e: {  	_ =	shalt  }
0x4f: {  	_ =	shalt  }
0x50: {  	_ =	shalt  }
0x51: {  	_ =	shalt  }
0x52: {  	_ =	shalt  }
0x53: {  	_ =	shalt  }
0x54: {  	_ =	shalt  }
0x55: {  	_ =	shalt  }
0x56: {  	_ =	shalt  }
0x57: {  	_ =	shalt  }
0x58: {  	_ =	shalt  }
0x59: {  	_ =	shalt  }
0x5a: {  	_ =	shalt  }
0x5b: {  	_ =	shalt  }
0x5c: {  	_ =	shalt  }
0x5d: {  	_ =	shalt  }
0x5e: {  	_ =	shalt  }
0x5f: {  	_ =	shalt  }
0x60: {  	_ =	shalt  }
0x61: {  	_ =	shalt  }
0x62: {  	_ =	shalt  }
0x63: {  	_ =	shalt  }
0x64: {  	_ =	shalt  }
0x65: {  	_ =	shalt  }
0x66: {  	_ =	shalt  }
0x67: {  	_ =	shalt  }
0x68: {  	_ =	shalt  }
0x69: {  	_ =	shalt  }
0x6a: {  	_ =	shalt  }
0x6b: {  	_ =	shalt  }
0x6c: {  	_ =	shalt  }
0x6d: {  	_ =	shalt  }
0x6e: {  	_ =	shalt  }
0x6f: {  	_ =	shalt  }
0x70: {  	_ =	shalt  }
0x71: {  	_ =	shalt  }
0x72: {  	_ =	shalt  }
0x73: {  	_ =	shalt  }
0x74: {  	_ =	shalt  }
0x75: {  	_ =	shalt  }
0x76: {  	_ =	shalt  }
0x77: {  	_ =	shalt  }
0x78: {  	_ =	shalt  }
0x79: {  	_ =	shalt  }
0x7a: {  	_ =	shalt  }
0x7b: {  	_ =	shalt  }
0x7c: {  	_ =	shalt  }
0x7d: {  	_ =	shalt  }
0x7e: {  	_ =	shalt  }
0x7f: {  	_ =	shalt  }
0x80: {  	_ =	shalt  }
0x81: {  	_ =	shalt  }
0x82: {  	_ =	shalt  }
0x83: {  	_ =	shalt  }
0x84: {  	_ =	shalt  }
0x85: {  	_ =	shalt  }
0x86: {  	_ =	shalt  }
0x87: {  	_ =	shalt  }
.Lfunc_end0:
.L_simem_size_0:
called_computation.2_lowered:
.L_overlay_start_0:
0x88: {  	s2 =	sld [smem:$0x3FD9]  }
0x89: {  	s3 =	sld [smem:$0x3FFE];
	_ =	sdelay $0x1  }
0x8a: {  	s1 =	srdreg.scid  }
0x8b: {  	s0 =	sand.u32 $0x1, s1  }
0x8c: {  	s17 =	sshll.u32 s0, $0xA;
	s2 =	sadd.s32 s3, s2  }
0x8d: {  	s2 =	sadd.s32 s2, s17  }
0x8e: {  	[smem:$0x3FC5] =	sst s2  }
0x8f: {  	_ = 	snop  }
0x90: {  	s2 =	sld [smem:$0x3FD0];
	(tm) =	ssettm $0x1  }
0x91: {  	s18 =	sld [smem:$0x3FFB];
	_ =	sdelay $0x3  }
0x92: {  	_ =	strace s18  }
0x93: {  	s3 =	sld [smem:$0x3FFC];
	_ =	sdelay $0x3  }
0x94: {  	_ =	strace s3  }
0x95: {  	s3 =	sld [smem:$0x3FFD];
	_ =	sdelay $0x3  }
0x96: {  	_ =	strace s3  }
0x97: {  	_ =	strace $0x8FFFFFFF  }
0x98: {  	s19 =	sld [smem:$0x3FDB];
	_ =	sdelay $0x1  }
0x99: {  	s4 =	simm.s32 $_scs_section_size  }
0x9a: {  	s5 =	simm.s32 $_size__tile_overlayer_lowered;
	s6 =	simm.s32 $_tile_overlayer_lowered  }
0x9b: {  	s22 =	simm.s32 $0x1BFF;
	s21 =	sshll.u32 s6, $0x1;
	s3 =	sadd.s32 s4, s19  }
0x9c: {  	s7 =	simm.s32 $0x0;
	s20 =	sshll.u32 s5, $0x1;
	s5 =	sadd.s32 s21, s3  }
0x9d: {  	[timem:s7], [sflag:s22] =	dma.local [hbm:s5], s20  }
0x9e: {  	_ =	swait.ge [sflag:s22], s20  }
0x9f: {  	s4 =	ssub.s32 $0x0, s20;
	[sflag:s22] =	ssyncset.done $0x0  }
0xa0: {  	[sflag:s22] =	ssyncadd.s32 s4;
	_ =	sdelay $0x1  }
0xa1: {  	s23 =	simm.s32 $0x1B8B  }
0xa2: {  	_ =	swait.ge [sflag:s23], $0x1  }
0xa3: {  	[sflag:s23] =	ssyncset.done $0x0  }
0xa4: {  	s25 =	simm.s32 $0x1B8E;
	s24 =	sld [smem:$0x3FFE];
	[sflag:s23] =	ssyncadd.s32 $0xFFFFFFFF  }
0xa5: {  	s26 =	simm.s32 $execute0_lowered;
	[smem:$0x3FD2] =	sst s25  }
0xa6: {  	s5 =	sshll.u32 s26, $0x1;
	_ =	strace $0x80000046;
	[dreg:$0x1] =	wrdreg $0xFFFFFFFF  }
0xa7: {  	s28 =	simm.s32 $_size_execute0_lowered;
	s3 =	sadd.s32 s3, s5;
	[dreg:$0x0] =	wrdreg $0x0  }
0xa8: {  	s5 =	sshll.u32 s28, $0x1;
	[dreg:$0x2] =	wrdreg s3  }
0xa9: {  	[dreg:$0x3] =	wrdreg s5  }
0xaa: {  	[dreg:$0x4] =	wrdreg $0xC0  }
0xab: {  	_ =	task [dreg:s7], $0x5FFFF  }
0xac: {  	[dreg:$0x1] =	wrdreg $0xFFFFFFFF  }
0xad: {  	[dreg:$0x0] =	wrdreg $0x60  }
0xae: {  	[dreg:$0x2] =	wrdreg s24  }
0xaf: {  	[dreg:$0x3] =	wrdreg s2  }
0xb0: {  	[dreg:$0x4] =	wrdreg $0x9  }
0xb1: {  	_ =	task.clear_ibuf [dreg:s7], $0x5FFFF;
	_ =	strace $0x90000046  }
0xb2: {  	s29 =	simm.s32 $0x9;
	_ =	strace $0x80000048  }
0xb3: {  	_ =	swait.ge [sflag:s29], $0x1  }
0xb4: {  	[sflag:s29] =	ssyncadd.s32 $0xFFFFFFFF  }
0xb5: {  	_ =	strace $0x90000048  }
0xb6: {  	_ =	sfence  }
0xb7: {  	s30 =	sld [smem:$0x0];
	_ =	sdelay $0x2  }
0xb8: {  	s31 =	sshll.u32 s1, $0xD;
	s1 =	sshrl.u32 s1, $0x2  }
0xb9: {  	s3 =	sand.u32 $0x4000, s31;
	s1 =	sadd.s32 s1, s30  }
0xba: {  	s0 =	sor.u32 s3, s0;
	s1 =	sshll.u32 s1, $0x11  }
0xbb: {  	s0 =	sor.u32 s1, s0  }
0xbc: {  	s0 =	sadd.s32 $0x8F2B, s0  }
0xbd: {  	[sflag:s0] =	ssyncadd.remote.s32 $0x1  }
0xbe: {  	_ =	sfence.sel $0xFFFF  }
0xbf: {  	[dreg:$0x0] =	wrdreg $0xFFFFFFFF;
	(pc) =	sbr.abs _section_cstart, $3  }
0xc0: {  	[dreg:$0x1] =	wrdreg $0xFFFFFFFF  }
0xc1: {  	_ =	task.clear_ibuf [dreg:s7], $0x2FFFF;
	_ =	strace $0x9FFFFFFF  }
0xc2: {  	(tm) =	ssettm $0x7FFFFFFF  }
0xc3: {  	_ =	shalt  }
tec
execute0_lowered:
.L_overlay_start_1:
0x0: {  	(tag) =	ssettag $0x1  }
0x1: {  	s5 =	rddreg [dreg:$0x0]  }
0x2: {  	s1 =	srdreg.scid;
	s0 =	stileid.u32  }
0x3: {  	s2 =	rddreg [dreg:$0x1];
	s4 =	sand.u32 $0x1, s1;
	s6 =	sshll.u32 s0, $0x1  }
0x4: {  	s28 =	simm.s32 $0x0;
	s10 =	simm.s32 $0x6400;
	s7 =	sor.u32 s4, s6  }
0x5: {  	s11 =	simm.s32 $0xC900;
	s8 =	ssub.s32 $0x2, s4;
	s6 =	smul.u32 $0xC80, s7  }
.Ltmp0:
0x6: {  	[smem:$0x7FF] =	sst s28;
	s9 =	sshrl.u32 s8, $0x1;
	(pc) =	sbr.rel .LBB2_1-.Ltmp0, $4  }
0x7: {  	_ =	strace $0x80000047;
	s30 =	sshll.u32 s7, $0x7;
	s8 =	ssub.s32 s8, s9  }
0x8: {  	v0 =	vlaneseq.u32;
	[dreg:$0x4] =	wrdreg s30;
	s6 =	sadd.s32 s6, s5;
	s31 =	smax.u32 s8, $0x1  }
0x9: {  	v1 =	vimm.s32 $0x0;
	vm0 =	vmmov $0x7fff;
	s12 =	simm.s32 $0x0;
	v2 =	vshrl.u32 v0, $0x3;
	s29 =	sadd.s32 $0x1000, s6;
	[dreg:$0x5] =	wrdreg s31  }
0xa: {  	vm1 =	vmmov $0x1;
	v3 =	vand.u32 $0x7, v0;
	s4 =	sadd.s32 $0x7BB200, s5;
	v2 =	vmul.u32 $0x8, v2;
	s5 =	sadd.s32 $0x1A000, s5;
	[dreg:$0x3] =	wrdreg s29  }
.LBB2_22:
0xb: {  	_ =	swait.ge @!p5 [sflag:s31], $0x1000  }
0xc: {  	[sflag:s31] =	ssyncset.done @!p5 $0x0  }
0xd: {  	[sflag:s31] =	ssyncadd.s32 @!p5 $0xFFFFF000  }
0xe: {  	[hbm4b:s5+s19] =	stream.indirect.scatter @!p5 [tilespmem:s23], [sflag:$0x7], $0x20, s30, s19, $0xb8;
	[tilespmem:$0x16E00] =	vst v63  }
0xf: {  	_ =	swait.ge @!p0 [sflag:s28], $0x1000  }
0x10: {  	[sflag:s28] =	ssyncset.done @!p0 $0x0  }
0x11: {  	[sflag:s28] =	ssyncadd.s32 @!p0 $0xFFFFF000  }
0x12: {  	[hbm4b:s5+s21] =	stream.indirect.scatter @!p0 [tilespmem:s22], [sflag:$0x8], $0x20, s25, s21, $0xb8;
	[tilespmem:$0x16E00] =	vst v63  }
.LBB2_23:
0x13: {  	p0 =	slt.s32 s15, $0x1  }
0x14: {  	s0 =	simm.s32 @!p0 $0x5;
	p1 =	seq.s32 @!p0 s13, $0x80  }
0x15: {  	_ =	swait.ge @!p0 [sflag:s0], $0x1000;
	p2 =	por p1, p0  }
0x16: {  	[sflag:s0] =	ssyncset.done @!p0 $0x0;
	p3 =	slt.u32 @!p2 s15, $0x3  }
0x17: {  	[sflag:s0] =	ssyncadd.s32 @!p0 $0xFFFFF000;
	s0 =	simm.s32 @!p2 $0x6;
	p4 =	por @!p0 p3, p1  }
0x18: {  	_ =	swait.ge @!p2 [sflag:s0], $0x1000;
	p4 =	por p4, p0  }
0x19: {  	[sflag:s0] =	ssyncset.done @!p2 $0x0;
	p5 =	seq.s32 @!p4 s13, $0x180  }
0x1a: {  	p3 =	por @!p2 p5, p3;
	[sflag:s0] =	ssyncadd.s32 @!p2 $0xFFFFF000;
	s0 =	simm.s32 @!p4 $0x7  }
0x1b: {  	_ =	swait.ge @!p4 [sflag:s0], $0x1000;
	p1 =	por @!p0 p3, p1  }
0x1c: {  	[sflag:s0] =	ssyncset.done @!p4 $0x0;
	p0 =	por p1, p0  }
0x1d: {  	[sflag:s0] =	ssyncadd.s32 @!p4 $0xFFFFF000;
	s0 =	simm.s32 @!p0 $0x8  }
0x1e: {  	_ =	swait.ge @!p0 [sflag:s0], $0x1000  }
0x1f: {  	s12 =	sadd.s32 $0x1, s12;
	s1 =	rddreg [dreg:$0x5]  }
0x20: {  	p1 =	sne.s32 s12, s1  }
.Ltmp1:
0x21: {  	_ = 	snop;
	(pc) =	sbr.rel @!p1 .LBB2_24-.Ltmp1, $3  }
0x22: {  	_ =	sdelay $0x1  }
0x23: {  	[sflag:s0] =	ssyncset.done @!p0 $0x0  }
0x24: {  	[sflag:s0] =	ssyncadd.s32 @!p0 $0xFFFFF000  }
.LBB2_1:
0x25: {  	s0 =	simm.s32 $0x0;
	s1 =	rddreg [dreg:$0x3];
	s29 =	simm.s32 $0x9  }
0x26: {  	[tilespmem:s0], [sflag:$0x9] =	stream.linear.gather [hbm4b:s1+s0], $0x6400, $0x38;
	[tilespmem:$0x16E00] =	vst v63  }
0x27: {  	_ =	swait.ge [sflag:s29], $0x6400  }
0x28: {  	[sflag:s29] =	ssyncset.done $0x0  }
0x29: {  	s13 =	simm.s32 $0x0;
	[sflag:s29] =	ssyncadd.s32 $0xFFFF9C00  }
0x2a: {  	v4 =	vld [tilespmem:s13+$0x0]  }
0x2b: {  	v5 =	vadd.s32 s0, v0  }
0x2c: {  	vm2 =	vgt.s32 v5, $0xC7  }
0x2d: {  	v6 =	vsel vm2, $0xFFFFFF38, v1  }
0x2e: {  	v5 =	vadd.s32 v5, v6  }
0x2f: {  	vm3 =	vlt.u32 v5, $0x64;
	vm4 =	vlt.s32 v4, $0x7A120  }
0x30: {  	vm4 =	vmand vm3, vm4  }
0x31: {  	vm5 =	vgt.s32 v4, $0x7A11F;
	v6 =	vsel vm4, $0x1, v1  }
0x32: {  	vm3 =	vmand vm3, vm5;
	(xrf0) =	vadd.scan.msk.s32 $0xffff, v6  }
0x33: {  	v6 =	vsel vm3, $0x1, v1  }
0x34: {  	(xrf0) =	vadd.scan.msk.s32 $0xffff, v6;
	_ =	sdelay $0x3  }
0x35: {  	v6, _, _ =	vpop (xrf0)  }
0x36: {  	v6 =	vadd.s32 v6, v1  }
0x37: {  	v7, _, _ =	vpop (xrf0);
	v6 =	vadd.s32 $0xFFFFFFFF, v6  }
0x38: {  	v7 =	vadd.s32 v7, v1  }
0x39: {  	v8 =	vsub.s32 $0x6500, v7  }
0x3a: {  	s30 =	rddreg [dreg:$0x4];
	v7 =	vsel vm2, $0x1, v1  }
0x3b: {  	v5 =	vshll.u32 v5, $0xC;
	v7 =	vadd.s32 s30, v7  }
0x3c: {  	v5 =	vadd.s32 v5, v7;
	[tilespmem:v6+s10+$0x0] =	vst.idx.msk vm4, v4  }
0x3d: {  	v4 =	vadd.s32 $0xFFF85EE0, v4;
	[tilespmem:v6+s11+$0x0] =	vst.idx.msk vm4, v5  }
0x3e: {  	p0 =	por $0x0, $0x0;
	s13 =	simm.s32 $0xFFFFFF38;
	[tilespmem:v8+s10+$0x0] =	vst.idx.msk vm3, v4  }
0x3f: {  	s31 =	simm.s32 $0x10;
	s13 =	simm.s32 @!p0 $0x0;
	v9 =	vmpcnt.ones.xlane vm3;
	v7 =	vmpcnt.ones.xlane vm4;
	[tilespmem:v8+s11+$0x0] =	vst.idx.msk vm3, v5  }
0x40: {  	s16 =	sadd.s32 $0x10, s13;
	v5 =	vld [tilespmem:s31+$0x0]  }
0x41: {  	s14 =	simm.s32 $0x1;
	v7 =	vadd.s32 v1, v7;
	v4 =	vadd.s32 v1, v9;
	v9 =	vadd.s32 s16, v0  }
0x42: {  	s15 =	simm.s32 $0x80;
	s14 =	simm.s32 @!p0 $0x0;
	s13 =	smov.u32 s30;
	vm2 =	vgt.s32 v9, $0xC7;
	v8 =	vmov v7;
	v6 =	vmov v4  }
.LBB2_2:
0x43: {  	p0 =	sne.s32 s15, $0x18FC0;
	v10 =	vsel vm2, $0xFFFFFF38, v1  }
0x44: {  	v9 =	vadd.s32 v9, v10  }
0x45: {  	vm3 =	vlt.u32 v9, $0x64;
	vm4 =	vlt.s32 v5, $0x7A120  }
0x46: {  	vm4 =	vmand vm3, vm4  }
0x47: {  	vm5 =	vgt.s32 v5, $0x7A11F;
	v10 =	vsel vm4, $0x1, v1;
	v11 =	vmpcnt.ones.xlane vm4  }
0x48: {  	vm3 =	vmand vm3, vm5;
	(xrf0) =	vadd.scan.msk.s32 $0xffff, v10  }
0x49: {  	v12 =	vmpcnt.ones.xlane vm3;
	v10 =	vsel vm3, $0x1, v1;
	v7 =	vadd.s32 v7, v11  }
0x4a: {  	(xrf0) =	vadd.scan.msk.s32 $0xffff, v10  }
0x4b: {  	v4 =	vadd.s32 v4, v12;
	_ =	sdelay $0x2  }
0x4c: {  	v10, _, _ =	vpop (xrf0)  }
0x4d: {  	v10 =	vadd.s32 v10, v8;
	v8 =	vmov v7  }
0x4e: {  	v10 =	vadd.s32 $0xFFFFFFFF, v10;
	v11, _, _ =	vpop (xrf0)  }
0x4f: {  	v11 =	vadd.s32 v11, v6;
	v6 =	vmov v4  }
0x50: {  	v11 =	vsub.s32 $0x6500, v11  }
0x51: {  	s13 =	sadd.s32 s14, s13;
	v12 =	vsel vm2, $0x1, v1  }
0x52: {  	v9 =	vshll.u32 v9, $0xC;
	v12 =	vadd.s32 s13, v12  }
0x53: {  	s16 =	sadd.s32 $0x10, s16;
	v9 =	vadd.s32 v9, v12;
	[tilespmem:v10+s10+$0x0] =	vst.idx.msk vm4, v5  }
0x54: {  	s14 =	simm.s32 $0x1;
	s17 =	simm.s32 $0xFFFFFF38;
	p1 =	sgt.s32 s16, $0xC7;
	v5 =	vadd.s32 $0xFFF85EE0, v5;
	[tilespmem:v10+s11+$0x0] =	vst.idx.msk vm4, v9  }
.Ltmp2:
0x55: {  	s14 =	simm.s32 @!p1 $0x0;
	s17 =	simm.s32 @!p1 $0x0;
	[tilespmem:v11+s10+$0x0] =	vst.idx.msk vm3, v5;
	(pc) =	sbr.rel @p0 .LBB2_2-.Ltmp2, $4  }
0x56: {  	s18 =	sshra.s32 s15, $0x2;
	s16 =	sadd.s32 s16, s17;
	[tilespmem:v11+s11+$0x0] =	vst.idx.msk vm3, v9  }
0x57: {  	v5 =	vld [tilespmem:s18+$0x0]  }
0x58: {  	v9 =	vadd.s32 s16, v0  }
0x59: {  	s15 =	sadd.s32 $0x40, s15;
	vm2 =	vgt.s32 v9, $0xC7  }
0x5a: {  	v10 =	vsel vm2, $0xFFFFFF38, v1  }
0x5b: {  	v9 =	vadd.s32 v9, v10  }
0x5c: {  	vm3 =	vlt.u32 v9, $0x64;
	vm4 =	vlt.s32 v5, $0x7A120  }
0x5d: {  	vm4 =	vmand vm3, vm4  }
0x5e: {  	vm5 =	vgt.s32 v5, $0x7A11F;
	v58 =	vmpcnt.ones.xlane vm4  }
0x5f: {  	vm3 =	vmand vm3, vm5;
	v11 =	vsel vm4, $0x1, v1  }
0x60: {  	v59 =	vsel vm3, $0x1, v1;
	(xrf0) =	vadd.scan.msk.s32 $0xffff, v11;
	v7 =	vadd.s32 v7, v58  }
0x61: {  	(xrf0) =	vadd.scan.msk.s32 $0xffff, v59;
	v7 =	vxor.u32 $0x80000000, v7  }
0x62: {  	(xrf0) =	vmax.scan.msk.u32 $0xffff, v7;
	_ =	sdelay $0x3  }
0x63: {  	v7, _, _ =	vpop (xrf0)  }
0x64: {  	v60, _, _ =	vpop (xrf0)  }
0x65: {  	v61, _, _ =	vpop (xrf0)  }
0x66: {  	(v2sf) =	vpush v61, $0xF;
	_ =	sdelay $0xa  }
0x67: {  	v62 =	vmpcnt.ones.xlane vm3;
	_ =	sdelay $0x1  }
0x68: {  	v4 =	vadd.s32 v4, v62  }
0x69: {  	v4 =	vxor.u32 $0x80000000, v4;
	v7 =	vadd.s32 v7, v8  }
0x6a: {  	(xrf0) =	vmax.scan.msk.u32 $0xffff, v4;
	v7 =	vadd.s32 $0xFFFFFFFF, v7;
	s26 =	spop (v2sf)  }
0x6b: {  	v4 =	vadd.s32 v60, v6;
	s28 =	sadd.s32 $0x8000007F, s26  }
0x6c: {  	s13 =	sadd.s32 s14, s13;
	v4 =	vsub.s32 $0x6500, v4;
	s15 =	sand.u32 $0x7F, s28  }
0x6d: {  	v6 =	vsel vm2, $0x1, v1;
	s16 =	sshra.s32 s28, $0x1F;
	p0 =	slt.s32 s28, $0x1;
	p1 =	sne.s32 s15, $0x0  }
0x6e: {  	v63 =	vshll.u32 v9, $0xC;
	v6 =	vadd.s32 s13, v6;
	s29 =	sshrl.u32 s16, $0x19;
	p0 =	por !p0, !p1  }
0x6f: {  	v6 =	vadd.s32 v63, v6;
	[tilespmem:v7+s10+$0x0] =	vst.idx.msk vm4, v5;
	s15 =	simm.s32 $0x1;
	s14 =	sadd.s32 s29, s28;
	p0 =	por !p0, !p0  }
0x70: {  	v5 =	vadd.s32 $0xFFF85EE0, v5;
	[tilespmem:v7+s11+$0x0] =	vst.idx.msk vm4, v6;
	v7, _, _ =	vpop (xrf0);
	s14 =	sshrl.u32 s14, $0x7;
	s15 =	simm.s32 @!p0 $0x0  }
0x71: {  	[tilespmem:v4+s10+$0x0] =	vst.idx.msk vm3, v5;
	(v2sf) =	vpush v7, $0xF;
	s14 =	ssub.s32 s14, s15  }
0x72: {  	[tilespmem:v4+s11+$0x0] =	vst.idx.msk vm3, v6;
	s15 =	sxor.u32 $0x80000000, s26;
	s14 =	sshll.u32 s14, $0x7  }
0x73: {  	v4 =	vld [tilespmem:$0xC8F0];
	s13 =	ssub.s32 s14, s15  }
0x74: {  	v5 =	vld [tilespmem:$0x12DF0];
	s13 =	sadd.s32 $0xF, s13  }
0x75: {  	s30 =	sand.u32 $0xF, s13  }
0x76: {  	s17 =	sshra.s32 s13, $0x1F;
	p5 =	slt.s32 s13, $0x1;
	p6 =	sne.s32 s30, $0x0  }
0x77: {  	s31 =	sshrl.u32 s17, $0x1C;
	p0 =	por !p5, !p6  }
0x78: {  	v4 =	vsel vm0, $0x0, v4;
	s16 =	simm.s32 $0x1;
	s13 =	sadd.s32 s31, s13;
	p0 =	por !p0, !p0  }
0x79: {  	(xrf0) =	vadd.scan.msk.s32 $0xffff, v4;
	v4 =	vsel vm0, $0x0, v5;
	s13 =	sshra.s32 s13, $0x4;
	s16 =	simm.s32 @!p0 $0x0  }
0x7a: {  	(xrf0) =	vadd.scan.msk.s32 $0xffff, v4;
	s16 =	ssub.s32 s13, s16  }
0x7b: {  	p0 =	slt.s32 s16, $0x1  }
.Ltmp3:
0x7c: {  	_ = 	snop;
	(pc) =	sbr.rel @p0 .LBB2_7-.Ltmp3, $3  }
0x7d: {  	_ =	sdelay $0x1  }
0x7e: {  	v5, _, _ =	vpop (xrf0)  }
0x7f: {  	v4, _, _ =	vpop (xrf0);
	s13 =	spop (v2sf)  }
0x80: {  	v6 =	vld [tilespmem:$0xC900]  }
0x81: {  	v7 =	vld [tilespmem:$0x6400];
	_ =	sdelay $0x3  }
0x82: {  	v6 =	vnsel vm1, $0x0, v6  }
0x83: {  	(xrf0) =	vadd.scan.msk.s32 $0xffff, v6;
	v6 =	vnsel vm1, $0x0, v7  }
0x84: {  	(xrf0) =	vadd.scan.msk.s32 $0xffff, v6;
	_ =	sdelay $0x1  }
0x85: {  	p0 =	sne.s32 s16, $0x1;
	v7 =	vmov s14;
	v6 =	vadd.s32 s15, v0  }
.Ltmp4:
0x86: {  	vm2 =	vlt.s32 v6, v7;
	(pc) =	sbr.rel @!p0 .LBB2_6-.Ltmp4, $4  }
0x87: {  	vm3 =	vmmov vm2  }
0x88: {  	v9, _, _ =	vpop (xrf0)  }
0x89: {  	v8, _, _ =	vpop (xrf0)  }
0x8a: {  	s16 =	sadd.s32 $0xFFFFFFFF, s16;
	s15 =	sadd.s32 $0x10, s15;
	v9 =	vbroadcast v9, $0xF;
	v8 =	vbroadcast v8, $0xF  }
.LBB2_5:
0x8b: {  	v10 =	vadd.s32 s15, v0;
	p0 =	sne.s32 s16, $0x1  }
.Ltmp5:
0x8c: {  	s16 =	sadd.s32 $0xFFFFFFFF, s16;
	[tilespmem:v6+s10+$0x0] =	vst.idx.msk vm2, v8;
	vm2 =	vlt.s32 v10, v7;
	(pc) =	sbr.rel @p0 .LBB2_5-.Ltmp5, $2  }
0x8d: {  	[tilespmem:v6+s11+$0x0] =	vst.idx.msk vm3, v9;
	v6 =	vmov v10;
	vm3 =	vmmov vm2;
	_ =	sdelay $0x2  }
0x8e: {  	s15 =	sadd.s32 $0x10, s15  }
.LBB2_6:
0x8f: {  	_ =	sdelay $0x4  }
0x90: {  	[tilespmem:v6+s10+$0x0] =	vst.idx.msk vm2, v8  }
0x91: {  	[tilespmem:v6+s11+$0x0] =	vst.idx.msk vm3, v9  }
.LBB2_7:
0x92: {  	s15 =	sadd.s32 $0x8000007F, s13  }
0x93: {  	s16 =	sand.u32 $0x7F, s15  }
0x94: {  	s17 =	sshra.s32 s15, $0x1F;
	p0 =	slt.s32 s15, $0x1;
	p1 =	sne.s32 s16, $0x0  }
0x95: {  	s29 =	sshrl.u32 s17, $0x19;
	p0 =	por !p0, !p1  }
0x96: {  	s16 =	simm.s32 $0x1;
	s15 =	sadd.s32 s29, s15;
	p0 =	por !p0, !p0  }
0x97: {  	s15 =	sshrl.u32 s15, $0x7;
	s16 =	simm.s32 @!p0 $0x0  }
0x98: {  	s16 =	ssub.s32 s15, s16  }
0x99: {  	s15 =	sxor.u32 $0x80000000, s13;
	s13 =	sshll.u32 s16, $0x7  }
0x9a: {  	s16 =	ssub.s32 s13, s15  }
0x9b: {  	s16 =	sadd.s32 $0xF, s16  }
0x9c: {  	s30 =	sand.u32 $0xF, s16  }
0x9d: {  	s31 =	sshra.s32 s16, $0x1F;
	p6 =	slt.s32 s16, $0x1;
	p5 =	sne.s32 s30, $0x0  }
0x9e: {  	s17 =	sshrl.u32 s31, $0x1C;
	p0 =	por !p6, !p5  }
0x9f: {  	s16 =	sadd.s32 s17, s16;
	s17 =	simm.s32 $0x1;
	p0 =	por !p0, !p0  }
0xa0: {  	s16 =	sshra.s32 s16, $0x4;
	s17 =	simm.s32 @!p0 $0x0  }
0xa1: {  	s16 =	ssub.s32 s16, s17  }
0xa2: {  	p0 =	slt.s32 s16, $0x1  }
.Ltmp6:
0xa3: {  	_ = 	snop;
	(pc) =	sbr.rel @p0 .LBB2_11-.Ltmp6, $1  }
0xa4: {  	_ =	sdelay $0x3  }
0xa5: {  	s17 =	ssub.s32 $0x6500, s13  }
0xa6: {  	s15 =	ssub.s32 $0x6500, s15;
	p0 =	sne.s32 s16, $0x1;
	v7 =	vmov s17  }
.Ltmp7:
0xa7: {  	v6 =	vmov s15;
	v8 =	vor.u32 s17, v0;
	v7 =	vand.u32 $0xFFFFFFF8, v7;
	(pc) =	sbr.rel @!p0 .LBB2_10-.Ltmp7, $3  }
0xa8: {  	vm2 =	vlt.s32 v8, v6;
	v7 =	vor.u32 v2, v7  }
0xa9: {  	vm3 =	vmmov vm2;
	v7 =	vor.u32 v3, v7;
	_ =	sdelay $0x1  }
0xaa: {  	v5 =	vbroadcast v5, $0xF;
	v4 =	vbroadcast v4, $0xF;
	s15 =	sadd.s32 $0xFFFFFFFF, s16;
	s16 =	sadd.s32 $0x10, s17  }
.LBB2_9:
0xab: {  	v8 =	vmov s16;
	p0 =	sne.s32 s15, $0x1  }
.Ltmp8:
0xac: {  	v9 =	vor.u32 s16, v0;
	s15 =	sadd.s32 $0xFFFFFFFF, s15;
	v8 =	vand.u32 $0xFFFFFFF8, v8;
	(pc) =	sbr.rel @p0 .LBB2_9-.Ltmp8, $3  }
0xad: {  	v8 =	vor.u32 v2, v8;
	[tilespmem:v7+s10+$0x0] =	vst.idx.msk vm2, v5;
	vm2 =	vlt.s32 v9, v6  }
0xae: {  	[tilespmem:v7+s11+$0x0] =	vst.idx.msk vm3, v4;
	v7 =	vor.u32 v3, v8;
	vm3 =	vmmov vm2;
	_ =	sdelay $0x1  }
0xaf: {  	s16 =	sadd.s32 $0x10, s16  }
.LBB2_10:
0xb0: {  	_ =	sdelay $0x4  }
0xb1: {  	[tilespmem:v7+s10+$0x0] =	vst.idx.msk vm2, v5  }
0xb2: {  	[tilespmem:v7+s11+$0x0] =	vst.idx.msk vm3, v4  }
.LBB2_11:
0xb3: {  	s15 =	sshra.s32 s14, $0x7  }
0xb4: {  	s16 =	sadd.s32 $0x3, s15  }
0xb5: {  	s17 =	sand.u32 $0x3, s16  }
0xb6: {  	p0 =	slt.s32 s15, $0xFFFFFFFE;
	p1 =	sne.s32 s17, $0x0  }
0xb7: {  	s31 =	sshrl.u32 s16, $0x1E;
	p0 =	por !p0, !p1  }
0xb8: {  	s16 =	sadd.s32 s31, s16;
	s17 =	simm.s32 $0x1;
	p0 =	por !p0, !p0  }
0xb9: {  	s16 =	sshra.s32 s16, $0x2;
	s17 =	simm.s32 @!p0 $0x0  }
0xba: {  	s17 =	ssub.s32 s16, s17  }
0xbb: {  	p0 =	slt.s32 s17, $0x1  }
.Ltmp9:
0xbc: {  	_ = 	snop;
	(pc) =	sbr.rel @p0 .LBB2_19-.Ltmp9, $2  }
0xbd: {  	_ =	sdelay $0x2  }
0xbe: {  	s16 =	simm.s32 $0x0  }
0xbf: {  	s18 =	sadd.s32 $0xFFFFFFFF, s17  }
0xc0: {  	p1 =	sne.s32 s18, $0x0  }
.Ltmp10:
0xc1: {  	_ = 	snop;
	(pc) =	sbr.rel @!p1 .LBB2_13-.Ltmp10, $3  }
0xc2: {  	_ =	sdelay $0x1  }
0xc3: {  	p0 =	seq.s32 s16, $0x0;
	s19 =	sadd.s32 $0x2, s16;
	s17 =	sadd.s32 $0x3, s16  }
0xc4: {  	p5 =	por $0x0, $0x0;
	p3 =	sge.s32 @!p0 s16, s15;
	p6 =	sge.s32 @!p0 s17, s15  }
0xc5: {  	p2 =	sge.s32 @!p0 s19, s15  }
0xc6: {  	p1 =	por p3, p0;
	p3 =	sge.s32 s16, s15;
	s20 =	sadd.s32 $0x1, s16  }
0xc7: {  	s26 =	sshra.s32 @!p3 s16, $0x2;
	s28 =	simm.s32 @!p3 $0x80;
	s21 =	simm.s32 @!p1 $0x5  }
0xc8: {  	p4 =	sge.s32 @!p0 s20, s15;
	s29 =	simm.s32 @!p3 $0x12E00;
	s3 =	simm.s32 @!p3 $0x1  }
0xc9: {  	s22 =	sadd.s32 @!p3 $0x6400, s26;
	_ =	swait.ge @!p1 [sflag:s21], $0x1000;
	p5 =	por p4, p0  }
0xca: {  	p4 =	por p2, p0;
	p2 =	sge.s32 s19, s15;
	[sflag:s21] =	ssyncset.done @!p1 $0x0  }
0xcb: {  	p0 =	por p6, p0;
	s23 =	simm.s32 @!p5 $0x6;
	[sflag:s21] =	ssyncadd.s32 @!p1 $0xFFFFF000  }
0xcc: {  	[tilespmem:s29], [sflag:$0x1] =	stream.indirect.gather @!p3 [hbm4b:s2+s28], $0x20, s22, s28, $0xb8;
	[tilespmem:$0x16E00] =	vst v63  }
0xcd: {  	p1 =	sge.s32 s20, s15;
	s20 =	simm.s32 @!p4 $0x7;
	_ =	swait.ge @!p5 [sflag:s23], $0x1000  }
0xce: {  	s30 =	sshra.s32 @!p1 s16, $0x2;
	s31 =	simm.s32 @!p1 $0x80;
	[sflag:s23] =	ssyncset.done @!p5 $0x0  }
0xcf: {  	s1 =	simm.s32 @!p1 $0x13E00;
	s21 =	sadd.s32 @!p1 $0x6480, s30;
	[sflag:s23] =	ssyncadd.s32 @!p5 $0xFFFFF000  }
0xd0: {  	[tilespmem:s1], [sflag:$0x2] =	stream.indirect.gather @!p1 [hbm4b:s2+s31], $0x20, s21, s31, $0xb8;
	[tilespmem:$0x16E00] =	vst v63  }
0xd1: {  	s19 =	simm.s32 @!p0 $0x8;
	s0 =	sshra.s32 @!p2 s16, $0x2;
	_ =	swait.ge @!p4 [sflag:s20], $0x1000  }
0xd2: {  	s22 =	simm.s32 @!p2 $0x80;
	s21 =	simm.s32 @!p2 $0x14E00;
	[sflag:s20] =	ssyncset.done @!p4 $0x0  }
0xd3: {  	[sflag:s20] =	ssyncadd.s32 @!p4 $0xFFFFF000;
	p4 =	sge.s32 s17, s15;
	s17 =	sadd.s32 @!p2 $0x6500, s0  }
0xd4: {  	[tilespmem:s21], [sflag:$0x3] =	stream.indirect.gather @!p2 [hbm4b:s2+s22], $0x20, s17, s22, $0xb8;
	[tilespmem:$0x16E00] =	vst v63  }
0xd5: {  	s6 =	simm.s32 @!p1 $0x2;
	s30 =	sadd.s32 @!p1 $0xC980, s30;
	_ =	swait.ge @!p0 [sflag:s19], $0x1000  }
0xd6: {  	s23 =	sshra.s32 @!p4 s16, $0x2;
	s24 =	simm.s32 @!p4 $0x80;
	[sflag:s19] =	ssyncset.done @!p0 $0x0  }
0xd7: {  	s25 =	simm.s32 @!p4 $0x15E00;
	s17 =	sadd.s32 @!p4 $0x6580, s23;
	[sflag:s19] =	ssyncadd.s32 @!p0 $0xFFFFF000  }
0xd8: {  	[tilespmem:s25], [sflag:$0x4] =	stream.indirect.gather @!p4 [hbm4b:s2+s24], $0x20, s17, s24, $0xb8;
	[tilespmem:$0x16E00] =	vst v63  }
0xd9: {  	s20 =	sadd.s32 $0xFFFFFFFF, s18;
	s18 =	sadd.s32 $0x800, s16;
	_ =	swait.ge @!p3 [sflag:s3], $0x1000  }
0xda: {  	p5 =	sne.s32 s20, $0x0;
	s16 =	sadd.s32 $0x4, s16;
	[sflag:s3] =	ssyncset.done @!p3 $0x0  }
0xdb: {  	p0 =	seq.s32 s16, $0x0;
	s17 =	sadd.s32 @!p3 $0xC900, s26;
	[sflag:s3] =	ssyncadd.s32 @!p3 $0xFFFFF000  }
0xdc: {  	[hbm4b:s5+s28] =	stream.indirect.scatter @!p3 [tilespmem:s29], [sflag:$0x5], $0x20, s17, s28, $0xb8;
	[tilespmem:$0x16E00] =	vst v63  }
.Ltmp11:
0xdd: {  	s19 =	sadd.s32 $0x2, s16;
	_ =	swait.ge @!p1 [sflag:s6], $0x1000;
	(pc) =	sbr.rel @!p5 .LBB2_15-.Ltmp11, $4  }
0xde: {  	s26 =	simm.s32 @!p4 $0x4;
	s28 =	simm.s32 @!p2 $0x3;
	[sflag:s6] =	ssyncset.done @!p1 $0x0  }
0xdf: {  	s17 =	sadd.s32 $0x3, s16;
	s29 =	sadd.s32 @!p2 $0xCA00, s0;
	[sflag:s6] =	ssyncadd.s32 @!p1 $0xFFFFF000  }
0xe0: {  	[hbm4b:s5+s31] =	stream.indirect.scatter @!p1 [tilespmem:s1], [sflag:$0x6], $0x20, s30, s31, $0xb8;
	[tilespmem:$0x16E00] =	vst v63  }
0xe1: {  	p3 =	sge.s32 @!p0 s16, s15;
	p6 =	sge.s32 @!p0 s17, s15;
	_ =	swait.ge @!p2 [sflag:s28], $0x1000  }
.LBB2_16:
0xe2: {  	s0 =	simm.s32 @!p6 $0x0;
	s20 =	sadd.s32 $0xFFFFFFFF, s20  }
0xe3: {  	[sflag:s28] =	ssyncset.done @!p2 $0x0;
	s0 =	simm.s32 @p6 $0x1;
	p5 =	sne.s32 s20, $0x0  }
0xe4: {  	[sflag:s28] =	ssyncadd.s32 @!p2 $0xFFFFF000;
	[smem:$0x7FC] =	sst s0;
	s0 =	simm.s32 @!p5 $0x0  }
0xe5: {  	[hbm4b:s5+s22] =	stream.indirect.scatter @!p2 [tilespmem:s21], [sflag:$0x7], $0x20, s29, s22, $0xb8;
	[tilespmem:$0x16E00] =	vst v63  }
0xe6: {  	p1 =	sge.s32 @!p0 s19, s15;
	s0 =	simm.s32 @p5 $0x1  }
0xe7: {  	p3 =	por p3, p0;
	s3 =	sadd.s32 @!p4 $0xCA80, s23;
	[smem:$0x7FD] =	sst s0  }
0xe8: {  	p6 =	sge.s32 s16, s15;
	s6 =	simm.s32 @!p3 $0x5;
	_ =	swait.ge @!p4 [sflag:s26], $0x1000  }
0xe9: {  	p1 =	por p1, p0;
	s1 =	sshra.s32 @!p6 s18, $0x2;
	[sflag:s26] =	ssyncset.done @!p4 $0x0  }
0xea: {  	s28 =	simm.s32 @!p6 $0x80;
	s0 =	sadd.s32 $0x1, s16;
	[sflag:s26] =	ssyncadd.s32 @!p4 $0xFFFFF000  }
0xeb: {  	[hbm4b:s5+s24] =	stream.indirect.scatter @!p4 [tilespmem:s25], [sflag:$0x8], $0x20, s3, s24, $0xb8;
	[tilespmem:$0x16E00] =	vst v63  }
0xec: {  	s29 =	simm.s32 @!p6 $0x12E00;
	p2 =	sge.s32 @!p0 s0, s15;
	_ =	swait.ge @!p3 [sflag:s6], $0x1000  }
0xed: {  	s21 =	sadd.s32 @!p6 $0x6400, s1;
	p5 =	por p2, p0;
	[sflag:s6] =	ssyncset.done @!p3 $0x0  }
0xee: {  	p2 =	sge.s32 s19, s15;
	s3 =	simm.s32 @!p5 $0x6;
	[sflag:s6] =	ssyncadd.s32 @!p3 $0xFFFFF000  }
0xef: {  	[tilespmem:s29], [sflag:$0x1] =	stream.indirect.gather @!p6 [hbm4b:s2+s28], $0x20, s21, s28, $0xb8;
	[tilespmem:$0x16E00] =	vst v63  }
0xf0: {  	p3 =	sge.s32 s0, s15;
	s6 =	simm.s32 @!p1 $0x7;
	_ =	swait.ge @!p5 [sflag:s3], $0x1000  }
0xf1: {  	s0 =	sshra.s32 @!p3 s18, $0x2;
	s30 =	simm.s32 @!p3 $0x80;
	[sflag:s3] =	ssyncset.done @!p5 $0x0  }
0xf2: {  	s19 =	sadd.s32 @!p3 $0x6480, s0;
	[sflag:s3] =	ssyncadd.s32 @!p5 $0xFFFFF000;
	s3 =	simm.s32 @!p3 $0x13E00  }
0xf3: {  	[tilespmem:s3], [sflag:$0x2] =	stream.indirect.gather @!p3 [hbm4b:s2+s30], $0x20, s19, s30, $0xb8;
	[tilespmem:$0x16E00] =	vst v63  }
0xf4: {  	_ =	swait.ge @!p1 [sflag:s6], $0x1000  }
0xf5: {  	s7 =	sld [smem:$0x7FC]  }
0xf6: {  	s22 =	simm.s32 @!p2 $0x80;
	[sflag:s6] =	ssyncset.done @!p1 $0x0  }
0xf7: {  	p4 =	sge.s32 s17, s15;
	[sflag:s6] =	ssyncadd.s32 @!p1 $0xFFFFF000;
	s6 =	sshra.s32 @!p2 s18, $0x2  }
0xf8: {  	s21 =	simm.s32 @!p2 $0x14E00;
	s17 =	sadd.s32 @!p2 $0x6500, s6;
	p5 =	seq.s32 s7, $0x1  }
0xf9: {  	[tilespmem:s21], [sflag:$0x3] =	stream.indirect.gather @!p2 [hbm4b:s2+s22], $0x20, s17, s22, $0xb8;
	[tilespmem:$0x16E00] =	vst v63  }
0xfa: {  	p0 =	por p5, p0  }
0xfb: {  	s19 =	simm.s32 @!p0 $0x8  }
0xfc: {  	s31 =	simm.s32 @!p6 $0x1;
	_ =	swait.ge @!p0 [sflag:s19], $0x1000  }
0xfd: {  	s23 =	sshra.s32 @!p4 s18, $0x2;
	s24 =	simm.s32 @!p4 $0x80;
	[sflag:s19] =	ssyncset.done @!p0 $0x0  }
0xfe: {  	s25 =	simm.s32 @!p4 $0x15E00;
	s17 =	sadd.s32 @!p4 $0x6580, s23;
	[sflag:s19] =	ssyncadd.s32 @!p0 $0xFFFFF000  }
0xff: {  	[tilespmem:s25], [sflag:$0x4] =	stream.indirect.gather @!p4 [hbm4b:s2+s24], $0x20, s17, s24, $0xb8;
	[tilespmem:$0x16E00] =	vst v63  }
0x100: {  	_ =	swait.ge @!p6 [sflag:s31], $0x1000  }
0x101: {  	[sflag:s31] =	ssyncset.done @!p6 $0x0  }
0x102: {  	s1 =	sadd.s32 @!p6 $0xC900, s1;
	s8 =	simm.s32 @!p3 $0x2;
	[sflag:s31] =	ssyncadd.s32 @!p6 $0xFFFFF000  }
0x103: {  	[hbm4b:s5+s28] =	stream.indirect.scatter @!p6 [tilespmem:s29], [sflag:$0x5], $0x20, s1, s28, $0xb8;
	[tilespmem:$0x16E00] =	vst v63  }
0x104: {  	_ =	swait.ge @!p3 [sflag:s8], $0x1000  }
0x105: {  	[sflag:s8] =	ssyncset.done @!p3 $0x0  }
0x106: {  	s0 =	sadd.s32 @!p3 $0xC980, s0;
	s28 =	simm.s32 @!p2 $0x3;
	[sflag:s8] =	ssyncadd.s32 @!p3 $0xFFFFF000  }
0x107: {  	[hbm4b:s5+s30] =	stream.indirect.scatter @!p3 [tilespmem:s3], [sflag:$0x6], $0x20, s0, s30, $0xb8;
	[tilespmem:$0x16E00] =	vst v63  }
0x108: {  	_ =	swait.ge @!p2 [sflag:s28], $0x1000  }
0x109: {  	s31 =	sld [smem:$0x7FD];
	_ =	sdelay $0x2  }
0x10a: {  	p1 =	seq.s32 s31, $0x1  }
.Ltmp12:
0x10b: {  	_ = 	snop;
	(pc) =	sbr.rel @p1 .LBB2_16-.Ltmp12, $4  }
0x10c: {  	_ = 	snop  }
0x10d: {  	s16 =	sadd.s32 $0x4, s16;
	s26 =	simm.s32 @!p4 $0x4;
	s18 =	sadd.s32 $0x800, s18  }
0x10e: {  	p0 =	seq.s32 s16, $0x0;
	s19 =	sadd.s32 $0x2, s16;
	s17 =	sadd.s32 $0x3, s16  }
0x10f: {  	s29 =	sadd.s32 @!p2 $0xCA00, s6;
	p6 =	sge.s32 @!p0 s17, s15;
	p3 =	sge.s32 @!p0 s16, s15  }
0x110: {  	p5 =	por $0x1, $0x1  }
.LBB2_18:
0x111: {  	p1 =	por p2, !p5;
	p3 =	por p3, p0  }
0x112: {  	p4 =	por p4, !p5;
	p2 =	sge.s32 s16, s15;
	[sflag:s28] =	ssyncset.done @!p1 $0x0  }
0x113: {  	s0 =	sadd.s32 $0x1, s16;
	p5 =	por p6, p0;
	[sflag:s28] =	ssyncadd.s32 @!p1 $0xFFFFF000  }
0x114: {  	[hbm4b:s5+s22] =	stream.indirect.scatter @!p1 [tilespmem:s21], [sflag:$0x7], $0x20, s29, s22, $0xb8;
	[tilespmem:$0x16E00] =	vst v63  }
0x115: {  	s1 =	sshra.s32 @!p2 s18, $0x2;
	s3 =	sadd.s32 @!p4 $0xCA80, s23;
	_ =	swait.ge @!p4 [sflag:s26], $0x1000  }
0x116: {  	s6 =	simm.s32 @!p2 $0x80;
	s8 =	simm.s32 @!p3 $0x5;
	[sflag:s26] =	ssyncset.done @!p4 $0x0  }
0x117: {  	s16 =	simm.s32 @!p2 $0x12E00;
	p1 =	sge.s32 @!p0 s19, s15;
	[sflag:s26] =	ssyncadd.s32 @!p4 $0xFFFFF000  }
0x118: {  	[hbm4b:s5+s24] =	stream.indirect.scatter @!p4 [tilespmem:s25], [sflag:$0x8], $0x20, s3, s24, $0xb8;
	[tilespmem:$0x16E00] =	vst v63  }
0x119: {  	s22 =	simm.s32 @!p5 $0x8;
	p4 =	sge.s32 @!p0 s0, s15;
	_ =	swait.ge @!p3 [sflag:s8], $0x1000  }
0x11a: {  	s3 =	sadd.s32 @!p2 $0x6400, s1;
	p4 =	por p4, p0;
	[sflag:s8] =	ssyncset.done @!p3 $0x0  }
0x11b: {  	s20 =	simm.s32 @!p4 $0x6;
	[sflag:s8] =	ssyncadd.s32 @!p3 $0xFFFFF000;
	p3 =	sge.s32 s0, s15  }
0x11c: {  	[tilespmem:s16], [sflag:$0x1] =	stream.indirect.gather @!p2 [hbm4b:s2+s6], $0x20, s3, s6, $0xb8;
	[tilespmem:$0x16E00] =	vst v63  }
0x11d: {  	p1 =	por p1, p0;
	s0 =	sshra.s32 @!p3 s18, $0x2;
	_ =	swait.ge @!p4 [sflag:s20], $0x1000  }
0x11e: {  	s3 =	simm.s32 @!p1 $0x7;
	s21 =	simm.s32 @!p3 $0x80;
	[sflag:s20] =	ssyncset.done @!p4 $0x0  }
0x11f: {  	s8 =	sadd.s32 @!p3 $0x6480, s0;
	[sflag:s20] =	ssyncadd.s32 @!p4 $0xFFFFF000;
	s20 =	simm.s32 @!p3 $0x13E00  }
0x120: {  	[tilespmem:s20], [sflag:$0x2] =	stream.indirect.gather @!p3 [hbm4b:s2+s21], $0x20, s8, s21, $0xb8;
	[tilespmem:$0x16E00] =	vst v63  }
0x121: {  	p0 =	sge.s32 s17, s15;
	p4 =	sge.s32 s19, s15;
	_ =	swait.ge @!p1 [sflag:s3], $0x1000  }
0x122: {  	s8 =	simm.s32 @!p4 $0x14E00;
	s23 =	sshra.s32 @!p4 s18, $0x2;
	[sflag:s3] =	ssyncset.done @!p1 $0x0  }
0x123: {  	s19 =	simm.s32 @!p4 $0x80;
	[sflag:s3] =	ssyncadd.s32 @!p1 $0xFFFFF000;
	s3 =	sadd.s32 @!p4 $0x6500, s23  }
0x124: {  	[tilespmem:s8], [sflag:$0x3] =	stream.indirect.gather @!p4 [hbm4b:s2+s19], $0x20, s3, s19, $0xb8;
	[tilespmem:$0x16E00] =	vst v63  }
0x125: {  	s24 =	simm.s32 @!p0 $0x15E00;
	_ =	swait.ge @!p5 [sflag:s22], $0x1000  }
0x126: {  	s3 =	sshra.s32 @!p0 s18, $0x2;
	s18 =	simm.s32 @!p2 $0x1;
	[sflag:s22] =	ssyncset.done @!p5 $0x0  }
0x127: {  	s17 =	sadd.s32 @!p0 $0x6580, s3;
	[sflag:s22] =	ssyncadd.s32 @!p5 $0xFFFFF000;
	s22 =	simm.s32 @!p0 $0x80  }
0x128: {  	[tilespmem:s24], [sflag:$0x4] =	stream.indirect.gather @!p0 [hbm4b:s2+s22], $0x20, s17, s22, $0xb8;
	[tilespmem:$0x16E00] =	vst v63  }
0x129: {  	_ =	swait.ge @!p2 [sflag:s18], $0x1000  }
0x12a: {  	[sflag:s18] =	ssyncset.done @!p2 $0x0  }
0x12b: {  	s1 =	sadd.s32 @!p2 $0xC900, s1;
	s17 =	simm.s32 @!p3 $0x2;
	[sflag:s18] =	ssyncadd.s32 @!p2 $0xFFFFF000  }
0x12c: {  	[hbm4b:s5+s6] =	stream.indirect.scatter @!p2 [tilespmem:s16], [sflag:$0x5], $0x20, s1, s6, $0xb8;
	[tilespmem:$0x16E00] =	vst v63  }
0x12d: {  	_ =	swait.ge @!p3 [sflag:s17], $0x1000  }
0x12e: {  	[sflag:s17] =	ssyncset.done @!p3 $0x0  }
0x12f: {  	s0 =	sadd.s32 @!p3 $0xC980, s0;
	s1 =	simm.s32 @!p4 $0x3;
	[sflag:s17] =	ssyncadd.s32 @!p3 $0xFFFFF000  }
0x130: {  	[hbm4b:s5+s21] =	stream.indirect.scatter @!p3 [tilespmem:s20], [sflag:$0x6], $0x20, s0, s21, $0xb8;
	[tilespmem:$0x16E00] =	vst v63  }
0x131: {  	_ =	swait.ge @!p4 [sflag:s1], $0x1000  }
0x132: {  	[sflag:s1] =	ssyncset.done @!p4 $0x0  }
0x133: {  	s6 =	sadd.s32 @!p4 $0xCA00, s23;
	s0 =	simm.s32 @!p0 $0x4;
	[sflag:s1] =	ssyncadd.s32 @!p4 $0xFFFFF000  }
0x134: {  	[hbm4b:s5+s19] =	stream.indirect.scatter @!p4 [tilespmem:s8], [sflag:$0x7], $0x20, s6, s19, $0xb8;
	[tilespmem:$0x16E00] =	vst v63  }
0x135: {  	_ =	swait.ge @!p0 [sflag:s0], $0x1000  }
0x136: {  	[sflag:s0] =	ssyncset.done @!p0 $0x0  }
0x137: {  	s1 =	sadd.s32 @!p0 $0xCA80, s3;
	[sflag:s0] =	ssyncadd.s32 @!p0 $0xFFFFF000  }
0x138: {  	[hbm4b:s5+s22] =	stream.indirect.scatter @!p0 [tilespmem:s24], [sflag:$0x8], $0x20, s1, s22, $0xb8;
	[tilespmem:$0x16E00] =	vst v63  }
.LBB2_19:
0x139: {  	p0 =	slt.s32 s15, $0x1  }
0x13a: {  	s0 =	simm.s32 @!p0 $0x5  }
0x13b: {  	p1 =	seq.s32 @!p0 s14, $0x80;
	_ =	swait.ge @!p0 [sflag:s0], $0x1000  }
0x13c: {  	p2 =	por p1, p0;
	[sflag:s0] =	ssyncset.done @!p0 $0x0  }
0x13d: {  	p3 =	slt.u32 @!p2 s15, $0x3;
	[sflag:s0] =	ssyncadd.s32 @!p0 $0xFFFFF000;
	s0 =	simm.s32 @!p2 $0x6  }
0x13e: {  	p4 =	por @!p0 p3, p1;
	_ =	swait.ge @!p2 [sflag:s0], $0x1000  }
0x13f: {  	s15 =	sshra.s32 s13, $0x7;
	p4 =	por p4, p0;
	[sflag:s0] =	ssyncset.done @!p2 $0x0  }
0x140: {  	s1 =	sadd.s32 $0x3, s15;
	[sflag:s0] =	ssyncadd.s32 @!p2 $0xFFFFF000;
	s0 =	simm.s32 @!p4 $0x7  }
0x141: {  	s30 =	sand.u32 $0x3, s1;
	p5 =	seq.s32 @!p4 s14, $0x180;
	_ =	swait.ge @!p4 [sflag:s0], $0x1000  }
0x142: {  	p2 =	por @!p2 p5, p3;
	p5 =	sne.s32 s30, $0x0;
	[sflag:s0] =	ssyncset.done @!p4 $0x0  }
0x143: {  	p1 =	por @!p0 p2, p1;
	[sflag:s0] =	ssyncadd.s32 @!p4 $0xFFFFF000;
	p4 =	slt.s32 s15, $0xFFFFFFFE  }
0x144: {  	s31 =	sshrl.u32 s1, $0x1E;
	p0 =	por p1, p0;
	p6 =	por !p4, !p5  }
0x145: {  	s0 =	sadd.s32 s31, s1;
	s1 =	simm.s32 $0x1;
	p1 =	por !p6, !p6  }
0x146: {  	s0 =	sshra.s32 s0, $0x2;
	s1 =	simm.s32 @!p1 $0x0  }
0x147: {  	s16 =	ssub.s32 s0, s1  }
0x148: {  	p1 =	slt.s32 s16, $0x1  }
.Ltmp13:
0x149: {  	_ = 	snop;
	(pc) =	sbr.rel @p1 .LBB2_23-.Ltmp13, $4  }
0x14a: {  	s3 =	simm.s32 @!p0 $0x8  }
0x14b: {  	_ =	swait.ge @!p0 [sflag:s3], $0x1000  }
0x14c: {  	[sflag:s3] =	ssyncset.done @!p0 $0x0  }
0x14d: {  	[sflag:s3] =	ssyncadd.s32 @!p0 $0xFFFFF000  }
0x14e: {  	s0 =	sshll.u32 s15, $0x9;
	p0 =	por $0x1, $0x1;
	p1 =	sle.s32 s15, $0x2  }
0x14f: {  	p3 =	sle.s32 s15, $0x0;
	s14 =	ssub.s32 $0x0, s0;
	p2 =	sle.s32 @!p0 s15, $0x0  }
0x150: {  	p4 =	sle.s32 @!p0 s15, $0x1;
	s8 =	simm.s32 @!p3 $0x80;
	p5 =	por p2, p0  }
0x151: {  	s17 =	simm.s32 @!p3 $0x12E00;
	s0 =	sshra.s32 @!p3 s14, $0x2;
	s1 =	simm.s32 @!p5 $0x5  }
0x152: {  	p2 =	sle.s32 s15, $0x1;
	p4 =	por p4, p0;
	_ =	swait.ge @!p5 [sflag:s1], $0x1000  }
0x153: {  	s3 =	sadd.s32 @!p3 $0x6400, s0;
	s6 =	sshra.s32 @!p2 s14, $0x2;
	[sflag:s1] =	ssyncset.done @!p5 $0x0  }
0x154: {  	s3 =	sadd.s32 @!p3 $0x6500, s3;
	[sflag:s1] =	ssyncadd.s32 @!p5 $0xFFFFF000;
	s1 =	simm.s32 @!p4 $0x6  }
0x155: {  	[tilespmem:s17], [sflag:$0x1] =	stream.indirect.gather @!p3 [hbm4b:s4+s8], $0x20, s3, s8, $0xb8;
	[tilespmem:$0x16E00] =	vst v63  }
0x156: {  	s18 =	simm.s32 @!p2 $0x13E00;
	s20 =	simm.s32 @!p2 $0x80;
	_ =	swait.ge @!p4 [sflag:s1], $0x1000  }
0x157: {  	p5 =	sle.s32 @!p0 s15, $0x2;
	s3 =	sadd.s32 @!p2 $0x6400, s6;
	[sflag:s1] =	ssyncset.done @!p4 $0x0  }
0x158: {  	s3 =	sadd.s32 @!p2 $0x6580, s3;
	[sflag:s1] =	ssyncadd.s32 @!p4 $0xFFFFF000;
	p4 =	por p5, p0  }
0x159: {  	[tilespmem:s18], [sflag:$0x2] =	stream.indirect.gather @!p2 [hbm4b:s4+s20], $0x20, s3, s20, $0xb8;
	[tilespmem:$0x16E00] =	vst v63  }
0x15a: {  	s23 =	simm.s32 @!p1 $0x14E00;
	s1 =	sshra.s32 @!p1 s14, $0x2;
	s3 =	simm.s32 @!p4 $0x7  }
0x15b: {  	p5 =	sle.s32 @!p0 s15, $0x3;
	s19 =	sadd.s32 @!p1 $0x6400, s1;
	_ =	swait.ge @!p4 [sflag:s3], $0x1000  }
0x15c: {  	p5 =	por p5, p0;
	s21 =	sadd.s32 @!p1 $0x6600, s19;
	[sflag:s3] =	ssyncset.done @!p4 $0x0  }
0x15d: {  	s22 =	simm.s32 @!p5 $0x8;
	s19 =	simm.s32 @!p1 $0x80;
	[sflag:s3] =	ssyncadd.s32 @!p4 $0xFFFFF000  }
0x15e: {  	[tilespmem:s23], [sflag:$0x3] =	stream.indirect.gather @!p1 [hbm4b:s4+s19], $0x20, s21, s19, $0xb8;
	[tilespmem:$0x16E00] =	vst v63  }
0x15f: {  	p0 =	sle.s32 s15, $0x3;
	_ =	swait.ge @!p5 [sflag:s22], $0x1000  }
0x160: {  	s3 =	sshra.s32 @!p0 s14, $0x2;
	[sflag:s22] =	ssyncset.done @!p5 $0x0  }
0x161: {  	s25 =	simm.s32 @!p3 $0x1;
	[sflag:s22] =	ssyncadd.s32 @!p5 $0xFFFFF000;
	s22 =	sadd.s32 @!p0 $0x6400, s3  }
0x162: {  	s21 =	simm.s32 @!p0 $0x80;
	s24 =	sadd.s32 @!p0 $0x6680, s22;
	s22 =	simm.s32 @!p0 $0x15E00  }
0x163: {  	[tilespmem:s22], [sflag:$0x4] =	stream.indirect.gather @!p0 [hbm4b:s4+s21], $0x20, s24, s21, $0xb8;
	[tilespmem:$0x16E00] =	vst v63  }
0x164: {  	_ =	swait.ge @!p3 [sflag:s25], $0x1000  }
0x165: {  	s0 =	sadd.s32 @!p3 $0xC900, s0;
	[sflag:s25] =	ssyncset.done @!p3 $0x0  }
0x166: {  	s0 =	sadd.s32 @!p3 $0x6500, s0;
	[sflag:s25] =	ssyncadd.s32 @!p3 $0xFFFFF000  }
0x167: {  	[hbm4b:s5+s8] =	stream.indirect.scatter @!p3 [tilespmem:s17], [sflag:$0x5], $0x20, s0, s8, $0xb8;
	[tilespmem:$0x16E00] =	vst v63  }
0x168: {  	s0 =	sadd.s32 @!p0 $0xC900, s3;
	s3 =	simm.s32 @!p2 $0x2  }
0x169: {  	_ =	swait.ge @!p2 [sflag:s3], $0x1000  }
0x16a: {  	s6 =	sadd.s32 @!p2 $0xC900, s6;
	[sflag:s3] =	ssyncset.done @!p2 $0x0  }
0x16b: {  	s16 =	sadd.s32 $0xFFFFFFFF, s16;
	s6 =	sadd.s32 @!p2 $0x6580, s6;
	[sflag:s3] =	ssyncadd.s32 @!p2 $0xFFFFF000  }
0x16c: {  	[hbm4b:s5+s20] =	stream.indirect.scatter @!p2 [tilespmem:s18], [sflag:$0x6], $0x20, s6, s20, $0xb8;
	[tilespmem:$0x16E00] =	vst v63  }
0x16d: {  	p2 =	sne.s32 s16, $0x0  }
.Ltmp14:
0x16e: {  	_ = 	snop;
	(pc) =	sbr.rel @!p2 .LBB2_22-.Ltmp14, $4  }
0x16f: {  	s1 =	sadd.s32 @!p1 $0xC900, s1  }
0x170: {  	s31 =	simm.s32 @!p1 $0x3;
	s30 =	sadd.s32 @!p1 $0x6600, s1  }
0x171: {  	s28 =	simm.s32 @!p0 $0x4;
	p5 =	por p1, p1;
	s17 =	simm.s32 $0x6600  }
0x172: {  	s25 =	sadd.s32 @!p0 $0x6680, s0;
	s18 =	simm.s32 $0xCB00;
	s20 =	simm.s32 $0x7  }
.LBB2_21:
0x173: {  	s0 =	sadd.s32 $0xFFFFFFFE, s20;
	p4 =	seq.s32 s20, $0x3  }
0x174: {  	_ =	swait.ge @!p5 [sflag:s31], $0x1000;
	p1 =	sge.s32 @!p4 s0, s15  }
0x175: {  	s1 =	sadd.s32 $0xFFFFFFFF, s20;
	[sflag:s31] =	ssyncset.done @!p5 $0x0;
	s6 =	simm.s32 @!p1 $0x0  }
0x176: {  	[sflag:s31] =	ssyncadd.s32 @!p5 $0xFFFFF000;
	s6 =	simm.s32 @p1 $0x1;
	p1 =	sge.s32 @!p4 s1, s15  }
0x177: {  	[hbm4b:s5+s19] =	stream.indirect.scatter @!p5 [tilespmem:s23], [sflag:$0x7], $0x20, s30, s19, $0xb8;
	[tilespmem:$0x16E00] =	vst v63  }
0x178: {  	p2 =	sge.s32 s1, s15;
	s1 =	simm.s32 @!p1 $0x0  }
0x179: {  	[smem:$0x7FA] =	sst s6;
	s1 =	simm.s32 @p1 $0x1  }
0x17a: {  	s3 =	sadd.s32 $0xFFFFFFFD, s20;
	[smem:$0x7FB] =	sst s1  }
0x17b: {  	p3 =	sge.s32 @!p4 s3, s15;
	_ =	swait.ge @!p0 [sflag:s28], $0x1000  }
0x17c: {  	p6 =	por p3, p4;
	p3 =	sge.s32 s3, s15;
	[sflag:s28] =	ssyncset.done @!p0 $0x0  }
0x17d: {  	p1 =	sge.s32 s0, s15;
	s0 =	simm.s32 @!p6 $0x5;
	[sflag:s28] =	ssyncadd.s32 @!p0 $0xFFFFF000  }
0x17e: {  	[hbm4b:s5+s21] =	stream.indirect.scatter @!p0 [tilespmem:s22], [sflag:$0x8], $0x20, s25, s21, $0xb8;
	[tilespmem:$0x16E00] =	vst v63  }
0x17f: {  	s29 =	simm.s32 @!p3 $0x12E00;
	s1 =	sshra.s32 @!p3 s14, $0x2;
	_ =	swait.ge @!p6 [sflag:s0], $0x1000  }
0x180: {  	s3 =	sadd.s32 @!p3 s1, s17;
	[sflag:s0] =	ssyncset.done @!p6 $0x0;
	s25 =	sld [smem:$0x7FA]  }
0x181: {  	s3 =	sadd.s32 @!p3 $0x6500, s3;
	s28 =	simm.s32 @!p3 $0x80;
	[sflag:s0] =	ssyncadd.s32 @!p6 $0xFFFFF000  }
0x182: {  	[tilespmem:s29], [sflag:$0x1] =	stream.indirect.gather @!p3 [hbm4b:s4+s28], $0x20, s3, s28, $0xb8;
	[tilespmem:$0x16E00] =	vst v63  }
0x183: {  	p6 =	seq.s32 s25, $0x1  }
0x184: {  	p5 =	por p6, p4  }
0x185: {  	s8 =	simm.s32 @!p5 $0x6  }
0x186: {  	s30 =	sshra.s32 @!p1 s14, $0x2;
	s24 =	simm.s32 @!p1 $0x13E00;
	_ =	swait.ge @!p5 [sflag:s8], $0x1000  }
0x187: {  	s6 =	sadd.s32 @!p1 s30, s17;
	[sflag:s8] =	ssyncset.done @!p5 $0x0;
	s7 =	sld [smem:$0x7FB]  }
0x188: {  	s26 =	simm.s32 @!p1 $0x80;
	s0 =	sadd.s32 @!p1 $0x6580, s6;
	[sflag:s8] =	ssyncadd.s32 @!p5 $0xFFFFF000  }
0x189: {  	[tilespmem:s24], [sflag:$0x2] =	stream.indirect.gather @!p1 [hbm4b:s4+s26], $0x20, s0, s26, $0xb8;
	[tilespmem:$0x16E00] =	vst v63  }
0x18a: {  	s16 =	sadd.s32 $0xFFFFFFFF, s16;
	p0 =	sge.s32 @!p4 s20, s15;
	p5 =	seq.s32 s7, $0x1  }
0x18b: {  	s6 =	sshra.s32 @!p2 s14, $0x2;
	p6 =	por p0, p4;
	p4 =	por p5, p4  }
0x18c: {  	s31 =	simm.s32 @!p2 $0x3;
	s19 =	sadd.s32 @!p2 s6, s17;
	s0 =	simm.s32 @!p4 $0x7  }
0x18d: {  	s23 =	simm.s32 @!p2 $0x14E00;
	s3 =	sadd.s32 @!p2 $0x6600, s19;
	_ =	swait.ge @!p4 [sflag:s0], $0x1000  }
0x18e: {  	s19 =	simm.s32 @!p2 $0x80;
	p0 =	sge.s32 s20, s15;
	[sflag:s0] =	ssyncset.done @!p4 $0x0  }
0x18f: {  	s25 =	simm.s32 @!p6 $0x8;
	s8 =	sshra.s32 @!p0 s14, $0x2;
	[sflag:s0] =	ssyncadd.s32 @!p4 $0xFFFFF000  }
0x190: {  	[tilespmem:s23], [sflag:$0x3] =	stream.indirect.gather @!p2 [hbm4b:s4+s19], $0x20, s3, s19, $0xb8;
	[tilespmem:$0x16E00] =	vst v63  }
0x191: {  	s1 =	sadd.s32 @!p3 s1, s18;
	s22 =	sadd.s32 @!p0 s8, s17;
	_ =	swait.ge @!p6 [sflag:s25], $0x1000  }
0x192: {  	s21 =	simm.s32 @!p0 $0x80;
	s9 =	sadd.s32 @!p0 $0x6680, s22;
	[sflag:s25] =	ssyncset.done @!p6 $0x0  }
0x193: {  	s7 =	simm.s32 @!p3 $0x1;
	s22 =	simm.s32 @!p0 $0x15E00;
	[sflag:s25] =	ssyncadd.s32 @!p6 $0xFFFFF000  }
0x194: {  	[tilespmem:s22], [sflag:$0x4] =	stream.indirect.gather @!p0 [hbm4b:s4+s21], $0x20, s9, s21, $0xb8;
	[tilespmem:$0x16E00] =	vst v63  }
0x195: {  	s20 =	sadd.s32 $0x4, s20;
	s8 =	sadd.s32 @!p0 s8, s18;
	_ =	swait.ge @!p3 [sflag:s7], $0x1000  }
0x196: {  	s0 =	sadd.s32 @!p3 $0x6500, s1;
	s1 =	sadd.s32 @!p1 s30, s18;
	[sflag:s7] =	ssyncset.done @!p3 $0x0  }
0x197: {  	p4 =	sne.s32 s16, $0x0;
	s3 =	sadd.s32 @!p2 s6, s18;
	[sflag:s7] =	ssyncadd.s32 @!p3 $0xFFFFF000  }
0x198: {  	[hbm4b:s5+s28] =	stream.indirect.scatter @!p3 [tilespmem:s29], [sflag:$0x5], $0x20, s0, s28, $0xb8;
	[tilespmem:$0x16E00] =	vst v63  }
.Ltmp15:
0x199: {  	s30 =	sadd.s32 @!p2 $0x6600, s3;
	s3 =	simm.s32 @!p1 $0x2;
	(pc) =	sbr.rel @p4 .LBB2_21-.Ltmp15, $4  }
0x19a: {  	s17 =	sadd.s32 $0x200, s17;
	p5 =	por p2, p2;
	_ =	swait.ge @!p1 [sflag:s3], $0x1000  }
0x19b: {  	s1 =	sadd.s32 @!p1 $0x6580, s1;
	s18 =	sadd.s32 $0x200, s18;
	[sflag:s3] =	ssyncset.done @!p1 $0x0  }
0x19c: {  	s25 =	sadd.s32 @!p0 $0x6680, s8;
	s28 =	simm.s32 @!p0 $0x4;
	[sflag:s3] =	ssyncadd.s32 @!p1 $0xFFFFF000  }
0x19d: {  	[hbm4b:s5+s26] =	stream.indirect.scatter @!p1 [tilespmem:s24], [sflag:$0x6], $0x20, s1, s26, $0xb8;
	[tilespmem:$0x16E00] =	vst v63  }
.Ltmp16:
0x19e: {  	_ = 	snop;
	(pc) =	sbr.rel .LBB2_22-.Ltmp16, $1  }
0x19f: {  	_ =	sdelay $0x3  }
.LBB2_13:
.Ltmp17:
0x1a0: {  	(pc) =	sbr.rel .LBB2_18-.Ltmp17, $2  }
0x1a1: {  	_ =	sdelay $0x2  }
0x1a2: {  	s18 =	simm.s32 $0x0  }
.LBB2_15:
.Ltmp18:
0x1a3: {  	(pc) =	sbr.rel .LBB2_18-.Ltmp18, $2  }
0x1a4: {  	_ =	sdelay $0x2  }
0x1a5: {  	p5 =	por $0x1, $0x1  }
.LBB2_24:
0x1a6: {  	_ =	sfence.sel $0x180000  }
0x1a7: {  	[bflag:$0x0] =	sbarrier.arrive $0xFFFF  }
0x1a8: {  	_ =	strace $0x90000047  }
0x1a9: {  	s0 =	stileid.u32;
	[bflag:$0x2] =	sbarrier.arrive $0xFFFF  }
0x1aa: {  	p0 =	sne.s32 s0, $0x0;
	s0 =	rddreg [dreg:$0x2]  }
0x1ab: {  	s0 =	sadd.s32 @!p0 $0x100000, s0  }
0x1ac: {  	[sflag:s0] =	ssyncadd.tile.s32 @!p0 $0x1;
	_ =	shalt  }
.Lfunc_end2:
_tile_overlayer_lowered:
.L_overlay_start_2:
0x1ad: {  	(tag) =	ssettag $0x2  }
0x1ae: {  	s0 =	rddreg [dreg:$0x0];
	s2 =	stileid.u32  }
0x1af: {  	s1 =	rddreg [dreg:$0x1];
	p0 =	sne.s32 s2, $0x0  }
0x1b0: {  	s3 =	rddreg [dreg:$0x2];
	[bflag:$0x3] =	sbarrier.arrive $0xFFFF;
	s2 =	simm.s32 @!p0 $0x1C09  }
0x1b1: {  	[timem:s3], [sflag:s2] =	dma.local @!p0 [hbm:s0], s1  }
0x1b2: {  	s0 =	simm.s32 @!p0 $0x9  }
0x1b3: {  	_ =	swait.ge @!p0 [sflag:s0], s1  }
0x1b4: {  	s1 =	ssub.s32 @!p0 $0x0, s1;
	[sflag:s0] =	ssyncset.done @!p0 $0x0  }
0x1b5: {  	[sflag:s0] =	ssyncadd.s32 @!p0 s1  }
0x1b6: {  	[bflag:$0x3] =	sbarrier.arrive $0xFFFF  }
0x1b7: {  	_ =	shalt  }

// kernel: kernel.7.cloned.1.call-start
scs
__scs_entry_jumppad:
0x0: {  	(pc) =	sbr.rel $0x88, $3  }
0x1: {  	(tag) =	ssettag $0x0;
	lr =	simm.s32 $0x1  }
0x2: {  	[smem:$0x3F9E] =	sst lr;
	_ =	strace $0xD0000000  }
0x3: {  	_ = 	snop  }
0x4: {  	_ = 	snop  }
0x5: {  	_ = 	snop  }
0x6: {  	_ = 	snop  }
0x7: {  	_ = 	snop  }
__scs_overlays_trampoline_lowered:
0x8: {  	[smem:$0x3FAD] =	sst s0  }
0x9: {  	[smem:$0x3FAE] =	sst s1  }
0xa: {  	[smem:$0x3FAF] =	sst s2  }
0xb: {  	[smem:$0x3FB0] =	sst s3  }
0xc: {  	[smem:$0x3FB1] =	sst s4  }
0xd: {  	[smem:$0x3FB2] =	sst s5  }
0xe: {  	[smem:$0x3FB3] =	sst s6  }
0xf: {  	[smem:$0x3FB4] =	sst s7  }
0x10: {  	[smem:$0x3FB5] =	sst s8  }
0x11: {  	[smem:$0x3FB6] =	sst s9;
	s0 =	simm.s32 @!p0 $0x0  }
0x12: {  	s1 =	sld [smem:$0x3F9C];
	s0 =	simm.s32 @p0 $0x1  }
0x13: {  	[smem:$0x3FB7] =	sst s0;
	s0 =	simm.s32 @!p1 $0x0  }
0x14: {  	s2 =	sld [smem:$0x3F9B];
	s0 =	simm.s32 @p1 $0x1  }
0x15: {  	[smem:$0x3FB8] =	sst s0;
	s0 =	simm.s32 @!p2 $0x0  }
0x16: {  	s3 =	sld [smem:$0x3FDB];
	s0 =	simm.s32 @p2 $0x1  }
0x17: {  	s4 =	simm.s32 $0x1BF5;
	[smem:$0x3FBA] =	sst s0  }
0x18: {  	s0 =	sld [smem:$0x3F9D];
	_ =	swait.ge [sflag:s4], $0x0  }
0x19: {  	s7 =	sld [smem:$0x3F9E]  }
0x1a: {  	s8 =	sadd.s32 $0xFFFFE003, lr  }
0x1b: {  	s9 =	sadd.s32 $0xFFFFFEF7, lr;
	s5 =	simm.s32 $0xFFFFFFFF;
	p2 =	slt.u32 s8, $0xFFFFF086  }
0x1c: {  	p1 =	slt.u32 s9, $0xF7A;
	s5 =	simm.s32 @!p2 $0x0  }
0x1d: {  	s5 =	simm.s32 @p1 $0x1;
	p0 =	seq.s32 s7, s2  }
0x1e: {  	s7 =	smul.u32 @!p0 $0xF7A, s2;
	p2 =	seq.s32 @!p0 s5, $0x0  }
0x1f: {  	s9 =	smul.u32 $0xF7A, s1;
	s8 =	simm.s32 @!p0 $0x1BF5;
	p2 =	por !p2, p0  }
0x20: {  	[sflag:s8] =	ssyncset.s32 @!p0 $0xFFFFF086;
	s6 =	sadd.s32 @!p0 s3, s7;
	s7 =	simm.s32 @!p0 $0x108  }
0x21: {  	s3 =	sadd.s32 s3, s9;
	s6 =	sadd.s32 @!p0 $0x88, s6;
	s7 =	simm.s32 @p2 $0x1082  }
0x22: {  	[simem:s7], [sflag:s8] =	dma.local @!p0 [hbm:s6], $0xF7A  }
0x23: {  	s9 =	sor.u32 $0xD0000000, s2;
	s6 =	simm.s32 $0x108;
	_ =	swait.ge @!p0 [sflag:s8], $0x0  }
0x24: {  	s3 =	sadd.s32 $0x88, s3;
	s6 =	simm.s32 @!p1 $0x1082;
	[sflag:s4] =	ssyncset.s32 $0xFFFFF086  }
0x25: {  	[simem:s6], [sflag:s4] =	dma.local [hbm:s3], $0xF7A  }
0x26: {  	[smem:$0x3F9E] =	sst s1;
	(tag) =	ssettag s2;
	_ =	strace s9  }
0x27: {  	s1 =	sld [smem:$0x3FAE]  }
0x28: {  	s2 =	sld [smem:$0x3FAF]  }
0x29: {  	s4 =	sld [smem:$0x3FB1]  }
0x2a: {  	p0 =	seq.s32 s5, $0x0;
	s5 =	sld [smem:$0x3FB2]  }
0x2b: {  	s6 =	sld [smem:$0x3FB3]  }
0x2c: {  	s7 =	sld [smem:$0x3FB4]  }
0x2d: {  	s3 =	simm.s32 $0x108;
	s8 =	sld [smem:$0x3FB5]  }
0x2e: {  	s3 =	simm.s32 @!p0 $0x1082;
	s9 =	sld [smem:$0x3FB6]  }
0x2f: {  	lr =	sadd.s32 s0, s3;
	s0 =	sld [smem:$0x3FAD]  }
0x30: {  	s3 =	sld [smem:$0x3FB0]  }
0x31: {  	[smem:$0x3FB9] =	sst s10  }
0x32: {  	s10 =	sld [smem:$0x3FB7];
	_ =	sdelay $0x3  }
0x33: {  	p0 =	seq.s32 s10, $0x1;
	s10 =	sld [smem:$0x3FB9];
	_ =	sdelay $0x3  }
0x34: {  	[smem:$0x3FB9] =	sst s10  }
0x35: {  	s10 =	sld [smem:$0x3FB8];
	_ =	sdelay $0x3  }
0x36: {  	p1 =	seq.s32 s10, $0x1;
	s10 =	sld [smem:$0x3FB9];
	_ =	sdelay $0x3  }
0x37: {  	[smem:$0x3FB9] =	sst s10  }
0x38: {  	s10 =	sld [smem:$0x3FBA]  }
0x39: {  	_ = 	snop;
	(pc) =	sbr.ind lr, $3  }
0x3a: {  	_ = 	snop  }
0x3b: {  	_ = 	snop  }
0x3c: {  	p2 =	seq.s32 s10, $0x1;
	s10 =	sld [smem:$0x3FB9]  }
0x3d: {  	_ =	shalt  }
0x3e: {  	_ =	shalt  }
0x3f: {  	_ =	shalt  }
0x40: {  	_ =	shalt  }
0x41: {  	_ =	shalt  }
0x42: {  	_ =	shalt  }
0x43: {  	_ =	shalt  }
0x44: {  	_ =	shalt  }
0x45: {  	_ =	shalt  }
0x46: {  	_ =	shalt  }
0x47: {  	_ =	shalt  }
0x48: {  	_ =	shalt  }
0x49: {  	_ =	shalt  }
0x4a: {  	_ =	shalt  }
0x4b: {  	_ =	shalt  }
0x4c: {  	_ =	shalt  }
0x4d: {  	_ =	shalt  }
0x4e: {  	_ =	shalt  }
0x4f: {  	_ =	shalt  }
0x50: {  	_ =	shalt  }
0x51: {  	_ =	shalt  }
0x52: {  	_ =	shalt  }
0x53: {  	_ =	shalt  }
0x54: {  	_ =	shalt  }
0x55: {  	_ =	shalt  }
0x56: {  	_ =	shalt  }
0x57: {  	_ =	shalt  }
0x58: {  	_ =	shalt  }
0x59: {  	_ =	shalt  }
0x5a: {  	_ =	shalt  }
0x5b: {  	_ =	shalt  }
0x5c: {  	_ =	shalt  }
0x5d: {  	_ =	shalt  }
0x5e: {  	_ =	shalt  }
0x5f: {  	_ =	shalt  }
0x60: {  	_ =	shalt  }
0x61: {  	_ =	shalt  }
0x62: {  	_ =	shalt  }
0x63: {  	_ =	shalt  }
0x64: {  	_ =	shalt  }
0x65: {  	_ =	shalt  }
0x66: {  	_ =	shalt  }
0x67: {  	_ =	shalt  }
0x68: {  	_ =	shalt  }
0x69: {  	_ =	shalt  }
0x6a: {  	_ =	shalt  }
0x6b: {  	_ =	shalt  }
0x6c: {  	_ =	shalt  }
0x6d: {  	_ =	shalt  }
0x6e: {  	_ =	shalt  }
0x6f: {  	_ =	shalt  }
0x70: {  	_ =	shalt  }
0x71: {  	_ =	shalt  }
0x72: {  	_ =	shalt  }
0x73: {  	_ =	shalt  }
0x74: {  	_ =	shalt  }
0x75: {  	_ =	shalt  }
0x76: {  	_ =	shalt  }
0x77: {  	_ =	shalt  }
0x78: {  	_ =	shalt  }
0x79: {  	_ =	shalt  }
0x7a: {  	_ =	shalt  }
0x7b: {  	_ =	shalt  }
0x7c: {  	_ =	shalt  }
0x7d: {  	_ =	shalt  }
0x7e: {  	_ =	shalt  }
0x7f: {  	_ =	shalt  }
0x80: {  	_ =	shalt  }
0x81: {  	_ =	shalt  }
0x82: {  	_ =	shalt  }
0x83: {  	_ =	shalt  }
0x84: {  	_ =	shalt  }
0x85: {  	_ =	shalt  }
0x86: {  	_ =	shalt  }
0x87: {  	_ =	shalt  }
.Lfunc_end0:
.L_simem_size_0:
called_computation.3_lowered:
.L_overlay_start_0:
0x88: {  	s2 =	sld [smem:$0x3FD9]  }
0x89: {  	s3 =	sld [smem:$0x3FFE];
	_ =	sdelay $0x1  }
0x8a: {  	s1 =	srdreg.scid  }
0x8b: {  	s0 =	sand.u32 $0x1, s1  }
0x8c: {  	s17 =	sshll.u32 s0, $0xA;
	s2 =	sadd.s32 s3, s2  }
0x8d: {  	s2 =	sadd.s32 s2, s17  }
0x8e: {  	[smem:$0x3FC5] =	sst s2  }
0x8f: {  	_ = 	snop  }
0x90: {  	s18 =	sld [smem:$0x3FD0];
	(tm) =	ssettm $0x1  }
0x91: {  	s19 =	sld [smem:$0x3FFB];
	_ =	sdelay $0x3  }
0x92: {  	_ =	strace s19  }
0x93: {  	s2 =	sld [smem:$0x3FFC];
	_ =	sdelay $0x3  }
0x94: {  	_ =	strace s2  }
0x95: {  	s2 =	sld [smem:$0x3FFD];
	_ =	sdelay $0x3  }
0x96: {  	_ =	strace s2  }
0x97: {  	_ =	strace $0x8FFFFFFF  }
0x98: {  	s20 =	sld [smem:$0x3FDB];
	_ =	sdelay $0x1  }
0x99: {  	s4 =	simm.s32 $_scs_section_size  }
0x9a: {  	s5 =	simm.s32 $_size__tile_overlayer_lowered;
	s6 =	simm.s32 $_tile_overlayer_lowered  }
0x9b: {  	s7 =	simm.s32 $0x1BFF;
	s21 =	sshll.u32 s6, $0x1;
	s4 =	sadd.s32 s4, s20  }
0x9c: {  	s22 =	simm.s32 $0x0;
	s5 =	sshll.u32 s5, $0x1;
	s6 =	sadd.s32 s21, s4  }
0x9d: {  	[timem:s22], [sflag:s7] =	dma.local [hbm:s6], s5  }
0x9e: {  	_ =	swait.ge [sflag:s7], s5  }
0x9f: {  	s5 =	ssub.s32 $0x0, s5;
	[sflag:s7] =	ssyncset.done $0x0  }
0xa0: {  	[sflag:s7] =	ssyncadd.s32 s5;
	_ =	sdelay $0x1  }
0xa1: {  	s23 =	simm.s32 $0x1B8B  }
0xa2: {  	_ =	swait.ge [sflag:s23], $0x1  }
0xa3: {  	[sflag:s23] =	ssyncset.done $0x0  }
0xa4: {  	[sflag:s23] =	ssyncadd.s32 $0xFFFFFFFF  }
0xa5: {  	s5 =	sld [smem:$0x0]  }
0xa6: {  	s6 =	sand.u32 $0xFFFFFFFE, s1  }
0xa7: {  	p0 =	sne.s32 s1, s6  }
0xa8: {  	s6 =	sshll.u32 @p0 s6, $0xE  }
0xa9: {  	s6 =	sadd.s32 @p0 $0x11B8D, s6;
	s7 =	sshll.u32 @p0 s5, $0x11  }
0xaa: {  	s6 =	sor.u32 @p0 s7, s6  }
0xab: {  	[sflag:s6] =	ssyncadd.remote.s32 @p0 $0x1;
	_ =	sdelay $0x1  }
0xac: {  	s6 =	simm.s32 @p0 $0x1B8D  }
0xad: {  	_ =	swait.eq @p0 [sflag:s6], $0x1  }
0xae: {  	[sflag:s6] =	ssyncadd.s32 @p0 $0xFFFFFFFF  }
0xaf: {  	s7 =	sshll.u32 @!p0 s1, $0xE  }
0xb0: {  	s7 =	sor.u32 @!p0 $0x4000, s7;
	s6 =	simm.s32 @!p0 $0x1B8D  }
0xb1: {  	s5 =	sshll.u32 @!p0 s5, $0x11;
	s7 =	sadd.s32 @!p0 $0x11B8D, s7;
	_ =	swait.eq @!p0 [sflag:s6], $0x1  }
0xb2: {  	s5 =	sor.u32 @!p0 s5, s7;
	[sflag:s6] =	ssyncadd.s32 @!p0 $0xFFFFFFFF  }
0xb3: {  	s25 =	simm.s32 $0x1B8E;
	s24 =	sld [smem:$0x3FFE];
	[sflag:s5] =	ssyncadd.remote.s32 @!p0 $0x1  }
0xb4: {  	s26 =	simm.s32 $execute0_lowered;
	[smem:$0x3FD2] =	sst s25  }
0xb5: {  	s6 =	sshll.u32 s26, $0x1;
	_ =	strace $0x80000049;
	[dreg:$0x1] =	wrdreg $0xFFFFFFFF  }
0xb6: {  	s28 =	simm.s32 $_size_execute0_lowered;
	s4 =	sadd.s32 s4, s6;
	[dreg:$0x0] =	wrdreg $0x0  }
0xb7: {  	s6 =	sshll.u32 s28, $0x1;
	[dreg:$0x2] =	wrdreg s4  }
0xb8: {  	[dreg:$0x3] =	wrdreg s6  }
0xb9: {  	[dreg:$0x4] =	wrdreg $0xC0  }
0xba: {  	_ =	task [dreg:s22], $0x5FFFF  }
0xbb: {  	[dreg:$0x1] =	wrdreg $0xFFFFFFFF  }
0xbc: {  	[dreg:$0x0] =	wrdreg $0x60  }
0xbd: {  	[dreg:$0x2] =	wrdreg s24  }
0xbe: {  	[dreg:$0x3] =	wrdreg s18  }
0xbf: {  	[dreg:$0x4] =	wrdreg $0xA  }
0xc0: {  	_ =	task.clear_ibuf [dreg:s22], $0x5FFFF;
	_ =	strace $0x90000049  }
0xc1: {  	s29 =	simm.s32 $0xA;
	_ =	strace $0x8000004B  }
0xc2: {  	_ =	swait.ge [sflag:s29], $0x1  }
0xc3: {  	[sflag:s29] =	ssyncadd.s32 $0xFFFFFFFF  }
0xc4: {  	_ =	strace $0x9000004B  }
0xc5: {  	_ =	sfence  }
0xc6: {  	s30 =	sld [smem:$0x0];
	_ =	sdelay $0x2  }
0xc7: {  	s31 =	sshll.u32 s1, $0xD;
	s1 =	sshrl.u32 s1, $0x2  }
0xc8: {  	s4 =	sand.u32 $0x4000, s31;
	s1 =	sadd.s32 s1, s30  }
0xc9: {  	s0 =	sor.u32 s4, s0;
	s1 =	sshll.u32 s1, $0x11  }
0xca: {  	s0 =	sor.u32 s1, s0  }
0xcb: {  	s0 =	sadd.s32 $0x8F2B, s0  }
0xcc: {  	[sflag:s0] =	ssyncadd.remote.s32 $0x1  }
0xcd: {  	_ =	sfence.sel $0xFFFF  }
0xce: {  	[dreg:$0x0] =	wrdreg $0xFFFFFFFF;
	(pc) =	sbr.abs _section_cstart, $3  }
0xcf: {  	[dreg:$0x1] =	wrdreg $0xFFFFFFFF  }
0xd0: {  	_ =	task.clear_ibuf [dreg:s22], $0x2FFFF;
	_ =	strace $0x9FFFFFFF  }
0xd1: {  	(tm) =	ssettm $0x7FFFFFFF  }
tec
execute0_lowered:
.L_overlay_start_1:
0x0: {  	(tag) =	ssettag $0x1  }
0x1: {  	s5 =	rddreg [dreg:$0x0]  }
0x2: {  	s1 =	srdreg.scid;
	s0 =	stileid.u32  }
0x3: {  	s2 =	rddreg [dreg:$0x1];
	s4 =	sand.u32 $0x1, s1;
	s6 =	sshll.u32 s0, $0x1  }
0x4: {  	s28 =	simm.s32 $0x0;
	s10 =	simm.s32 $0x6400;
	s7 =	sor.u32 s4, s6  }
0x5: {  	s11 =	simm.s32 $0xC900;
	s8 =	ssub.s32 $0x2, s4;
	s6 =	smul.u32 $0xC80, s7  }
.Ltmp0:
0x6: {  	[smem:$0x7FF] =	sst s28;
	s9 =	sshrl.u32 s8, $0x1;
	(pc) =	sbr.rel .LBB2_1-.Ltmp0, $4  }
0x7: {  	_ =	strace $0x8000004A;
	s30 =	sshll.u32 s7, $0x7;
	s8 =	ssub.s32 s8, s9  }
0x8: {  	v0 =	vlaneseq.u32;
	[dreg:$0x4] =	wrdreg s30;
	s6 =	sadd.s32 s6, s5;
	s31 =	smax.u32 s8, $0x1  }
0x9: {  	v1 =	vimm.s32 $0x0;
	vm0 =	vmmov $0x7fff;
	s12 =	simm.s32 $0x0;
	v2 =	vshrl.u32 v0, $0x3;
	s29 =	sadd.s32 $0x1000, s6;
	[dreg:$0x5] =	wrdreg s31  }
0xa: {  	vm1 =	vmmov $0x1;
	v3 =	vand.u32 $0x7, v0;
	s4 =	sadd.s32 $0x7BB200, s5;
	v2 =	vmul.u32 $0x8, v2;
	s5 =	sadd.s32 $0x1AA000, s5;
	[dreg:$0x3] =	wrdreg s29  }
.LBB2_22:
0xb: {  	_ =	swait.ge @!p5 [sflag:s31], $0x1000  }
0xc: {  	[sflag:s31] =	ssyncset.done @!p5 $0x0  }
0xd: {  	[sflag:s31] =	ssyncadd.s32 @!p5 $0xFFFFF000  }
0xe: {  	[hbm4b:s5+s19] =	stream.indirect.scatter @!p5 [tilespmem:s23], [sflag:$0x7], $0x20, s30, s19, $0xb8;
	[tilespmem:$0x16E00] =	vst v63  }
0xf: {  	_ =	swait.ge @!p0 [sflag:s28], $0x1000  }
0x10: {  	[sflag:s28] =	ssyncset.done @!p0 $0x0  }
0x11: {  	[sflag:s28] =	ssyncadd.s32 @!p0 $0xFFFFF000  }
0x12: {  	[hbm4b:s5+s21] =	stream.indirect.scatter @!p0 [tilespmem:s22], [sflag:$0x8], $0x20, s25, s21, $0xb8;
	[tilespmem:$0x16E00] =	vst v63  }
.LBB2_23:
0x13: {  	p0 =	slt.s32 s15, $0x1  }
0x14: {  	s0 =	simm.s32 @!p0 $0x5;
	p1 =	seq.s32 @!p0 s13, $0x80  }
0x15: {  	_ =	swait.ge @!p0 [sflag:s0], $0x1000;
	p2 =	por p1, p0  }
0x16: {  	[sflag:s0] =	ssyncset.done @!p0 $0x0;
	p3 =	slt.u32 @!p2 s15, $0x3  }
0x17: {  	[sflag:s0] =	ssyncadd.s32 @!p0 $0xFFFFF000;
	s0 =	simm.s32 @!p2 $0x6;
	p4 =	por @!p0 p3, p1  }
0x18: {  	_ =	swait.ge @!p2 [sflag:s0], $0x1000;
	p4 =	por p4, p0  }
0x19: {  	[sflag:s0] =	ssyncset.done @!p2 $0x0;
	p5 =	seq.s32 @!p4 s13, $0x180  }
0x1a: {  	p3 =	por @!p2 p5, p3;
	[sflag:s0] =	ssyncadd.s32 @!p2 $0xFFFFF000;
	s0 =	simm.s32 @!p4 $0x7  }
0x1b: {  	_ =	swait.ge @!p4 [sflag:s0], $0x1000;
	p1 =	por @!p0 p3, p1  }
0x1c: {  	[sflag:s0] =	ssyncset.done @!p4 $0x0;
	p0 =	por p1, p0  }
0x1d: {  	[sflag:s0] =	ssyncadd.s32 @!p4 $0xFFFFF000;
	s0 =	simm.s32 @!p0 $0x8  }
0x1e: {  	_ =	swait.ge @!p0 [sflag:s0], $0x1000  }
0x1f: {  	s12 =	sadd.s32 $0x1, s12;
	s1 =	rddreg [dreg:$0x5]  }
0x20: {  	p1 =	sne.s32 s12, s1  }
.Ltmp1:
0x21: {  	_ = 	snop;
	(pc) =	sbr.rel @!p1 .LBB2_24-.Ltmp1, $3  }
0x22: {  	_ =	sdelay $0x1  }
0x23: {  	[sflag:s0] =	ssyncset.done @!p0 $0x0  }
0x24: {  	[sflag:s0] =	ssyncadd.s32 @!p0 $0xFFFFF000  }
.LBB2_1:
0x25: {  	s0 =	simm.s32 $0x0;
	s1 =	rddreg [dreg:$0x3];
	s29 =	simm.s32 $0x9  }
0x26: {  	[tilespmem:s0], [sflag:$0x9] =	stream.linear.gather [hbm4b:s1+s0], $0x6400, $0x38;
	[tilespmem:$0x16E00] =	vst v63  }
0x27: {  	_ =	swait.ge [sflag:s29], $0x6400  }
0x28: {  	[sflag:s29] =	ssyncset.done $0x0  }
0x29: {  	s13 =	simm.s32 $0x0;
	[sflag:s29] =	ssyncadd.s32 $0xFFFF9C00  }
0x2a: {  	v5 =	vadd.s32 s0, v0;
	v4 =	vld [tilespmem:s13+$0x0]  }
0x2b: {  	vm2 =	vgt.s32 v5, $0xC7  }
0x2c: {  	v6 =	vsel vm2, $0xFFFFFF38, v1  }
0x2d: {  	v5 =	vadd.s32 v5, v6  }
0x2e: {  	v6 =	vadd.s32 $0xFFFFFF9C, v5  }
0x2f: {  	vm3 =	vlt.u32 v6, $0x64;
	vm4 =	vlt.s32 v4, $0x7A120  }
0x30: {  	vm4 =	vmand vm3, vm4  }
0x31: {  	vm5 =	vgt.s32 v4, $0x7A11F;
	v6 =	vsel vm4, $0x1, v1  }
0x32: {  	vm3 =	vmand vm3, vm5;
	(xrf0) =	vadd.scan.msk.s32 $0xffff, v6  }
0x33: {  	v6 =	vsel vm3, $0x1, v1  }
0x34: {  	(xrf0) =	vadd.scan.msk.s32 $0xffff, v6;
	_ =	sdelay $0x3  }
0x35: {  	v6, _, _ =	vpop (xrf0)  }
0x36: {  	s30 =	rddreg [dreg:$0x4];
	v6 =	vadd.s32 v6, v1  }
0x37: {  	v7 =	vmov s30;
	v8, _, _ =	vpop (xrf0);
	v6 =	vadd.s32 $0xFFFFFFFF, v6  }
0x38: {  	v7 =	vadd.s32 $0xFFF9C000, v7;
	v8 =	vadd.s32 v8, v1  }
0x39: {  	v7 =	vbroadcast v7, $0x0;
	v8 =	vsub.s32 $0x6500, v8  }
0x3a: {  	v9 =	vsel vm2, $0x1, v1  }
0x3b: {  	v5 =	vshll.u32 v5, $0xC;
	v7 =	vadd.s32 v9, v7  }
0x3c: {  	v10 =	vadd.s32 v5, v7;
	[tilespmem:v6+s10+$0x0] =	vst.idx.msk vm4, v4  }
0x3d: {  	p0 =	por $0x0, $0x0;
	s13 =	simm.s32 $0xFFFFFF38;
	v4 =	vadd.s32 $0xFFF85EE0, v4;
	[tilespmem:v6+s11+$0x0] =	vst.idx.msk vm4, v10  }
0x3e: {  	s13 =	simm.s32 @!p0 $0x0;
	[tilespmem:v8+s10+$0x0] =	vst.idx.msk vm3, v4  }
0x3f: {  	s31 =	simm.s32 $0x10;
	s16 =	sadd.s32 $0x10, s13;
	v5 =	vmpcnt.ones.xlane vm4;
	v11 =	vmpcnt.ones.xlane vm3;
	[tilespmem:v8+s11+$0x0] =	vst.idx.msk vm3, v10  }
0x40: {  	v9 =	vadd.s32 s16, v0;
	v4 =	vld [tilespmem:s31+$0x0]  }
0x41: {  	s14 =	simm.s32 $0x1;
	vm2 =	vgt.s32 v9, $0xC7;
	v7 =	vadd.s32 v1, v5;
	v5 =	vadd.s32 v1, v11  }
0x42: {  	s15 =	simm.s32 $0x80;
	s14 =	simm.s32 @!p0 $0x0;
	s13 =	smov.u32 s30;
	v6 =	vmov v5;
	v10 =	vsel vm2, $0xFFFFFF38, v1;
	v8 =	vmov v7  }
.LBB2_2:
0x43: {  	p0 =	sne.s32 s15, $0x18FC0;
	v9 =	vadd.s32 v9, v10  }
0x44: {  	v10 =	vadd.s32 $0xFFFFFF9C, v9  }
0x45: {  	vm3 =	vlt.u32 v10, $0x64;
	vm4 =	vlt.s32 v4, $0x7A120  }
0x46: {  	vm4 =	vmand vm3, vm4  }
0x47: {  	vm5 =	vgt.s32 v4, $0x7A11F;
	v10 =	vsel vm4, $0x1, v1;
	v11 =	vmpcnt.ones.xlane vm4  }
0x48: {  	vm3 =	vmand vm3, vm5;
	(xrf0) =	vadd.scan.msk.s32 $0xffff, v10  }
0x49: {  	v12 =	vmpcnt.ones.xlane vm3;
	v10 =	vsel vm3, $0x1, v1;
	v7 =	vadd.s32 v7, v11  }
0x4a: {  	(xrf0) =	vadd.scan.msk.s32 $0xffff, v10  }
0x4b: {  	v5 =	vadd.s32 v5, v12;
	_ =	sdelay $0x2  }
0x4c: {  	v10, _, _ =	vpop (xrf0)  }
0x4d: {  	s13 =	sadd.s32 s14, s13;
	v10 =	vadd.s32 v10, v8;
	v8 =	vmov v7  }
0x4e: {  	v11 =	vmov s13;
	v10 =	vadd.s32 $0xFFFFFFFF, v10;
	v12, _, _ =	vpop (xrf0)  }
0x4f: {  	v11 =	vadd.s32 $0xFFF9C000, v11;
	v12 =	vadd.s32 v12, v6;
	v6 =	vmov v5  }
0x50: {  	v11 =	vbroadcast v11, $0x0;
	v12 =	vsub.s32 $0x6500, v12  }
0x51: {  	v13 =	vsel vm2, $0x1, v1  }
0x52: {  	v9 =	vshll.u32 v9, $0xC;
	v11 =	vadd.s32 v13, v11  }
0x53: {  	s16 =	sadd.s32 $0x10, s16;
	v9 =	vadd.s32 v9, v11;
	[tilespmem:v10+s10+$0x0] =	vst.idx.msk vm4, v4  }
0x54: {  	s14 =	simm.s32 $0x1;
	s17 =	simm.s32 $0xFFFFFF38;
	p1 =	sgt.s32 s16, $0xC7;
	v4 =	vadd.s32 $0xFFF85EE0, v4;
	[tilespmem:v10+s11+$0x0] =	vst.idx.msk vm4, v9  }
.Ltmp2:
0x55: {  	s14 =	simm.s32 @!p1 $0x0;
	s17 =	simm.s32 @!p1 $0x0;
	[tilespmem:v12+s10+$0x0] =	vst.idx.msk vm3, v4;
	(pc) =	sbr.rel @p0 .LBB2_2-.Ltmp2, $4  }
0x56: {  	s18 =	sshra.s32 s15, $0x2;
	s16 =	sadd.s32 s16, s17;
	[tilespmem:v12+s11+$0x0] =	vst.idx.msk vm3, v9  }
0x57: {  	v9 =	vadd.s32 s16, v0;
	v4 =	vld [tilespmem:s18+$0x0]  }
0x58: {  	vm2 =	vgt.s32 v9, $0xC7  }
0x59: {  	s15 =	sadd.s32 $0x40, s15;
	v10 =	vsel vm2, $0xFFFFFF38, v1  }
0x5a: {  	v9 =	vadd.s32 v9, v10  }
0x5b: {  	v10 =	vadd.s32 $0xFFFFFF9C, v9  }
0x5c: {  	vm3 =	vlt.u32 v10, $0x64;
	vm4 =	vlt.s32 v4, $0x7A120  }
0x5d: {  	vm4 =	vmand vm3, vm4  }
0x5e: {  	vm5 =	vgt.s32 v4, $0x7A11F;
	v57 =	vmpcnt.ones.xlane vm4  }
0x5f: {  	vm3 =	vmand vm3, vm5;
	v11 =	vsel vm4, $0x1, v1  }
0x60: {  	v58 =	vsel vm3, $0x1, v1;
	(xrf0) =	vadd.scan.msk.s32 $0xffff, v11;
	v7 =	vadd.s32 v7, v57  }
0x61: {  	(xrf0) =	vadd.scan.msk.s32 $0xffff, v58;
	v7 =	vxor.u32 $0x80000000, v7  }
0x62: {  	(xrf0) =	vmax.scan.msk.u32 $0xffff, v7;
	_ =	sdelay $0x3  }
0x63: {  	v7, _, _ =	vpop (xrf0)  }
0x64: {  	v59, _, _ =	vpop (xrf0)  }
0x65: {  	v60, _, _ =	vpop (xrf0)  }
0x66: {  	(v2sf) =	vpush v60, $0xF;
	_ =	sdelay $0xa  }
0x67: {  	v61 =	vmpcnt.ones.xlane vm3;
	_ =	sdelay $0x1  }
0x68: {  	v5 =	vadd.s32 v5, v61  }
0x69: {  	s13 =	sadd.s32 s14, s13;
	v5 =	vxor.u32 $0x80000000, v5;
	v7 =	vadd.s32 v7, v8  }
0x6a: {  	v62 =	vmov s13;
	(xrf0) =	vmax.scan.msk.u32 $0xffff, v5;
	v7 =	vadd.s32 $0xFFFFFFFF, v7;
	s26 =	spop (v2sf)  }
0x6b: {  	v5 =	vadd.s32 v59, v6;
	v6 =	vadd.s32 $0xFFF9C000, v62;
	s28 =	sadd.s32 $0x8000007F, s26  }
0x6c: {  	v5 =	vsub.s32 $0x6500, v5;
	v6 =	vbroadcast v6, $0x0;
	s15 =	sand.u32 $0x7F, s28  }
0x6d: {  	v63 =	vsel vm2, $0x1, v1;
	s16 =	sshra.s32 s28, $0x1F;
	p0 =	slt.s32 s28, $0x1;
	p1 =	sne.s32 s15, $0x0  }
0x6e: {  	v9 =	vshll.u32 v9, $0xC;
	v6 =	vadd.s32 v63, v6;
	s29 =	sshrl.u32 s16, $0x19;
	p0 =	por !p0, !p1  }
0x6f: {  	v6 =	vadd.s32 v9, v6;
	[tilespmem:v7+s10+$0x0] =	vst.idx.msk vm4, v4;
	s15 =	simm.s32 $0x1;
	s14 =	sadd.s32 s29, s28;
	p0 =	por !p0, !p0  }
0x70: {  	v4 =	vadd.s32 $0xFFF85EE0, v4;
	[tilespmem:v7+s11+$0x0] =	vst.idx.msk vm4, v6;
	v7, _, _ =	vpop (xrf0);
	s14 =	sshrl.u32 s14, $0x7;
	s15 =	simm.s32 @!p0 $0x0  }
0x71: {  	[tilespmem:v5+s10+$0x0] =	vst.idx.msk vm3, v4;
	(v2sf) =	vpush v7, $0xF;
	s14 =	ssub.s32 s14, s15  }
0x72: {  	[tilespmem:v5+s11+$0x0] =	vst.idx.msk vm3, v6;
	s15 =	sxor.u32 $0x80000000, s26;
	s14 =	sshll.u32 s14, $0x7  }
0x73: {  	v4 =	vld [tilespmem:$0xC8F0];
	s13 =	ssub.s32 s14, s15  }
0x74: {  	v5 =	vld [tilespmem:$0x12DF0];
	s13 =	sadd.s32 $0xF, s13  }
0x75: {  	s30 =	sand.u32 $0xF, s13  }
0x76: {  	s17 =	sshra.s32 s13, $0x1F;
	p5 =	slt.s32 s13, $0x1;
	p6 =	sne.s32 s30, $0x0  }
0x77: {  	s31 =	sshrl.u32 s17, $0x1C;
	p0 =	por !p5, !p6  }
0x78: {  	v4 =	vsel vm0, $0x0, v4;
	s16 =	simm.s32 $0x1;
	s13 =	sadd.s32 s31, s13;
	p0 =	por !p0, !p0  }
0x79: {  	(xrf0) =	vadd.scan.msk.s32 $0xffff, v4;
	v4 =	vsel vm0, $0x0, v5;
	s13 =	sshra.s32 s13, $0x4;
	s16 =	simm.s32 @!p0 $0x0  }
0x7a: {  	(xrf0) =	vadd.scan.msk.s32 $0xffff, v4;
	s16 =	ssub.s32 s13, s16  }
0x7b: {  	p0 =	slt.s32 s16, $0x1  }
.Ltmp3:
0x7c: {  	_ = 	snop;
	(pc) =	sbr.rel @p0 .LBB2_7-.Ltmp3, $3  }
0x7d: {  	_ =	sdelay $0x1  }
0x7e: {  	v5, _, _ =	vpop (xrf0)  }
0x7f: {  	v4, _, _ =	vpop (xrf0);
	s13 =	spop (v2sf)  }
0x80: {  	v6 =	vld [tilespmem:$0xC900]  }
0x81: {  	v7 =	vld [tilespmem:$0x6400];
	_ =	sdelay $0x3  }
0x82: {  	v6 =	vnsel vm1, $0x0, v6  }
0x83: {  	(xrf0) =	vadd.scan.msk.s32 $0xffff, v6;
	v6 =	vnsel vm1, $0x0, v7  }
0x84: {  	(xrf0) =	vadd.scan.msk.s32 $0xffff, v6;
	_ =	sdelay $0x1  }
0x85: {  	p0 =	sne.s32 s16, $0x1;
	v7 =	vmov s14;
	v6 =	vadd.s32 s15, v0  }
.Ltmp4:
0x86: {  	vm2 =	vlt.s32 v6, v7;
	(pc) =	sbr.rel @!p0 .LBB2_6-.Ltmp4, $4  }
0x87: {  	vm3 =	vmmov vm2  }
0x88: {  	v9, _, _ =	vpop (xrf0)  }
0x89: {  	v8, _, _ =	vpop (xrf0)  }
0x8a: {  	s16 =	sadd.s32 $0xFFFFFFFF, s16;
	s15 =	sadd.s32 $0x10, s15;
	v9 =	vbroadcast v9, $0xF;
	v8 =	vbroadcast v8, $0xF  }
.LBB2_5:
0x8b: {  	v10 =	vadd.s32 s15, v0;
	p0 =	sne.s32 s16, $0x1  }
.Ltmp5:
0x8c: {  	s16 =	sadd.s32 $0xFFFFFFFF, s16;
	[tilespmem:v6+s10+$0x0] =	vst.idx.msk vm2, v8;
	vm2 =	vlt.s32 v10, v7;
	(pc) =	sbr.rel @p0 .LBB2_5-.Ltmp5, $2  }
0x8d: {  	[tilespmem:v6+s11+$0x0] =	vst.idx.msk vm3, v9;
	v6 =	vmov v10;
	vm3 =	vmmov vm2;
	_ =	sdelay $0x2  }
0x8e: {  	s15 =	sadd.s32 $0x10, s15  }
.LBB2_6:
0x8f: {  	_ =	sdelay $0x4  }
0x90: {  	[tilespmem:v6+s10+$0x0] =	vst.idx.msk vm2, v8  }
0x91: {  	[tilespmem:v6+s11+$0x0] =	vst.idx.msk vm3, v9  }
.LBB2_7:
0x92: {  	s15 =	sadd.s32 $0x8000007F, s13  }
0x93: {  	s16 =	sand.u32 $0x7F, s15  }
0x94: {  	s17 =	sshra.s32 s15, $0x1F;
	p0 =	slt.s32 s15, $0x1;
	p1 =	sne.s32 s16, $0x0  }
0x95: {  	s29 =	sshrl.u32 s17, $0x19;
	p0 =	por !p0, !p1  }
0x96: {  	s16 =	simm.s32 $0x1;
	s15 =	sadd.s32 s29, s15;
	p0 =	por !p0, !p0  }
0x97: {  	s15 =	sshrl.u32 s15, $0x7;
	s16 =	simm.s32 @!p0 $0x0  }
0x98: {  	s16 =	ssub.s32 s15, s16  }
0x99: {  	s15 =	sxor.u32 $0x80000000, s13;
	s13 =	sshll.u32 s16, $0x7  }
0x9a: {  	s16 =	ssub.s32 s13, s15  }
0x9b: {  	s16 =	sadd.s32 $0xF, s16  }
0x9c: {  	s30 =	sand.u32 $0xF, s16  }
0x9d: {  	s31 =	sshra.s32 s16, $0x1F;
	p6 =	slt.s32 s16, $0x1;
	p5 =	sne.s32 s30, $0x0  }
0x9e: {  	s17 =	sshrl.u32 s31, $0x1C;
	p0 =	por !p6, !p5  }
0x9f: {  	s16 =	sadd.s32 s17, s16;
	s17 =	simm.s32 $0x1;
	p0 =	por !p0, !p0  }
0xa0: {  	s16 =	sshra.s32 s16, $0x4;
	s17 =	simm.s32 @!p0 $0x0  }
0xa1: {  	s16 =	ssub.s32 s16, s17  }
0xa2: {  	p0 =	slt.s32 s16, $0x1  }
.Ltmp6:
0xa3: {  	_ = 	snop;
	(pc) =	sbr.rel @p0 .LBB2_11-.Ltmp6, $1  }
0xa4: {  	_ =	sdelay $0x3  }
0xa5: {  	s17 =	ssub.s32 $0x6500, s13  }
0xa6: {  	s15 =	ssub.s32 $0x6500, s15;
	p0 =	sne.s32 s16, $0x1;
	v7 =	vmov s17  }
.Ltmp7:
0xa7: {  	v6 =	vmov s15;
	v8 =	vor.u32 s17, v0;
	v7 =	vand.u32 $0xFFFFFFF8, v7;
	(pc) =	sbr.rel @!p0 .LBB2_10-.Ltmp7, $3  }
0xa8: {  	vm2 =	vlt.s32 v8, v6;
	v7 =	vor.u32 v2, v7  }
0xa9: {  	vm3 =	vmmov vm2;
	v7 =	vor.u32 v3, v7;
	_ =	sdelay $0x1  }
0xaa: {  	v5 =	vbroadcast v5, $0xF;
	v4 =	vbroadcast v4, $0xF;
	s15 =	sadd.s32 $0xFFFFFFFF, s16;
	s16 =	sadd.s32 $0x10, s17  }
.LBB2_9:
0xab: {  	v8 =	vmov s16;
	p0 =	sne.s32 s15, $0x1  }
.Ltmp8:
0xac: {  	v9 =	vor.u32 s16, v0;
	s15 =	sadd.s32 $0xFFFFFFFF, s15;
	v8 =	vand.u32 $0xFFFFFFF8, v8;
	(pc) =	sbr.rel @p0 .LBB2_9-.Ltmp8, $3  }
0xad: {  	v8 =	vor.u32 v2, v8;
	[tilespmem:v7+s10+$0x0] =	vst.idx.msk vm2, v5;
	vm2 =	vlt.s32 v9, v6  }
0xae: {  	[tilespmem:v7+s11+$0x0] =	vst.idx.msk vm3, v4;
	v7 =	vor.u32 v3, v8;
	vm3 =	vmmov vm2;
	_ =	sdelay $0x1  }
0xaf: {  	s16 =	sadd.s32 $0x10, s16  }
.LBB2_10:
0xb0: {  	_ =	sdelay $0x4  }
0xb1: {  	[tilespmem:v7+s10+$0x0] =	vst.idx.msk vm2, v5  }
0xb2: {  	[tilespmem:v7+s11+$0x0] =	vst.idx.msk vm3, v4  }
.LBB2_11:
0xb3: {  	s15 =	sshra.s32 s14, $0x7  }
0xb4: {  	s16 =	sadd.s32 $0x3, s15  }
0xb5: {  	s17 =	sand.u32 $0x3, s16  }
0xb6: {  	p0 =	slt.s32 s15, $0xFFFFFFFE;
	p1 =	sne.s32 s17, $0x0  }
0xb7: {  	s31 =	sshrl.u32 s16, $0x1E;
	p0 =	por !p0, !p1  }
0xb8: {  	s16 =	sadd.s32 s31, s16;
	s17 =	simm.s32 $0x1;
	p0 =	por !p0, !p0  }
0xb9: {  	s16 =	sshra.s32 s16, $0x2;
	s17 =	simm.s32 @!p0 $0x0  }
0xba: {  	s17 =	ssub.s32 s16, s17  }
0xbb: {  	p0 =	slt.s32 s17, $0x1  }
.Ltmp9:
0xbc: {  	_ = 	snop;
	(pc) =	sbr.rel @p0 .LBB2_19-.Ltmp9, $2  }
0xbd: {  	_ =	sdelay $0x2  }
0xbe: {  	s16 =	simm.s32 $0x0  }
0xbf: {  	s18 =	sadd.s32 $0xFFFFFFFF, s17  }
0xc0: {  	p1 =	sne.s32 s18, $0x0  }
.Ltmp10:
0xc1: {  	_ = 	snop;
	(pc) =	sbr.rel @!p1 .LBB2_13-.Ltmp10, $3  }
0xc2: {  	_ =	sdelay $0x1  }
0xc3: {  	p0 =	seq.s32 s16, $0x0;
	s19 =	sadd.s32 $0x2, s16;
	s17 =	sadd.s32 $0x3, s16  }
0xc4: {  	p5 =	por $0x0, $0x0;
	p3 =	sge.s32 @!p0 s16, s15;
	p6 =	sge.s32 @!p0 s17, s15  }
0xc5: {  	p2 =	sge.s32 @!p0 s19, s15  }
0xc6: {  	p1 =	por p3, p0;
	p3 =	sge.s32 s16, s15;
	s20 =	sadd.s32 $0x1, s16  }
0xc7: {  	s26 =	sshra.s32 @!p3 s16, $0x2;
	s28 =	simm.s32 @!p3 $0x80;
	s21 =	simm.s32 @!p1 $0x5  }
0xc8: {  	p4 =	sge.s32 @!p0 s20, s15;
	s29 =	simm.s32 @!p3 $0x12E00;
	s3 =	simm.s32 @!p3 $0x1  }
0xc9: {  	s22 =	sadd.s32 @!p3 $0x6400, s26;
	_ =	swait.ge @!p1 [sflag:s21], $0x1000;
	p5 =	por p4, p0  }
0xca: {  	p4 =	por p2, p0;
	p2 =	sge.s32 s19, s15;
	[sflag:s21] =	ssyncset.done @!p1 $0x0  }
0xcb: {  	p0 =	por p6, p0;
	s23 =	simm.s32 @!p5 $0x6;
	[sflag:s21] =	ssyncadd.s32 @!p1 $0xFFFFF000  }
0xcc: {  	[tilespmem:s29], [sflag:$0x1] =	stream.indirect.gather @!p3 [hbm4b:s2+s28], $0x20, s22, s28, $0xb8;
	[tilespmem:$0x16E00] =	vst v63  }
0xcd: {  	p1 =	sge.s32 s20, s15;
	s20 =	simm.s32 @!p4 $0x7;
	_ =	swait.ge @!p5 [sflag:s23], $0x1000  }
0xce: {  	s30 =	sshra.s32 @!p1 s16, $0x2;
	s31 =	simm.s32 @!p1 $0x80;
	[sflag:s23] =	ssyncset.done @!p5 $0x0  }
0xcf: {  	s1 =	simm.s32 @!p1 $0x13E00;
	s21 =	sadd.s32 @!p1 $0x6480, s30;
	[sflag:s23] =	ssyncadd.s32 @!p5 $0xFFFFF000  }
0xd0: {  	[tilespmem:s1], [sflag:$0x2] =	stream.indirect.gather @!p1 [hbm4b:s2+s31], $0x20, s21, s31, $0xb8;
	[tilespmem:$0x16E00] =	vst v63  }
0xd1: {  	s19 =	simm.s32 @!p0 $0x8;
	s0 =	sshra.s32 @!p2 s16, $0x2;
	_ =	swait.ge @!p4 [sflag:s20], $0x1000  }
0xd2: {  	s22 =	simm.s32 @!p2 $0x80;
	s21 =	simm.s32 @!p2 $0x14E00;
	[sflag:s20] =	ssyncset.done @!p4 $0x0  }
0xd3: {  	[sflag:s20] =	ssyncadd.s32 @!p4 $0xFFFFF000;
	p4 =	sge.s32 s17, s15;
	s17 =	sadd.s32 @!p2 $0x6500, s0  }
0xd4: {  	[tilespmem:s21], [sflag:$0x3] =	stream.indirect.gather @!p2 [hbm4b:s2+s22], $0x20, s17, s22, $0xb8;
	[tilespmem:$0x16E00] =	vst v63  }
0xd5: {  	s6 =	simm.s32 @!p1 $0x2;
	s30 =	sadd.s32 @!p1 $0xC980, s30;
	_ =	swait.ge @!p0 [sflag:s19], $0x1000  }
0xd6: {  	s23 =	sshra.s32 @!p4 s16, $0x2;
	s24 =	simm.s32 @!p4 $0x80;
	[sflag:s19] =	ssyncset.done @!p0 $0x0  }
0xd7: {  	s25 =	simm.s32 @!p4 $0x15E00;
	s17 =	sadd.s32 @!p4 $0x6580, s23;
	[sflag:s19] =	ssyncadd.s32 @!p0 $0xFFFFF000  }
0xd8: {  	[tilespmem:s25], [sflag:$0x4] =	stream.indirect.gather @!p4 [hbm4b:s2+s24], $0x20, s17, s24, $0xb8;
	[tilespmem:$0x16E00] =	vst v63  }
0xd9: {  	s20 =	sadd.s32 $0xFFFFFFFF, s18;
	s18 =	sadd.s32 $0x800, s16;
	_ =	swait.ge @!p3 [sflag:s3], $0x1000  }
0xda: {  	p5 =	sne.s32 s20, $0x0;
	s16 =	sadd.s32 $0x4, s16;
	[sflag:s3] =	ssyncset.done @!p3 $0x0  }
0xdb: {  	p0 =	seq.s32 s16, $0x0;
	s17 =	sadd.s32 @!p3 $0xC900, s26;
	[sflag:s3] =	ssyncadd.s32 @!p3 $0xFFFFF000  }
0xdc: {  	[hbm4b:s5+s28] =	stream.indirect.scatter @!p3 [tilespmem:s29], [sflag:$0x5], $0x20, s17, s28, $0xb8;
	[tilespmem:$0x16E00] =	vst v63  }
.Ltmp11:
0xdd: {  	s19 =	sadd.s32 $0x2, s16;
	_ =	swait.ge @!p1 [sflag:s6], $0x1000;
	(pc) =	sbr.rel @!p5 .LBB2_15-.Ltmp11, $4  }
0xde: {  	s26 =	simm.s32 @!p4 $0x4;
	s28 =	simm.s32 @!p2 $0x3;
	[sflag:s6] =	ssyncset.done @!p1 $0x0  }
0xdf: {  	s17 =	sadd.s32 $0x3, s16;
	s29 =	sadd.s32 @!p2 $0xCA00, s0;
	[sflag:s6] =	ssyncadd.s32 @!p1 $0xFFFFF000  }
0xe0: {  	[hbm4b:s5+s31] =	stream.indirect.scatter @!p1 [tilespmem:s1], [sflag:$0x6], $0x20, s30, s31, $0xb8;
	[tilespmem:$0x16E00] =	vst v63  }
0xe1: {  	p3 =	sge.s32 @!p0 s16, s15;
	p6 =	sge.s32 @!p0 s17, s15;
	_ =	swait.ge @!p2 [sflag:s28], $0x1000  }
.LBB2_16:
0xe2: {  	s0 =	simm.s32 @!p6 $0x0;
	s20 =	sadd.s32 $0xFFFFFFFF, s20  }
0xe3: {  	[sflag:s28] =	ssyncset.done @!p2 $0x0;
	s0 =	simm.s32 @p6 $0x1;
	p5 =	sne.s32 s20, $0x0  }
0xe4: {  	[sflag:s28] =	ssyncadd.s32 @!p2 $0xFFFFF000;
	[smem:$0x7FC] =	sst s0;
	s0 =	simm.s32 @!p5 $0x0  }
0xe5: {  	[hbm4b:s5+s22] =	stream.indirect.scatter @!p2 [tilespmem:s21], [sflag:$0x7], $0x20, s29, s22, $0xb8;
	[tilespmem:$0x16E00] =	vst v63  }
0xe6: {  	p1 =	sge.s32 @!p0 s19, s15;
	s0 =	simm.s32 @p5 $0x1  }
0xe7: {  	p3 =	por p3, p0;
	s3 =	sadd.s32 @!p4 $0xCA80, s23;
	[smem:$0x7FD] =	sst s0  }
0xe8: {  	p6 =	sge.s32 s16, s15;
	s6 =	simm.s32 @!p3 $0x5;
	_ =	swait.ge @!p4 [sflag:s26], $0x1000  }
0xe9: {  	p1 =	por p1, p0;
	s1 =	sshra.s32 @!p6 s18, $0x2;
	[sflag:s26] =	ssyncset.done @!p4 $0x0  }
0xea: {  	s28 =	simm.s32 @!p6 $0x80;
	s0 =	sadd.s32 $0x1, s16;
	[sflag:s26] =	ssyncadd.s32 @!p4 $0xFFFFF000  }
0xeb: {  	[hbm4b:s5+s24] =	stream.indirect.scatter @!p4 [tilespmem:s25], [sflag:$0x8], $0x20, s3, s24, $0xb8;
	[tilespmem:$0x16E00] =	vst v63  }
0xec: {  	s29 =	simm.s32 @!p6 $0x12E00;
	p2 =	sge.s32 @!p0 s0, s15;
	_ =	swait.ge @!p3 [sflag:s6], $0x1000  }
0xed: {  	s21 =	sadd.s32 @!p6 $0x6400, s1;
	p5 =	por p2, p0;
	[sflag:s6] =	ssyncset.done @!p3 $0x0  }
0xee: {  	p2 =	sge.s32 s19, s15;
	s3 =	simm.s32 @!p5 $0x6;
	[sflag:s6] =	ssyncadd.s32 @!p3 $0xFFFFF000  }
0xef: {  	[tilespmem:s29], [sflag:$0x1] =	stream.indirect.gather @!p6 [hbm4b:s2+s28], $0x20, s21, s28, $0xb8;
	[tilespmem:$0x16E00] =	vst v63  }
0xf0: {  	p3 =	sge.s32 s0, s15;
	s6 =	simm.s32 @!p1 $0x7;
	_ =	swait.ge @!p5 [sflag:s3], $0x1000  }
0xf1: {  	s0 =	sshra.s32 @!p3 s18, $0x2;
	s30 =	simm.s32 @!p3 $0x80;
	[sflag:s3] =	ssyncset.done @!p5 $0x0  }
0xf2: {  	s19 =	sadd.s32 @!p3 $0x6480, s0;
	[sflag:s3] =	ssyncadd.s32 @!p5 $0xFFFFF000;
	s3 =	simm.s32 @!p3 $0x13E00  }
0xf3: {  	[tilespmem:s3], [sflag:$0x2] =	stream.indirect.gather @!p3 [hbm4b:s2+s30], $0x20, s19, s30, $0xb8;
	[tilespmem:$0x16E00] =	vst v63  }
0xf4: {  	_ =	swait.ge @!p1 [sflag:s6], $0x1000  }
0xf5: {  	s7 =	sld [smem:$0x7FC]  }
0xf6: {  	s22 =	simm.s32 @!p2 $0x80;
	[sflag:s6] =	ssyncset.done @!p1 $0x0  }
0xf7: {  	p4 =	sge.s32 s17, s15;
	[sflag:s6] =	ssyncadd.s32 @!p1 $0xFFFFF000;
	s6 =	sshra.s32 @!p2 s18, $0x2  }
0xf8: {  	s21 =	simm.s32 @!p2 $0x14E00;
	s17 =	sadd.s32 @!p2 $0x6500, s6;
	p5 =	seq.s32 s7, $0x1  }
0xf9: {  	[tilespmem:s21], [sflag:$0x3] =	stream.indirect.gather @!p2 [hbm4b:s2+s22], $0x20, s17, s22, $0xb8;
	[tilespmem:$0x16E00] =	vst v63  }
0xfa: {  	p0 =	por p5, p0  }
0xfb: {  	s19 =	simm.s32 @!p0 $0x8  }
0xfc: {  	s31 =	simm.s32 @!p6 $0x1;
	_ =	swait.ge @!p0 [sflag:s19], $0x1000  }
0xfd: {  	s23 =	sshra.s32 @!p4 s18, $0x2;
	s24 =	simm.s32 @!p4 $0x80;
	[sflag:s19] =	ssyncset.done @!p0 $0x0  }
0xfe: {  	s25 =	simm.s32 @!p4 $0x15E00;
	s17 =	sadd.s32 @!p4 $0x6580, s23;
	[sflag:s19] =	ssyncadd.s32 @!p0 $0xFFFFF000  }
0xff: {  	[tilespmem:s25], [sflag:$0x4] =	stream.indirect.gather @!p4 [hbm4b:s2+s24], $0x20, s17, s24, $0xb8;
	[tilespmem:$0x16E00] =	vst v63  }
0x100: {  	_ =	swait.ge @!p6 [sflag:s31], $0x1000  }
0x101: {  	[sflag:s31] =	ssyncset.done @!p6 $0x0  }
0x102: {  	s1 =	sadd.s32 @!p6 $0xC900, s1;
	s8 =	simm.s32 @!p3 $0x2;
	[sflag:s31] =	ssyncadd.s32 @!p6 $0xFFFFF000  }
0x103: {  	[hbm4b:s5+s28] =	stream.indirect.scatter @!p6 [tilespmem:s29], [sflag:$0x5], $0x20, s1, s28, $0xb8;
	[tilespmem:$0x16E00] =	vst v63  }
0x104: {  	_ =	swait.ge @!p3 [sflag:s8], $0x1000  }
0x105: {  	[sflag:s8] =	ssyncset.done @!p3 $0x0  }
0x106: {  	s0 =	sadd.s32 @!p3 $0xC980, s0;
	s28 =	simm.s32 @!p2 $0x3;
	[sflag:s8] =	ssyncadd.s32 @!p3 $0xFFFFF000  }
0x107: {  	[hbm4b:s5+s30] =	stream.indirect.scatter @!p3 [tilespmem:s3], [sflag:$0x6], $0x20, s0, s30, $0xb8;
	[tilespmem:$0x16E00] =	vst v63  }
0x108: {  	_ =	swait.ge @!p2 [sflag:s28], $0x1000  }
0x109: {  	s31 =	sld [smem:$0x7FD];
	_ =	sdelay $0x2  }
0x10a: {  	p1 =	seq.s32 s31, $0x1  }
.Ltmp12:
0x10b: {  	_ = 	snop;
	(pc) =	sbr.rel @p1 .LBB2_16-.Ltmp12, $4  }
0x10c: {  	_ = 	snop  }
0x10d: {  	s16 =	sadd.s32 $0x4, s16;
	s26 =	simm.s32 @!p4 $0x4;
	s18 =	sadd.s32 $0x800, s18  }
0x10e: {  	p0 =	seq.s32 s16, $0x0;
	s19 =	sadd.s32 $0x2, s16;
	s17 =	sadd.s32 $0x3, s16  }
0x10f: {  	s29 =	sadd.s32 @!p2 $0xCA00, s6;
	p6 =	sge.s32 @!p0 s17, s15;
	p3 =	sge.s32 @!p0 s16, s15  }
0x110: {  	p5 =	por $0x1, $0x1  }
.LBB2_18:
0x111: {  	p1 =	por p2, !p5;
	p3 =	por p3, p0  }
0x112: {  	p4 =	por p4, !p5;
	p2 =	sge.s32 s16, s15;
	[sflag:s28] =	ssyncset.done @!p1 $0x0  }
0x113: {  	s0 =	sadd.s32 $0x1, s16;
	p5 =	por p6, p0;
	[sflag:s28] =	ssyncadd.s32 @!p1 $0xFFFFF000  }
0x114: {  	[hbm4b:s5+s22] =	stream.indirect.scatter @!p1 [tilespmem:s21], [sflag:$0x7], $0x20, s29, s22, $0xb8;
	[tilespmem:$0x16E00] =	vst v63  }
0x115: {  	s1 =	sshra.s32 @!p2 s18, $0x2;
	s3 =	sadd.s32 @!p4 $0xCA80, s23;
	_ =	swait.ge @!p4 [sflag:s26], $0x1000  }
0x116: {  	s6 =	simm.s32 @!p2 $0x80;
	s8 =	simm.s32 @!p3 $0x5;
	[sflag:s26] =	ssyncset.done @!p4 $0x0  }
0x117: {  	s16 =	simm.s32 @!p2 $0x12E00;
	p1 =	sge.s32 @!p0 s19, s15;
	[sflag:s26] =	ssyncadd.s32 @!p4 $0xFFFFF000  }
0x118: {  	[hbm4b:s5+s24] =	stream.indirect.scatter @!p4 [tilespmem:s25], [sflag:$0x8], $0x20, s3, s24, $0xb8;
	[tilespmem:$0x16E00] =	vst v63  }
0x119: {  	s22 =	simm.s32 @!p5 $0x8;
	p4 =	sge.s32 @!p0 s0, s15;
	_ =	swait.ge @!p3 [sflag:s8], $0x1000  }
0x11a: {  	s3 =	sadd.s32 @!p2 $0x6400, s1;
	p4 =	por p4, p0;
	[sflag:s8] =	ssyncset.done @!p3 $0x0  }
0x11b: {  	s20 =	simm.s32 @!p4 $0x6;
	[sflag:s8] =	ssyncadd.s32 @!p3 $0xFFFFF000;
	p3 =	sge.s32 s0, s15  }
0x11c: {  	[tilespmem:s16], [sflag:$0x1] =	stream.indirect.gather @!p2 [hbm4b:s2+s6], $0x20, s3, s6, $0xb8;
	[tilespmem:$0x16E00] =	vst v63  }
0x11d: {  	p1 =	por p1, p0;
	s0 =	sshra.s32 @!p3 s18, $0x2;
	_ =	swait.ge @!p4 [sflag:s20], $0x1000  }
0x11e: {  	s3 =	simm.s32 @!p1 $0x7;
	s21 =	simm.s32 @!p3 $0x80;
	[sflag:s20] =	ssyncset.done @!p4 $0x0  }
0x11f: {  	s8 =	sadd.s32 @!p3 $0x6480, s0;
	[sflag:s20] =	ssyncadd.s32 @!p4 $0xFFFFF000;
	s20 =	simm.s32 @!p3 $0x13E00  }
0x120: {  	[tilespmem:s20], [sflag:$0x2] =	stream.indirect.gather @!p3 [hbm4b:s2+s21], $0x20, s8, s21, $0xb8;
	[tilespmem:$0x16E00] =	vst v63  }
0x121: {  	p0 =	sge.s32 s17, s15;
	p4 =	sge.s32 s19, s15;
	_ =	swait.ge @!p1 [sflag:s3], $0x1000  }
0x122: {  	s8 =	simm.s32 @!p4 $0x14E00;
	s23 =	sshra.s32 @!p4 s18, $0x2;
	[sflag:s3] =	ssyncset.done @!p1 $0x0  }
0x123: {  	s19 =	simm.s32 @!p4 $0x80;
	[sflag:s3] =	ssyncadd.s32 @!p1 $0xFFFFF000;
	s3 =	sadd.s32 @!p4 $0x6500, s23  }
0x124: {  	[tilespmem:s8], [sflag:$0x3] =	stream.indirect.gather @!p4 [hbm4b:s2+s19], $0x20, s3, s19, $0xb8;
	[tilespmem:$0x16E00] =	vst v63  }
0x125: {  	s24 =	simm.s32 @!p0 $0x15E00;
	_ =	swait.ge @!p5 [sflag:s22], $0x1000  }
0x126: {  	s3 =	sshra.s32 @!p0 s18, $0x2;
	s18 =	simm.s32 @!p2 $0x1;
	[sflag:s22] =	ssyncset.done @!p5 $0x0  }
0x127: {  	s17 =	sadd.s32 @!p0 $0x6580, s3;
	[sflag:s22] =	ssyncadd.s32 @!p5 $0xFFFFF000;
	s22 =	simm.s32 @!p0 $0x80  }
0x128: {  	[tilespmem:s24], [sflag:$0x4] =	stream.indirect.gather @!p0 [hbm4b:s2+s22], $0x20, s17, s22, $0xb8;
	[tilespmem:$0x16E00] =	vst v63  }
0x129: {  	_ =	swait.ge @!p2 [sflag:s18], $0x1000  }
0x12a: {  	[sflag:s18] =	ssyncset.done @!p2 $0x0  }
0x12b: {  	s1 =	sadd.s32 @!p2 $0xC900, s1;
	s17 =	simm.s32 @!p3 $0x2;
	[sflag:s18] =	ssyncadd.s32 @!p2 $0xFFFFF000  }
0x12c: {  	[hbm4b:s5+s6] =	stream.indirect.scatter @!p2 [tilespmem:s16], [sflag:$0x5], $0x20, s1, s6, $0xb8;
	[tilespmem:$0x16E00] =	vst v63  }
0x12d: {  	_ =	swait.ge @!p3 [sflag:s17], $0x1000  }
0x12e: {  	[sflag:s17] =	ssyncset.done @!p3 $0x0  }
0x12f: {  	s0 =	sadd.s32 @!p3 $0xC980, s0;
	s1 =	simm.s32 @!p4 $0x3;
	[sflag:s17] =	ssyncadd.s32 @!p3 $0xFFFFF000  }
0x130: {  	[hbm4b:s5+s21] =	stream.indirect.scatter @!p3 [tilespmem:s20], [sflag:$0x6], $0x20, s0, s21, $0xb8;
	[tilespmem:$0x16E00] =	vst v63  }
0x131: {  	_ =	swait.ge @!p4 [sflag:s1], $0x1000  }
0x132: {  	[sflag:s1] =	ssyncset.done @!p4 $0x0  }
0x133: {  	s6 =	sadd.s32 @!p4 $0xCA00, s23;
	s0 =	simm.s32 @!p0 $0x4;
	[sflag:s1] =	ssyncadd.s32 @!p4 $0xFFFFF000  }
0x134: {  	[hbm4b:s5+s19] =	stream.indirect.scatter @!p4 [tilespmem:s8], [sflag:$0x7], $0x20, s6, s19, $0xb8;
	[tilespmem:$0x16E00] =	vst v63  }
0x135: {  	_ =	swait.ge @!p0 [sflag:s0], $0x1000  }
0x136: {  	[sflag:s0] =	ssyncset.done @!p0 $0x0  }
0x137: {  	s1 =	sadd.s32 @!p0 $0xCA80, s3;
	[sflag:s0] =	ssyncadd.s32 @!p0 $0xFFFFF000  }
0x138: {  	[hbm4b:s5+s22] =	stream.indirect.scatter @!p0 [tilespmem:s24], [sflag:$0x8], $0x20, s1, s22, $0xb8;
	[tilespmem:$0x16E00] =	vst v63  }
.LBB2_19:
0x139: {  	p0 =	slt.s32 s15, $0x1  }
0x13a: {  	s0 =	simm.s32 @!p0 $0x5  }
0x13b: {  	p1 =	seq.s32 @!p0 s14, $0x80;
	_ =	swait.ge @!p0 [sflag:s0], $0x1000  }
0x13c: {  	p2 =	por p1, p0;
	[sflag:s0] =	ssyncset.done @!p0 $0x0  }
0x13d: {  	p3 =	slt.u32 @!p2 s15, $0x3;
	[sflag:s0] =	ssyncadd.s32 @!p0 $0xFFFFF000;
	s0 =	simm.s32 @!p2 $0x6  }
0x13e: {  	p4 =	por @!p0 p3, p1;
	_ =	swait.ge @!p2 [sflag:s0], $0x1000  }
0x13f: {  	s15 =	sshra.s32 s13, $0x7;
	p4 =	por p4, p0;
	[sflag:s0] =	ssyncset.done @!p2 $0x0  }
0x140: {  	s1 =	sadd.s32 $0x3, s15;
	[sflag:s0] =	ssyncadd.s32 @!p2 $0xFFFFF000;
	s0 =	simm.s32 @!p4 $0x7  }
0x141: {  	s30 =	sand.u32 $0x3, s1;
	p5 =	seq.s32 @!p4 s14, $0x180;
	_ =	swait.ge @!p4 [sflag:s0], $0x1000  }
0x142: {  	p2 =	por @!p2 p5, p3;
	p5 =	sne.s32 s30, $0x0;
	[sflag:s0] =	ssyncset.done @!p4 $0x0  }
0x143: {  	p1 =	por @!p0 p2, p1;
	[sflag:s0] =	ssyncadd.s32 @!p4 $0xFFFFF000;
	p4 =	slt.s32 s15, $0xFFFFFFFE  }
0x144: {  	s31 =	sshrl.u32 s1, $0x1E;
	p0 =	por p1, p0;
	p6 =	por !p4, !p5  }
0x145: {  	s0 =	sadd.s32 s31, s1;
	s1 =	simm.s32 $0x1;
	p1 =	por !p6, !p6  }
0x146: {  	s0 =	sshra.s32 s0, $0x2;
	s1 =	simm.s32 @!p1 $0x0  }
0x147: {  	s16 =	ssub.s32 s0, s1  }
0x148: {  	p1 =	slt.s32 s16, $0x1  }
.Ltmp13:
0x149: {  	_ = 	snop;
	(pc) =	sbr.rel @p1 .LBB2_23-.Ltmp13, $4  }
0x14a: {  	s3 =	simm.s32 @!p0 $0x8  }
0x14b: {  	_ =	swait.ge @!p0 [sflag:s3], $0x1000  }
0x14c: {  	[sflag:s3] =	ssyncset.done @!p0 $0x0  }
0x14d: {  	[sflag:s3] =	ssyncadd.s32 @!p0 $0xFFFFF000  }
0x14e: {  	s0 =	sshll.u32 s15, $0x9;
	p0 =	por $0x1, $0x1;
	p1 =	sle.s32 s15, $0x2  }
0x14f: {  	p3 =	sle.s32 s15, $0x0;
	s14 =	ssub.s32 $0x0, s0;
	p2 =	sle.s32 @!p0 s15, $0x0  }
0x150: {  	p4 =	sle.s32 @!p0 s15, $0x1;
	s8 =	simm.s32 @!p3 $0x80;
	p5 =	por p2, p0  }
0x151: {  	s17 =	simm.s32 @!p3 $0x12E00;
	s0 =	sshra.s32 @!p3 s14, $0x2;
	s1 =	simm.s32 @!p5 $0x5  }
0x152: {  	p2 =	sle.s32 s15, $0x1;
	p4 =	por p4, p0;
	_ =	swait.ge @!p5 [sflag:s1], $0x1000  }
0x153: {  	s3 =	sadd.s32 @!p3 $0x6400, s0;
	s6 =	sshra.s32 @!p2 s14, $0x2;
	[sflag:s1] =	ssyncset.done @!p5 $0x0  }
0x154: {  	s3 =	sadd.s32 @!p3 $0x6500, s3;
	[sflag:s1] =	ssyncadd.s32 @!p5 $0xFFFFF000;
	s1 =	simm.s32 @!p4 $0x6  }
0x155: {  	[tilespmem:s17], [sflag:$0x1] =	stream.indirect.gather @!p3 [hbm4b:s4+s8], $0x20, s3, s8, $0xb8;
	[tilespmem:$0x16E00] =	vst v63  }
0x156: {  	s18 =	simm.s32 @!p2 $0x13E00;
	s20 =	simm.s32 @!p2 $0x80;
	_ =	swait.ge @!p4 [sflag:s1], $0x1000  }
0x157: {  	p5 =	sle.s32 @!p0 s15, $0x2;
	s3 =	sadd.s32 @!p2 $0x6400, s6;
	[sflag:s1] =	ssyncset.done @!p4 $0x0  }
0x158: {  	s3 =	sadd.s32 @!p2 $0x6580, s3;
	[sflag:s1] =	ssyncadd.s32 @!p4 $0xFFFFF000;
	p4 =	por p5, p0  }
0x159: {  	[tilespmem:s18], [sflag:$0x2] =	stream.indirect.gather @!p2 [hbm4b:s4+s20], $0x20, s3, s20, $0xb8;
	[tilespmem:$0x16E00] =	vst v63  }
0x15a: {  	s23 =	simm.s32 @!p1 $0x14E00;
	s1 =	sshra.s32 @!p1 s14, $0x2;
	s3 =	simm.s32 @!p4 $0x7  }
0x15b: {  	p5 =	sle.s32 @!p0 s15, $0x3;
	s19 =	sadd.s32 @!p1 $0x6400, s1;
	_ =	swait.ge @!p4 [sflag:s3], $0x1000  }
0x15c: {  	p5 =	por p5, p0;
	s21 =	sadd.s32 @!p1 $0x6600, s19;
	[sflag:s3] =	ssyncset.done @!p4 $0x0  }
0x15d: {  	s22 =	simm.s32 @!p5 $0x8;
	s19 =	simm.s32 @!p1 $0x80;
	[sflag:s3] =	ssyncadd.s32 @!p4 $0xFFFFF000  }
0x15e: {  	[tilespmem:s23], [sflag:$0x3] =	stream.indirect.gather @!p1 [hbm4b:s4+s19], $0x20, s21, s19, $0xb8;
	[tilespmem:$0x16E00] =	vst v63  }
0x15f: {  	p0 =	sle.s32 s15, $0x3;
	_ =	swait.ge @!p5 [sflag:s22], $0x1000  }
0x160: {  	s3 =	sshra.s32 @!p0 s14, $0x2;
	[sflag:s22] =	ssyncset.done @!p5 $0x0  }
0x161: {  	s25 =	simm.s32 @!p3 $0x1;
	[sflag:s22] =	ssyncadd.s32 @!p5 $0xFFFFF000;
	s22 =	sadd.s32 @!p0 $0x6400, s3  }
0x162: {  	s21 =	simm.s32 @!p0 $0x80;
	s24 =	sadd.s32 @!p0 $0x6680, s22;
	s22 =	simm.s32 @!p0 $0x15E00  }
0x163: {  	[tilespmem:s22], [sflag:$0x4] =	stream.indirect.gather @!p0 [hbm4b:s4+s21], $0x20, s24, s21, $0xb8;
	[tilespmem:$0x16E00] =	vst v63  }
0x164: {  	_ =	swait.ge @!p3 [sflag:s25], $0x1000  }
0x165: {  	s0 =	sadd.s32 @!p3 $0xC900, s0;
	[sflag:s25] =	ssyncset.done @!p3 $0x0  }
0x166: {  	s0 =	sadd.s32 @!p3 $0x6500, s0;
	[sflag:s25] =	ssyncadd.s32 @!p3 $0xFFFFF000  }
0x167: {  	[hbm4b:s5+s8] =	stream.indirect.scatter @!p3 [tilespmem:s17], [sflag:$0x5], $0x20, s0, s8, $0xb8;
	[tilespmem:$0x16E00] =	vst v63  }
0x168: {  	s0 =	sadd.s32 @!p0 $0xC900, s3;
	s3 =	simm.s32 @!p2 $0x2  }
0x169: {  	_ =	swait.ge @!p2 [sflag:s3], $0x1000  }
0x16a: {  	s6 =	sadd.s32 @!p2 $0xC900, s6;
	[sflag:s3] =	ssyncset.done @!p2 $0x0  }
0x16b: {  	s16 =	sadd.s32 $0xFFFFFFFF, s16;
	s6 =	sadd.s32 @!p2 $0x6580, s6;
	[sflag:s3] =	ssyncadd.s32 @!p2 $0xFFFFF000  }
0x16c: {  	[hbm4b:s5+s20] =	stream.indirect.scatter @!p2 [tilespmem:s18], [sflag:$0x6], $0x20, s6, s20, $0xb8;
	[tilespmem:$0x16E00] =	vst v63  }
0x16d: {  	p2 =	sne.s32 s16, $0x0  }
.Ltmp14:
0x16e: {  	_ = 	snop;
	(pc) =	sbr.rel @!p2 .LBB2_22-.Ltmp14, $4  }
0x16f: {  	s1 =	sadd.s32 @!p1 $0xC900, s1  }
0x170: {  	s31 =	simm.s32 @!p1 $0x3;
	s30 =	sadd.s32 @!p1 $0x6600, s1  }
0x171: {  	s28 =	simm.s32 @!p0 $0x4;
	p5 =	por p1, p1;
	s17 =	simm.s32 $0x6600  }
0x172: {  	s25 =	sadd.s32 @!p0 $0x6680, s0;
	s18 =	simm.s32 $0xCB00;
	s20 =	simm.s32 $0x7  }
.LBB2_21:
0x173: {  	s0 =	sadd.s32 $0xFFFFFFFE, s20;
	p4 =	seq.s32 s20, $0x3  }
0x174: {  	_ =	swait.ge @!p5 [sflag:s31], $0x1000;
	p1 =	sge.s32 @!p4 s0, s15  }
0x175: {  	s1 =	sadd.s32 $0xFFFFFFFF, s20;
	[sflag:s31] =	ssyncset.done @!p5 $0x0;
	s6 =	simm.s32 @!p1 $0x0  }
0x176: {  	[sflag:s31] =	ssyncadd.s32 @!p5 $0xFFFFF000;
	s6 =	simm.s32 @p1 $0x1;
	p1 =	sge.s32 @!p4 s1, s15  }
0x177: {  	[hbm4b:s5+s19] =	stream.indirect.scatter @!p5 [tilespmem:s23], [sflag:$0x7], $0x20, s30, s19, $0xb8;
	[tilespmem:$0x16E00] =	vst v63  }
0x178: {  	p2 =	sge.s32 s1, s15;
	s1 =	simm.s32 @!p1 $0x0  }
0x179: {  	[smem:$0x7FA] =	sst s6;
	s1 =	simm.s32 @p1 $0x1  }
0x17a: {  	s3 =	sadd.s32 $0xFFFFFFFD, s20;
	[smem:$0x7FB] =	sst s1  }
0x17b: {  	p3 =	sge.s32 @!p4 s3, s15;
	_ =	swait.ge @!p0 [sflag:s28], $0x1000  }
0x17c: {  	p6 =	por p3, p4;
	p3 =	sge.s32 s3, s15;
	[sflag:s28] =	ssyncset.done @!p0 $0x0  }
0x17d: {  	p1 =	sge.s32 s0, s15;
	s0 =	simm.s32 @!p6 $0x5;
	[sflag:s28] =	ssyncadd.s32 @!p0 $0xFFFFF000  }
0x17e: {  	[hbm4b:s5+s21] =	stream.indirect.scatter @!p0 [tilespmem:s22], [sflag:$0x8], $0x20, s25, s21, $0xb8;
	[tilespmem:$0x16E00] =	vst v63  }
0x17f: {  	s29 =	simm.s32 @!p3 $0x12E00;
	s1 =	sshra.s32 @!p3 s14, $0x2;
	_ =	swait.ge @!p6 [sflag:s0], $0x1000  }
0x180: {  	s3 =	sadd.s32 @!p3 s1, s17;
	[sflag:s0] =	ssyncset.done @!p6 $0x0;
	s25 =	sld [smem:$0x7FA]  }
0x181: {  	s3 =	sadd.s32 @!p3 $0x6500, s3;
	s28 =	simm.s32 @!p3 $0x80;
	[sflag:s0] =	ssyncadd.s32 @!p6 $0xFFFFF000  }
0x182: {  	[tilespmem:s29], [sflag:$0x1] =	stream.indirect.gather @!p3 [hbm4b:s4+s28], $0x20, s3, s28, $0xb8;
	[tilespmem:$0x16E00] =	vst v63  }
0x183: {  	p6 =	seq.s32 s25, $0x1  }
0x184: {  	p5 =	por p6, p4  }
0x185: {  	s8 =	simm.s32 @!p5 $0x6  }
0x186: {  	s30 =	sshra.s32 @!p1 s14, $0x2;
	s24 =	simm.s32 @!p1 $0x13E00;
	_ =	swait.ge @!p5 [sflag:s8], $0x1000  }
0x187: {  	s6 =	sadd.s32 @!p1 s30, s17;
	[sflag:s8] =	ssyncset.done @!p5 $0x0;
	s7 =	sld [smem:$0x7FB]  }
0x188: {  	s26 =	simm.s32 @!p1 $0x80;
	s0 =	sadd.s32 @!p1 $0x6580, s6;
	[sflag:s8] =	ssyncadd.s32 @!p5 $0xFFFFF000  }
0x189: {  	[tilespmem:s24], [sflag:$0x2] =	stream.indirect.gather @!p1 [hbm4b:s4+s26], $0x20, s0, s26, $0xb8;
	[tilespmem:$0x16E00] =	vst v63  }
0x18a: {  	s16 =	sadd.s32 $0xFFFFFFFF, s16;
	p0 =	sge.s32 @!p4 s20, s15;
	p5 =	seq.s32 s7, $0x1  }
0x18b: {  	s6 =	sshra.s32 @!p2 s14, $0x2;
	p6 =	por p0, p4;
	p4 =	por p5, p4  }
0x18c: {  	s31 =	simm.s32 @!p2 $0x3;
	s19 =	sadd.s32 @!p2 s6, s17;
	s0 =	simm.s32 @!p4 $0x7  }
0x18d: {  	s23 =	simm.s32 @!p2 $0x14E00;
	s3 =	sadd.s32 @!p2 $0x6600, s19;
	_ =	swait.ge @!p4 [sflag:s0], $0x1000  }
0x18e: {  	s19 =	simm.s32 @!p2 $0x80;
	p0 =	sge.s32 s20, s15;
	[sflag:s0] =	ssyncset.done @!p4 $0x0  }
0x18f: {  	s25 =	simm.s32 @!p6 $0x8;
	s8 =	sshra.s32 @!p0 s14, $0x2;
	[sflag:s0] =	ssyncadd.s32 @!p4 $0xFFFFF000  }
0x190: {  	[tilespmem:s23], [sflag:$0x3] =	stream.indirect.gather @!p2 [hbm4b:s4+s19], $0x20, s3, s19, $0xb8;
	[tilespmem:$0x16E00] =	vst v63  }
0x191: {  	s1 =	sadd.s32 @!p3 s1, s18;
	s22 =	sadd.s32 @!p0 s8, s17;
	_ =	swait.ge @!p6 [sflag:s25], $0x1000  }
0x192: {  	s21 =	simm.s32 @!p0 $0x80;
	s9 =	sadd.s32 @!p0 $0x6680, s22;
	[sflag:s25] =	ssyncset.done @!p6 $0x0  }
0x193: {  	s7 =	simm.s32 @!p3 $0x1;
	s22 =	simm.s32 @!p0 $0x15E00;
	[sflag:s25] =	ssyncadd.s32 @!p6 $0xFFFFF000  }
0x194: {  	[tilespmem:s22], [sflag:$0x4] =	stream.indirect.gather @!p0 [hbm4b:s4+s21], $0x20, s9, s21, $0xb8;
	[tilespmem:$0x16E00] =	vst v63  }
0x195: {  	s20 =	sadd.s32 $0x4, s20;
	s8 =	sadd.s32 @!p0 s8, s18;
	_ =	swait.ge @!p3 [sflag:s7], $0x1000  }
0x196: {  	s0 =	sadd.s32 @!p3 $0x6500, s1;
	s1 =	sadd.s32 @!p1 s30, s18;
	[sflag:s7] =	ssyncset.done @!p3 $0x0  }
0x197: {  	p4 =	sne.s32 s16, $0x0;
	s3 =	sadd.s32 @!p2 s6, s18;
	[sflag:s7] =	ssyncadd.s32 @!p3 $0xFFFFF000  }
0x198: {  	[hbm4b:s5+s28] =	stream.indirect.scatter @!p3 [tilespmem:s29], [sflag:$0x5], $0x20, s0, s28, $0xb8;
	[tilespmem:$0x16E00] =	vst v63  }
.Ltmp15:
0x199: {  	s30 =	sadd.s32 @!p2 $0x6600, s3;
	s3 =	simm.s32 @!p1 $0x2;
	(pc) =	sbr.rel @p4 .LBB2_21-.Ltmp15, $4  }
0x19a: {  	s17 =	sadd.s32 $0x200, s17;
	p5 =	por p2, p2;
	_ =	swait.ge @!p1 [sflag:s3], $0x1000  }
0x19b: {  	s1 =	sadd.s32 @!p1 $0x6580, s1;
	s18 =	sadd.s32 $0x200, s18;
	[sflag:s3] =	ssyncset.done @!p1 $0x0  }
0x19c: {  	s25 =	sadd.s32 @!p0 $0x6680, s8;
	s28 =	simm.s32 @!p0 $0x4;
	[sflag:s3] =	ssyncadd.s32 @!p1 $0xFFFFF000  }
0x19d: {  	[hbm4b:s5+s26] =	stream.indirect.scatter @!p1 [tilespmem:s24], [sflag:$0x6], $0x20, s1, s26, $0xb8;
	[tilespmem:$0x16E00] =	vst v63  }
.Ltmp16:
0x19e: {  	_ = 	snop;
	(pc) =	sbr.rel .LBB2_22-.Ltmp16, $1  }
0x19f: {  	_ =	sdelay $0x3  }
.LBB2_13:
.Ltmp17:
0x1a0: {  	(pc) =	sbr.rel .LBB2_18-.Ltmp17, $2  }
0x1a1: {  	_ =	sdelay $0x2  }
0x1a2: {  	s18 =	simm.s32 $0x0  }
.LBB2_15:
.Ltmp18:
0x1a3: {  	(pc) =	sbr.rel .LBB2_18-.Ltmp18, $2  }
0x1a4: {  	_ =	sdelay $0x2  }
0x1a5: {  	p5 =	por $0x1, $0x1  }
.LBB2_24:
0x1a6: {  	_ =	sfence.sel $0x180000  }
0x1a7: {  	[bflag:$0x0] =	sbarrier.arrive $0xFFFF  }
0x1a8: {  	_ =	strace $0x9000004A  }
0x1a9: {  	s0 =	stileid.u32;
	[bflag:$0x2] =	sbarrier.arrive $0xFFFF  }
0x1aa: {  	p0 =	sne.s32 s0, $0x0;
	s0 =	rddreg [dreg:$0x2]  }
0x1ab: {  	s0 =	sadd.s32 @!p0 $0x100000, s0  }
0x1ac: {  	[sflag:s0] =	ssyncadd.tile.s32 @!p0 $0x1;
	_ =	shalt  }
.Lfunc_end2:
_tile_overlayer_lowered:
.L_overlay_start_2:
0x1ad: {  	(tag) =	ssettag $0x2  }
0x1ae: {  	s0 =	rddreg [dreg:$0x0];
	s2 =	stileid.u32  }
0x1af: {  	s1 =	rddreg [dreg:$0x1];
	p0 =	sne.s32 s2, $0x0  }
0x1b0: {  	s3 =	rddreg [dreg:$0x2];
	[bflag:$0x3] =	sbarrier.arrive $0xFFFF;
	s2 =	simm.s32 @!p0 $0x1C09  }
0x1b1: {  	[timem:s3], [sflag:s2] =	dma.local @!p0 [hbm:s0], s1  }
0x1b2: {  	s0 =	simm.s32 @!p0 $0x9  }
0x1b3: {  	_ =	swait.ge @!p0 [sflag:s0], s1  }
0x1b4: {  	s1 =	ssub.s32 @!p0 $0x0, s1;
	[sflag:s0] =	ssyncset.done @!p0 $0x0  }
0x1b5: {  	[sflag:s0] =	ssyncadd.s32 @!p0 s1  }
0x1b6: {  	[bflag:$0x3] =	sbarrier.arrive $0xFFFF  }
0x1b7: {  	_ =	shalt  }

// kernel: sparse-core-data-format-call.1.cloned.1.call-start
scs
called_computation.1_lowered:
.L_overlay_start_0:
0x0: {  	s2 =	sld [smem:$0x3FD9]  }
0x1: {  	s3 =	sld [smem:$0x3FFE];
	_ =	sdelay $0x1  }
0x2: {  	s1 =	srdreg.scid  }
0x3: {  	s0 =	sand.u32 $0x1, s1  }
0x4: {  	s18 =	sshll.u32 s0, $0xA;
	s2 =	sadd.s32 s3, s2  }
0x5: {  	s2 =	sadd.s32 s2, s18  }
0x6: {  	[smem:$0x3FC5] =	sst s2  }
0x7: {  	_ = 	snop  }
0x8: {  	(tm) =	ssettm $0x1  }
0x9: {  	s19 =	sld [smem:$0x3FFB];
	_ =	sdelay $0x3  }
0xa: {  	_ =	strace s19  }
0xb: {  	s2 =	sld [smem:$0x3FFC];
	_ =	sdelay $0x3  }
0xc: {  	_ =	strace s2  }
0xd: {  	s2 =	sld [smem:$0x3FFD];
	_ =	sdelay $0x3  }
0xe: {  	_ =	strace s2  }
0xf: {  	_ =	strace $0x8FFFFFFF  }
0x10: {  	s20 =	sld [smem:$0x3FDB];
	_ =	sdelay $0x1  }
0x11: {  	s21 =	simm.s32 $_scs_section_size  }
0x12: {  	s4 =	simm.s32 $_size__tile_overlayer_lowered;
	s5 =	simm.s32 $_tile_overlayer_lowered  }
0x13: {  	s6 =	simm.s32 $0x1BFF;
	s22 =	sshll.u32 s5, $0x1;
	s3 =	sadd.s32 s21, s20  }
0x14: {  	s23 =	simm.s32 $0x0;
	s4 =	sshll.u32 s4, $0x1;
	s5 =	sadd.s32 s22, s3  }
0x15: {  	[timem:s23], [sflag:s6] =	dma.local [hbm:s5], s4  }
0x16: {  	_ =	swait.ge [sflag:s6], s4  }
0x17: {  	s4 =	ssub.s32 $0x0, s4;
	[sflag:s6] =	ssyncset.done $0x0  }
0x18: {  	[sflag:s6] =	ssyncadd.s32 s4;
	_ =	sdelay $0x1  }
0x19: {  	s24 =	simm.s32 $0x1B8B  }
0x1a: {  	_ =	swait.ge [sflag:s24], $0x1  }
0x1b: {  	[sflag:s24] =	ssyncset.done $0x0  }
0x1c: {  	[sflag:s24] =	ssyncadd.s32 $0xFFFFFFFF  }
0x1d: {  	s4 =	sld [smem:$0x0]  }
0x1e: {  	s5 =	sand.u32 $0xFFFFFFFE, s1  }
0x1f: {  	p0 =	sne.s32 s1, s5  }
0x20: {  	s5 =	sshll.u32 @p0 s5, $0xE  }
0x21: {  	s5 =	sadd.s32 @p0 $0x11B8D, s5;
	s6 =	sshll.u32 @p0 s4, $0x11  }
0x22: {  	s5 =	sor.u32 @p0 s6, s5  }
0x23: {  	[sflag:s5] =	ssyncadd.remote.s32 @p0 $0x1;
	_ =	sdelay $0x1  }
0x24: {  	s5 =	simm.s32 @p0 $0x1B8D  }
0x25: {  	_ =	swait.eq @p0 [sflag:s5], $0x1  }
0x26: {  	[sflag:s5] =	ssyncadd.s32 @p0 $0xFFFFFFFF  }
0x27: {  	s6 =	sshll.u32 @!p0 s1, $0xE  }
0x28: {  	s6 =	sor.u32 @!p0 $0x4000, s6;
	s5 =	simm.s32 @!p0 $0x1B8D  }
0x29: {  	s4 =	sshll.u32 @!p0 s4, $0x11;
	s6 =	sadd.s32 @!p0 $0x11B8D, s6;
	_ =	swait.eq @!p0 [sflag:s5], $0x1  }
0x2a: {  	s4 =	sor.u32 @!p0 s4, s6;
	[sflag:s5] =	ssyncadd.s32 @!p0 $0xFFFFFFFF  }
0x2b: {  	s26 =	simm.s32 $0x1B8E;
	s25 =	sld [smem:$0x3FFE];
	[sflag:s4] =	ssyncadd.remote.s32 @!p0 $0x1  }
0x2c: {  	s27 =	simm.s32 $execute0_lowered;
	[smem:$0x3FD2] =	sst s26  }
0x2d: {  	s5 =	sshll.u32 s27, $0x1;
	_ =	strace $0x8000004F;
	[dreg:$0x1] =	wrdreg $0xFFFFFFFF  }
0x2e: {  	s28 =	simm.s32 $_size_execute0_lowered;
	s3 =	sadd.s32 s3, s5;
	[dreg:$0x0] =	wrdreg $0x0  }
0x2f: {  	s5 =	sshll.u32 s28, $0x1;
	[dreg:$0x2] =	wrdreg s3  }
0x30: {  	[dreg:$0x3] =	wrdreg s5  }
0x31: {  	[dreg:$0x4] =	wrdreg $0xC0  }
0x32: {  	_ =	task [dreg:s23], $0x5FFFF  }
0x33: {  	[dreg:$0x1] =	wrdreg $0xFFFFFFFF  }
0x34: {  	[dreg:$0x0] =	wrdreg $0x60  }
0x35: {  	[dreg:$0x2] =	wrdreg s25  }
0x36: {  	[dreg:$0x3] =	wrdreg $0xA  }
0x37: {  	_ =	task.clear_ibuf [dreg:s23], $0x4FFFF;
	_ =	strace $0x9000004F  }
0x38: {  	s29 =	simm.s32 $0xA;
	_ =	strace $0x80000051  }
0x39: {  	_ =	swait.ge [sflag:s29], $0x1  }
0x3a: {  	[sflag:s29] =	ssyncadd.s32 $0xFFFFFFFF  }
0x3b: {  	_ =	strace $0x90000051  }
0x3c: {  	_ =	sfence  }
0x3d: {  	s30 =	sld [smem:$0x0];
	_ =	sdelay $0x2  }
0x3e: {  	s31 =	sshll.u32 s1, $0xD;
	s1 =	sshrl.u32 s1, $0x2  }
0x3f: {  	s4 =	sand.u32 $0x4000, s31;
	s1 =	sadd.s32 s1, s30  }
0x40: {  	s0 =	sor.u32 s4, s0;
	s1 =	sshll.u32 s1, $0x11  }
0x41: {  	s0 =	sor.u32 s1, s0  }
0x42: {  	s0 =	sadd.s32 $0x8F2B, s0  }
0x43: {  	[sflag:s0] =	ssyncadd.remote.s32 $0x1  }
0x44: {  	_ =	sfence.sel $0xFFFF  }
0x45: {  	[dreg:$0x0] =	wrdreg $0xFFFFFFFF;
	(pc) =	sbr.abs _section_cstart, $3  }
0x46: {  	[dreg:$0x1] =	wrdreg $0xFFFFFFFF  }
0x47: {  	_ =	task.clear_ibuf [dreg:s23], $0x2FFFF;
	_ =	strace $0x9FFFFFFF  }
0x48: {  	(tm) =	ssettm $0x7FFFFFFF  }
0x49: {  	_ =	shalt  }
tec
execute0_lowered:
.L_overlay_start_1:
0x0: {  	(tag) =	ssettag $0x1  }
0x1: {  	s0 =	srdreg.scid  }
0x2: {  	s4 =	rddreg [dreg:$0x0];
	s7 =	simm.s32 $0x2;
	s1 =	sshll.u32 s0, $0x4  }
0x3: {  	s15 =	simm.s32 $0x0;
	s0 =	stileid.u32;
	s1 =	sand.u32 $0x10, s1  }
0x4: {  	s11 =	simm.s32 $0x400;
	s12 =	simm.s32 $0x8000;
	s3 =	sor.u32 s0, s1  }
0x5: {  	s16 =	simm.s32 $0x0;
	s13 =	simm.s32 $0x0;
	s2 =	sshll.u32 s3, $0x7  }
0x6: {  	s14 =	simm.s32 $0x0;
	s1 =	rddreg [dreg:$0x1];
	s5 =	ssub.s32 $0x1000, s2  }
0x7: {  	_ =	strace $0x80000050;
	s3 =	sshll.u32 s3, $0xB;
	s6 =	sand.u32 $0xF80, s5  }
0x8: {  	s9 =	sadd.s32 s3, s4;
	p0 =	sne.s32 s6, $0x0;
	s6 =	simm.s32 $0x1  }
.Ltmp0:
0x9: {  	s5 =	sshrl.u32 s5, $0xC;
	s6 =	simm.s32 @!p0 $0x0;
	(pc) =	sbr.rel .LBB1_1-.Ltmp0, $4  }
0xa: {  	s3 =	simm.s32 $0x1;
	s4 =	sadd.s32 $0x1AA000, s4;
	s5 =	sadd.s32 s6, s5  }
0xb: {  	[sflag:s3] =	ssyncpa.u1 $0x0;
	s8 =	sadd.s32 $0x35A000, s9;
	s5 =	smul.u32 $0x19, s5  }
0xc: {  	[sflag:s7] =	ssyncpa.u1 $0x0;
	s7 =	sadd.s32 $0x34A000, s9;
	p0 =	por $0x0, $0x0  }
0xd: {  	s6 =	sadd.s32 $0x33A000, s9;
	s9 =	sadd.s32 $0x36A000, s9;
	s10 =	sadd.s32 $0x1, s5  }
.LBB1_7:
0xe: {  	s17 =	sadd.s32 $0x4, s13  }
0xf: {  	p2 =	sgt.s32 s17, $0x63  }
0x10: {  	s17 =	simm.s32 @p2 $0x0;
	p2 =	sne.s32 s14, s10  }
.Ltmp1:
0x11: {  	p1 =	slt.u32 s14, $0x2;
	(pc) =	sbr.rel @!p2 .LBB1_8-.Ltmp1, $4  }
0x12: {  	s15 =	simm.s32 @!p1 $0x2  }
0x13: {  	s18 =	sadd.s32 $0x1, s14;
	s16 =	smov.u32 s13;
	_ =	swait.ge @!p1 [sflag:s15], $0x4000  }
0x14: {  	p0 =	por !p0, !p0;
	s14 =	smov.u32 s18;
	[sflag:s15] =	ssyncset.done @!p1 $0x0  }
0x15: {  	s13 =	smov.u32 s17;
	[sflag:s15] =	ssyncadd.s32 @!p1 $0xFFFFC000;
	s15 =	smov.u32 s2  }
.LBB1_1:
0x16: {  	p1 =	sge.u32 s14, s5  }
0x17: {  	s17 =	sxor.u32 @!p1 $0xFFFFFFFF, s14  }
0x18: {  	s18 =	sshll.u32 @!p1 s13, $0x10;
	s20 =	simm.s32 @!p1 $0x20;
	s17 =	sshll.u32 @!p1 s17, $0xE  }
0x19: {  	s21 =	simm.s32 @!p1 $0x80;
	s19 =	sadd.s32 @!p1 s18, s6;
	s17 =	sand.u32 @!p1 $0x4000, s17  }
0x1a: {  	[tilespmem:s17], [sflag:$0x1] =	stream.strided.gather @!p1 [hbm4b:s19+s20], $0x1000, s21, s20, $0x38;
	[tilespmem:$0x10100] =	vst v63  }
0x1b: {  	s19 =	sadd.s32 @!p1 s18, s7;
	s22 =	sor.u32 @!p1 $0x1000, s17  }
0x1c: {  	[tilespmem:s22], [sflag:$0x1] =	stream.strided.gather @!p1 [hbm4b:s19+s20], $0x1000, s21, s20, $0x38;
	[tilespmem:$0x10100] =	vst v63  }
0x1d: {  	s19 =	sadd.s32 @!p1 s18, s8;
	s22 =	sor.u32 @!p1 $0x2000, s17  }
0x1e: {  	[tilespmem:s22], [sflag:$0x1] =	stream.strided.gather @!p1 [hbm4b:s19+s20], $0x1000, s21, s20, $0x38;
	[tilespmem:$0x10100] =	vst v63  }
0x1f: {  	s31 =	sadd.s32 $0xFFFFFFFF, s14;
	s18 =	sadd.s32 @!p1 s18, s9;
	s17 =	sor.u32 @!p1 $0x3000, s17  }
0x20: {  	[tilespmem:s17], [sflag:$0x1] =	stream.strided.gather @!p1 [hbm4b:s18+s20], $0x1000, s21, s20, $0x38;
	[tilespmem:$0x10100] =	vst v63  }
0x21: {  	p1 =	sge.u32 s31, s5  }
.Ltmp2:
0x22: {  	_ = 	snop;
	(pc) =	sbr.rel @p1 .LBB1_7-.Ltmp2, $1  }
0x23: {  	_ =	sdelay $0x3  }
0x24: {  	s18 =	simm.s32 $0x1;
	s19 =	sand.u32 $0x1, s14  }
0x25: {  	_ =	swait.ge [sflag:s3], $0x4000;
	s18 =	simm.s32 @!p0 $0x0;
	s20 =	smul.u32 $0x10200, s19  }
0x26: {  	[sflag:s3] =	ssyncset.done $0x0;
	s17 =	smul.u32 $0x10200, s18  }
0x27: {  	s18 =	sshll.u32 s18, $0xE;
	[sflag:s3] =	ssyncadd.s32 $0xFFFFC000  }
0x28: {  	s19 =	sor.u32 $0x10, s18;
	s31 =	sshrl.u32 s20, $0x2;
	s17 =	sshrl.u32 s17, $0x2  }
0x29: {  	s20 =	simm.s32 $0x0;
	s18 =	sor.u32 $0x8000, s31;
	s17 =	sor.u32 $0x8000, s17  }
.LBB1_3:
0x2a: {  	v1 =	vld [tilespmem:s19+$0x0]  }
0x2b: {  	v0 =	vld [tilespmem:s19+$0xFFFFFFF0];
	_ =	sdelay $0x2  }
0x2c: {  	s23 =	sadd.s32 $0x0, s17  }
0x2d: {  	s21 =	simm.s32 $0x4;
	s22 =	sadd.s32 $0x20, s19;
	[tilespmem:s23+$0x810 ss:$0x81] =	vst.msk $0xffff, v1  }
.LBB1_4:
0x2e: {  	v1 =	vld [tilespmem:s22+$0x0];
	p1 =	sne.s32 s21, $0x1FC;
	[tilespmem:s23+$0x0 ss:$0x81] =	vst.msk $0xffff, v0;
	s23 =	smov.u32 s21;
	s21 =	sadd.s32 $0x4, s21  }
.Ltmp3:
0x2f: {  	v0 =	vld [tilespmem:s22+$0xFFFFFFF0];
	(pc) =	sbr.rel @p1 .LBB1_4-.Ltmp3, $4  }
0x30: {  	_ = 	snop  }
0x31: {  	s23 =	sshra.s32 s23, $0x2  }
0x32: {  	s23 =	sadd.s32 s23, s17  }
0x33: {  	s22 =	sadd.s32 $0x20, s22;
	[tilespmem:s23+$0x810 ss:$0x81] =	vst.msk $0xffff, v1  }
0x34: {  	s20 =	sadd.s32 $0x1, s20  }
0x35: {  	p1 =	sne.s32 s20, $0x4  }
.Ltmp4:
0x36: {  	_ = 	snop;
	(pc) =	sbr.rel @p1 .LBB1_3-.Ltmp4, $2  }
0x37: {  	_ =	sdelay $0x2  }
0x38: {  	[tilespmem:s23+$0x0 ss:$0x81] =	vst.msk $0xffff, v0;
	s17 =	sadd.s32 $0x1020, s17;
	s19 =	sadd.s32 $0x1000, s19  }
.Ltmp5:
0x39: {  	(pc) =	sbr.rel .LBB1_7-.Ltmp5, $4  }
0x3a: {  	s16 =	sshll.u32 s16, $0xE  }
0x3b: {  	s16 =	sadd.s32 s4, s16  }
0x3c: {  	s15 =	sadd.s32 s15, s16  }
0x3d: {  	[hbm4b:s15+s11] =	stream.strided.scatter [tilespmem:s18], [sflag:$0x2], $0x4000, s12, s11, $0x20;
	[tilespmem:$0x10100] =	vst v63  }
.LBB1_8:
0x3e: {  	_ =	sfence.sel $0x180000  }
0x3f: {  	s2 =	simm.s32 $0x1;
	[bflag:$0x0] =	sbarrier.arrive $0xFFFF  }
0x40: {  	s31 =	simm.s32 $0x2;
	[sflag:s2] =	ssyncpa.u1 $0x1  }
0x41: {  	[sflag:s31] =	ssyncpa.u1 $0x1  }
0x42: {  	p0 =	sne.s32 s0, $0x0;
	_ =	strace $0x90000050  }
0x43: {  	s0 =	sadd.s32 @!p0 $0x100000, s1;
	[bflag:$0x2] =	sbarrier.arrive $0xFFFF  }
0x44: {  	[sflag:s0] =	ssyncadd.tile.s32 @!p0 $0x1;
	_ =	shalt  }
.Lfunc_end1:
_tile_overlayer_lowered:
.L_overlay_start_2:
0x45: {  	(tag) =	ssettag $0x2  }
0x46: {  	s0 =	rddreg [dreg:$0x0];
	s2 =	stileid.u32  }
0x47: {  	s1 =	rddreg [dreg:$0x1];
	p0 =	sne.s32 s2, $0x0  }
0x48: {  	s3 =	rddreg [dreg:$0x2];
	[bflag:$0x3] =	sbarrier.arrive $0xFFFF;
	s2 =	simm.s32 @!p0 $0x1C01  }
0x49: {  	[timem:s3], [sflag:s2] =	dma.local @!p0 [hbm:s0], s1  }
0x4a: {  	s0 =	simm.s32 @!p0 $0x1  }
0x4b: {  	_ =	swait.ge @!p0 [sflag:s0], s1  }
0x4c: {  	s1 =	ssub.s32 @!p0 $0x0, s1;
	[sflag:s0] =	ssyncset.done @!p0 $0x0  }
0x4d: {  	[sflag:s0] =	ssyncadd.s32 @!p0 s1  }
0x4e: {  	[bflag:$0x3] =	sbarrier.arrive $0xFFFF  }
0x4f: {  	_ =	shalt  }

// kernel: sparse-core-data-format-call.cloned.1.call-start
scs
called_computation_lowered:
.L_overlay_start_0:
0x0: {  	s2 =	sld [smem:$0x3FD9]  }
0x1: {  	s3 =	sld [smem:$0x3FFE];
	_ =	sdelay $0x1  }
0x2: {  	s1 =	srdreg.scid  }
0x3: {  	s0 =	sand.u32 $0x1, s1  }
0x4: {  	s18 =	sshll.u32 s0, $0xA;
	s2 =	sadd.s32 s3, s2  }
0x5: {  	s2 =	sadd.s32 s2, s18  }
0x6: {  	[smem:$0x3FC5] =	sst s2  }
0x7: {  	_ = 	snop  }
0x8: {  	(tm) =	ssettm $0x1  }
0x9: {  	s19 =	sld [smem:$0x3FFB];
	_ =	sdelay $0x3  }
0xa: {  	_ =	strace s19  }
0xb: {  	s2 =	sld [smem:$0x3FFC];
	_ =	sdelay $0x3  }
0xc: {  	_ =	strace s2  }
0xd: {  	s2 =	sld [smem:$0x3FFD];
	_ =	sdelay $0x3  }
0xe: {  	_ =	strace s2  }
0xf: {  	_ =	strace $0x8FFFFFFF  }
0x10: {  	s20 =	sld [smem:$0x3FDB];
	_ =	sdelay $0x1  }
0x11: {  	s21 =	simm.s32 $_scs_section_size  }
0x12: {  	s4 =	simm.s32 $_size__tile_overlayer_lowered;
	s5 =	simm.s32 $_tile_overlayer_lowered  }
0x13: {  	s6 =	simm.s32 $0x1BFF;
	s22 =	sshll.u32 s5, $0x1;
	s3 =	sadd.s32 s21, s20  }
0x14: {  	s23 =	simm.s32 $0x0;
	s4 =	sshll.u32 s4, $0x1;
	s5 =	sadd.s32 s22, s3  }
0x15: {  	[timem:s23], [sflag:s6] =	dma.local [hbm:s5], s4  }
0x16: {  	_ =	swait.ge [sflag:s6], s4  }
0x17: {  	s4 =	ssub.s32 $0x0, s4;
	[sflag:s6] =	ssyncset.done $0x0  }
0x18: {  	[sflag:s6] =	ssyncadd.s32 s4;
	_ =	sdelay $0x1  }
0x19: {  	s24 =	simm.s32 $0x1B8B  }
0x1a: {  	_ =	swait.ge [sflag:s24], $0x1  }
0x1b: {  	[sflag:s24] =	ssyncset.done $0x0  }
0x1c: {  	[sflag:s24] =	ssyncadd.s32 $0xFFFFFFFF  }
0x1d: {  	s4 =	sld [smem:$0x0]  }
0x1e: {  	s5 =	sand.u32 $0xFFFFFFFE, s1  }
0x1f: {  	p0 =	sne.s32 s1, s5  }
0x20: {  	s5 =	sshll.u32 @p0 s5, $0xE  }
0x21: {  	s5 =	sadd.s32 @p0 $0x11B8D, s5;
	s6 =	sshll.u32 @p0 s4, $0x11  }
0x22: {  	s5 =	sor.u32 @p0 s6, s5  }
0x23: {  	[sflag:s5] =	ssyncadd.remote.s32 @p0 $0x1;
	_ =	sdelay $0x1  }
0x24: {  	s5 =	simm.s32 @p0 $0x1B8D  }
0x25: {  	_ =	swait.eq @p0 [sflag:s5], $0x1  }
0x26: {  	[sflag:s5] =	ssyncadd.s32 @p0 $0xFFFFFFFF  }
0x27: {  	s6 =	sshll.u32 @!p0 s1, $0xE  }
0x28: {  	s6 =	sor.u32 @!p0 $0x4000, s6;
	s5 =	simm.s32 @!p0 $0x1B8D  }
0x29: {  	s4 =	sshll.u32 @!p0 s4, $0x11;
	s6 =	sadd.s32 @!p0 $0x11B8D, s6;
	_ =	swait.eq @!p0 [sflag:s5], $0x1  }
0x2a: {  	s4 =	sor.u32 @!p0 s4, s6;
	[sflag:s5] =	ssyncadd.s32 @!p0 $0xFFFFFFFF  }
0x2b: {  	s26 =	simm.s32 $0x1B8E;
	s25 =	sld [smem:$0x3FFE];
	[sflag:s4] =	ssyncadd.remote.s32 @!p0 $0x1  }
0x2c: {  	s27 =	simm.s32 $execute0_lowered;
	[smem:$0x3FD2] =	sst s26  }
0x2d: {  	s5 =	sshll.u32 s27, $0x1;
	_ =	strace $0x8000004C;
	[dreg:$0x1] =	wrdreg $0xFFFFFFFF  }
0x2e: {  	s28 =	simm.s32 $_size_execute0_lowered;
	s3 =	sadd.s32 s3, s5;
	[dreg:$0x0] =	wrdreg $0x0  }
0x2f: {  	s5 =	sshll.u32 s28, $0x1;
	[dreg:$0x2] =	wrdreg s3  }
0x30: {  	[dreg:$0x3] =	wrdreg s5  }
0x31: {  	[dreg:$0x4] =	wrdreg $0xC0  }
0x32: {  	_ =	task [dreg:s23], $0x5FFFF  }
0x33: {  	[dreg:$0x1] =	wrdreg $0xFFFFFFFF  }
0x34: {  	[dreg:$0x0] =	wrdreg $0x60  }
0x35: {  	[dreg:$0x2] =	wrdreg s25  }
0x36: {  	[dreg:$0x3] =	wrdreg $0x9  }
0x37: {  	_ =	task.clear_ibuf [dreg:s23], $0x4FFFF;
	_ =	strace $0x9000004C  }
0x38: {  	s29 =	simm.s32 $0x9;
	_ =	strace $0x8000004E  }
0x39: {  	_ =	swait.ge [sflag:s29], $0x1  }
0x3a: {  	[sflag:s29] =	ssyncadd.s32 $0xFFFFFFFF  }
0x3b: {  	_ =	strace $0x9000004E  }
0x3c: {  	_ =	sfence  }
0x3d: {  	s30 =	sld [smem:$0x0];
	_ =	sdelay $0x2  }
0x3e: {  	s31 =	sshll.u32 s1, $0xD;
	s1 =	sshrl.u32 s1, $0x2  }
0x3f: {  	s4 =	sand.u32 $0x4000, s31;
	s1 =	sadd.s32 s1, s30  }
0x40: {  	s0 =	sor.u32 s4, s0;
	s1 =	sshll.u32 s1, $0x11  }
0x41: {  	s0 =	sor.u32 s1, s0  }
0x42: {  	s0 =	sadd.s32 $0x8F2B, s0  }
0x43: {  	[sflag:s0] =	ssyncadd.remote.s32 $0x1  }
0x44: {  	_ =	sfence.sel $0xFFFF  }
0x45: {  	[dreg:$0x0] =	wrdreg $0xFFFFFFFF;
	(pc) =	sbr.abs _section_cstart, $3  }
0x46: {  	[dreg:$0x1] =	wrdreg $0xFFFFFFFF  }
0x47: {  	_ =	task.clear_ibuf [dreg:s23], $0x2FFFF;
	_ =	strace $0x9FFFFFFF  }
0x48: {  	(tm) =	ssettm $0x7FFFFFFF  }
0x49: {  	_ =	shalt  }
tec
execute0_lowered:
.L_overlay_start_1:
0x0: {  	(tag) =	ssettag $0x1  }
0x1: {  	s0 =	srdreg.scid  }
0x2: {  	s4 =	rddreg [dreg:$0x0];
	s7 =	simm.s32 $0x2;
	s1 =	sshll.u32 s0, $0x4  }
0x3: {  	s15 =	simm.s32 $0x0;
	s0 =	stileid.u32;
	s1 =	sand.u32 $0x10, s1  }
0x4: {  	s11 =	simm.s32 $0x400;
	s12 =	simm.s32 $0x8000;
	s3 =	sor.u32 s0, s1  }
0x5: {  	s16 =	simm.s32 $0x0;
	s13 =	simm.s32 $0x0;
	s2 =	sshll.u32 s3, $0x7  }
0x6: {  	s14 =	simm.s32 $0x0;
	s1 =	rddreg [dreg:$0x1];
	s5 =	ssub.s32 $0x1000, s2  }
0x7: {  	_ =	strace $0x8000004D;
	s3 =	sshll.u32 s3, $0xB;
	s6 =	sand.u32 $0xF80, s5  }
0x8: {  	s9 =	sadd.s32 s3, s4;
	p0 =	sne.s32 s6, $0x0;
	s6 =	simm.s32 $0x1  }
.Ltmp0:
0x9: {  	s5 =	sshrl.u32 s5, $0xC;
	s6 =	simm.s32 @!p0 $0x0;
	(pc) =	sbr.rel .LBB1_1-.Ltmp0, $4  }
0xa: {  	s3 =	simm.s32 $0x1;
	s4 =	sadd.s32 $0x1A000, s4;
	s5 =	sadd.s32 s6, s5  }
0xb: {  	[sflag:s3] =	ssyncpa.u1 $0x0;
	s8 =	sadd.s32 $0x9C3800, s9;
	s5 =	smul.u32 $0x19, s5  }
0xc: {  	[sflag:s7] =	ssyncpa.u1 $0x0;
	s7 =	sadd.s32 $0x9B3800, s9;
	p0 =	por $0x0, $0x0  }
0xd: {  	s6 =	sadd.s32 $0x9A3800, s9;
	s9 =	sadd.s32 $0x9D3800, s9;
	s10 =	sadd.s32 $0x1, s5  }
.LBB1_7:
0xe: {  	s17 =	sadd.s32 $0x4, s13  }
0xf: {  	p2 =	sgt.s32 s17, $0x63  }
0x10: {  	s17 =	simm.s32 @p2 $0x0;
	p2 =	sne.s32 s14, s10  }
.Ltmp1:
0x11: {  	p1 =	slt.u32 s14, $0x2;
	(pc) =	sbr.rel @!p2 .LBB1_8-.Ltmp1, $4  }
0x12: {  	s15 =	simm.s32 @!p1 $0x2  }
0x13: {  	s18 =	sadd.s32 $0x1, s14;
	s16 =	smov.u32 s13;
	_ =	swait.ge @!p1 [sflag:s15], $0x4000  }
0x14: {  	p0 =	por !p0, !p0;
	s14 =	smov.u32 s18;
	[sflag:s15] =	ssyncset.done @!p1 $0x0  }
0x15: {  	s13 =	smov.u32 s17;
	[sflag:s15] =	ssyncadd.s32 @!p1 $0xFFFFC000;
	s15 =	smov.u32 s2  }
.LBB1_1:
0x16: {  	p1 =	sge.u32 s14, s5  }
0x17: {  	s17 =	sxor.u32 @!p1 $0xFFFFFFFF, s14  }
0x18: {  	s18 =	sshll.u32 @!p1 s13, $0x10;
	s20 =	simm.s32 @!p1 $0x20;
	s17 =	sshll.u32 @!p1 s17, $0xE  }
0x19: {  	s21 =	simm.s32 @!p1 $0x80;
	s19 =	sadd.s32 @!p1 s18, s6;
	s17 =	sand.u32 @!p1 $0x4000, s17  }
0x1a: {  	[tilespmem:s17], [sflag:$0x1] =	stream.strided.gather @!p1 [hbm4b:s19+s20], $0x1000, s21, s20, $0x38;
	[tilespmem:$0x10100] =	vst v63  }
0x1b: {  	s19 =	sadd.s32 @!p1 s18, s7;
	s22 =	sor.u32 @!p1 $0x1000, s17  }
0x1c: {  	[tilespmem:s22], [sflag:$0x1] =	stream.strided.gather @!p1 [hbm4b:s19+s20], $0x1000, s21, s20, $0x38;
	[tilespmem:$0x10100] =	vst v63  }
0x1d: {  	s19 =	sadd.s32 @!p1 s18, s8;
	s22 =	sor.u32 @!p1 $0x2000, s17  }
0x1e: {  	[tilespmem:s22], [sflag:$0x1] =	stream.strided.gather @!p1 [hbm4b:s19+s20], $0x1000, s21, s20, $0x38;
	[tilespmem:$0x10100] =	vst v63  }
0x1f: {  	s31 =	sadd.s32 $0xFFFFFFFF, s14;
	s18 =	sadd.s32 @!p1 s18, s9;
	s17 =	sor.u32 @!p1 $0x3000, s17  }
0x20: {  	[tilespmem:s17], [sflag:$0x1] =	stream.strided.gather @!p1 [hbm4b:s18+s20], $0x1000, s21, s20, $0x38;
	[tilespmem:$0x10100] =	vst v63  }
0x21: {  	p1 =	sge.u32 s31, s5  }
.Ltmp2:
0x22: {  	_ = 	snop;
	(pc) =	sbr.rel @p1 .LBB1_7-.Ltmp2, $1  }
0x23: {  	_ =	sdelay $0x3  }
0x24: {  	s18 =	simm.s32 $0x1;
	s19 =	sand.u32 $0x1, s14  }
0x25: {  	_ =	swait.ge [sflag:s3], $0x4000;
	s18 =	simm.s32 @!p0 $0x0;
	s20 =	smul.u32 $0x10200, s19  }
0x26: {  	[sflag:s3] =	ssyncset.done $0x0;
	s17 =	smul.u32 $0x10200, s18  }
0x27: {  	s18 =	sshll.u32 s18, $0xE;
	[sflag:s3] =	ssyncadd.s32 $0xFFFFC000  }
0x28: {  	s19 =	sor.u32 $0x10, s18;
	s31 =	sshrl.u32 s20, $0x2;
	s17 =	sshrl.u32 s17, $0x2  }
0x29: {  	s20 =	simm.s32 $0x0;
	s18 =	sor.u32 $0x8000, s31;
	s17 =	sor.u32 $0x8000, s17  }
.LBB1_3:
0x2a: {  	v1 =	vld [tilespmem:s19+$0x0]  }
0x2b: {  	v0 =	vld [tilespmem:s19+$0xFFFFFFF0];
	_ =	sdelay $0x2  }
0x2c: {  	s23 =	sadd.s32 $0x0, s17  }
0x2d: {  	s21 =	simm.s32 $0x4;
	s22 =	sadd.s32 $0x20, s19;
	[tilespmem:s23+$0x810 ss:$0x81] =	vst.msk $0xffff, v1  }
.LBB1_4:
0x2e: {  	v1 =	vld [tilespmem:s22+$0x0];
	p1 =	sne.s32 s21, $0x1FC;
	[tilespmem:s23+$0x0 ss:$0x81] =	vst.msk $0xffff, v0;
	s23 =	smov.u32 s21;
	s21 =	sadd.s32 $0x4, s21  }
.Ltmp3:
0x2f: {  	v0 =	vld [tilespmem:s22+$0xFFFFFFF0];
	(pc) =	sbr.rel @p1 .LBB1_4-.Ltmp3, $4  }
0x30: {  	_ = 	snop  }
0x31: {  	s23 =	sshra.s32 s23, $0x2  }
0x32: {  	s23 =	sadd.s32 s23, s17  }
0x33: {  	s22 =	sadd.s32 $0x20, s22;
	[tilespmem:s23+$0x810 ss:$0x81] =	vst.msk $0xffff, v1  }
0x34: {  	s20 =	sadd.s32 $0x1, s20  }
0x35: {  	p1 =	sne.s32 s20, $0x4  }
.Ltmp4:
0x36: {  	_ = 	snop;
	(pc) =	sbr.rel @p1 .LBB1_3-.Ltmp4, $2  }
0x37: {  	_ =	sdelay $0x2  }
0x38: {  	[tilespmem:s23+$0x0 ss:$0x81] =	vst.msk $0xffff, v0;
	s17 =	sadd.s32 $0x1020, s17;
	s19 =	sadd.s32 $0x1000, s19  }
.Ltmp5:
0x39: {  	(pc) =	sbr.rel .LBB1_7-.Ltmp5, $4  }
0x3a: {  	s16 =	sshll.u32 s16, $0xE  }
0x3b: {  	s16 =	sadd.s32 s4, s16  }
0x3c: {  	s15 =	sadd.s32 s15, s16  }
0x3d: {  	[hbm4b:s15+s11] =	stream.strided.scatter [tilespmem:s18], [sflag:$0x2], $0x4000, s12, s11, $0x20;
	[tilespmem:$0x10100] =	vst v63  }
.LBB1_8:
0x3e: {  	_ =	sfence.sel $0x180000  }
0x3f: {  	s2 =	simm.s32 $0x1;
	[bflag:$0x0] =	sbarrier.arrive $0xFFFF  }
0x40: {  	s31 =	simm.s32 $0x2;
	[sflag:s2] =	ssyncpa.u1 $0x1  }
0x41: {  	[sflag:s31] =	ssyncpa.u1 $0x1  }
0x42: {  	p0 =	sne.s32 s0, $0x0;
	_ =	strace $0x9000004D  }
0x43: {  	s0 =	sadd.s32 @!p0 $0x100000, s1;
	[bflag:$0x2] =	sbarrier.arrive $0xFFFF  }
0x44: {  	[sflag:s0] =	ssyncadd.tile.s32 @!p0 $0x1;
	_ =	shalt  }
.Lfunc_end1:
_tile_overlayer_lowered:
.L_overlay_start_2:
0x45: {  	(tag) =	ssettag $0x2  }
0x46: {  	s0 =	rddreg [dreg:$0x0];
	s2 =	stileid.u32  }
0x47: {  	s1 =	rddreg [dreg:$0x1];
	p0 =	sne.s32 s2, $0x0  }
0x48: {  	s3 =	rddreg [dreg:$0x2];
	[bflag:$0x3] =	sbarrier.arrive $0xFFFF;
	s2 =	simm.s32 @!p0 $0x1C01  }
0x49: {  	[timem:s3], [sflag:s2] =	dma.local @!p0 [hbm:s0], s1  }
0x4a: {  	s0 =	simm.s32 @!p0 $0x1  }
0x4b: {  	_ =	swait.ge @!p0 [sflag:s0], s1  }
0x4c: {  	s1 =	ssub.s32 @!p0 $0x0, s1;
	[sflag:s0] =	ssyncset.done @!p0 $0x0  }
0x4d: {  	[sflag:s0] =	ssyncadd.s32 @!p0 s1  }
0x4e: {  	[bflag:$0x3] =	sbarrier.arrive $0xFFFF  }
0x4f: {  	_ =	shalt  }

</sc_bundles>
